<compile_context>
chip_gen: v7x
topology: tpu7x:2x2x1
jax: 0.10.2.dev20260603
libtpu: 0.0.44.dev20260713+nightly
codegen_flags: <defaults>
</compile_context>

<pallas_src>
import functools

import jax
import jax.numpy as jnp
from jax import lax
from jax.experimental import pallas as pl
from jax.experimental.pallas import tpu as pltpu
from jax.experimental.pallas import tpu_sc as plsc

V = 100000
D = 128
B = 320000
NC = 2
NS = 16
NW = NC * NS
BPW = B // NW
C = 96
NFULL = BPW // C
TAIL = BPW - NFULL * C
L = 16


def _sc_body(x_st_hbm, x_vc_hbm, idx0_hbm, idx1_hbm, out_hbm,
             idx0_v, idx1_v, rows_st, rows_vc, out_v,
             sem_st0, sem_st1, sem_st2, sem_st3,
             sem_vc0, sem_vc1, sem_vc2, sem_vc3):
    wid = lax.axis_index("s") * NC + lax.axis_index("c")
    base = wid * BPW
    lane = lax.broadcasted_iota(jnp.int32, (L,), 0)
    gdn = lax.GatherDimensionNumbers(
        offset_dims=(), collapsed_slice_dims=(0,), start_index_map=(0,))

    def _perm(v, idx):
        return lax.gather(v, idx[:, None], gdn, (1,),
                          mode=lax.GatherScatterMode.PROMISE_IN_BOUNDS)

    bfly = [lane ^ d for d in (8, 4, 2, 1)]

    def _lane_sum(v):
        for idx in bfly:
            v = v + _perm(v, idx)
        return v

    sems = ((sem_st0, sem_vc0), (sem_st1, sem_vc1),
            (sem_st2, sem_vc2), (sem_st3, sem_vc3))

    pltpu.sync_copy(idx0_hbm.at[pl.ds(base, BPW)], idx0_v)
    pltpu.sync_copy(idx1_hbm.at[pl.ds(base, BPW)], idx1_v)

    def fire(c, b, n=C):
        off = c * C
        pltpu.async_copy(x_st_hbm.at[idx0_v.at[pl.ds(off, n)]],
                         rows_st.at[b, pl.ds(0, n)], sems[b][0])
        pltpu.async_copy(x_vc_hbm.at[idx1_v.at[pl.ds(off, n)]],
                         rows_vc.at[b, pl.ds(0, n)], sems[b][1])

    def drain(b, n=C):
        pltpu.make_async_copy(x_st_hbm.at[idx0_v.at[pl.ds(0, n)]],
                              rows_st.at[b, pl.ds(0, n)], sems[b][0]).wait()
        pltpu.make_async_copy(x_vc_hbm.at[idx1_v.at[pl.ds(0, n)]],
                              rows_vc.at[b, pl.ds(0, n)], sems[b][1]).wait()

    def compute(c, b, ngrp=C // L):
        st = rows_st.at[b]
        vc = rows_vc.at[b]

        def leaf(e):
            ps = [st[e, pl.ds(k * L, L)] * vc[e, pl.ds(k * L, L)]
                  for k in range(D // L)]
            while len(ps) > 1:
                ps = [ps[i] + ps[i + 1] for i in range(0, len(ps), 2)]
            return ps[0]

        def grp_body(g2, carry2):
            e0 = g2 * L

            def edge_body(j, res):
                v = _lane_sum(leaf(e0 + j))
                return jnp.where(lane == j, v, res)

            res = lax.fori_loop(0, L, edge_body,
                                jnp.zeros((L,), jnp.float32), unroll=2)
            out_v[pl.ds(c * C + e0, L)] = res
            return carry2

        lax.fori_loop(0, ngrp, grp_body, 0, unroll=False)

    fire(0, 0)
    fire(1, 1)
    fire(2, 2)

    def chunk_quad(g, carry):
        for i in range(4):
            c = 4 * g + i
            drain(i)
            fire(c + 3, (i + 3) % 4)
            compute(c, i)
        return carry

    lax.fori_loop(0, (NFULL - 4) // 4, chunk_quad, 0, unroll=False)
    drain(0)
    fire(NFULL - 1, 3)
    compute(NFULL - 4, 0)
    drain(1)
    fire(NFULL, 0, TAIL)
    compute(NFULL - 3, 1)
    drain(2)
    compute(NFULL - 2, 2)
    drain(3)
    compute(NFULL - 1, 3)
    drain(0, TAIL)
    compute(NFULL, 0, TAIL // L)

    pltpu.sync_copy(out_v, out_hbm.at[pl.ds(base, BPW)])


@jax.jit
def kernel(x_st, x_vc, edge_label_index):
    idx = edge_label_index.astype(jnp.int32)
    idx0 = idx[0]
    idx1 = idx[1]

    mesh = plsc.VectorSubcoreMesh(core_axis_name="c", subcore_axis_name="s",
                                  num_cores=NC, num_subcores=NS)
    run = pl.kernel(
        _sc_body,
        out_type=jax.ShapeDtypeStruct((B,), jnp.float32),
        mesh=mesh,
        scratch_types=[
            pltpu.VMEM((BPW,), jnp.int32),
            pltpu.VMEM((BPW,), jnp.int32),
            pltpu.VMEM((4, C, D), jnp.float32),
            pltpu.VMEM((4, C, D), jnp.float32),
            pltpu.VMEM((BPW,), jnp.float32),
            pltpu.SemaphoreType.DMA,
            pltpu.SemaphoreType.DMA,
            pltpu.SemaphoreType.DMA,
            pltpu.SemaphoreType.DMA,
            pltpu.SemaphoreType.DMA,
            pltpu.SemaphoreType.DMA,
            pltpu.SemaphoreType.DMA,
            pltpu.SemaphoreType.DMA,
        ],
    )
    return run(x_st, x_vc, idx0, idx1)

# --- scband reference (transcript-rebuilt; emitter-appended) ---
"""Pipeline reference for scband-classifier-824633721729 (READ-ONLY COPY).

The authoritative reference and input builder live on the scoring server;
editing this copy changes nothing except your own understanding.
"""

import jax, jax.numpy as jnp
import numpy as np


def setup_inputs(seed: int = 0) -> dict:
    key = jax.random.key(seed)
    k1, k2, k3 = jax.random.split(key, 3)
    x_st = jax.random.normal(k1, (100000, 128), dtype=jnp.float32)
    x_vc = jax.random.normal(k2, (100000, 128), dtype=jnp.float32)
    edge_label_index = jax.random.randint(k3, (2, 320000), 0, 100000, dtype=jnp.int64)
    return {"x_st": x_st, "x_vc": x_vc, "edge_label_index": edge_label_index}


def reference(x_st, x_vc, edge_label_index):
    edge_feat_st = jnp.take(x_st, edge_label_index[0], axis=0)
    edge_feat_vc = jnp.take(x_vc, edge_label_index[1], axis=0)
    return (edge_feat_st * edge_feat_vc).sum(axis=-1)

if __name__ == "__main__":
    import jax
    _d = setup_inputs()
    print(jax.jit(kernel)(*tuple(_d.values())))

</pallas_src>

<mosaic_0001>
#map = affine_map<(d0, d1) -> (0, 0)>
#map1 = affine_map<(d0, d1) -> (0)>
module attributes {stable_mosaic.version = 14 : i64} {
  func.func @_sc_body(%arg0: i32, %arg1: i32, %arg2: memref<100000x128xf32, #tpu.memory_space<hbm>>, %arg3: memref<100000x128xf32, #tpu.memory_space<hbm>>, %arg4: memref<320000xi32, #tpu.memory_space<hbm>>, %arg5: memref<320000xi32, #tpu.memory_space<hbm>>, %arg6: memref<320000xf32, #tpu.memory_space<hbm>>, %arg7: memref<10000xi32, #tpu.memory_space<vmem>>, %arg8: memref<10000xi32, #tpu.memory_space<vmem>>, %arg9: memref<4x96x128xf32, #tpu.memory_space<vmem>>, %arg10: memref<4x96x128xf32, #tpu.memory_space<vmem>>, %arg11: memref<10000xf32, #tpu.memory_space<vmem>>, %arg12: memref<!tpu.dma_semaphore, #tpu.memory_space<semaphore_mem>>, %arg13: memref<!tpu.dma_semaphore, #tpu.memory_space<semaphore_mem>>, %arg14: memref<!tpu.dma_semaphore, #tpu.memory_space<semaphore_mem>>, %arg15: memref<!tpu.dma_semaphore, #tpu.memory_space<semaphore_mem>>, %arg16: memref<!tpu.dma_semaphore, #tpu.memory_space<semaphore_mem>>, %arg17: memref<!tpu.dma_semaphore, #tpu.memory_space<semaphore_mem>>, %arg18: memref<!tpu.dma_semaphore, #tpu.memory_space<semaphore_mem>>, %arg19: memref<!tpu.dma_semaphore, #tpu.memory_space<semaphore_mem>>) attributes {dimension_semantics = [#tpu.dimension_semantics<core_parallel>, #tpu.dimension_semantics<subcore_parallel>], iteration_bounds = array<i64: 2, 16>, scalar_prefetch = 0 : i64, scratch_operands = 13 : i64, tpu.core_type = #tpu.core_type<sc_vector_subcore>, window_params = [{transform_indices = #map}, {transform_indices = #map}, {transform_indices = #map1}, {transform_indices = #map1}, {transform_indices = #map1}]} {
    %mul3A = arith.constant 2 : i32
    %mul3A_0 = arith.muli %arg1, %mul3A : i32
    %add3A = arith.addi %mul3A_0, %arg0 : i32
    %mul3A_1 = arith.constant 10000 : i32
    %mul3A_2 = arith.muli %add3A, %mul3A_1 : i32
    %iota3A = tpu.iota {dimensions = array<i32: 0>} : vector<16xi32>
    %xor3A = arith.constant 8 : i32
    %xor3A_3 = vector.broadcast %xor3A : i32 to vector<16xi32>
    %xor3A_4 = arith.xori %iota3A, %xor3A_3 : vector<16xi32>
    %xor3A_5 = arith.constant 4 : i32
    %xor3A_6 = vector.broadcast %xor3A_5 : i32 to vector<16xi32>
    %xor3A_7 = arith.xori %iota3A, %xor3A_6 : vector<16xi32>
    %xor3A_8 = arith.constant 2 : i32
    %xor3A_9 = vector.broadcast %xor3A_8 : i32 to vector<16xi32>
    %xor3A_10 = arith.xori %iota3A, %xor3A_9 : vector<16xi32>
    %xor3A_11 = arith.constant 1 : i32
    %xor3A_12 = vector.broadcast %xor3A_11 : i32 to vector<16xi32>
    %xor3A_13 = arith.xori %iota3A, %xor3A_12 : vector<16xi32>
    "tpu.region"() ({
      %run_scoped3A = tpu.sem_alloc : memref<!tpu.dma_semaphore, #tpu.memory_space<semaphore_mem>>
      %dma_start3A_268 = tpu.memref_slice %arg4[%mul3A_2] : memref<320000xi32, #tpu.memory_space<hbm>> -> memref<10000xi32, #tpu.memory_space<hbm>>
      %dma_start3A_269 = tpu.memref_slice %arg4[%mul3A_2] : memref<320000xi32, #tpu.memory_space<hbm>> -> memref<10000xi32, #tpu.memory_space<hbm>>
      tpu.enqueue_dma source(%dma_start3A_269 : memref<10000xi32, #tpu.memory_space<hbm>>) target(%arg7 : memref<10000xi32, #tpu.memory_space<vmem>>) target_semaphore(%run_scoped3A : memref<!tpu.dma_semaphore, #tpu.memory_space<semaphore_mem>>)
      %dma_wait3A_270 = tpu.memref_slice %arg4[%mul3A_2] : memref<320000xi32, #tpu.memory_space<hbm>> -> memref<10000xi32, #tpu.memory_space<hbm>>
      %dma_wait3A_271 = tpu.memref_slice %arg4[%mul3A_2] : memref<320000xi32, #tpu.memory_space<hbm>> -> memref<10000xi32, #tpu.memory_space<hbm>>
      tpu.wait_dma2 semaphore(%run_scoped3A : memref<!tpu.dma_semaphore, #tpu.memory_space<semaphore_mem>>) src(%dma_wait3A_271 : memref<10000xi32, #tpu.memory_space<hbm>>) dst(%arg7 : memref<10000xi32, #tpu.memory_space<vmem>>)
      tpu.yield
    }) : () -> ()
    "tpu.region"() ({
      %run_scoped3A = tpu.sem_alloc : memref<!tpu.dma_semaphore, #tpu.memory_space<semaphore_mem>>
      %dma_start3A_268 = tpu.memref_slice %arg5[%mul3A_2] : memref<320000xi32, #tpu.memory_space<hbm>> -> memref<10000xi32, #tpu.memory_space<hbm>>
      %dma_start3A_269 = tpu.memref_slice %arg5[%mul3A_2] : memref<320000xi32, #tpu.memory_space<hbm>> -> memref<10000xi32, #tpu.memory_space<hbm>>
      tpu.enqueue_dma source(%dma_start3A_269 : memref<10000xi32, #tpu.memory_space<hbm>>) target(%arg8 : memref<10000xi32, #tpu.memory_space<vmem>>) target_semaphore(%run_scoped3A : memref<!tpu.dma_semaphore, #tpu.memory_space<semaphore_mem>>)
      %dma_wait3A_270 = tpu.memref_slice %arg5[%mul3A_2] : memref<320000xi32, #tpu.memory_space<hbm>> -> memref<10000xi32, #tpu.memory_space<hbm>>
      %dma_wait3A_271 = tpu.memref_slice %arg5[%mul3A_2] : memref<320000xi32, #tpu.memory_space<hbm>> -> memref<10000xi32, #tpu.memory_space<hbm>>
      tpu.wait_dma2 semaphore(%run_scoped3A : memref<!tpu.dma_semaphore, #tpu.memory_space<semaphore_mem>>) src(%dma_wait3A_271 : memref<10000xi32, #tpu.memory_space<hbm>>) dst(%arg8 : memref<10000xi32, #tpu.memory_space<vmem>>)
      tpu.yield
    }) : () -> ()
    %dma_start3A = arith.constant 0 : i32
    %dma_start3A_14 = arith.constant 0 : i32
    %dma_start3A_15 = arith.constant 0 : i32
    %dma_start3A_16 = tpu.memref_slice %arg9[%dma_start3A, %dma_start3A_14, %dma_start3A_15] : memref<4x96x128xf32, #tpu.memory_space<vmem>> -> memref<1x96x128xf32, #tpu.memory_space<vmem>>
    %dma_start3A_17 = tpu.memref_squeeze %dma_start3A_16 : memref<1x96x128xf32, #tpu.memory_space<vmem>> -> memref<96x128xf32, #tpu.memory_space<vmem>>
    %dma_start3A_18 = arith.constant 0 : i32
    %dma_start3A_19 = tpu.memref_slice %arg7[%dma_start3A_18] : memref<10000xi32, #tpu.memory_space<vmem>> -> memref<96xi32, #tpu.memory_space<vmem>>
    %dma_start3A_20 = arith.constant 0 : i32
    %dma_start3A_21 = arith.constant 0 : i32
    %dma_start3A_22 = tpu.memref_slice %arg2[%dma_start3A_20, %dma_start3A_21] : memref<100000x128xf32, #tpu.memory_space<hbm>> -> memref<100000x128xf32, #tpu.memory_space<hbm>>
    tpu.enqueue_indirect_dma source(%dma_start3A_22 : memref<100000x128xf32, #tpu.memory_space<hbm>>) target(%dma_start3A_17 : memref<96x128xf32, #tpu.memory_space<vmem>>) offsets(%dma_start3A_19 : memref<96xi32, #tpu.memory_space<vmem>>) semaphore(%arg12 : memref<!tpu.dma_semaphore, #tpu.memory_space<semaphore_mem>>)
    %dma_start3A_23 = arith.constant 0 : i32
    %dma_start3A_24 = arith.constant 0 : i32
    %dma_start3A_25 = arith.constant 0 : i32
    %dma_start3A_26 = tpu.memref_slice %arg10[%dma_start3A_23, %dma_start3A_24, %dma_start3A_25] : memref<4x96x128xf32, #tpu.memory_space<vmem>> -> memref<1x96x128xf32, #tpu.memory_space<vmem>>
    %dma_start3A_27 = tpu.memref_squeeze %dma_start3A_26 : memref<1x96x128xf32, #tpu.memory_space<vmem>> -> memref<96x128xf32, #tpu.memory_space<vmem>>
    %dma_start3A_28 = arith.constant 0 : i32
    %dma_start3A_29 = tpu.memref_slice %arg8[%dma_start3A_28] : memref<10000xi32, #tpu.memory_space<vmem>> -> memref<96xi32, #tpu.memory_space<vmem>>
    %dma_start3A_30 = arith.constant 0 : i32
    %dma_start3A_31 = arith.constant 0 : i32
    %dma_start3A_32 = tpu.memref_slice %arg3[%dma_start3A_30, %dma_start3A_31] : memref<100000x128xf32, #tpu.memory_space<hbm>> -> memref<100000x128xf32, #tpu.memory_space<hbm>>
    tpu.enqueue_indirect_dma source(%dma_start3A_32 : memref<100000x128xf32, #tpu.memory_space<hbm>>) target(%dma_start3A_27 : memref<96x128xf32, #tpu.memory_space<vmem>>) offsets(%dma_start3A_29 : memref<96xi32, #tpu.memory_space<vmem>>) semaphore(%arg16 : memref<!tpu.dma_semaphore, #tpu.memory_space<semaphore_mem>>)
    %dma_start3A_33 = arith.constant 1 : i32
    %dma_start3A_34 = arith.constant 0 : i32
    %dma_start3A_35 = arith.constant 0 : i32
    %dma_start3A_36 = tpu.memref_slice %arg9[%dma_start3A_33, %dma_start3A_34, %dma_start3A_35] : memref<4x96x128xf32, #tpu.memory_space<vmem>> -> memref<1x96x128xf32, #tpu.memory_space<vmem>>
    %dma_start3A_37 = tpu.memref_squeeze %dma_start3A_36 : memref<1x96x128xf32, #tpu.memory_space<vmem>> -> memref<96x128xf32, #tpu.memory_space<vmem>>
    %dma_start3A_38 = arith.constant 96 : i32
    %dma_start3A_39 = tpu.memref_slice %arg7[%dma_start3A_38] : memref<10000xi32, #tpu.memory_space<vmem>> -> memref<96xi32, #tpu.memory_space<vmem>>
    %dma_start3A_40 = arith.constant 0 : i32
    %dma_start3A_41 = arith.constant 0 : i32
    %dma_start3A_42 = tpu.memref_slice %arg2[%dma_start3A_40, %dma_start3A_41] : memref<100000x128xf32, #tpu.memory_space<hbm>> -> memref<100000x128xf32, #tpu.memory_space<hbm>>
    tpu.enqueue_indirect_dma source(%dma_start3A_42 : memref<100000x128xf32, #tpu.memory_space<hbm>>) target(%dma_start3A_37 : memref<96x128xf32, #tpu.memory_space<vmem>>) offsets(%dma_start3A_39 : memref<96xi32, #tpu.memory_space<vmem>>) semaphore(%arg13 : memref<!tpu.dma_semaphore, #tpu.memory_space<semaphore_mem>>)
    %dma_start3A_43 = arith.constant 1 : i32
    %dma_start3A_44 = arith.constant 0 : i32
    %dma_start3A_45 = arith.constant 0 : i32
    %dma_start3A_46 = tpu.memref_slice %arg10[%dma_start3A_43, %dma_start3A_44, %dma_start3A_45] : memref<4x96x128xf32, #tpu.memory_space<vmem>> -> memref<1x96x128xf32, #tpu.memory_space<vmem>>
    %dma_start3A_47 = tpu.memref_squeeze %dma_start3A_46 : memref<1x96x128xf32, #tpu.memory_space<vmem>> -> memref<96x128xf32, #tpu.memory_space<vmem>>
    %dma_start3A_48 = arith.constant 96 : i32
    %dma_start3A_49 = tpu.memref_slice %arg8[%dma_start3A_48] : memref<10000xi32, #tpu.memory_space<vmem>> -> memref<96xi32, #tpu.memory_space<vmem>>
    %dma_start3A_50 = arith.constant 0 : i32
    %dma_start3A_51 = arith.constant 0 : i32
    %dma_start3A_52 = tpu.memref_slice %arg3[%dma_start3A_50, %dma_start3A_51] : memref<100000x128xf32, #tpu.memory_space<hbm>> -> memref<100000x128xf32, #tpu.memory_space<hbm>>
    tpu.enqueue_indirect_dma source(%dma_start3A_52 : memref<100000x128xf32, #tpu.memory_space<hbm>>) target(%dma_start3A_47 : memref<96x128xf32, #tpu.memory_space<vmem>>) offsets(%dma_start3A_49 : memref<96xi32, #tpu.memory_space<vmem>>) semaphore(%arg17 : memref<!tpu.dma_semaphore, #tpu.memory_space<semaphore_mem>>)
    %dma_start3A_53 = arith.constant 2 : i32
    %dma_start3A_54 = arith.constant 0 : i32
    %dma_start3A_55 = arith.constant 0 : i32
    %dma_start3A_56 = tpu.memref_slice %arg9[%dma_start3A_53, %dma_start3A_54, %dma_start3A_55] : memref<4x96x128xf32, #tpu.memory_space<vmem>> -> memref<1x96x128xf32, #tpu.memory_space<vmem>>
    %dma_start3A_57 = tpu.memref_squeeze %dma_start3A_56 : memref<1x96x128xf32, #tpu.memory_space<vmem>> -> memref<96x128xf32, #tpu.memory_space<vmem>>
    %dma_start3A_58 = arith.constant 192 : i32
    %dma_start3A_59 = tpu.memref_slice %arg7[%dma_start3A_58] : memref<10000xi32, #tpu.memory_space<vmem>> -> memref<96xi32, #tpu.memory_space<vmem>>
    %dma_start3A_60 = arith.constant 0 : i32
    %dma_start3A_61 = arith.constant 0 : i32
    %dma_start3A_62 = tpu.memref_slice %arg2[%dma_start3A_60, %dma_start3A_61] : memref<100000x128xf32, #tpu.memory_space<hbm>> -> memref<100000x128xf32, #tpu.memory_space<hbm>>
    tpu.enqueue_indirect_dma source(%dma_start3A_62 : memref<100000x128xf32, #tpu.memory_space<hbm>>) target(%dma_start3A_57 : memref<96x128xf32, #tpu.memory_space<vmem>>) offsets(%dma_start3A_59 : memref<96xi32, #tpu.memory_space<vmem>>) semaphore(%arg14 : memref<!tpu.dma_semaphore, #tpu.memory_space<semaphore_mem>>)
    %dma_start3A_63 = arith.constant 2 : i32
    %dma_start3A_64 = arith.constant 0 : i32
    %dma_start3A_65 = arith.constant 0 : i32
    %dma_start3A_66 = tpu.memref_slice %arg10[%dma_start3A_63, %dma_start3A_64, %dma_start3A_65] : memref<4x96x128xf32, #tpu.memory_space<vmem>> -> memref<1x96x128xf32, #tpu.memory_space<vmem>>
    %dma_start3A_67 = tpu.memref_squeeze %dma_start3A_66 : memref<1x96x128xf32, #tpu.memory_space<vmem>> -> memref<96x128xf32, #tpu.memory_space<vmem>>
    %dma_start3A_68 = arith.constant 192 : i32
    %dma_start3A_69 = tpu.memref_slice %arg8[%dma_start3A_68] : memref<10000xi32, #tpu.memory_space<vmem>> -> memref<96xi32, #tpu.memory_space<vmem>>
    %dma_start3A_70 = arith.constant 0 : i32
    %dma_start3A_71 = arith.constant 0 : i32
    %dma_start3A_72 = tpu.memref_slice %arg3[%dma_start3A_70, %dma_start3A_71] : memref<100000x128xf32, #tpu.memory_space<hbm>> -> memref<100000x128xf32, #tpu.memory_space<hbm>>
    tpu.enqueue_indirect_dma source(%dma_start3A_72 : memref<100000x128xf32, #tpu.memory_space<hbm>>) target(%dma_start3A_67 : memref<96x128xf32, #tpu.memory_space<vmem>>) offsets(%dma_start3A_69 : memref<96xi32, #tpu.memory_space<vmem>>) semaphore(%arg18 : memref<!tpu.dma_semaphore, #tpu.memory_space<semaphore_mem>>)
    %scan3A = arith.constant 0 : i32
    %scan3A_73 = arith.constant 0 : i32
    %scan3A_74 = arith.constant 25 : i32
    %scan3A_75 = arith.addi %scan3A_73, %scan3A_74 : i32
    %scan3A_76 = arith.constant 1 : i32
    scf.for %scan3A_268 = %scan3A_73 to %scan3A_75 step %scan3A_76  : i32 {
      %mul3A_269 = arith.constant 4 : i32
      %mul3A_270 = arith.muli %mul3A_269, %scan3A_268 : i32
      %add3A_271 = arith.constant 0 : i32
      %add3A_272 = arith.addi %mul3A_270, %add3A_271 : i32
      %dma_wait3A_273 = arith.constant 0 : i32
      %dma_wait3A_274 = arith.constant 0 : i32
      %dma_wait3A_275 = arith.constant 0 : i32
      %dma_wait3A_276 = tpu.memref_slice %arg9[%dma_wait3A_273, %dma_wait3A_274, %dma_wait3A_275] : memref<4x96x128xf32, #tpu.memory_space<vmem>> -> memref<1x96x128xf32, #tpu.memory_space<vmem>>
      %dma_wait3A_277 = tpu.memref_squeeze %dma_wait3A_276 : memref<1x96x128xf32, #tpu.memory_space<vmem>> -> memref<96x128xf32, #tpu.memory_space<vmem>>
      %dma_wait3A_278 = arith.constant 0 : i32
      %dma_wait3A_279 = tpu.memref_slice %arg7[%dma_wait3A_278] : memref<10000xi32, #tpu.memory_space<vmem>> -> memref<96xi32, #tpu.memory_space<vmem>>
      %dma_wait3A_280 = arith.constant 0 : i32
      %dma_wait3A_281 = arith.constant 0 : i32
      %dma_wait3A_282 = tpu.memref_slice %arg2[%dma_wait3A_280, %dma_wait3A_281] : memref<100000x128xf32, #tpu.memory_space<hbm>> -> memref<100000x128xf32, #tpu.memory_space<hbm>>
      tpu.wait_indirect_dma semaphore(%arg12 : memref<!tpu.dma_semaphore, #tpu.memory_space<semaphore_mem>>) src(%dma_wait3A_282 : memref<100000x128xf32, #tpu.memory_space<hbm>>) dst(%dma_wait3A_277 : memref<96x128xf32, #tpu.memory_space<vmem>>)
      %dma_wait3A_283 = arith.constant 0 : i32
      %dma_wait3A_284 = arith.constant 0 : i32
      %dma_wait3A_285 = arith.constant 0 : i32
      %dma_wait3A_286 = tpu.memref_slice %arg10[%dma_wait3A_283, %dma_wait3A_284, %dma_wait3A_285] : memref<4x96x128xf32, #tpu.memory_space<vmem>> -> memref<1x96x128xf32, #tpu.memory_space<vmem>>
      %dma_wait3A_287 = tpu.memref_squeeze %dma_wait3A_286 : memref<1x96x128xf32, #tpu.memory_space<vmem>> -> memref<96x128xf32, #tpu.memory_space<vmem>>
      %dma_wait3A_288 = arith.constant 0 : i32
      %dma_wait3A_289 = tpu.memref_slice %arg8[%dma_wait3A_288] : memref<10000xi32, #tpu.memory_space<vmem>> -> memref<96xi32, #tpu.memory_space<vmem>>
      %dma_wait3A_290 = arith.constant 0 : i32
      %dma_wait3A_291 = arith.constant 0 : i32
      %dma_wait3A_292 = tpu.memref_slice %arg3[%dma_wait3A_290, %dma_wait3A_291] : memref<100000x128xf32, #tpu.memory_space<hbm>> -> memref<100000x128xf32, #tpu.memory_space<hbm>>
      tpu.wait_indirect_dma semaphore(%arg16 : memref<!tpu.dma_semaphore, #tpu.memory_space<semaphore_mem>>) src(%dma_wait3A_292 : memref<100000x128xf32, #tpu.memory_space<hbm>>) dst(%dma_wait3A_287 : memref<96x128xf32, #tpu.memory_space<vmem>>)
      %add3A_293 = arith.constant 3 : i32
      %add3A_294 = arith.addi %add3A_272, %add3A_293 : i32
      %mul3A_295 = arith.constant 96 : i32
      %mul3A_296 = arith.muli %add3A_294, %mul3A_295 : i32
      %dma_start3A_297 = arith.constant 3 : i32
      %dma_start3A_298 = arith.constant 0 : i32
      %dma_start3A_299 = arith.constant 0 : i32
      %dma_start3A_300 = tpu.memref_slice %arg9[%dma_start3A_297, %dma_start3A_298, %dma_start3A_299] : memref<4x96x128xf32, #tpu.memory_space<vmem>> -> memref<1x96x128xf32, #tpu.memory_space<vmem>>
      %dma_start3A_301 = tpu.memref_squeeze %dma_start3A_300 : memref<1x96x128xf32, #tpu.memory_space<vmem>> -> memref<96x128xf32, #tpu.memory_space<vmem>>
      %dma_start3A_302 = tpu.memref_slice %arg7[%mul3A_296] : memref<10000xi32, #tpu.memory_space<vmem>> -> memref<96xi32, #tpu.memory_space<vmem>>
      %dma_start3A_303 = arith.constant 0 : i32
      %dma_start3A_304 = arith.constant 0 : i32
      %dma_start3A_305 = tpu.memref_slice %arg2[%dma_start3A_303, %dma_start3A_304] : memref<100000x128xf32, #tpu.memory_space<hbm>> -> memref<100000x128xf32, #tpu.memory_space<hbm>>
      tpu.enqueue_indirect_dma source(%dma_start3A_305 : memref<100000x128xf32, #tpu.memory_space<hbm>>) target(%dma_start3A_301 : memref<96x128xf32, #tpu.memory_space<vmem>>) offsets(%dma_start3A_302 : memref<96xi32, #tpu.memory_space<vmem>>) semaphore(%arg15 : memref<!tpu.dma_semaphore, #tpu.memory_space<semaphore_mem>>)
      %dma_start3A_306 = arith.constant 3 : i32
      %dma_start3A_307 = arith.constant 0 : i32
      %dma_start3A_308 = arith.constant 0 : i32
      %dma_start3A_309 = tpu.memref_slice %arg10[%dma_start3A_306, %dma_start3A_307, %dma_start3A_308] : memref<4x96x128xf32, #tpu.memory_space<vmem>> -> memref<1x96x128xf32, #tpu.memory_space<vmem>>
      %dma_start3A_310 = tpu.memref_squeeze %dma_start3A_309 : memref<1x96x128xf32, #tpu.memory_space<vmem>> -> memref<96x128xf32, #tpu.memory_space<vmem>>
      %dma_start3A_311 = tpu.memref_slice %arg8[%mul3A_296] : memref<10000xi32, #tpu.memory_space<vmem>> -> memref<96xi32, #tpu.memory_space<vmem>>
      %dma_start3A_312 = arith.constant 0 : i32
      %dma_start3A_313 = arith.constant 0 : i32
      %dma_start3A_314 = tpu.memref_slice %arg3[%dma_start3A_312, %dma_start3A_313] : memref<100000x128xf32, #tpu.memory_space<hbm>> -> memref<100000x128xf32, #tpu.memory_space<hbm>>
      tpu.enqueue_indirect_dma source(%dma_start3A_314 : memref<100000x128xf32, #tpu.memory_space<hbm>>) target(%dma_start3A_310 : memref<96x128xf32, #tpu.memory_space<vmem>>) offsets(%dma_start3A_311 : memref<96xi32, #tpu.memory_space<vmem>>) semaphore(%arg19 : memref<!tpu.dma_semaphore, #tpu.memory_space<semaphore_mem>>)
      %scan3A_315 = arith.constant 0 : i32
      %scan3A_316 = arith.constant 0 : i32
      %scan3A_317 = arith.constant 0 : i32
      %scan3A_318 = arith.constant 0 : i32
      %scan3A_319 = arith.constant 6 : i32
      %scan3A_320 = arith.addi %scan3A_318, %scan3A_319 : i32
      %scan3A_321 = arith.constant 1 : i32
      scf.for %scan3A_485 = %scan3A_318 to %scan3A_320 step %scan3A_321  : i32 {
        %mul3A_486 = arith.constant 16 : i32
        %mul3A_487 = arith.muli %scan3A_485, %mul3A_486 : i32
        %broadcast_in_dim3A_488 = arith.constant 0.000000e+00 : f32
        %broadcast_in_dim3A_489 = vector.broadcast %broadcast_in_dim3A_488 : f32 to vector<16xf32>
        %scan3A_490 = arith.constant 0 : i32
        %scan3A_491 = arith.constant 16 : i32
        %scan3A_492 = arith.addi %scan3A_490, %scan3A_491 : i32
        %scan3A_493 = arith.constant 2 : i32
        %scan3A_494 = scf.for %scan3A_503 = %scan3A_490 to %scan3A_492 step %scan3A_493 iter_args(%scan3A_504 = %broadcast_in_dim3A_489) -> (vector<16xf32>)  : i32 {
          %add3A_505 = arith.addi %mul3A_487, %scan3A_503 : i32
          %get3A = arith.constant 0 : i32
          %get3A_506 = arith.constant 0 : i32
          %get3A_507 = tpu.memref_slice %arg9[%scan3A_316, %get3A, %get3A_506] : memref<4x96x128xf32, #tpu.memory_space<vmem>> -> memref<1x96x128xf32, #tpu.memory_space<vmem>>
          %get3A_508 = tpu.memref_squeeze %get3A_507 : memref<1x96x128xf32, #tpu.memory_space<vmem>> -> memref<96x128xf32, #tpu.memory_space<vmem>>
          %get3A_509 = arith.index_cast %add3A_505 : i32 to index
          %get3A_510 = arith.constant 0 : index
          %get3A_511 = tpu.vector_load %get3A_508[%get3A_509, %get3A_510] {strides = array<i32>} : memref<96x128xf32, #tpu.memory_space<vmem>>, vector<1x16xf32>,
          %get3A_512 = vector.shape_cast %get3A_511 : vector<1x16xf32> to vector<16xf32>
          %get3A_513 = arith.constant 0 : i32
          %get3A_514 = arith.constant 0 : i32
          %get3A_515 = tpu.memref_slice %arg10[%scan3A_317, %get3A_513, %get3A_514] : memref<4x96x128xf32, #tpu.memory_space<vmem>> -> memref<1x96x128xf32, #tpu.memory_space<vmem>>
          %get3A_516 = tpu.memref_squeeze %get3A_515 : memref<1x96x128xf32, #tpu.memory_space<vmem>> -> memref<96x128xf32, #tpu.memory_space<vmem>>
          %get3A_517 = arith.index_cast %add3A_505 : i32 to index
          %get3A_518 = arith.constant 0 : index
          %get3A_519 = tpu.vector_load %get3A_516[%get3A_517, %get3A_518] {strides = array<i32>} : memref<96x128xf32, #tpu.memory_space<vmem>>, vector<1x16xf32>,
          %get3A_520 = vector.shape_cast %get3A_519 : vector<1x16xf32> to vector<16xf32>
          %mul3A_521 = arith.mulf %get3A_512, %get3A_520 : vector<16xf32>
          %get3A_522 = arith.constant 0 : i32
          %get3A_523 = arith.constant 0 : i32
          %get3A_524 = tpu.memref_slice %arg9[%scan3A_316, %get3A_522, %get3A_523] : memref<4x96x128xf32, #tpu.memory_space<vmem>> -> memref<1x96x128xf32, #tpu.memory_space<vmem>>
          %get3A_525 = tpu.memref_squeeze %get3A_524 : memref<1x96x128xf32, #tpu.memory_space<vmem>> -> memref<96x128xf32, #tpu.memory_space<vmem>>
          %get3A_526 = arith.index_cast %add3A_505 : i32 to index
          %get3A_527 = arith.constant 16 : index
          %get3A_528 = tpu.vector_load %get3A_525[%get3A_526, %get3A_527] {strides = array<i32>} : memref<96x128xf32, #tpu.memory_space<vmem>>, vector<1x16xf32>,
          %get3A_529 = vector.shape_cast %get3A_528 : vector<1x16xf32> to vector<16xf32>
          %get3A_530 = arith.constant 0 : i32
          %get3A_531 = arith.constant 0 : i32
          %get3A_532 = tpu.memref_slice %arg10[%scan3A_317, %get3A_530, %get3A_531] : memref<4x96x128xf32, #tpu.memory_space<vmem>> -> memref<1x96x128xf32, #tpu.memory_space<vmem>>
          %get3A_533 = tpu.memref_squeeze %get3A_532 : memref<1x96x128xf32, #tpu.memory_space<vmem>> -> memref<96x128xf32, #tpu.memory_space<vmem>>
          %get3A_534 = arith.index_cast %add3A_505 : i32 to index
          %get3A_535 = arith.constant 16 : index
          %get3A_536 = tpu.vector_load %get3A_533[%get3A_534, %get3A_535] {strides = array<i32>} : memref<96x128xf32, #tpu.memory_space<vmem>>, vector<1x16xf32>,
          %get3A_537 = vector.shape_cast %get3A_536 : vector<1x16xf32> to vector<16xf32>
          %mul3A_538 = arith.mulf %get3A_529, %get3A_537 : vector<16xf32>
          %get3A_539 = arith.constant 0 : i32
          %get3A_540 = arith.constant 0 : i32
          %get3A_541 = tpu.memref_slice %arg9[%scan3A_316, %get3A_539, %get3A_540] : memref<4x96x128xf32, #tpu.memory_space<vmem>> -> memref<1x96x128xf32, #tpu.memory_space<vmem>>
          %get3A_542 = tpu.memref_squeeze %get3A_541 : memref<1x96x128xf32, #tpu.memory_space<vmem>> -> memref<96x128xf32, #tpu.memory_space<vmem>>
          %get3A_543 = arith.index_cast %add3A_505 : i32 to index
          %get3A_544 = arith.constant 32 : index
          %get3A_545 = tpu.vector_load %get3A_542[%get3A_543, %get3A_544] {strides = array<i32>} : memref<96x128xf32, #tpu.memory_space<vmem>>, vector<1x16xf32>,
          %get3A_546 = vector.shape_cast %get3A_545 : vector<1x16xf32> to vector<16xf32>
          %get3A_547 = arith.constant 0 : i32
          %get3A_548 = arith.constant 0 : i32
          %get3A_549 = tpu.memref_slice %arg10[%scan3A_317, %get3A_547, %get3A_548] : memref<4x96x128xf32, #tpu.memory_space<vmem>> -> memref<1x96x128xf32, #tpu.memory_space<vmem>>
          %get3A_550 = tpu.memref_squeeze %get3A_549 : memref<1x96x128xf32, #tpu.memory_space<vmem>> -> memref<96x128xf32, #tpu.memory_space<vmem>>
          %get3A_551 = arith.index_cast %add3A_505 : i32 to index
          %get3A_552 = arith.constant 32 : index
          %get3A_553 = tpu.vector_load %get3A_550[%get3A_551, %get3A_552] {strides = array<i32>} : memref<96x128xf32, #tpu.memory_space<vmem>>, vector<1x16xf32>,
          %get3A_554 = vector.shape_cast %get3A_553 : vector<1x16xf32> to vector<16xf32>
          %mul3A_555 = arith.mulf %get3A_546, %get3A_554 : vector<16xf32>
          %get3A_556 = arith.constant 0 : i32
          %get3A_557 = arith.constant 0 : i32
          %get3A_558 = tpu.memref_slice %arg9[%scan3A_316, %get3A_556, %get3A_557] : memref<4x96x128xf32, #tpu.memory_space<vmem>> -> memref<1x96x128xf32, #tpu.memory_space<vmem>>
          %get3A_559 = tpu.memref_squeeze %get3A_558 : memref<1x96x128xf32, #tpu.memory_space<vmem>> -> memref<96x128xf32, #tpu.memory_space<vmem>>
          %get3A_560 = arith.index_cast %add3A_505 : i32 to index
          %get3A_561 = arith.constant 48 : index
          %get3A_562 = tpu.vector_load %get3A_559[%get3A_560, %get3A_561] {strides = array<i32>} : memref<96x128xf32, #tpu.memory_space<vmem>>, vector<1x16xf32>,
          %get3A_563 = vector.shape_cast %get3A_562 : vector<1x16xf32> to vector<16xf32>
          %get3A_564 = arith.constant 0 : i32
          %get3A_565 = arith.constant 0 : i32
          %get3A_566 = tpu.memref_slice %arg10[%scan3A_317, %get3A_564, %get3A_565] : memref<4x96x128xf32, #tpu.memory_space<vmem>> -> memref<1x96x128xf32, #tpu.memory_space<vmem>>
          %get3A_567 = tpu.memref_squeeze %get3A_566 : memref<1x96x128xf32, #tpu.memory_space<vmem>> -> memref<96x128xf32, #tpu.memory_space<vmem>>
          %get3A_568 = arith.index_cast %add3A_505 : i32 to index
          %get3A_569 = arith.constant 48 : index
          %get3A_570 = tpu.vector_load %get3A_567[%get3A_568, %get3A_569] {strides = array<i32>} : memref<96x128xf32, #tpu.memory_space<vmem>>, vector<1x16xf32>,
          %get3A_571 = vector.shape_cast %get3A_570 : vector<1x16xf32> to vector<16xf32>
          %mul3A_572 = arith.mulf %get3A_563, %get3A_571 : vector<16xf32>
          %get3A_573 = arith.constant 0 : i32
          %get3A_574 = arith.constant 0 : i32
          %get3A_575 = tpu.memref_slice %arg9[%scan3A_316, %get3A_573, %get3A_574] : memref<4x96x128xf32, #tpu.memory_space<vmem>> -> memref<1x96x128xf32, #tpu.memory_space<vmem>>
          %get3A_576 = tpu.memref_squeeze %get3A_575 : memref<1x96x128xf32, #tpu.memory_space<vmem>> -> memref<96x128xf32, #tpu.memory_space<vmem>>
          %get3A_577 = arith.index_cast %add3A_505 : i32 to index
          %get3A_578 = arith.constant 64 : index
          %get3A_579 = tpu.vector_load %get3A_576[%get3A_577, %get3A_578] {strides = array<i32>} : memref<96x128xf32, #tpu.memory_space<vmem>>, vector<1x16xf32>,
          %get3A_580 = vector.shape_cast %get3A_579 : vector<1x16xf32> to vector<16xf32>
          %get3A_581 = arith.constant 0 : i32
          %get3A_582 = arith.constant 0 : i32
          %get3A_583 = tpu.memref_slice %arg10[%scan3A_317, %get3A_581, %get3A_582] : memref<4x96x128xf32, #tpu.memory_space<vmem>> -> memref<1x96x128xf32, #tpu.memory_space<vmem>>
          %get3A_584 = tpu.memref_squeeze %get3A_583 : memref<1x96x128xf32, #tpu.memory_space<vmem>> -> memref<96x128xf32, #tpu.memory_space<vmem>>
          %get3A_585 = arith.index_cast %add3A_505 : i32 to index
          %get3A_586 = arith.constant 64 : index
          %get3A_587 = tpu.vector_load %get3A_584[%get3A_585, %get3A_586] {strides = array<i32>} : memref<96x128xf32, #tpu.memory_space<vmem>>, vector<1x16xf32>,
          %get3A_588 = vector.shape_cast %get3A_587 : vector<1x16xf32> to vector<16xf32>
          %mul3A_589 = arith.mulf %get3A_580, %get3A_588 : vector<16xf32>
          %get3A_590 = arith.constant 0 : i32
          %get3A_591 = arith.constant 0 : i32
          %get3A_592 = tpu.memref_slice %arg9[%scan3A_316, %get3A_590, %get3A_591] : memref<4x96x128xf32, #tpu.memory_space<vmem>> -> memref<1x96x128xf32, #tpu.memory_space<vmem>>
          %get3A_593 = tpu.memref_squeeze %get3A_592 : memref<1x96x128xf32, #tpu.memory_space<vmem>> -> memref<96x128xf32, #tpu.memory_space<vmem>>
          %get3A_594 = arith.index_cast %add3A_505 : i32 to index
          %get3A_595 = arith.constant 80 : index
          %get3A_596 = tpu.vector_load %get3A_593[%get3A_594, %get3A_595] {strides = array<i32>} : memref<96x128xf32, #tpu.memory_space<vmem>>, vector<1x16xf32>,
          %get3A_597 = vector.shape_cast %get3A_596 : vector<1x16xf32> to vector<16xf32>
          %get3A_598 = arith.constant 0 : i32
          %get3A_599 = arith.constant 0 : i32
          %get3A_600 = tpu.memref_slice %arg10[%scan3A_317, %get3A_598, %get3A_599] : memref<4x96x128xf32, #tpu.memory_space<vmem>> -> memref<1x96x128xf32, #tpu.memory_space<vmem>>
          %get3A_601 = tpu.memref_squeeze %get3A_600 : memref<1x96x128xf32, #tpu.memory_space<vmem>> -> memref<96x128xf32, #tpu.memory_space<vmem>>
          %get3A_602 = arith.index_cast %add3A_505 : i32 to index
          %get3A_603 = arith.constant 80 : index
          %get3A_604 = tpu.vector_load %get3A_601[%get3A_602, %get3A_603] {strides = array<i32>} : memref<96x128xf32, #tpu.memory_space<vmem>>, vector<1x16xf32>,
          %get3A_605 = vector.shape_cast %get3A_604 : vector<1x16xf32> to vector<16xf32>
          %mul3A_606 = arith.mulf %get3A_597, %get3A_605 : vector<16xf32>
          %get3A_607 = arith.constant 0 : i32
          %get3A_608 = arith.constant 0 : i32
          %get3A_609 = tpu.memref_slice %arg9[%scan3A_316, %get3A_607, %get3A_608] : memref<4x96x128xf32, #tpu.memory_space<vmem>> -> memref<1x96x128xf32, #tpu.memory_space<vmem>>
          %get3A_610 = tpu.memref_squeeze %get3A_609 : memref<1x96x128xf32, #tpu.memory_space<vmem>> -> memref<96x128xf32, #tpu.memory_space<vmem>>
          %get3A_611 = arith.index_cast %add3A_505 : i32 to index
          %get3A_612 = arith.constant 96 : index
          %get3A_613 = tpu.vector_load %get3A_610[%get3A_611, %get3A_612] {strides = array<i32>} : memref<96x128xf32, #tpu.memory_space<vmem>>, vector<1x16xf32>,
          %get3A_614 = vector.shape_cast %get3A_613 : vector<1x16xf32> to vector<16xf32>
          %get3A_615 = arith.constant 0 : i32
          %get3A_616 = arith.constant 0 : i32
          %get3A_617 = tpu.memref_slice %arg10[%scan3A_317, %get3A_615, %get3A_616] : memref<4x96x128xf32, #tpu.memory_space<vmem>> -> memref<1x96x128xf32, #tpu.memory_space<vmem>>
          %get3A_618 = tpu.memref_squeeze %get3A_617 : memref<1x96x128xf32, #tpu.memory_space<vmem>> -> memref<96x128xf32, #tpu.memory_space<vmem>>
          %get3A_619 = arith.index_cast %add3A_505 : i32 to index
          %get3A_620 = arith.constant 96 : index
          %get3A_621 = tpu.vector_load %get3A_618[%get3A_619, %get3A_620] {strides = array<i32>} : memref<96x128xf32, #tpu.memory_space<vmem>>, vector<1x16xf32>,
          %get3A_622 = vector.shape_cast %get3A_621 : vector<1x16xf32> to vector<16xf32>
          %mul3A_623 = arith.mulf %get3A_614, %get3A_622 : vector<16xf32>
          %get3A_624 = arith.constant 0 : i32
          %get3A_625 = arith.constant 0 : i32
          %get3A_626 = tpu.memref_slice %arg9[%scan3A_316, %get3A_624, %get3A_625] : memref<4x96x128xf32, #tpu.memory_space<vmem>> -> memref<1x96x128xf32, #tpu.memory_space<vmem>>
          %get3A_627 = tpu.memref_squeeze %get3A_626 : memref<1x96x128xf32, #tpu.memory_space<vmem>> -> memref<96x128xf32, #tpu.memory_space<vmem>>
          %get3A_628 = arith.index_cast %add3A_505 : i32 to index
          %get3A_629 = arith.constant 112 : index
          %get3A_630 = tpu.vector_load %get3A_627[%get3A_628, %get3A_629] {strides = array<i32>} : memref<96x128xf32, #tpu.memory_space<vmem>>, vector<1x16xf32>,
          %get3A_631 = vector.shape_cast %get3A_630 : vector<1x16xf32> to vector<16xf32>
          %get3A_632 = arith.constant 0 : i32
          %get3A_633 = arith.constant 0 : i32
          %get3A_634 = tpu.memref_slice %arg10[%scan3A_317, %get3A_632, %get3A_633] : memref<4x96x128xf32, #tpu.memory_space<vmem>> -> memref<1x96x128xf32, #tpu.memory_space<vmem>>
          %get3A_635 = tpu.memref_squeeze %get3A_634 : memref<1x96x128xf32, #tpu.memory_space<vmem>> -> memref<96x128xf32, #tpu.memory_space<vmem>>
          %get3A_636 = arith.index_cast %add3A_505 : i32 to index
          %get3A_637 = arith.constant 112 : index
          %get3A_638 = tpu.vector_load %get3A_635[%get3A_636, %get3A_637] {strides = array<i32>} : memref<96x128xf32, #tpu.memory_space<vmem>>, vector<1x16xf32>,
          %get3A_639 = vector.shape_cast %get3A_638 : vector<1x16xf32> to vector<16xf32>
          %mul3A_640 = arith.mulf %get3A_631, %get3A_639 : vector<16xf32>
          %add3A_641 = arith.addf %mul3A_521, %mul3A_538 : vector<16xf32>
          %add3A_642 = arith.addf %mul3A_555, %mul3A_572 : vector<16xf32>
          %add3A_643 = arith.addf %mul3A_589, %mul3A_606 : vector<16xf32>
          %add3A_644 = arith.addf %mul3A_623, %mul3A_640 : vector<16xf32>
          %add3A_645 = arith.addf %add3A_641, %add3A_642 : vector<16xf32>
          %add3A_646 = arith.addf %add3A_643, %add3A_644 : vector<16xf32>
          %add3A_647 = arith.addf %add3A_645, %add3A_646 : vector<16xf32>
          %broadcast_in_dim3A_648 = vector.shape_cast %xor3A_4 : vector<16xi32> to vector<16x1xi32>
          %gather3A = vector.shape_cast %broadcast_in_dim3A_648 : vector<16x1xi32> to vector<16xi32>
          %gather3A_649 = tpu.dynamic_gather %add3A_647[%gather3A] in [0] : vector<16xf32>, vector<16xi32> -> vector<16xf32>
          %add3A_650 = arith.addf %add3A_647, %gather3A_649 : vector<16xf32>
          %broadcast_in_dim3A_651 = vector.shape_cast %xor3A_7 : vector<16xi32> to vector<16x1xi32>
          %gather3A_652 = vector.shape_cast %broadcast_in_dim3A_651 : vector<16x1xi32> to vector<16xi32>
          %gather3A_653 = tpu.dynamic_gather %add3A_650[%gather3A_652] in [0] : vector<16xf32>, vector<16xi32> -> vector<16xf32>
          %add3A_654 = arith.addf %add3A_650, %gather3A_653 : vector<16xf32>
          %broadcast_in_dim3A_655 = vector.shape_cast %xor3A_10 : vector<16xi32> to vector<16x1xi32>
          %gather3A_656 = vector.shape_cast %broadcast_in_dim3A_655 : vector<16x1xi32> to vector<16xi32>
          %gather3A_657 = tpu.dynamic_gather %add3A_654[%gather3A_656] in [0] : vector<16xf32>, vector<16xi32> -> vector<16xf32>
          %add3A_658 = arith.addf %add3A_654, %gather3A_657 : vector<16xf32>
          %broadcast_in_dim3A_659 = vector.shape_cast %xor3A_13 : vector<16xi32> to vector<16x1xi32>
          %gather3A_660 = vector.shape_cast %broadcast_in_dim3A_659 : vector<16x1xi32> to vector<16xi32>
          %gather3A_661 = tpu.dynamic_gather %add3A_658[%gather3A_660] in [0] : vector<16xf32>, vector<16xi32> -> vector<16xf32>
          %add3A_662 = arith.addf %add3A_658, %gather3A_661 : vector<16xf32>
          %eq3A = vector.broadcast %scan3A_503 : i32 to vector<16xi32>
          %eq3A_663 = arith.cmpi eq, %iota3A, %eq3A : vector<16xi32>
          %select_n3A = arith.select %eq3A_663, %add3A_662, %scan3A_504 : vector<16xi1>, vector<16xf32>
          %scan3A_664 = arith.constant 1 : i32
          %scan3A_665 = arith.addi %scan3A_503, %scan3A_664 : i32
          %add3A_666 = arith.addi %mul3A_487, %scan3A_665 : i32
          %get3A_667 = arith.constant 0 : i32
          %get3A_668 = arith.constant 0 : i32
          %get3A_669 = tpu.memref_slice %arg9[%scan3A_316, %get3A_667, %get3A_668] : memref<4x96x128xf32, #tpu.memory_space<vmem>> -> memref<1x96x128xf32, #tpu.memory_space<vmem>>
          %get3A_670 = tpu.memref_squeeze %get3A_669 : memref<1x96x128xf32, #tpu.memory_space<vmem>> -> memref<96x128xf32, #tpu.memory_space<vmem>>
          %get3A_671 = arith.index_cast %add3A_666 : i32 to index
          %get3A_672 = arith.constant 0 : index
          %get3A_673 = tpu.vector_load %get3A_670[%get3A_671, %get3A_672] {strides = array<i32>} : memref<96x128xf32, #tpu.memory_space<vmem>>, vector<1x16xf32>,
          %get3A_674 = vector.shape_cast %get3A_673 : vector<1x16xf32> to vector<16xf32>
          %get3A_675 = arith.constant 0 : i32
          %get3A_676 = arith.constant 0 : i32
          %get3A_677 = tpu.memref_slice %arg10[%scan3A_317, %get3A_675, %get3A_676] : memref<4x96x128xf32, #tpu.memory_space<vmem>> -> memref<1x96x128xf32, #tpu.memory_space<vmem>>
          %get3A_678 = tpu.memref_squeeze %get3A_677 : memref<1x96x128xf32, #tpu.memory_space<vmem>> -> memref<96x128xf32, #tpu.memory_space<vmem>>
          %get3A_679 = arith.index_cast %add3A_666 : i32 to index
          %get3A_680 = arith.constant 0 : index
          %get3A_681 = tpu.vector_load %get3A_678[%get3A_679, %get3A_680] {strides = array<i32>} : memref<96x128xf32, #tpu.memory_space<vmem>>, vector<1x16xf32>,
          %get3A_682 = vector.shape_cast %get3A_681 : vector<1x16xf32> to vector<16xf32>
          %mul3A_683 = arith.mulf %get3A_674, %get3A_682 : vector<16xf32>
          %get3A_684 = arith.constant 0 : i32
          %get3A_685 = arith.constant 0 : i32
          %get3A_686 = tpu.memref_slice %arg9[%scan3A_316, %get3A_684, %get3A_685] : memref<4x96x128xf32, #tpu.memory_space<vmem>> -> memref<1x96x128xf32, #tpu.memory_space<vmem>>
          %get3A_687 = tpu.memref_squeeze %get3A_686 : memref<1x96x128xf32, #tpu.memory_space<vmem>> -> memref<96x128xf32, #tpu.memory_space<vmem>>
          %get3A_688 = arith.index_cast %add3A_666 : i32 to index
          %get3A_689 = arith.constant 16 : index
          %get3A_690 = tpu.vector_load %get3A_687[%get3A_688, %get3A_689] {strides = array<i32>} : memref<96x128xf32, #tpu.memory_space<vmem>>, vector<1x16xf32>,
          %get3A_691 = vector.shape_cast %get3A_690 : vector<1x16xf32> to vector<16xf32>
          %get3A_692 = arith.constant 0 : i32
          %get3A_693 = arith.constant 0 : i32
          %get3A_694 = tpu.memref_slice %arg10[%scan3A_317, %get3A_692, %get3A_693] : memref<4x96x128xf32, #tpu.memory_space<vmem>> -> memref<1x96x128xf32, #tpu.memory_space<vmem>>
          %get3A_695 = tpu.memref_squeeze %get3A_694 : memref<1x96x128xf32, #tpu.memory_space<vmem>> -> memref<96x128xf32, #tpu.memory_space<vmem>>
          %get3A_696 = arith.index_cast %add3A_666 : i32 to index
          %get3A_697 = arith.constant 16 : index
          %get3A_698 = tpu.vector_load %get3A_695[%get3A_696, %get3A_697] {strides = array<i32>} : memref<96x128xf32, #tpu.memory_space<vmem>>, vector<1x16xf32>,
          %get3A_699 = vector.shape_cast %get3A_698 : vector<1x16xf32> to vector<16xf32>
          %mul3A_700 = arith.mulf %get3A_691, %get3A_699 : vector<16xf32>
          %get3A_701 = arith.constant 0 : i32
          %get3A_702 = arith.constant 0 : i32
          %get3A_703 = tpu.memref_slice %arg9[%scan3A_316, %get3A_701, %get3A_702] : memref<4x96x128xf32, #tpu.memory_space<vmem>> -> memref<1x96x128xf32, #tpu.memory_space<vmem>>
          %get3A_704 = tpu.memref_squeeze %get3A_703 : memref<1x96x128xf32, #tpu.memory_space<vmem>> -> memref<96x128xf32, #tpu.memory_space<vmem>>
          %get3A_705 = arith.index_cast %add3A_666 : i32 to index
          %get3A_706 = arith.constant 32 : index
          %get3A_707 = tpu.vector_load %get3A_704[%get3A_705, %get3A_706] {strides = array<i32>} : memref<96x128xf32, #tpu.memory_space<vmem>>, vector<1x16xf32>,
          %get3A_708 = vector.shape_cast %get3A_707 : vector<1x16xf32> to vector<16xf32>
          %get3A_709 = arith.constant 0 : i32
          %get3A_710 = arith.constant 0 : i32
          %get3A_711 = tpu.memref_slice %arg10[%scan3A_317, %get3A_709, %get3A_710] : memref<4x96x128xf32, #tpu.memory_space<vmem>> -> memref<1x96x128xf32, #tpu.memory_space<vmem>>
          %get3A_712 = tpu.memref_squeeze %get3A_711 : memref<1x96x128xf32, #tpu.memory_space<vmem>> -> memref<96x128xf32, #tpu.memory_space<vmem>>
          %get3A_713 = arith.index_cast %add3A_666 : i32 to index
          %get3A_714 = arith.constant 32 : index
          %get3A_715 = tpu.vector_load %get3A_712[%get3A_713, %get3A_714] {strides = array<i32>} : memref<96x128xf32, #tpu.memory_space<vmem>>, vector<1x16xf32>,
          %get3A_716 = vector.shape_cast %get3A_715 : vector<1x16xf32> to vector<16xf32>
          %mul3A_717 = arith.mulf %get3A_708, %get3A_716 : vector<16xf32>
          %get3A_718 = arith.constant 0 : i32
          %get3A_719 = arith.constant 0 : i32
          %get3A_720 = tpu.memref_slice %arg9[%scan3A_316, %get3A_718, %get3A_719] : memref<4x96x128xf32, #tpu.memory_space<vmem>> -> memref<1x96x128xf32, #tpu.memory_space<vmem>>
          %get3A_721 = tpu.memref_squeeze %get3A_720 : memref<1x96x128xf32, #tpu.memory_space<vmem>> -> memref<96x128xf32, #tpu.memory_space<vmem>>
          %get3A_722 = arith.index_cast %add3A_666 : i32 to index
          %get3A_723 = arith.constant 48 : index
          %get3A_724 = tpu.vector_load %get3A_721[%get3A_722, %get3A_723] {strides = array<i32>} : memref<96x128xf32, #tpu.memory_space<vmem>>, vector<1x16xf32>,
          %get3A_725 = vector.shape_cast %get3A_724 : vector<1x16xf32> to vector<16xf32>
          %get3A_726 = arith.constant 0 : i32
          %get3A_727 = arith.constant 0 : i32
          %get3A_728 = tpu.memref_slice %arg10[%scan3A_317, %get3A_726, %get3A_727] : memref<4x96x128xf32, #tpu.memory_space<vmem>> -> memref<1x96x128xf32, #tpu.memory_space<vmem>>
          %get3A_729 = tpu.memref_squeeze %get3A_728 : memref<1x96x128xf32, #tpu.memory_space<vmem>> -> memref<96x128xf32, #tpu.memory_space<vmem>>
          %get3A_730 = arith.index_cast %add3A_666 : i32 to index
          %get3A_731 = arith.constant 48 : index
          %get3A_732 = tpu.vector_load %get3A_729[%get3A_730, %get3A_731] {strides = array<i32>} : memref<96x128xf32, #tpu.memory_space<vmem>>, vector<1x16xf32>,
          %get3A_733 = vector.shape_cast %get3A_732 : vector<1x16xf32> to vector<16xf32>
          %mul3A_734 = arith.mulf %get3A_725, %get3A_733 : vector<16xf32>
          %get3A_735 = arith.constant 0 : i32
          %get3A_736 = arith.constant 0 : i32
          %get3A_737 = tpu.memref_slice %arg9[%scan3A_316, %get3A_735, %get3A_736] : memref<4x96x128xf32, #tpu.memory_space<vmem>> -> memref<1x96x128xf32, #tpu.memory_space<vmem>>
          %get3A_738 = tpu.memref_squeeze %get3A_737 : memref<1x96x128xf32, #tpu.memory_space<vmem>> -> memref<96x128xf32, #tpu.memory_space<vmem>>
          %get3A_739 = arith.index_cast %add3A_666 : i32 to index
          %get3A_740 = arith.constant 64 : index
          %get3A_741 = tpu.vector_load %get3A_738[%get3A_739, %get3A_740] {strides = array<i32>} : memref<96x128xf32, #tpu.memory_space<vmem>>, vector<1x16xf32>,
          %get3A_742 = vector.shape_cast %get3A_741 : vector<1x16xf32> to vector<16xf32>
          %get3A_743 = arith.constant 0 : i32
          %get3A_744 = arith.constant 0 : i32
          %get3A_745 = tpu.memref_slice %arg10[%scan3A_317, %get3A_743, %get3A_744] : memref<4x96x128xf32, #tpu.memory_space<vmem>> -> memref<1x96x128xf32, #tpu.memory_space<vmem>>
          %get3A_746 = tpu.memref_squeeze %get3A_745 : memref<1x96x128xf32, #tpu.memory_space<vmem>> -> memref<96x128xf32, #tpu.memory_space<vmem>>
          %get3A_747 = arith.index_cast %add3A_666 : i32 to index
          %get3A_748 = arith.constant 64 : index
          %get3A_749 = tpu.vector_load %get3A_746[%get3A_747, %get3A_748] {strides = array<i32>} : memref<96x128xf32, #tpu.memory_space<vmem>>, vector<1x16xf32>,
          %get3A_750 = vector.shape_cast %get3A_749 : vector<1x16xf32> to vector<16xf32>
          %mul3A_751 = arith.mulf %get3A_742, %get3A_750 : vector<16xf32>
          %get3A_752 = arith.constant 0 : i32
          %get3A_753 = arith.constant 0 : i32
          %get3A_754 = tpu.memref_slice %arg9[%scan3A_316, %get3A_752, %get3A_753] : memref<4x96x128xf32, #tpu.memory_space<vmem>> -> memref<1x96x128xf32, #tpu.memory_space<vmem>>
          %get3A_755 = tpu.memref_squeeze %get3A_754 : memref<1x96x128xf32, #tpu.memory_space<vmem>> -> memref<96x128xf32, #tpu.memory_space<vmem>>
          %get3A_756 = arith.index_cast %add3A_666 : i32 to index
          %get3A_757 = arith.constant 80 : index
          %get3A_758 = tpu.vector_load %get3A_755[%get3A_756, %get3A_757] {strides = array<i32>} : memref<96x128xf32, #tpu.memory_space<vmem>>, vector<1x16xf32>,
          %get3A_759 = vector.shape_cast %get3A_758 : vector<1x16xf32> to vector<16xf32>
          %get3A_760 = arith.constant 0 : i32
          %get3A_761 = arith.constant 0 : i32
          %get3A_762 = tpu.memref_slice %arg10[%scan3A_317, %get3A_760, %get3A_761] : memref<4x96x128xf32, #tpu.memory_space<vmem>> -> memref<1x96x128xf32, #tpu.memory_space<vmem>>
          %get3A_763 = tpu.memref_squeeze %get3A_762 : memref<1x96x128xf32, #tpu.memory_space<vmem>> -> memref<96x128xf32, #tpu.memory_space<vmem>>
          %get3A_764 = arith.index_cast %add3A_666 : i32 to index
          %get3A_765 = arith.constant 80 : index
          %get3A_766 = tpu.vector_load %get3A_763[%get3A_764, %get3A_765] {strides = array<i32>} : memref<96x128xf32, #tpu.memory_space<vmem>>, vector<1x16xf32>,
          %get3A_767 = vector.shape_cast %get3A_766 : vector<1x16xf32> to vector<16xf32>
          %mul3A_768 = arith.mulf %get3A_759, %get3A_767 : vector<16xf32>
          %get3A_769 = arith.constant 0 : i32
          %get3A_770 = arith.constant 0 : i32
          %get3A_771 = tpu.memref_slice %arg9[%scan3A_316, %get3A_769, %get3A_770] : memref<4x96x128xf32, #tpu.memory_space<vmem>> -> memref<1x96x128xf32, #tpu.memory_space<vmem>>
          %get3A_772 = tpu.memref_squeeze %get3A_771 : memref<1x96x128xf32, #tpu.memory_space<vmem>> -> memref<96x128xf32, #tpu.memory_space<vmem>>
          %get3A_773 = arith.index_cast %add3A_666 : i32 to index
          %get3A_774 = arith.constant 96 : index
          %get3A_775 = tpu.vector_load %get3A_772[%get3A_773, %get3A_774] {strides = array<i32>} : memref<96x128xf32, #tpu.memory_space<vmem>>, vector<1x16xf32>,
          %get3A_776 = vector.shape_cast %get3A_775 : vector<1x16xf32> to vector<16xf32>
          %get3A_777 = arith.constant 0 : i32
          %get3A_778 = arith.constant 0 : i32
          %get3A_779 = tpu.memref_slice %arg10[%scan3A_317, %get3A_777, %get3A_778] : memref<4x96x128xf32, #tpu.memory_space<vmem>> -> memref<1x96x128xf32, #tpu.memory_space<vmem>>
          %get3A_780 = tpu.memref_squeeze %get3A_779 : memref<1x96x128xf32, #tpu.memory_space<vmem>> -> memref<96x128xf32, #tpu.memory_space<vmem>>
          %get3A_781 = arith.index_cast %add3A_666 : i32 to index
          %get3A_782 = arith.constant 96 : index
          %get3A_783 = tpu.vector_load %get3A_780[%get3A_781, %get3A_782] {strides = array<i32>} : memref<96x128xf32, #tpu.memory_space<vmem>>, vector<1x16xf32>,
          %get3A_784 = vector.shape_cast %get3A_783 : vector<1x16xf32> to vector<16xf32>
          %mul3A_785 = arith.mulf %get3A_776, %get3A_784 : vector<16xf32>
          %get3A_786 = arith.constant 0 : i32
          %get3A_787 = arith.constant 0 : i32
          %get3A_788 = tpu.memref_slice %arg9[%scan3A_316, %get3A_786, %get3A_787] : memref<4x96x128xf32, #tpu.memory_space<vmem>> -> memref<1x96x128xf32, #tpu.memory_space<vmem>>
          %get3A_789 = tpu.memref_squeeze %get3A_788 : memref<1x96x128xf32, #tpu.memory_space<vmem>> -> memref<96x128xf32, #tpu.memory_space<vmem>>
          %get3A_790 = arith.index_cast %add3A_666 : i32 to index
          %get3A_791 = arith.constant 112 : index
          %get3A_792 = tpu.vector_load %get3A_789[%get3A_790, %get3A_791] {strides = array<i32>} : memref<96x128xf32, #tpu.memory_space<vmem>>, vector<1x16xf32>,
          %get3A_793 = vector.shape_cast %get3A_792 : vector<1x16xf32> to vector<16xf32>
          %get3A_794 = arith.constant 0 : i32
          %get3A_795 = arith.constant 0 : i32
          %get3A_796 = tpu.memref_slice %arg10[%scan3A_317, %get3A_794, %get3A_795] : memref<4x96x128xf32, #tpu.memory_space<vmem>> -> memref<1x96x128xf32, #tpu.memory_space<vmem>>
          %get3A_797 = tpu.memref_squeeze %get3A_796 : memref<1x96x128xf32, #tpu.memory_space<vmem>> -> memref<96x128xf32, #tpu.memory_space<vmem>>
          %get3A_798 = arith.index_cast %add3A_666 : i32 to index
          %get3A_799 = arith.constant 112 : index
          %get3A_800 = tpu.vector_load %get3A_797[%get3A_798, %get3A_799] {strides = array<i32>} : memref<96x128xf32, #tpu.memory_space<vmem>>, vector<1x16xf32>,
          %get3A_801 = vector.shape_cast %get3A_800 : vector<1x16xf32> to vector<16xf32>
          %mul3A_802 = arith.mulf %get3A_793, %get3A_801 : vector<16xf32>
          %add3A_803 = arith.addf %mul3A_683, %mul3A_700 : vector<16xf32>
          %add3A_804 = arith.addf %mul3A_717, %mul3A_734 : vector<16xf32>
          %add3A_805 = arith.addf %mul3A_751, %mul3A_768 : vector<16xf32>
          %add3A_806 = arith.addf %mul3A_785, %mul3A_802 : vector<16xf32>
          %add3A_807 = arith.addf %add3A_803, %add3A_804 : vector<16xf32>
          %add3A_808 = arith.addf %add3A_805, %add3A_806 : vector<16xf32>
          %add3A_809 = arith.addf %add3A_807, %add3A_808 : vector<16xf32>
          %broadcast_in_dim3A_810 = vector.shape_cast %xor3A_4 : vector<16xi32> to vector<16x1xi32>
          %gather3A_811 = vector.shape_cast %broadcast_in_dim3A_810 : vector<16x1xi32> to vector<16xi32>
          %gather3A_812 = tpu.dynamic_gather %add3A_809[%gather3A_811] in [0] : vector<16xf32>, vector<16xi32> -> vector<16xf32>
          %add3A_813 = arith.addf %add3A_809, %gather3A_812 : vector<16xf32>
          %broadcast_in_dim3A_814 = vector.shape_cast %xor3A_7 : vector<16xi32> to vector<16x1xi32>
          %gather3A_815 = vector.shape_cast %broadcast_in_dim3A_814 : vector<16x1xi32> to vector<16xi32>
          %gather3A_816 = tpu.dynamic_gather %add3A_813[%gather3A_815] in [0] : vector<16xf32>, vector<16xi32> -> vector<16xf32>
          %add3A_817 = arith.addf %add3A_813, %gather3A_816 : vector<16xf32>
          %broadcast_in_dim3A_818 = vector.shape_cast %xor3A_10 : vector<16xi32> to vector<16x1xi32>
          %gather3A_819 = vector.shape_cast %broadcast_in_dim3A_818 : vector<16x1xi32> to vector<16xi32>
          %gather3A_820 = tpu.dynamic_gather %add3A_817[%gather3A_819] in [0] : vector<16xf32>, vector<16xi32> -> vector<16xf32>
          %add3A_821 = arith.addf %add3A_817, %gather3A_820 : vector<16xf32>
          %broadcast_in_dim3A_822 = vector.shape_cast %xor3A_13 : vector<16xi32> to vector<16x1xi32>
          %gather3A_823 = vector.shape_cast %broadcast_in_dim3A_822 : vector<16x1xi32> to vector<16xi32>
          %gather3A_824 = tpu.dynamic_gather %add3A_821[%gather3A_823] in [0] : vector<16xf32>, vector<16xi32> -> vector<16xf32>
          %add3A_825 = arith.addf %add3A_821, %gather3A_824 : vector<16xf32>
          %eq3A_826 = vector.broadcast %scan3A_665 : i32 to vector<16xi32>
          %eq3A_827 = arith.cmpi eq, %iota3A, %eq3A_826 : vector<16xi32>
          %select_n3A_828 = arith.select %eq3A_827, %add3A_825, %select_n3A : vector<16xi1>, vector<16xf32>
          scf.yield %select_n3A_828 : vector<16xf32>
        }
        %scan3A_495 = arith.constant 16 : i32
        %mul3A_496 = arith.constant 96 : i32
        %mul3A_497 = arith.muli %add3A_272, %mul3A_496 : i32
        %add3A_498 = arith.addi %mul3A_497, %mul3A_487 : i32
        %swap3A_499 = arith.index_cast %add3A_498 : i32 to index
        %swap3A_500 = tpu.vector_load %arg11[%swap3A_499] {strides = array<i32>} : memref<10000xf32, #tpu.memory_space<vmem>>, vector<16xf32>,
        %swap3A_501 = vector.shape_cast %swap3A_500 : vector<16xf32> to vector<16xf32>
        %swap3A_502 = vector.shape_cast %scan3A_494 : vector<16xf32> to vector<16xf32>
        tpu.vector_store %arg11[%swap3A_499], %swap3A_502 {strides = array<i32>} : memref<10000xf32, #tpu.memory_space<vmem>>, vector<16xf32>,
      }
      %scan3A_322 = arith.constant 6 : i32
      %mul3A_323 = arith.constant 4 : i32
      %mul3A_324 = arith.muli %mul3A_323, %scan3A_268 : i32
      %add3A_325 = arith.constant 1 : i32
      %add3A_326 = arith.addi %mul3A_324, %add3A_325 : i32
      %dma_wait3A_327 = arith.constant 1 : i32
      %dma_wait3A_328 = arith.constant 0 : i32
      %dma_wait3A_329 = arith.constant 0 : i32
      %dma_wait3A_330 = tpu.memref_slice %arg9[%dma_wait3A_327, %dma_wait3A_328, %dma_wait3A_329] : memref<4x96x128xf32, #tpu.memory_space<vmem>> -> memref<1x96x128xf32, #tpu.memory_space<vmem>>
      %dma_wait3A_331 = tpu.memref_squeeze %dma_wait3A_330 : memref<1x96x128xf32, #tpu.memory_space<vmem>> -> memref<96x128xf32, #tpu.memory_space<vmem>>
      %dma_wait3A_332 = arith.constant 0 : i32
      %dma_wait3A_333 = tpu.memref_slice %arg7[%dma_wait3A_332] : memref<10000xi32, #tpu.memory_space<vmem>> -> memref<96xi32, #tpu.memory_space<vmem>>
      %dma_wait3A_334 = arith.constant 0 : i32
      %dma_wait3A_335 = arith.constant 0 : i32
      %dma_wait3A_336 = tpu.memref_slice %arg2[%dma_wait3A_334, %dma_wait3A_335] : memref<100000x128xf32, #tpu.memory_space<hbm>> -> memref<100000x128xf32, #tpu.memory_space<hbm>>
      tpu.wait_indirect_dma semaphore(%arg13 : memref<!tpu.dma_semaphore, #tpu.memory_space<semaphore_mem>>) src(%dma_wait3A_336 : memref<100000x128xf32, #tpu.memory_space<hbm>>) dst(%dma_wait3A_331 : memref<96x128xf32, #tpu.memory_space<vmem>>)
      %dma_wait3A_337 = arith.constant 1 : i32
      %dma_wait3A_338 = arith.constant 0 : i32
      %dma_wait3A_339 = arith.constant 0 : i32
      %dma_wait3A_340 = tpu.memref_slice %arg10[%dma_wait3A_337, %dma_wait3A_338, %dma_wait3A_339] : memref<4x96x128xf32, #tpu.memory_space<vmem>> -> memref<1x96x128xf32, #tpu.memory_space<vmem>>
      %dma_wait3A_341 = tpu.memref_squeeze %dma_wait3A_340 : memref<1x96x128xf32, #tpu.memory_space<vmem>> -> memref<96x128xf32, #tpu.memory_space<vmem>>
      %dma_wait3A_342 = arith.constant 0 : i32
      %dma_wait3A_343 = tpu.memref_slice %arg8[%dma_wait3A_342] : memref<10000xi32, #tpu.memory_space<vmem>> -> memref<96xi32, #tpu.memory_space<vmem>>
      %dma_wait3A_344 = arith.constant 0 : i32
      %dma_wait3A_345 = arith.constant 0 : i32
      %dma_wait3A_346 = tpu.memref_slice %arg3[%dma_wait3A_344, %dma_wait3A_345] : memref<100000x128xf32, #tpu.memory_space<hbm>> -> memref<100000x128xf32, #tpu.memory_space<hbm>>
      tpu.wait_indirect_dma semaphore(%arg17 : memref<!tpu.dma_semaphore, #tpu.memory_space<semaphore_mem>>) src(%dma_wait3A_346 : memref<100000x128xf32, #tpu.memory_space<hbm>>) dst(%dma_wait3A_341 : memref<96x128xf32, #tpu.memory_space<vmem>>)
      %add3A_347 = arith.constant 3 : i32
      %add3A_348 = arith.addi %add3A_326, %add3A_347 : i32
      %mul3A_349 = arith.constant 96 : i32
      %mul3A_350 = arith.muli %add3A_348, %mul3A_349 : i32
      %dma_start3A_351 = arith.constant 0 : i32
      %dma_start3A_352 = arith.constant 0 : i32
      %dma_start3A_353 = arith.constant 0 : i32
      %dma_start3A_354 = tpu.memref_slice %arg9[%dma_start3A_351, %dma_start3A_352, %dma_start3A_353] : memref<4x96x128xf32, #tpu.memory_space<vmem>> -> memref<1x96x128xf32, #tpu.memory_space<vmem>>
      %dma_start3A_355 = tpu.memref_squeeze %dma_start3A_354 : memref<1x96x128xf32, #tpu.memory_space<vmem>> -> memref<96x128xf32, #tpu.memory_space<vmem>>
      %dma_start3A_356 = tpu.memref_slice %arg7[%mul3A_350] : memref<10000xi32, #tpu.memory_space<vmem>> -> memref<96xi32, #tpu.memory_space<vmem>>
      %dma_start3A_357 = arith.constant 0 : i32
      %dma_start3A_358 = arith.constant 0 : i32
      %dma_start3A_359 = tpu.memref_slice %arg2[%dma_start3A_357, %dma_start3A_358] : memref<100000x128xf32, #tpu.memory_space<hbm>> -> memref<100000x128xf32, #tpu.memory_space<hbm>>
      tpu.enqueue_indirect_dma source(%dma_start3A_359 : memref<100000x128xf32, #tpu.memory_space<hbm>>) target(%dma_start3A_355 : memref<96x128xf32, #tpu.memory_space<vmem>>) offsets(%dma_start3A_356 : memref<96xi32, #tpu.memory_space<vmem>>) semaphore(%arg12 : memref<!tpu.dma_semaphore, #tpu.memory_space<semaphore_mem>>)
      %dma_start3A_360 = arith.constant 0 : i32
      %dma_start3A_361 = arith.constant 0 : i32
      %dma_start3A_362 = arith.constant 0 : i32
      %dma_start3A_363 = tpu.memref_slice %arg10[%dma_start3A_360, %dma_start3A_361, %dma_start3A_362] : memref<4x96x128xf32, #tpu.memory_space<vmem>> -> memref<1x96x128xf32, #tpu.memory_space<vmem>>
      %dma_start3A_364 = tpu.memref_squeeze %dma_start3A_363 : memref<1x96x128xf32, #tpu.memory_space<vmem>> -> memref<96x128xf32, #tpu.memory_space<vmem>>
      %dma_start3A_365 = tpu.memref_slice %arg8[%mul3A_350] : memref<10000xi32, #tpu.memory_space<vmem>> -> memref<96xi32, #tpu.memory_space<vmem>>
      %dma_start3A_366 = arith.constant 0 : i32
      %dma_start3A_367 = arith.constant 0 : i32
      %dma_start3A_368 = tpu.memref_slice %arg3[%dma_start3A_366, %dma_start3A_367] : memref<100000x128xf32, #tpu.memory_space<hbm>> -> memref<100000x128xf32, #tpu.memory_space<hbm>>
      tpu.enqueue_indirect_dma source(%dma_start3A_368 : memref<100000x128xf32, #tpu.memory_space<hbm>>) target(%dma_start3A_364 : memref<96x128xf32, #tpu.memory_space<vmem>>) offsets(%dma_start3A_365 : memref<96xi32, #tpu.memory_space<vmem>>) semaphore(%arg16 : memref<!tpu.dma_semaphore, #tpu.memory_space<semaphore_mem>>)
      %scan3A_369 = arith.constant 0 : i32
      %scan3A_370 = arith.constant 1 : i32
      %scan3A_371 = arith.constant 1 : i32
      %scan3A_372 = arith.constant 0 : i32
      %scan3A_373 = arith.constant 6 : i32
      %scan3A_374 = arith.addi %scan3A_372, %scan3A_373 : i32
      %scan3A_375 = arith.constant 1 : i32
      scf.for %scan3A_485 = %scan3A_372 to %scan3A_374 step %scan3A_375  : i32 {
        %mul3A_486 = arith.constant 16 : i32
        %mul3A_487 = arith.muli %scan3A_485, %mul3A_486 : i32
        %broadcast_in_dim3A_488 = arith.constant 0.000000e+00 : f32
        %broadcast_in_dim3A_489 = vector.broadcast %broadcast_in_dim3A_488 : f32 to vector<16xf32>
        %scan3A_490 = arith.constant 0 : i32
        %scan3A_491 = arith.constant 16 : i32
        %scan3A_492 = arith.addi %scan3A_490, %scan3A_491 : i32
        %scan3A_493 = arith.constant 2 : i32
        %scan3A_494 = scf.for %scan3A_503 = %scan3A_490 to %scan3A_492 step %scan3A_493 iter_args(%scan3A_504 = %broadcast_in_dim3A_489) -> (vector<16xf32>)  : i32 {
          %add3A_505 = arith.addi %mul3A_487, %scan3A_503 : i32
          %get3A = arith.constant 0 : i32
          %get3A_506 = arith.constant 0 : i32
          %get3A_507 = tpu.memref_slice %arg9[%scan3A_370, %get3A, %get3A_506] : memref<4x96x128xf32, #tpu.memory_space<vmem>> -> memref<1x96x128xf32, #tpu.memory_space<vmem>>
          %get3A_508 = tpu.memref_squeeze %get3A_507 : memref<1x96x128xf32, #tpu.memory_space<vmem>> -> memref<96x128xf32, #tpu.memory_space<vmem>>
          %get3A_509 = arith.index_cast %add3A_505 : i32 to index
          %get3A_510 = arith.constant 0 : index
          %get3A_511 = tpu.vector_load %get3A_508[%get3A_509, %get3A_510] {strides = array<i32>} : memref<96x128xf32, #tpu.memory_space<vmem>>, vector<1x16xf32>,
          %get3A_512 = vector.shape_cast %get3A_511 : vector<1x16xf32> to vector<16xf32>
          %get3A_513 = arith.constant 0 : i32
          %get3A_514 = arith.constant 0 : i32
          %get3A_515 = tpu.memref_slice %arg10[%scan3A_371, %get3A_513, %get3A_514] : memref<4x96x128xf32, #tpu.memory_space<vmem>> -> memref<1x96x128xf32, #tpu.memory_space<vmem>>
          %get3A_516 = tpu.memref_squeeze %get3A_515 : memref<1x96x128xf32, #tpu.memory_space<vmem>> -> memref<96x128xf32, #tpu.memory_space<vmem>>
          %get3A_517 = arith.index_cast %add3A_505 : i32 to index
          %get3A_518 = arith.constant 0 : index
          %get3A_519 = tpu.vector_load %get3A_516[%get3A_517, %get3A_518] {strides = array<i32>} : memref<96x128xf32, #tpu.memory_space<vmem>>, vector<1x16xf32>,
          %get3A_520 = vector.shape_cast %get3A_519 : vector<1x16xf32> to vector<16xf32>
          %mul3A_521 = arith.mulf %get3A_512, %get3A_520 : vector<16xf32>
          %get3A_522 = arith.constant 0 : i32
          %get3A_523 = arith.constant 0 : i32
          %get3A_524 = tpu.memref_slice %arg9[%scan3A_370, %get3A_522, %get3A_523] : memref<4x96x128xf32, #tpu.memory_space<vmem>> -> memref<1x96x128xf32, #tpu.memory_space<vmem>>
          %get3A_525 = tpu.memref_squeeze %get3A_524 : memref<1x96x128xf32, #tpu.memory_space<vmem>> -> memref<96x128xf32, #tpu.memory_space<vmem>>
          %get3A_526 = arith.index_cast %add3A_505 : i32 to index
          %get3A_527 = arith.constant 16 : index
          %get3A_528 = tpu.vector_load %get3A_525[%get3A_526, %get3A_527] {strides = array<i32>} : memref<96x128xf32, #tpu.memory_space<vmem>>, vector<1x16xf32>,
          %get3A_529 = vector.shape_cast %get3A_528 : vector<1x16xf32> to vector<16xf32>
          %get3A_530 = arith.constant 0 : i32
          %get3A_531 = arith.constant 0 : i32
          %get3A_532 = tpu.memref_slice %arg10[%scan3A_371, %get3A_530, %get3A_531] : memref<4x96x128xf32, #tpu.memory_space<vmem>> -> memref<1x96x128xf32, #tpu.memory_space<vmem>>
          %get3A_533 = tpu.memref_squeeze %get3A_532 : memref<1x96x128xf32, #tpu.memory_space<vmem>> -> memref<96x128xf32, #tpu.memory_space<vmem>>
          %get3A_534 = arith.index_cast %add3A_505 : i32 to index
          %get3A_535 = arith.constant 16 : index
          %get3A_536 = tpu.vector_load %get3A_533[%get3A_534, %get3A_535] {strides = array<i32>} : memref<96x128xf32, #tpu.memory_space<vmem>>, vector<1x16xf32>,
          %get3A_537 = vector.shape_cast %get3A_536 : vector<1x16xf32> to vector<16xf32>
          %mul3A_538 = arith.mulf %get3A_529, %get3A_537 : vector<16xf32>
          %get3A_539 = arith.constant 0 : i32
          %get3A_540 = arith.constant 0 : i32
          %get3A_541 = tpu.memref_slice %arg9[%scan3A_370, %get3A_539, %get3A_540] : memref<4x96x128xf32, #tpu.memory_space<vmem>> -> memref<1x96x128xf32, #tpu.memory_space<vmem>>
          %get3A_542 = tpu.memref_squeeze %get3A_541 : memref<1x96x128xf32, #tpu.memory_space<vmem>> -> memref<96x128xf32, #tpu.memory_space<vmem>>
          %get3A_543 = arith.index_cast %add3A_505 : i32 to index
          %get3A_544 = arith.constant 32 : index
          %get3A_545 = tpu.vector_load %get3A_542[%get3A_543, %get3A_544] {strides = array<i32>} : memref<96x128xf32, #tpu.memory_space<vmem>>, vector<1x16xf32>,
          %get3A_546 = vector.shape_cast %get3A_545 : vector<1x16xf32> to vector<16xf32>
          %get3A_547 = arith.constant 0 : i32
          %get3A_548 = arith.constant 0 : i32
          %get3A_549 = tpu.memref_slice %arg10[%scan3A_371, %get3A_547, %get3A_548] : memref<4x96x128xf32, #tpu.memory_space<vmem>> -> memref<1x96x128xf32, #tpu.memory_space<vmem>>
          %get3A_550 = tpu.memref_squeeze %get3A_549 : memref<1x96x128xf32, #tpu.memory_space<vmem>> -> memref<96x128xf32, #tpu.memory_space<vmem>>
          %get3A_551 = arith.index_cast %add3A_505 : i32 to index
          %get3A_552 = arith.constant 32 : index
          %get3A_553 = tpu.vector_load %get3A_550[%get3A_551, %get3A_552] {strides = array<i32>} : memref<96x128xf32, #tpu.memory_space<vmem>>, vector<1x16xf32>,
          %get3A_554 = vector.shape_cast %get3A_553 : vector<1x16xf32> to vector<16xf32>
          %mul3A_555 = arith.mulf %get3A_546, %get3A_554 : vector<16xf32>
          %get3A_556 = arith.constant 0 : i32
          %get3A_557 = arith.constant 0 : i32
          %get3A_558 = tpu.memref_slice %arg9[%scan3A_370, %get3A_556, %get3A_557] : memref<4x96x128xf32, #tpu.memory_space<vmem>> -> memref<1x96x128xf32, #tpu.memory_space<vmem>>
          %get3A_559 = tpu.memref_squeeze %get3A_558 : memref<1x96x128xf32, #tpu.memory_space<vmem>> -> memref<96x128xf32, #tpu.memory_space<vmem>>
          %get3A_560 = arith.index_cast %add3A_505 : i32 to index
          %get3A_561 = arith.constant 48 : index
          %get3A_562 = tpu.vector_load %get3A_559[%get3A_560, %get3A_561] {strides = array<i32>} : memref<96x128xf32, #tpu.memory_space<vmem>>, vector<1x16xf32>,
          %get3A_563 = vector.shape_cast %get3A_562 : vector<1x16xf32> to vector<16xf32>
          %get3A_564 = arith.constant 0 : i32
          %get3A_565 = arith.constant 0 : i32
          %get3A_566 = tpu.memref_slice %arg10[%scan3A_371, %get3A_564, %get3A_565] : memref<4x96x128xf32, #tpu.memory_space<vmem>> -> memref<1x96x128xf32, #tpu.memory_space<vmem>>
          %get3A_567 = tpu.memref_squeeze %get3A_566 : memref<1x96x128xf32, #tpu.memory_space<vmem>> -> memref<96x128xf32, #tpu.memory_space<vmem>>
          %get3A_568 = arith.index_cast %add3A_505 : i32 to index
          %get3A_569 = arith.constant 48 : index
          %get3A_570 = tpu.vector_load %get3A_567[%get3A_568, %get3A_569] {strides = array<i32>} : memref<96x128xf32, #tpu.memory_space<vmem>>, vector<1x16xf32>,
          %get3A_571 = vector.shape_cast %get3A_570 : vector<1x16xf32> to vector<16xf32>
          %mul3A_572 = arith.mulf %get3A_563, %get3A_571 : vector<16xf32>
          %get3A_573 = arith.constant 0 : i32
          %get3A_574 = arith.constant 0 : i32
          %get3A_575 = tpu.memref_slice %arg9[%scan3A_370, %get3A_573, %get3A_574] : memref<4x96x128xf32, #tpu.memory_space<vmem>> -> memref<1x96x128xf32, #tpu.memory_space<vmem>>
          %get3A_576 = tpu.memref_squeeze %get3A_575 : memref<1x96x128xf32, #tpu.memory_space<vmem>> -> memref<96x128xf32, #tpu.memory_space<vmem>>
          %get3A_577 = arith.index_cast %add3A_505 : i32 to index
          %get3A_578 = arith.constant 64 : index
          %get3A_579 = tpu.vector_load %get3A_576[%get3A_577, %get3A_578] {strides = array<i32>} : memref<96x128xf32, #tpu.memory_space<vmem>>, vector<1x16xf32>,
          %get3A_580 = vector.shape_cast %get3A_579 : vector<1x16xf32> to vector<16xf32>
          %get3A_581 = arith.constant 0 : i32
          %get3A_582 = arith.constant 0 : i32
          %get3A_583 = tpu.memref_slice %arg10[%scan3A_371, %get3A_581, %get3A_582] : memref<4x96x128xf32, #tpu.memory_space<vmem>> -> memref<1x96x128xf32, #tpu.memory_space<vmem>>
          %get3A_584 = tpu.memref_squeeze %get3A_583 : memref<1x96x128xf32, #tpu.memory_space<vmem>> -> memref<96x128xf32, #tpu.memory_space<vmem>>
          %get3A_585 = arith.index_cast %add3A_505 : i32 to index
          %get3A_586 = arith.constant 64 : index
          %get3A_587 = tpu.vector_load %get3A_584[%get3A_585, %get3A_586] {strides = array<i32>} : memref<96x128xf32, #tpu.memory_space<vmem>>, vector<1x16xf32>,
          %get3A_588 = vector.shape_cast %get3A_587 : vector<1x16xf32> to vector<16xf32>
          %mul3A_589 = arith.mulf %get3A_580, %get3A_588 : vector<16xf32>
          %get3A_590 = arith.constant 0 : i32
          %get3A_591 = arith.constant 0 : i32
          %get3A_592 = tpu.memref_slice %arg9[%scan3A_370, %get3A_590, %get3A_591] : memref<4x96x128xf32, #tpu.memory_space<vmem>> -> memref<1x96x128xf32, #tpu.memory_space<vmem>>
          %get3A_593 = tpu.memref_squeeze %get3A_592 : memref<1x96x128xf32, #tpu.memory_space<vmem>> -> memref<96x128xf32, #tpu.memory_space<vmem>>
          %get3A_594 = arith.index_cast %add3A_505 : i32 to index
          %get3A_595 = arith.constant 80 : index
          %get3A_596 = tpu.vector_load %get3A_593[%get3A_594, %get3A_595] {strides = array<i32>} : memref<96x128xf32, #tpu.memory_space<vmem>>, vector<1x16xf32>,
          %get3A_597 = vector.shape_cast %get3A_596 : vector<1x16xf32> to vector<16xf32>
          %get3A_598 = arith.constant 0 : i32
          %get3A_599 = arith.constant 0 : i32
          %get3A_600 = tpu.memref_slice %arg10[%scan3A_371, %get3A_598, %get3A_599] : memref<4x96x128xf32, #tpu.memory_space<vmem>> -> memref<1x96x128xf32, #tpu.memory_space<vmem>>
          %get3A_601 = tpu.memref_squeeze %get3A_600 : memref<1x96x128xf32, #tpu.memory_space<vmem>> -> memref<96x128xf32, #tpu.memory_space<vmem>>
          %get3A_602 = arith.index_cast %add3A_505 : i32 to index
          %get3A_603 = arith.constant 80 : index
          %get3A_604 = tpu.vector_load %get3A_601[%get3A_602, %get3A_603] {strides = array<i32>} : memref<96x128xf32, #tpu.memory_space<vmem>>, vector<1x16xf32>,
          %get3A_605 = vector.shape_cast %get3A_604 : vector<1x16xf32> to vector<16xf32>
          %mul3A_606 = arith.mulf %get3A_597, %get3A_605 : vector<16xf32>
          %get3A_607 = arith.constant 0 : i32
          %get3A_608 = arith.constant 0 : i32
          %get3A_609 = tpu.memref_slice %arg9[%scan3A_370, %get3A_607, %get3A_608] : memref<4x96x128xf32, #tpu.memory_space<vmem>> -> memref<1x96x128xf32, #tpu.memory_space<vmem>>
          %get3A_610 = tpu.memref_squeeze %get3A_609 : memref<1x96x128xf32, #tpu.memory_space<vmem>> -> memref<96x128xf32, #tpu.memory_space<vmem>>
          %get3A_611 = arith.index_cast %add3A_505 : i32 to index
          %get3A_612 = arith.constant 96 : index
          %get3A_613 = tpu.vector_load %get3A_610[%get3A_611, %get3A_612] {strides = array<i32>} : memref<96x128xf32, #tpu.memory_space<vmem>>, vector<1x16xf32>,
          %get3A_614 = vector.shape_cast %get3A_613 : vector<1x16xf32> to vector<16xf32>
          %get3A_615 = arith.constant 0 : i32
          %get3A_616 = arith.constant 0 : i32
          %get3A_617 = tpu.memref_slice %arg10[%scan3A_371, %get3A_615, %get3A_616] : memref<4x96x128xf32, #tpu.memory_space<vmem>> -> memref<1x96x128xf32, #tpu.memory_space<vmem>>
          %get3A_618 = tpu.memref_squeeze %get3A_617 : memref<1x96x128xf32, #tpu.memory_space<vmem>> -> memref<96x128xf32, #tpu.memory_space<vmem>>
          %get3A_619 = arith.index_cast %add3A_505 : i32 to index
          %get3A_620 = arith.constant 96 : index
          %get3A_621 = tpu.vector_load %get3A_618[%get3A_619, %get3A_620] {strides = array<i32>} : memref<96x128xf32, #tpu.memory_space<vmem>>, vector<1x16xf32>,
          %get3A_622 = vector.shape_cast %get3A_621 : vector<1x16xf32> to vector<16xf32>
          %mul3A_623 = arith.mulf %get3A_614, %get3A_622 : vector<16xf32>
          %get3A_624 = arith.constant 0 : i32
          %get3A_625 = arith.constant 0 : i32
          %get3A_626 = tpu.memref_slice %arg9[%scan3A_370, %get3A_624, %get3A_625] : memref<4x96x128xf32, #tpu.memory_space<vmem>> -> memref<1x96x128xf32, #tpu.memory_space<vmem>>
          %get3A_627 = tpu.memref_squeeze %get3A_626 : memref<1x96x128xf32, #tpu.memory_space<vmem>> -> memref<96x128xf32, #tpu.memory_space<vmem>>
          %get3A_628 = arith.index_cast %add3A_505 : i32 to index
          %get3A_629 = arith.constant 112 : index
          %get3A_630 = tpu.vector_load %get3A_627[%get3A_628, %get3A_629] {strides = array<i32>} : memref<96x128xf32, #tpu.memory_space<vmem>>, vector<1x16xf32>,
          %get3A_631 = vector.shape_cast %get3A_630 : vector<1x16xf32> to vector<16xf32>
          %get3A_632 = arith.constant 0 : i32
          %get3A_633 = arith.constant 0 : i32
          %get3A_634 = tpu.memref_slice %arg10[%scan3A_371, %get3A_632, %get3A_633] : memref<4x96x128xf32, #tpu.memory_space<vmem>> -> memref<1x96x128xf32, #tpu.memory_space<vmem>>
          %get3A_635 = tpu.memref_squeeze %get3A_634 : memref<1x96x128xf32, #tpu.memory_space<vmem>> -> memref<96x128xf32, #tpu.memory_space<vmem>>
          %get3A_636 = arith.index_cast %add3A_505 : i32 to index
          %get3A_637 = arith.constant 112 : index
          %get3A_638 = tpu.vector_load %get3A_635[%get3A_636, %get3A_637] {strides = array<i32>} : memref<96x128xf32, #tpu.memory_space<vmem>>, vector<1x16xf32>,
          %get3A_639 = vector.shape_cast %get3A_638 : vector<1x16xf32> to vector<16xf32>
          %mul3A_640 = arith.mulf %get3A_631, %get3A_639 : vector<16xf32>
          %add3A_641 = arith.addf %mul3A_521, %mul3A_538 : vector<16xf32>
          %add3A_642 = arith.addf %mul3A_555, %mul3A_572 : vector<16xf32>
          %add3A_643 = arith.addf %mul3A_589, %mul3A_606 : vector<16xf32>
          %add3A_644 = arith.addf %mul3A_623, %mul3A_640 : vector<16xf32>
          %add3A_645 = arith.addf %add3A_641, %add3A_642 : vector<16xf32>
          %add3A_646 = arith.addf %add3A_643, %add3A_644 : vector<16xf32>
          %add3A_647 = arith.addf %add3A_645, %add3A_646 : vector<16xf32>
          %broadcast_in_dim3A_648 = vector.shape_cast %xor3A_4 : vector<16xi32> to vector<16x1xi32>
          %gather3A = vector.shape_cast %broadcast_in_dim3A_648 : vector<16x1xi32> to vector<16xi32>
          %gather3A_649 = tpu.dynamic_gather %add3A_647[%gather3A] in [0] : vector<16xf32>, vector<16xi32> -> vector<16xf32>
          %add3A_650 = arith.addf %add3A_647, %gather3A_649 : vector<16xf32>
          %broadcast_in_dim3A_651 = vector.shape_cast %xor3A_7 : vector<16xi32> to vector<16x1xi32>
          %gather3A_652 = vector.shape_cast %broadcast_in_dim3A_651 : vector<16x1xi32> to vector<16xi32>
          %gather3A_653 = tpu.dynamic_gather %add3A_650[%gather3A_652] in [0] : vector<16xf32>, vector<16xi32> -> vector<16xf32>
          %add3A_654 = arith.addf %add3A_650, %gather3A_653 : vector<16xf32>
          %broadcast_in_dim3A_655 = vector.shape_cast %xor3A_10 : vector<16xi32> to vector<16x1xi32>
          %gather3A_656 = vector.shape_cast %broadcast_in_dim3A_655 : vector<16x1xi32> to vector<16xi32>
          %gather3A_657 = tpu.dynamic_gather %add3A_654[%gather3A_656] in [0] : vector<16xf32>, vector<16xi32> -> vector<16xf32>
          %add3A_658 = arith.addf %add3A_654, %gather3A_657 : vector<16xf32>
          %broadcast_in_dim3A_659 = vector.shape_cast %xor3A_13 : vector<16xi32> to vector<16x1xi32>
          %gather3A_660 = vector.shape_cast %broadcast_in_dim3A_659 : vector<16x1xi32> to vector<16xi32>
          %gather3A_661 = tpu.dynamic_gather %add3A_658[%gather3A_660] in [0] : vector<16xf32>, vector<16xi32> -> vector<16xf32>
          %add3A_662 = arith.addf %add3A_658, %gather3A_661 : vector<16xf32>
          %eq3A = vector.broadcast %scan3A_503 : i32 to vector<16xi32>
          %eq3A_663 = arith.cmpi eq, %iota3A, %eq3A : vector<16xi32>
          %select_n3A = arith.select %eq3A_663, %add3A_662, %scan3A_504 : vector<16xi1>, vector<16xf32>
          %scan3A_664 = arith.constant 1 : i32
          %scan3A_665 = arith.addi %scan3A_503, %scan3A_664 : i32
          %add3A_666 = arith.addi %mul3A_487, %scan3A_665 : i32
          %get3A_667 = arith.constant 0 : i32
          %get3A_668 = arith.constant 0 : i32
          %get3A_669 = tpu.memref_slice %arg9[%scan3A_370, %get3A_667, %get3A_668] : memref<4x96x128xf32, #tpu.memory_space<vmem>> -> memref<1x96x128xf32, #tpu.memory_space<vmem>>
          %get3A_670 = tpu.memref_squeeze %get3A_669 : memref<1x96x128xf32, #tpu.memory_space<vmem>> -> memref<96x128xf32, #tpu.memory_space<vmem>>
          %get3A_671 = arith.index_cast %add3A_666 : i32 to index
          %get3A_672 = arith.constant 0 : index
          %get3A_673 = tpu.vector_load %get3A_670[%get3A_671, %get3A_672] {strides = array<i32>} : memref<96x128xf32, #tpu.memory_space<vmem>>, vector<1x16xf32>,
          %get3A_674 = vector.shape_cast %get3A_673 : vector<1x16xf32> to vector<16xf32>
          %get3A_675 = arith.constant 0 : i32
          %get3A_676 = arith.constant 0 : i32
          %get3A_677 = tpu.memref_slice %arg10[%scan3A_371, %get3A_675, %get3A_676] : memref<4x96x128xf32, #tpu.memory_space<vmem>> -> memref<1x96x128xf32, #tpu.memory_space<vmem>>
          %get3A_678 = tpu.memref_squeeze %get3A_677 : memref<1x96x128xf32, #tpu.memory_space<vmem>> -> memref<96x128xf32, #tpu.memory_space<vmem>>
          %get3A_679 = arith.index_cast %add3A_666 : i32 to index
          %get3A_680 = arith.constant 0 : index
          %get3A_681 = tpu.vector_load %get3A_678[%get3A_679, %get3A_680] {strides = array<i32>} : memref<96x128xf32, #tpu.memory_space<vmem>>, vector<1x16xf32>,
          %get3A_682 = vector.shape_cast %get3A_681 : vector<1x16xf32> to vector<16xf32>
          %mul3A_683 = arith.mulf %get3A_674, %get3A_682 : vector<16xf32>
          %get3A_684 = arith.constant 0 : i32
          %get3A_685 = arith.constant 0 : i32
          %get3A_686 = tpu.memref_slice %arg9[%scan3A_370, %get3A_684, %get3A_685] : memref<4x96x128xf32, #tpu.memory_space<vmem>> -> memref<1x96x128xf32, #tpu.memory_space<vmem>>
          %get3A_687 = tpu.memref_squeeze %get3A_686 : memref<1x96x128xf32, #tpu.memory_space<vmem>> -> memref<96x128xf32, #tpu.memory_space<vmem>>
          %get3A_688 = arith.index_cast %add3A_666 : i32 to index
          %get3A_689 = arith.constant 16 : index
          %get3A_690 = tpu.vector_load %get3A_687[%get3A_688, %get3A_689] {strides = array<i32>} : memref<96x128xf32, #tpu.memory_space<vmem>>, vector<1x16xf32>,
          %get3A_691 = vector.shape_cast %get3A_690 : vector<1x16xf32> to vector<16xf32>
          %get3A_692 = arith.constant 0 : i32
          %get3A_693 = arith.constant 0 : i32
          %get3A_694 = tpu.memref_slice %arg10[%scan3A_371, %get3A_692, %get3A_693] : memref<4x96x128xf32, #tpu.memory_space<vmem>> -> memref<1x96x128xf32, #tpu.memory_space<vmem>>
          %get3A_695 = tpu.memref_squeeze %get3A_694 : memref<1x96x128xf32, #tpu.memory_space<vmem>> -> memref<96x128xf32, #tpu.memory_space<vmem>>
          %get3A_696 = arith.index_cast %add3A_666 : i32 to index
          %get3A_697 = arith.constant 16 : index
          %get3A_698 = tpu.vector_load %get3A_695[%get3A_696, %get3A_697] {strides = array<i32>} : memref<96x128xf32, #tpu.memory_space<vmem>>, vector<1x16xf32>,
          %get3A_699 = vector.shape_cast %get3A_698 : vector<1x16xf32> to vector<16xf32>
          %mul3A_700 = arith.mulf %get3A_691, %get3A_699 : vector<16xf32>
          %get3A_701 = arith.constant 0 : i32
          %get3A_702 = arith.constant 0 : i32
          %get3A_703 = tpu.memref_slice %arg9[%scan3A_370, %get3A_701, %get3A_702] : memref<4x96x128xf32, #tpu.memory_space<vmem>> -> memref<1x96x128xf32, #tpu.memory_space<vmem>>
          %get3A_704 = tpu.memref_squeeze %get3A_703 : memref<1x96x128xf32, #tpu.memory_space<vmem>> -> memref<96x128xf32, #tpu.memory_space<vmem>>
          %get3A_705 = arith.index_cast %add3A_666 : i32 to index
          %get3A_706 = arith.constant 32 : index
          %get3A_707 = tpu.vector_load %get3A_704[%get3A_705, %get3A_706] {strides = array<i32>} : memref<96x128xf32, #tpu.memory_space<vmem>>, vector<1x16xf32>,
          %get3A_708 = vector.shape_cast %get3A_707 : vector<1x16xf32> to vector<16xf32>
          %get3A_709 = arith.constant 0 : i32
          %get3A_710 = arith.constant 0 : i32
          %get3A_711 = tpu.memref_slice %arg10[%scan3A_371, %get3A_709, %get3A_710] : memref<4x96x128xf32, #tpu.memory_space<vmem>> -> memref<1x96x128xf32, #tpu.memory_space<vmem>>
          %get3A_712 = tpu.memref_squeeze %get3A_711 : memref<1x96x128xf32, #tpu.memory_space<vmem>> -> memref<96x128xf32, #tpu.memory_space<vmem>>
          %get3A_713 = arith.index_cast %add3A_666 : i32 to index
          %get3A_714 = arith.constant 32 : index
          %get3A_715 = tpu.vector_load %get3A_712[%get3A_713, %get3A_714] {strides = array<i32>} : memref<96x128xf32, #tpu.memory_space<vmem>>, vector<1x16xf32>,
          %get3A_716 = vector.shape_cast %get3A_715 : vector<1x16xf32> to vector<16xf32>
          %mul3A_717 = arith.mulf %get3A_708, %get3A_716 : vector<16xf32>
          %get3A_718 = arith.constant 0 : i32
          %get3A_719 = arith.constant 0 : i32
          %get3A_720 = tpu.memref_slice %arg9[%scan3A_370, %get3A_718, %get3A_719] : memref<4x96x128xf32, #tpu.memory_space<vmem>> -> memref<1x96x128xf32, #tpu.memory_space<vmem>>
          %get3A_721 = tpu.memref_squeeze %get3A_720 : memref<1x96x128xf32, #tpu.memory_space<vmem>> -> memref<96x128xf32, #tpu.memory_space<vmem>>
          %get3A_722 = arith.index_cast %add3A_666 : i32 to index
          %get3A_723 = arith.constant 48 : index
          %get3A_724 = tpu.vector_load %get3A_721[%get3A_722, %get3A_723] {strides = array<i32>} : memref<96x128xf32, #tpu.memory_space<vmem>>, vector<1x16xf32>,
          %get3A_725 = vector.shape_cast %get3A_724 : vector<1x16xf32> to vector<16xf32>
          %get3A_726 = arith.constant 0 : i32
          %get3A_727 = arith.constant 0 : i32
          %get3A_728 = tpu.memref_slice %arg10[%scan3A_371, %get3A_726, %get3A_727] : memref<4x96x128xf32, #tpu.memory_space<vmem>> -> memref<1x96x128xf32, #tpu.memory_space<vmem>>
          %get3A_729 = tpu.memref_squeeze %get3A_728 : memref<1x96x128xf32, #tpu.memory_space<vmem>> -> memref<96x128xf32, #tpu.memory_space<vmem>>
          %get3A_730 = arith.index_cast %add3A_666 : i32 to index
          %get3A_731 = arith.constant 48 : index
          %get3A_732 = tpu.vector_load %get3A_729[%get3A_730, %get3A_731] {strides = array<i32>} : memref<96x128xf32, #tpu.memory_space<vmem>>, vector<1x16xf32>,
          %get3A_733 = vector.shape_cast %get3A_732 : vector<1x16xf32> to vector<16xf32>
          %mul3A_734 = arith.mulf %get3A_725, %get3A_733 : vector<16xf32>
          %get3A_735 = arith.constant 0 : i32
          %get3A_736 = arith.constant 0 : i32
          %get3A_737 = tpu.memref_slice %arg9[%scan3A_370, %get3A_735, %get3A_736] : memref<4x96x128xf32, #tpu.memory_space<vmem>> -> memref<1x96x128xf32, #tpu.memory_space<vmem>>
          %get3A_738 = tpu.memref_squeeze %get3A_737 : memref<1x96x128xf32, #tpu.memory_space<vmem>> -> memref<96x128xf32, #tpu.memory_space<vmem>>
          %get3A_739 = arith.index_cast %add3A_666 : i32 to index
          %get3A_740 = arith.constant 64 : index
          %get3A_741 = tpu.vector_load %get3A_738[%get3A_739, %get3A_740] {strides = array<i32>} : memref<96x128xf32, #tpu.memory_space<vmem>>, vector<1x16xf32>,
          %get3A_742 = vector.shape_cast %get3A_741 : vector<1x16xf32> to vector<16xf32>
          %get3A_743 = arith.constant 0 : i32
          %get3A_744 = arith.constant 0 : i32
          %get3A_745 = tpu.memref_slice %arg10[%scan3A_371, %get3A_743, %get3A_744] : memref<4x96x128xf32, #tpu.memory_space<vmem>> -> memref<1x96x128xf32, #tpu.memory_space<vmem>>
          %get3A_746 = tpu.memref_squeeze %get3A_745 : memref<1x96x128xf32, #tpu.memory_space<vmem>> -> memref<96x128xf32, #tpu.memory_space<vmem>>
          %get3A_747 = arith.index_cast %add3A_666 : i32 to index
          %get3A_748 = arith.constant 64 : index
          %get3A_749 = tpu.vector_load %get3A_746[%get3A_747, %get3A_748] {strides = array<i32>} : memref<96x128xf32, #tpu.memory_space<vmem>>, vector<1x16xf32>,
          %get3A_750 = vector.shape_cast %get3A_749 : vector<1x16xf32> to vector<16xf32>
          %mul3A_751 = arith.mulf %get3A_742, %get3A_750 : vector<16xf32>
          %get3A_752 = arith.constant 0 : i32
          %get3A_753 = arith.constant 0 : i32
          %get3A_754 = tpu.memref_slice %arg9[%scan3A_370, %get3A_752, %get3A_753] : memref<4x96x128xf32, #tpu.memory_space<vmem>> -> memref<1x96x128xf32, #tpu.memory_space<vmem>>
          %get3A_755 = tpu.memref_squeeze %get3A_754 : memref<1x96x128xf32, #tpu.memory_space<vmem>> -> memref<96x128xf32, #tpu.memory_space<vmem>>
          %get3A_756 = arith.index_cast %add3A_666 : i32 to index
          %get3A_757 = arith.constant 80 : index
          %get3A_758 = tpu.vector_load %get3A_755[%get3A_756, %get3A_757] {strides = array<i32>} : memref<96x128xf32, #tpu.memory_space<vmem>>, vector<1x16xf32>,
          %get3A_759 = vector.shape_cast %get3A_758 : vector<1x16xf32> to vector<16xf32>
          %get3A_760 = arith.constant 0 : i32
          %get3A_761 = arith.constant 0 : i32
          %get3A_762 = tpu.memref_slice %arg10[%scan3A_371, %get3A_760, %get3A_761] : memref<4x96x128xf32, #tpu.memory_space<vmem>> -> memref<1x96x128xf32, #tpu.memory_space<vmem>>
          %get3A_763 = tpu.memref_squeeze %get3A_762 : memref<1x96x128xf32, #tpu.memory_space<vmem>> -> memref<96x128xf32, #tpu.memory_space<vmem>>
          %get3A_764 = arith.index_cast %add3A_666 : i32 to index
          %get3A_765 = arith.constant 80 : index
          %get3A_766 = tpu.vector_load %get3A_763[%get3A_764, %get3A_765] {strides = array<i32>} : memref<96x128xf32, #tpu.memory_space<vmem>>, vector<1x16xf32>,
          %get3A_767 = vector.shape_cast %get3A_766 : vector<1x16xf32> to vector<16xf32>
          %mul3A_768 = arith.mulf %get3A_759, %get3A_767 : vector<16xf32>
          %get3A_769 = arith.constant 0 : i32
          %get3A_770 = arith.constant 0 : i32
          %get3A_771 = tpu.memref_slice %arg9[%scan3A_370, %get3A_769, %get3A_770] : memref<4x96x128xf32, #tpu.memory_space<vmem>> -> memref<1x96x128xf32, #tpu.memory_space<vmem>>
          %get3A_772 = tpu.memref_squeeze %get3A_771 : memref<1x96x128xf32, #tpu.memory_space<vmem>> -> memref<96x128xf32, #tpu.memory_space<vmem>>
          %get3A_773 = arith.index_cast %add3A_666 : i32 to index
          %get3A_774 = arith.constant 96 : index
          %get3A_775 = tpu.vector_load %get3A_772[%get3A_773, %get3A_774] {strides = array<i32>} : memref<96x128xf32, #tpu.memory_space<vmem>>, vector<1x16xf32>,
          %get3A_776 = vector.shape_cast %get3A_775 : vector<1x16xf32> to vector<16xf32>
          %get3A_777 = arith.constant 0 : i32
          %get3A_778 = arith.constant 0 : i32
          %get3A_779 = tpu.memref_slice %arg10[%scan3A_371, %get3A_777, %get3A_778] : memref<4x96x128xf32, #tpu.memory_space<vmem>> -> memref<1x96x128xf32, #tpu.memory_space<vmem>>
          %get3A_780 = tpu.memref_squeeze %get3A_779 : memref<1x96x128xf32, #tpu.memory_space<vmem>> -> memref<96x128xf32, #tpu.memory_space<vmem>>
          %get3A_781 = arith.index_cast %add3A_666 : i32 to index
          %get3A_782 = arith.constant 96 : index
          %get3A_783 = tpu.vector_load %get3A_780[%get3A_781, %get3A_782] {strides = array<i32>} : memref<96x128xf32, #tpu.memory_space<vmem>>, vector<1x16xf32>,
          %get3A_784 = vector.shape_cast %get3A_783 : vector<1x16xf32> to vector<16xf32>
          %mul3A_785 = arith.mulf %get3A_776, %get3A_784 : vector<16xf32>
          %get3A_786 = arith.constant 0 : i32
          %get3A_787 = arith.constant 0 : i32
          %get3A_788 = tpu.memref_slice %arg9[%scan3A_370, %get3A_786, %get3A_787] : memref<4x96x128xf32, #tpu.memory_space<vmem>> -> memref<1x96x128xf32, #tpu.memory_space<vmem>>
          %get3A_789 = tpu.memref_squeeze %get3A_788 : memref<1x96x128xf32, #tpu.memory_space<vmem>> -> memref<96x128xf32, #tpu.memory_space<vmem>>
          %get3A_790 = arith.index_cast %add3A_666 : i32 to index
          %get3A_791 = arith.constant 112 : index
          %get3A_792 = tpu.vector_load %get3A_789[%get3A_790, %get3A_791] {strides = array<i32>} : memref<96x128xf32, #tpu.memory_space<vmem>>, vector<1x16xf32>,
          %get3A_793 = vector.shape_cast %get3A_792 : vector<1x16xf32> to vector<16xf32>
          %get3A_794 = arith.constant 0 : i32
          %get3A_795 = arith.constant 0 : i32
          %get3A_796 = tpu.memref_slice %arg10[%scan3A_371, %get3A_794, %get3A_795] : memref<4x96x128xf32, #tpu.memory_space<vmem>> -> memref<1x96x128xf32, #tpu.memory_space<vmem>>
          %get3A_797 = tpu.memref_squeeze %get3A_796 : memref<1x96x128xf32, #tpu.memory_space<vmem>> -> memref<96x128xf32, #tpu.memory_space<vmem>>
          %get3A_798 = arith.index_cast %add3A_666 : i32 to index
          %get3A_799 = arith.constant 112 : index
          %get3A_800 = tpu.vector_load %get3A_797[%get3A_798, %get3A_799] {strides = array<i32>} : memref<96x128xf32, #tpu.memory_space<vmem>>, vector<1x16xf32>,
          %get3A_801 = vector.shape_cast %get3A_800 : vector<1x16xf32> to vector<16xf32>
          %mul3A_802 = arith.mulf %get3A_793, %get3A_801 : vector<16xf32>
          %add3A_803 = arith.addf %mul3A_683, %mul3A_700 : vector<16xf32>
          %add3A_804 = arith.addf %mul3A_717, %mul3A_734 : vector<16xf32>
          %add3A_805 = arith.addf %mul3A_751, %mul3A_768 : vector<16xf32>
          %add3A_806 = arith.addf %mul3A_785, %mul3A_802 : vector<16xf32>
          %add3A_807 = arith.addf %add3A_803, %add3A_804 : vector<16xf32>
          %add3A_808 = arith.addf %add3A_805, %add3A_806 : vector<16xf32>
          %add3A_809 = arith.addf %add3A_807, %add3A_808 : vector<16xf32>
          %broadcast_in_dim3A_810 = vector.shape_cast %xor3A_4 : vector<16xi32> to vector<16x1xi32>
          %gather3A_811 = vector.shape_cast %broadcast_in_dim3A_810 : vector<16x1xi32> to vector<16xi32>
          %gather3A_812 = tpu.dynamic_gather %add3A_809[%gather3A_811] in [0] : vector<16xf32>, vector<16xi32> -> vector<16xf32>
          %add3A_813 = arith.addf %add3A_809, %gather3A_812 : vector<16xf32>
          %broadcast_in_dim3A_814 = vector.shape_cast %xor3A_7 : vector<16xi32> to vector<16x1xi32>
          %gather3A_815 = vector.shape_cast %broadcast_in_dim3A_814 : vector<16x1xi32> to vector<16xi32>
          %gather3A_816 = tpu.dynamic_gather %add3A_813[%gather3A_815] in [0] : vector<16xf32>, vector<16xi32> -> vector<16xf32>
          %add3A_817 = arith.addf %add3A_813, %gather3A_816 : vector<16xf32>
          %broadcast_in_dim3A_818 = vector.shape_cast %xor3A_10 : vector<16xi32> to vector<16x1xi32>
          %gather3A_819 = vector.shape_cast %broadcast_in_dim3A_818 : vector<16x1xi32> to vector<16xi32>
          %gather3A_820 = tpu.dynamic_gather %add3A_817[%gather3A_819] in [0] : vector<16xf32>, vector<16xi32> -> vector<16xf32>
          %add3A_821 = arith.addf %add3A_817, %gather3A_820 : vector<16xf32>
          %broadcast_in_dim3A_822 = vector.shape_cast %xor3A_13 : vector<16xi32> to vector<16x1xi32>
          %gather3A_823 = vector.shape_cast %broadcast_in_dim3A_822 : vector<16x1xi32> to vector<16xi32>
          %gather3A_824 = tpu.dynamic_gather %add3A_821[%gather3A_823] in [0] : vector<16xf32>, vector<16xi32> -> vector<16xf32>
          %add3A_825 = arith.addf %add3A_821, %gather3A_824 : vector<16xf32>
          %eq3A_826 = vector.broadcast %scan3A_665 : i32 to vector<16xi32>
          %eq3A_827 = arith.cmpi eq, %iota3A, %eq3A_826 : vector<16xi32>
          %select_n3A_828 = arith.select %eq3A_827, %add3A_825, %select_n3A : vector<16xi1>, vector<16xf32>
          scf.yield %select_n3A_828 : vector<16xf32>
        }
        %scan3A_495 = arith.constant 16 : i32
        %mul3A_496 = arith.constant 96 : i32
        %mul3A_497 = arith.muli %add3A_326, %mul3A_496 : i32
        %add3A_498 = arith.addi %mul3A_497, %mul3A_487 : i32
        %swap3A_499 = arith.index_cast %add3A_498 : i32 to index
        %swap3A_500 = tpu.vector_load %arg11[%swap3A_499] {strides = array<i32>} : memref<10000xf32, #tpu.memory_space<vmem>>, vector<16xf32>,
        %swap3A_501 = vector.shape_cast %swap3A_500 : vector<16xf32> to vector<16xf32>
        %swap3A_502 = vector.shape_cast %scan3A_494 : vector<16xf32> to vector<16xf32>
        tpu.vector_store %arg11[%swap3A_499], %swap3A_502 {strides = array<i32>} : memref<10000xf32, #tpu.memory_space<vmem>>, vector<16xf32>,
      }
      %scan3A_376 = arith.constant 6 : i32
      %mul3A_377 = arith.constant 4 : i32
      %mul3A_378 = arith.muli %mul3A_377, %scan3A_268 : i32
      %add3A_379 = arith.constant 2 : i32
      %add3A_380 = arith.addi %mul3A_378, %add3A_379 : i32
      %dma_wait3A_381 = arith.constant 2 : i32
      %dma_wait3A_382 = arith.constant 0 : i32
      %dma_wait3A_383 = arith.constant 0 : i32
      %dma_wait3A_384 = tpu.memref_slice %arg9[%dma_wait3A_381, %dma_wait3A_382, %dma_wait3A_383] : memref<4x96x128xf32, #tpu.memory_space<vmem>> -> memref<1x96x128xf32, #tpu.memory_space<vmem>>
      %dma_wait3A_385 = tpu.memref_squeeze %dma_wait3A_384 : memref<1x96x128xf32, #tpu.memory_space<vmem>> -> memref<96x128xf32, #tpu.memory_space<vmem>>
      %dma_wait3A_386 = arith.constant 0 : i32
      %dma_wait3A_387 = tpu.memref_slice %arg7[%dma_wait3A_386] : memref<10000xi32, #tpu.memory_space<vmem>> -> memref<96xi32, #tpu.memory_space<vmem>>
      %dma_wait3A_388 = arith.constant 0 : i32
      %dma_wait3A_389 = arith.constant 0 : i32
      %dma_wait3A_390 = tpu.memref_slice %arg2[%dma_wait3A_388, %dma_wait3A_389] : memref<100000x128xf32, #tpu.memory_space<hbm>> -> memref<100000x128xf32, #tpu.memory_space<hbm>>
      tpu.wait_indirect_dma semaphore(%arg14 : memref<!tpu.dma_semaphore, #tpu.memory_space<semaphore_mem>>) src(%dma_wait3A_390 : memref<100000x128xf32, #tpu.memory_space<hbm>>) dst(%dma_wait3A_385 : memref<96x128xf32, #tpu.memory_space<vmem>>)
      %dma_wait3A_391 = arith.constant 2 : i32
      %dma_wait3A_392 = arith.constant 0 : i32
      %dma_wait3A_393 = arith.constant 0 : i32
      %dma_wait3A_394 = tpu.memref_slice %arg10[%dma_wait3A_391, %dma_wait3A_392, %dma_wait3A_393] : memref<4x96x128xf32, #tpu.memory_space<vmem>> -> memref<1x96x128xf32, #tpu.memory_space<vmem>>
      %dma_wait3A_395 = tpu.memref_squeeze %dma_wait3A_394 : memref<1x96x128xf32, #tpu.memory_space<vmem>> -> memref<96x128xf32, #tpu.memory_space<vmem>>
      %dma_wait3A_396 = arith.constant 0 : i32
      %dma_wait3A_397 = tpu.memref_slice %arg8[%dma_wait3A_396] : memref<10000xi32, #tpu.memory_space<vmem>> -> memref<96xi32, #tpu.memory_space<vmem>>
      %dma_wait3A_398 = arith.constant 0 : i32
      %dma_wait3A_399 = arith.constant 0 : i32
      %dma_wait3A_400 = tpu.memref_slice %arg3[%dma_wait3A_398, %dma_wait3A_399] : memref<100000x128xf32, #tpu.memory_space<hbm>> -> memref<100000x128xf32, #tpu.memory_space<hbm>>
      tpu.wait_indirect_dma semaphore(%arg18 : memref<!tpu.dma_semaphore, #tpu.memory_space<semaphore_mem>>) src(%dma_wait3A_400 : memref<100000x128xf32, #tpu.memory_space<hbm>>) dst(%dma_wait3A_395 : memref<96x128xf32, #tpu.memory_space<vmem>>)
      %add3A_401 = arith.constant 3 : i32
      %add3A_402 = arith.addi %add3A_380, %add3A_401 : i32
      %mul3A_403 = arith.constant 96 : i32
      %mul3A_404 = arith.muli %add3A_402, %mul3A_403 : i32
      %dma_start3A_405 = arith.constant 1 : i32
      %dma_start3A_406 = arith.constant 0 : i32
      %dma_start3A_407 = arith.constant 0 : i32
      %dma_start3A_408 = tpu.memref_slice %arg9[%dma_start3A_405, %dma_start3A_406, %dma_start3A_407] : memref<4x96x128xf32, #tpu.memory_space<vmem>> -> memref<1x96x128xf32, #tpu.memory_space<vmem>>
      %dma_start3A_409 = tpu.memref_squeeze %dma_start3A_408 : memref<1x96x128xf32, #tpu.memory_space<vmem>> -> memref<96x128xf32, #tpu.memory_space<vmem>>
      %dma_start3A_410 = tpu.memref_slice %arg7[%mul3A_404] : memref<10000xi32, #tpu.memory_space<vmem>> -> memref<96xi32, #tpu.memory_space<vmem>>
      %dma_start3A_411 = arith.constant 0 : i32
      %dma_start3A_412 = arith.constant 0 : i32
      %dma_start3A_413 = tpu.memref_slice %arg2[%dma_start3A_411, %dma_start3A_412] : memref<100000x128xf32, #tpu.memory_space<hbm>> -> memref<100000x128xf32, #tpu.memory_space<hbm>>
      tpu.enqueue_indirect_dma source(%dma_start3A_413 : memref<100000x128xf32, #tpu.memory_space<hbm>>) target(%dma_start3A_409 : memref<96x128xf32, #tpu.memory_space<vmem>>) offsets(%dma_start3A_410 : memref<96xi32, #tpu.memory_space<vmem>>) semaphore(%arg13 : memref<!tpu.dma_semaphore, #tpu.memory_space<semaphore_mem>>)
      %dma_start3A_414 = arith.constant 1 : i32
      %dma_start3A_415 = arith.constant 0 : i32
      %dma_start3A_416 = arith.constant 0 : i32
      %dma_start3A_417 = tpu.memref_slice %arg10[%dma_start3A_414, %dma_start3A_415, %dma_start3A_416] : memref<4x96x128xf32, #tpu.memory_space<vmem>> -> memref<1x96x128xf32, #tpu.memory_space<vmem>>
      %dma_start3A_418 = tpu.memref_squeeze %dma_start3A_417 : memref<1x96x128xf32, #tpu.memory_space<vmem>> -> memref<96x128xf32, #tpu.memory_space<vmem>>
      %dma_start3A_419 = tpu.memref_slice %arg8[%mul3A_404] : memref<10000xi32, #tpu.memory_space<vmem>> -> memref<96xi32, #tpu.memory_space<vmem>>
      %dma_start3A_420 = arith.constant 0 : i32
      %dma_start3A_421 = arith.constant 0 : i32
      %dma_start3A_422 = tpu.memref_slice %arg3[%dma_start3A_420, %dma_start3A_421] : memref<100000x128xf32, #tpu.memory_space<hbm>> -> memref<100000x128xf32, #tpu.memory_space<hbm>>
      tpu.enqueue_indirect_dma source(%dma_start3A_422 : memref<100000x128xf32, #tpu.memory_space<hbm>>) target(%dma_start3A_418 : memref<96x128xf32, #tpu.memory_space<vmem>>) offsets(%dma_start3A_419 : memref<96xi32, #tpu.memory_space<vmem>>) semaphore(%arg17 : memref<!tpu.dma_semaphore, #tpu.memory_space<semaphore_mem>>)
      %scan3A_423 = arith.constant 0 : i32
      %scan3A_424 = arith.constant 2 : i32
      %scan3A_425 = arith.constant 2 : i32
      %scan3A_426 = arith.constant 0 : i32
      %scan3A_427 = arith.constant 6 : i32
      %scan3A_428 = arith.addi %scan3A_426, %scan3A_427 : i32
      %scan3A_429 = arith.constant 1 : i32
      scf.for %scan3A_485 = %scan3A_426 to %scan3A_428 step %scan3A_429  : i32 {
        %mul3A_486 = arith.constant 16 : i32
        %mul3A_487 = arith.muli %scan3A_485, %mul3A_486 : i32
        %broadcast_in_dim3A_488 = arith.constant 0.000000e+00 : f32
        %broadcast_in_dim3A_489 = vector.broadcast %broadcast_in_dim3A_488 : f32 to vector<16xf32>
        %scan3A_490 = arith.constant 0 : i32
        %scan3A_491 = arith.constant 16 : i32
        %scan3A_492 = arith.addi %scan3A_490, %scan3A_491 : i32
        %scan3A_493 = arith.constant 2 : i32
        %scan3A_494 = scf.for %scan3A_503 = %scan3A_490 to %scan3A_492 step %scan3A_493 iter_args(%scan3A_504 = %broadcast_in_dim3A_489) -> (vector<16xf32>)  : i32 {
          %add3A_505 = arith.addi %mul3A_487, %scan3A_503 : i32
          %get3A = arith.constant 0 : i32
          %get3A_506 = arith.constant 0 : i32
          %get3A_507 = tpu.memref_slice %arg9[%scan3A_424, %get3A, %get3A_506] : memref<4x96x128xf32, #tpu.memory_space<vmem>> -> memref<1x96x128xf32, #tpu.memory_space<vmem>>
          %get3A_508 = tpu.memref_squeeze %get3A_507 : memref<1x96x128xf32, #tpu.memory_space<vmem>> -> memref<96x128xf32, #tpu.memory_space<vmem>>
          %get3A_509 = arith.index_cast %add3A_505 : i32 to index
          %get3A_510 = arith.constant 0 : index
          %get3A_511 = tpu.vector_load %get3A_508[%get3A_509, %get3A_510] {strides = array<i32>} : memref<96x128xf32, #tpu.memory_space<vmem>>, vector<1x16xf32>,
          %get3A_512 = vector.shape_cast %get3A_511 : vector<1x16xf32> to vector<16xf32>
          %get3A_513 = arith.constant 0 : i32
          %get3A_514 = arith.constant 0 : i32
          %get3A_515 = tpu.memref_slice %arg10[%scan3A_425, %get3A_513, %get3A_514] : memref<4x96x128xf32, #tpu.memory_space<vmem>> -> memref<1x96x128xf32, #tpu.memory_space<vmem>>
          %get3A_516 = tpu.memref_squeeze %get3A_515 : memref<1x96x128xf32, #tpu.memory_space<vmem>> -> memref<96x128xf32, #tpu.memory_space<vmem>>
          %get3A_517 = arith.index_cast %add3A_505 : i32 to index
          %get3A_518 = arith.constant 0 : index
          %get3A_519 = tpu.vector_load %get3A_516[%get3A_517, %get3A_518] {strides = array<i32>} : memref<96x128xf32, #tpu.memory_space<vmem>>, vector<1x16xf32>,
          %get3A_520 = vector.shape_cast %get3A_519 : vector<1x16xf32> to vector<16xf32>
          %mul3A_521 = arith.mulf %get3A_512, %get3A_520 : vector<16xf32>
          %get3A_522 = arith.constant 0 : i32
          %get3A_523 = arith.constant 0 : i32
          %get3A_524 = tpu.memref_slice %arg9[%scan3A_424, %get3A_522, %get3A_523] : memref<4x96x128xf32, #tpu.memory_space<vmem>> -> memref<1x96x128xf32, #tpu.memory_space<vmem>>
          %get3A_525 = tpu.memref_squeeze %get3A_524 : memref<1x96x128xf32, #tpu.memory_space<vmem>> -> memref<96x128xf32, #tpu.memory_space<vmem>>
          %get3A_526 = arith.index_cast %add3A_505 : i32 to index
          %get3A_527 = arith.constant 16 : index
          %get3A_528 = tpu.vector_load %get3A_525[%get3A_526, %get3A_527] {strides = array<i32>} : memref<96x128xf32, #tpu.memory_space<vmem>>, vector<1x16xf32>,
          %get3A_529 = vector.shape_cast %get3A_528 : vector<1x16xf32> to vector<16xf32>
          %get3A_530 = arith.constant 0 : i32
          %get3A_531 = arith.constant 0 : i32
          %get3A_532 = tpu.memref_slice %arg10[%scan3A_425, %get3A_530, %get3A_531] : memref<4x96x128xf32, #tpu.memory_space<vmem>> -> memref<1x96x128xf32, #tpu.memory_space<vmem>>
          %get3A_533 = tpu.memref_squeeze %get3A_532 : memref<1x96x128xf32, #tpu.memory_space<vmem>> -> memref<96x128xf32, #tpu.memory_space<vmem>>
          %get3A_534 = arith.index_cast %add3A_505 : i32 to index
          %get3A_535 = arith.constant 16 : index
          %get3A_536 = tpu.vector_load %get3A_533[%get3A_534, %get3A_535] {strides = array<i32>} : memref<96x128xf32, #tpu.memory_space<vmem>>, vector<1x16xf32>,
          %get3A_537 = vector.shape_cast %get3A_536 : vector<1x16xf32> to vector<16xf32>
          %mul3A_538 = arith.mulf %get3A_529, %get3A_537 : vector<16xf32>
          %get3A_539 = arith.constant 0 : i32
          %get3A_540 = arith.constant 0 : i32
          %get3A_541 = tpu.memref_slice %arg9[%scan3A_424, %get3A_539, %get3A_540] : memref<4x96x128xf32, #tpu.memory_space<vmem>> -> memref<1x96x128xf32, #tpu.memory_space<vmem>>
          %get3A_542 = tpu.memref_squeeze %get3A_541 : memref<1x96x128xf32, #tpu.memory_space<vmem>> -> memref<96x128xf32, #tpu.memory_space<vmem>>
          %get3A_543 = arith.index_cast %add3A_505 : i32 to index
          %get3A_544 = arith.constant 32 : index
          %get3A_545 = tpu.vector_load %get3A_542[%get3A_543, %get3A_544] {strides = array<i32>} : memref<96x128xf32, #tpu.memory_space<vmem>>, vector<1x16xf32>,
          %get3A_546 = vector.shape_cast %get3A_545 : vector<1x16xf32> to vector<16xf32>
          %get3A_547 = arith.constant 0 : i32
          %get3A_548 = arith.constant 0 : i32
          %get3A_549 = tpu.memref_slice %arg10[%scan3A_425, %get3A_547, %get3A_548] : memref<4x96x128xf32, #tpu.memory_space<vmem>> -> memref<1x96x128xf32, #tpu.memory_space<vmem>>
          %get3A_550 = tpu.memref_squeeze %get3A_549 : memref<1x96x128xf32, #tpu.memory_space<vmem>> -> memref<96x128xf32, #tpu.memory_space<vmem>>
          %get3A_551 = arith.index_cast %add3A_505 : i32 to index
          %get3A_552 = arith.constant 32 : index
          %get3A_553 = tpu.vector_load %get3A_550[%get3A_551, %get3A_552] {strides = array<i32>} : memref<96x128xf32, #tpu.memory_space<vmem>>, vector<1x16xf32>,
          %get3A_554 = vector.shape_cast %get3A_553 : vector<1x16xf32> to vector<16xf32>
          %mul3A_555 = arith.mulf %get3A_546, %get3A_554 : vector<16xf32>
          %get3A_556 = arith.constant 0 : i32
          %get3A_557 = arith.constant 0 : i32
          %get3A_558 = tpu.memref_slice %arg9[%scan3A_424, %get3A_556, %get3A_557] : memref<4x96x128xf32, #tpu.memory_space<vmem>> -> memref<1x96x128xf32, #tpu.memory_space<vmem>>
          %get3A_559 = tpu.memref_squeeze %get3A_558 : memref<1x96x128xf32, #tpu.memory_space<vmem>> -> memref<96x128xf32, #tpu.memory_space<vmem>>
          %get3A_560 = arith.index_cast %add3A_505 : i32 to index
          %get3A_561 = arith.constant 48 : index
          %get3A_562 = tpu.vector_load %get3A_559[%get3A_560, %get3A_561] {strides = array<i32>} : memref<96x128xf32, #tpu.memory_space<vmem>>, vector<1x16xf32>,
          %get3A_563 = vector.shape_cast %get3A_562 : vector<1x16xf32> to vector<16xf32>
          %get3A_564 = arith.constant 0 : i32
          %get3A_565 = arith.constant 0 : i32
          %get3A_566 = tpu.memref_slice %arg10[%scan3A_425, %get3A_564, %get3A_565] : memref<4x96x128xf32, #tpu.memory_space<vmem>> -> memref<1x96x128xf32, #tpu.memory_space<vmem>>
          %get3A_567 = tpu.memref_squeeze %get3A_566 : memref<1x96x128xf32, #tpu.memory_space<vmem>> -> memref<96x128xf32, #tpu.memory_space<vmem>>
          %get3A_568 = arith.index_cast %add3A_505 : i32 to index
          %get3A_569 = arith.constant 48 : index
          %get3A_570 = tpu.vector_load %get3A_567[%get3A_568, %get3A_569] {strides = array<i32>} : memref<96x128xf32, #tpu.memory_space<vmem>>, vector<1x16xf32>,
          %get3A_571 = vector.shape_cast %get3A_570 : vector<1x16xf32> to vector<16xf32>
          %mul3A_572 = arith.mulf %get3A_563, %get3A_571 : vector<16xf32>
          %get3A_573 = arith.constant 0 : i32
          %get3A_574 = arith.constant 0 : i32
          %get3A_575 = tpu.memref_slice %arg9[%scan3A_424, %get3A_573, %get3A_574] : memref<4x96x128xf32, #tpu.memory_space<vmem>> -> memref<1x96x128xf32, #tpu.memory_space<vmem>>
          %get3A_576 = tpu.memref_squeeze %get3A_575 : memref<1x96x128xf32, #tpu.memory_space<vmem>> -> memref<96x128xf32, #tpu.memory_space<vmem>>
          %get3A_577 = arith.index_cast %add3A_505 : i32 to index
          %get3A_578 = arith.constant 64 : index
          %get3A_579 = tpu.vector_load %get3A_576[%get3A_577, %get3A_578] {strides = array<i32>} : memref<96x128xf32, #tpu.memory_space<vmem>>, vector<1x16xf32>,
          %get3A_580 = vector.shape_cast %get3A_579 : vector<1x16xf32> to vector<16xf32>
          %get3A_581 = arith.constant 0 : i32
          %get3A_582 = arith.constant 0 : i32
          %get3A_583 = tpu.memref_slice %arg10[%scan3A_425, %get3A_581, %get3A_582] : memref<4x96x128xf32, #tpu.memory_space<vmem>> -> memref<1x96x128xf32, #tpu.memory_space<vmem>>
          %get3A_584 = tpu.memref_squeeze %get3A_583 : memref<1x96x128xf32, #tpu.memory_space<vmem>> -> memref<96x128xf32, #tpu.memory_space<vmem>>
          %get3A_585 = arith.index_cast %add3A_505 : i32 to index
          %get3A_586 = arith.constant 64 : index
          %get3A_587 = tpu.vector_load %get3A_584[%get3A_585, %get3A_586] {strides = array<i32>} : memref<96x128xf32, #tpu.memory_space<vmem>>, vector<1x16xf32>,
          %get3A_588 = vector.shape_cast %get3A_587 : vector<1x16xf32> to vector<16xf32>
          %mul3A_589 = arith.mulf %get3A_580, %get3A_588 : vector<16xf32>
          %get3A_590 = arith.constant 0 : i32
          %get3A_591 = arith.constant 0 : i32
          %get3A_592 = tpu.memref_slice %arg9[%scan3A_424, %get3A_590, %get3A_591] : memref<4x96x128xf32, #tpu.memory_space<vmem>> -> memref<1x96x128xf32, #tpu.memory_space<vmem>>
          %get3A_593 = tpu.memref_squeeze %get3A_592 : memref<1x96x128xf32, #tpu.memory_space<vmem>> -> memref<96x128xf32, #tpu.memory_space<vmem>>
          %get3A_594 = arith.index_cast %add3A_505 : i32 to index
          %get3A_595 = arith.constant 80 : index
          %get3A_596 = tpu.vector_load %get3A_593[%get3A_594, %get3A_595] {strides = array<i32>} : memref<96x128xf32, #tpu.memory_space<vmem>>, vector<1x16xf32>,
          %get3A_597 = vector.shape_cast %get3A_596 : vector<1x16xf32> to vector<16xf32>
          %get3A_598 = arith.constant 0 : i32
          %get3A_599 = arith.constant 0 : i32
          %get3A_600 = tpu.memref_slice %arg10[%scan3A_425, %get3A_598, %get3A_599] : memref<4x96x128xf32, #tpu.memory_space<vmem>> -> memref<1x96x128xf32, #tpu.memory_space<vmem>>
          %get3A_601 = tpu.memref_squeeze %get3A_600 : memref<1x96x128xf32, #tpu.memory_space<vmem>> -> memref<96x128xf32, #tpu.memory_space<vmem>>
          %get3A_602 = arith.index_cast %add3A_505 : i32 to index
          %get3A_603 = arith.constant 80 : index
          %get3A_604 = tpu.vector_load %get3A_601[%get3A_602, %get3A_603] {strides = array<i32>} : memref<96x128xf32, #tpu.memory_space<vmem>>, vector<1x16xf32>,
          %get3A_605 = vector.shape_cast %get3A_604 : vector<1x16xf32> to vector<16xf32>
          %mul3A_606 = arith.mulf %get3A_597, %get3A_605 : vector<16xf32>
          %get3A_607 = arith.constant 0 : i32
          %get3A_608 = arith.constant 0 : i32
          %get3A_609 = tpu.memref_slice %arg9[%scan3A_424, %get3A_607, %get3A_608] : memref<4x96x128xf32, #tpu.memory_space<vmem>> -> memref<1x96x128xf32, #tpu.memory_space<vmem>>
          %get3A_610 = tpu.memref_squeeze %get3A_609 : memref<1x96x128xf32, #tpu.memory_space<vmem>> -> memref<96x128xf32, #tpu.memory_space<vmem>>
          %get3A_611 = arith.index_cast %add3A_505 : i32 to index
          %get3A_612 = arith.constant 96 : index
          %get3A_613 = tpu.vector_load %get3A_610[%get3A_611, %get3A_612] {strides = array<i32>} : memref<96x128xf32, #tpu.memory_space<vmem>>, vector<1x16xf32>,
          %get3A_614 = vector.shape_cast %get3A_613 : vector<1x16xf32> to vector<16xf32>
          %get3A_615 = arith.constant 0 : i32
          %get3A_616 = arith.constant 0 : i32
          %get3A_617 = tpu.memref_slice %arg10[%scan3A_425, %get3A_615, %get3A_616] : memref<4x96x128xf32, #tpu.memory_space<vmem>> -> memref<1x96x128xf32, #tpu.memory_space<vmem>>
          %get3A_618 = tpu.memref_squeeze %get3A_617 : memref<1x96x128xf32, #tpu.memory_space<vmem>> -> memref<96x128xf32, #tpu.memory_space<vmem>>
          %get3A_619 = arith.index_cast %add3A_505 : i32 to index
          %get3A_620 = arith.constant 96 : index
          %get3A_621 = tpu.vector_load %get3A_618[%get3A_619, %get3A_620] {strides = array<i32>} : memref<96x128xf32, #tpu.memory_space<vmem>>, vector<1x16xf32>,
          %get3A_622 = vector.shape_cast %get3A_621 : vector<1x16xf32> to vector<16xf32>
          %mul3A_623 = arith.mulf %get3A_614, %get3A_622 : vector<16xf32>
          %get3A_624 = arith.constant 0 : i32
          %get3A_625 = arith.constant 0 : i32
          %get3A_626 = tpu.memref_slice %arg9[%scan3A_424, %get3A_624, %get3A_625] : memref<4x96x128xf32, #tpu.memory_space<vmem>> -> memref<1x96x128xf32, #tpu.memory_space<vmem>>
          %get3A_627 = tpu.memref_squeeze %get3A_626 : memref<1x96x128xf32, #tpu.memory_space<vmem>> -> memref<96x128xf32, #tpu.memory_space<vmem>>
          %get3A_628 = arith.index_cast %add3A_505 : i32 to index
          %get3A_629 = arith.constant 112 : index
          %get3A_630 = tpu.vector_load %get3A_627[%get3A_628, %get3A_629] {strides = array<i32>} : memref<96x128xf32, #tpu.memory_space<vmem>>, vector<1x16xf32>,
          %get3A_631 = vector.shape_cast %get3A_630 : vector<1x16xf32> to vector<16xf32>
          %get3A_632 = arith.constant 0 : i32
          %get3A_633 = arith.constant 0 : i32
          %get3A_634 = tpu.memref_slice %arg10[%scan3A_425, %get3A_632, %get3A_633] : memref<4x96x128xf32, #tpu.memory_space<vmem>> -> memref<1x96x128xf32, #tpu.memory_space<vmem>>
          %get3A_635 = tpu.memref_squeeze %get3A_634 : memref<1x96x128xf32, #tpu.memory_space<vmem>> -> memref<96x128xf32, #tpu.memory_space<vmem>>
          %get3A_636 = arith.index_cast %add3A_505 : i32 to index
          %get3A_637 = arith.constant 112 : index
          %get3A_638 = tpu.vector_load %get3A_635[%get3A_636, %get3A_637] {strides = array<i32>} : memref<96x128xf32, #tpu.memory_space<vmem>>, vector<1x16xf32>,
          %get3A_639 = vector.shape_cast %get3A_638 : vector<1x16xf32> to vector<16xf32>
          %mul3A_640 = arith.mulf %get3A_631, %get3A_639 : vector<16xf32>
          %add3A_641 = arith.addf %mul3A_521, %mul3A_538 : vector<16xf32>
          %add3A_642 = arith.addf %mul3A_555, %mul3A_572 : vector<16xf32>
          %add3A_643 = arith.addf %mul3A_589, %mul3A_606 : vector<16xf32>
          %add3A_644 = arith.addf %mul3A_623, %mul3A_640 : vector<16xf32>
          %add3A_645 = arith.addf %add3A_641, %add3A_642 : vector<16xf32>
          %add3A_646 = arith.addf %add3A_643, %add3A_644 : vector<16xf32>
          %add3A_647 = arith.addf %add3A_645, %add3A_646 : vector<16xf32>
          %broadcast_in_dim3A_648 = vector.shape_cast %xor3A_4 : vector<16xi32> to vector<16x1xi32>
          %gather3A = vector.shape_cast %broadcast_in_dim3A_648 : vector<16x1xi32> to vector<16xi32>
          %gather3A_649 = tpu.dynamic_gather %add3A_647[%gather3A] in [0] : vector<16xf32>, vector<16xi32> -> vector<16xf32>
          %add3A_650 = arith.addf %add3A_647, %gather3A_649 : vector<16xf32>
          %broadcast_in_dim3A_651 = vector.shape_cast %xor3A_7 : vector<16xi32> to vector<16x1xi32>
          %gather3A_652 = vector.shape_cast %broadcast_in_dim3A_651 : vector<16x1xi32> to vector<16xi32>
          %gather3A_653 = tpu.dynamic_gather %add3A_650[%gather3A_652] in [0] : vector<16xf32>, vector<16xi32> -> vector<16xf32>
          %add3A_654 = arith.addf %add3A_650, %gather3A_653 : vector<16xf32>
          %broadcast_in_dim3A_655 = vector.shape_cast %xor3A_10 : vector<16xi32> to vector<16x1xi32>
          %gather3A_656 = vector.shape_cast %broadcast_in_dim3A_655 : vector<16x1xi32> to vector<16xi32>
          %gather3A_657 = tpu.dynamic_gather %add3A_654[%gather3A_656] in [0] : vector<16xf32>, vector<16xi32> -> vector<16xf32>
          %add3A_658 = arith.addf %add3A_654, %gather3A_657 : vector<16xf32>
          %broadcast_in_dim3A_659 = vector.shape_cast %xor3A_13 : vector<16xi32> to vector<16x1xi32>
          %gather3A_660 = vector.shape_cast %broadcast_in_dim3A_659 : vector<16x1xi32> to vector<16xi32>
          %gather3A_661 = tpu.dynamic_gather %add3A_658[%gather3A_660] in [0] : vector<16xf32>, vector<16xi32> -> vector<16xf32>
          %add3A_662 = arith.addf %add3A_658, %gather3A_661 : vector<16xf32>
          %eq3A = vector.broadcast %scan3A_503 : i32 to vector<16xi32>
          %eq3A_663 = arith.cmpi eq, %iota3A, %eq3A : vector<16xi32>
          %select_n3A = arith.select %eq3A_663, %add3A_662, %scan3A_504 : vector<16xi1>, vector<16xf32>
          %scan3A_664 = arith.constant 1 : i32
          %scan3A_665 = arith.addi %scan3A_503, %scan3A_664 : i32
          %add3A_666 = arith.addi %mul3A_487, %scan3A_665 : i32
          %get3A_667 = arith.constant 0 : i32
          %get3A_668 = arith.constant 0 : i32
          %get3A_669 = tpu.memref_slice %arg9[%scan3A_424, %get3A_667, %get3A_668] : memref<4x96x128xf32, #tpu.memory_space<vmem>> -> memref<1x96x128xf32, #tpu.memory_space<vmem>>
          %get3A_670 = tpu.memref_squeeze %get3A_669 : memref<1x96x128xf32, #tpu.memory_space<vmem>> -> memref<96x128xf32, #tpu.memory_space<vmem>>
          %get3A_671 = arith.index_cast %add3A_666 : i32 to index
          %get3A_672 = arith.constant 0 : index
          %get3A_673 = tpu.vector_load %get3A_670[%get3A_671, %get3A_672] {strides = array<i32>} : memref<96x128xf32, #tpu.memory_space<vmem>>, vector<1x16xf32>,
          %get3A_674 = vector.shape_cast %get3A_673 : vector<1x16xf32> to vector<16xf32>
          %get3A_675 = arith.constant 0 : i32
          %get3A_676 = arith.constant 0 : i32
          %get3A_677 = tpu.memref_slice %arg10[%scan3A_425, %get3A_675, %get3A_676] : memref<4x96x128xf32, #tpu.memory_space<vmem>> -> memref<1x96x128xf32, #tpu.memory_space<vmem>>
          %get3A_678 = tpu.memref_squeeze %get3A_677 : memref<1x96x128xf32, #tpu.memory_space<vmem>> -> memref<96x128xf32, #tpu.memory_space<vmem>>
          %get3A_679 = arith.index_cast %add3A_666 : i32 to index
          %get3A_680 = arith.constant 0 : index
          %get3A_681 = tpu.vector_load %get3A_678[%get3A_679, %get3A_680] {strides = array<i32>} : memref<96x128xf32, #tpu.memory_space<vmem>>, vector<1x16xf32>,
          %get3A_682 = vector.shape_cast %get3A_681 : vector<1x16xf32> to vector<16xf32>
          %mul3A_683 = arith.mulf %get3A_674, %get3A_682 : vector<16xf32>
          %get3A_684 = arith.constant 0 : i32
          %get3A_685 = arith.constant 0 : i32
          %get3A_686 = tpu.memref_slice %arg9[%scan3A_424, %get3A_684, %get3A_685] : memref<4x96x128xf32, #tpu.memory_space<vmem>> -> memref<1x96x128xf32, #tpu.memory_space<vmem>>
          %get3A_687 = tpu.memref_squeeze %get3A_686 : memref<1x96x128xf32, #tpu.memory_space<vmem>> -> memref<96x128xf32, #tpu.memory_space<vmem>>
          %get3A_688 = arith.index_cast %add3A_666 : i32 to index
          %get3A_689 = arith.constant 16 : index
          %get3A_690 = tpu.vector_load %get3A_687[%get3A_688, %get3A_689] {strides = array<i32>} : memref<96x128xf32, #tpu.memory_space<vmem>>, vector<1x16xf32>,
          %get3A_691 = vector.shape_cast %get3A_690 : vector<1x16xf32> to vector<16xf32>
          %get3A_692 = arith.constant 0 : i32
          %get3A_693 = arith.constant 0 : i32
          %get3A_694 = tpu.memref_slice %arg10[%scan3A_425, %get3A_692, %get3A_693] : memref<4x96x128xf32, #tpu.memory_space<vmem>> -> memref<1x96x128xf32, #tpu.memory_space<vmem>>
          %get3A_695 = tpu.memref_squeeze %get3A_694 : memref<1x96x128xf32, #tpu.memory_space<vmem>> -> memref<96x128xf32, #tpu.memory_space<vmem>>
          %get3A_696 = arith.index_cast %add3A_666 : i32 to index
          %get3A_697 = arith.constant 16 : index
          %get3A_698 = tpu.vector_load %get3A_695[%get3A_696, %get3A_697] {strides = array<i32>} : memref<96x128xf32, #tpu.memory_space<vmem>>, vector<1x16xf32>,
          %get3A_699 = vector.shape_cast %get3A_698 : vector<1x16xf32> to vector<16xf32>
          %mul3A_700 = arith.mulf %get3A_691, %get3A_699 : vector<16xf32>
          %get3A_701 = arith.constant 0 : i32
          %get3A_702 = arith.constant 0 : i32
          %get3A_703 = tpu.memref_slice %arg9[%scan3A_424, %get3A_701, %get3A_702] : memref<4x96x128xf32, #tpu.memory_space<vmem>> -> memref<1x96x128xf32, #tpu.memory_space<vmem>>
          %get3A_704 = tpu.memref_squeeze %get3A_703 : memref<1x96x128xf32, #tpu.memory_space<vmem>> -> memref<96x128xf32, #tpu.memory_space<vmem>>
          %get3A_705 = arith.index_cast %add3A_666 : i32 to index
          %get3A_706 = arith.constant 32 : index
          %get3A_707 = tpu.vector_load %get3A_704[%get3A_705, %get3A_706] {strides = array<i32>} : memref<96x128xf32, #tpu.memory_space<vmem>>, vector<1x16xf32>,
          %get3A_708 = vector.shape_cast %get3A_707 : vector<1x16xf32> to vector<16xf32>
          %get3A_709 = arith.constant 0 : i32
          %get3A_710 = arith.constant 0 : i32
          %get3A_711 = tpu.memref_slice %arg10[%scan3A_425, %get3A_709, %get3A_710] : memref<4x96x128xf32, #tpu.memory_space<vmem>> -> memref<1x96x128xf32, #tpu.memory_space<vmem>>
          %get3A_712 = tpu.memref_squeeze %get3A_711 : memref<1x96x128xf32, #tpu.memory_space<vmem>> -> memref<96x128xf32, #tpu.memory_space<vmem>>
          %get3A_713 = arith.index_cast %add3A_666 : i32 to index
          %get3A_714 = arith.constant 32 : index
          %get3A_715 = tpu.vector_load %get3A_712[%get3A_713, %get3A_714] {strides = array<i32>} : memref<96x128xf32, #tpu.memory_space<vmem>>, vector<1x16xf32>,
          %get3A_716 = vector.shape_cast %get3A_715 : vector<1x16xf32> to vector<16xf32>
          %mul3A_717 = arith.mulf %get3A_708, %get3A_716 : vector<16xf32>
          %get3A_718 = arith.constant 0 : i32
          %get3A_719 = arith.constant 0 : i32
          %get3A_720 = tpu.memref_slice %arg9[%scan3A_424, %get3A_718, %get3A_719] : memref<4x96x128xf32, #tpu.memory_space<vmem>> -> memref<1x96x128xf32, #tpu.memory_space<vmem>>
          %get3A_721 = tpu.memref_squeeze %get3A_720 : memref<1x96x128xf32, #tpu.memory_space<vmem>> -> memref<96x128xf32, #tpu.memory_space<vmem>>
          %get3A_722 = arith.index_cast %add3A_666 : i32 to index
          %get3A_723 = arith.constant 48 : index
          %get3A_724 = tpu.vector_load %get3A_721[%get3A_722, %get3A_723] {strides = array<i32>} : memref<96x128xf32, #tpu.memory_space<vmem>>, vector<1x16xf32>,
          %get3A_725 = vector.shape_cast %get3A_724 : vector<1x16xf32> to vector<16xf32>
          %get3A_726 = arith.constant 0 : i32
          %get3A_727 = arith.constant 0 : i32
          %get3A_728 = tpu.memref_slice %arg10[%scan3A_425, %get3A_726, %get3A_727] : memref<4x96x128xf32, #tpu.memory_space<vmem>> -> memref<1x96x128xf32, #tpu.memory_space<vmem>>
          %get3A_729 = tpu.memref_squeeze %get3A_728 : memref<1x96x128xf32, #tpu.memory_space<vmem>> -> memref<96x128xf32, #tpu.memory_space<vmem>>
          %get3A_730 = arith.index_cast %add3A_666 : i32 to index
          %get3A_731 = arith.constant 48 : index
          %get3A_732 = tpu.vector_load %get3A_729[%get3A_730, %get3A_731] {strides = array<i32>} : memref<96x128xf32, #tpu.memory_space<vmem>>, vector<1x16xf32>,
          %get3A_733 = vector.shape_cast %get3A_732 : vector<1x16xf32> to vector<16xf32>
          %mul3A_734 = arith.mulf %get3A_725, %get3A_733 : vector<16xf32>
          %get3A_735 = arith.constant 0 : i32
          %get3A_736 = arith.constant 0 : i32
          %get3A_737 = tpu.memref_slice %arg9[%scan3A_424, %get3A_735, %get3A_736] : memref<4x96x128xf32, #tpu.memory_space<vmem>> -> memref<1x96x128xf32, #tpu.memory_space<vmem>>
          %get3A_738 = tpu.memref_squeeze %get3A_737 : memref<1x96x128xf32, #tpu.memory_space<vmem>> -> memref<96x128xf32, #tpu.memory_space<vmem>>
          %get3A_739 = arith.index_cast %add3A_666 : i32 to index
          %get3A_740 = arith.constant 64 : index
          %get3A_741 = tpu.vector_load %get3A_738[%get3A_739, %get3A_740] {strides = array<i32>} : memref<96x128xf32, #tpu.memory_space<vmem>>, vector<1x16xf32>,
          %get3A_742 = vector.shape_cast %get3A_741 : vector<1x16xf32> to vector<16xf32>
          %get3A_743 = arith.constant 0 : i32
          %get3A_744 = arith.constant 0 : i32
          %get3A_745 = tpu.memref_slice %arg10[%scan3A_425, %get3A_743, %get3A_744] : memref<4x96x128xf32, #tpu.memory_space<vmem>> -> memref<1x96x128xf32, #tpu.memory_space<vmem>>
          %get3A_746 = tpu.memref_squeeze %get3A_745 : memref<1x96x128xf32, #tpu.memory_space<vmem>> -> memref<96x128xf32, #tpu.memory_space<vmem>>
          %get3A_747 = arith.index_cast %add3A_666 : i32 to index
          %get3A_748 = arith.constant 64 : index
          %get3A_749 = tpu.vector_load %get3A_746[%get3A_747, %get3A_748] {strides = array<i32>} : memref<96x128xf32, #tpu.memory_space<vmem>>, vector<1x16xf32>,
          %get3A_750 = vector.shape_cast %get3A_749 : vector<1x16xf32> to vector<16xf32>
          %mul3A_751 = arith.mulf %get3A_742, %get3A_750 : vector<16xf32>
          %get3A_752 = arith.constant 0 : i32
          %get3A_753 = arith.constant 0 : i32
          %get3A_754 = tpu.memref_slice %arg9[%scan3A_424, %get3A_752, %get3A_753] : memref<4x96x128xf32, #tpu.memory_space<vmem>> -> memref<1x96x128xf32, #tpu.memory_space<vmem>>
          %get3A_755 = tpu.memref_squeeze %get3A_754 : memref<1x96x128xf32, #tpu.memory_space<vmem>> -> memref<96x128xf32, #tpu.memory_space<vmem>>
          %get3A_756 = arith.index_cast %add3A_666 : i32 to index
          %get3A_757 = arith.constant 80 : index
          %get3A_758 = tpu.vector_load %get3A_755[%get3A_756, %get3A_757] {strides = array<i32>} : memref<96x128xf32, #tpu.memory_space<vmem>>, vector<1x16xf32>,
          %get3A_759 = vector.shape_cast %get3A_758 : vector<1x16xf32> to vector<16xf32>
          %get3A_760 = arith.constant 0 : i32
          %get3A_761 = arith.constant 0 : i32
          %get3A_762 = tpu.memref_slice %arg10[%scan3A_425, %get3A_760, %get3A_761] : memref<4x96x128xf32, #tpu.memory_space<vmem>> -> memref<1x96x128xf32, #tpu.memory_space<vmem>>
          %get3A_763 = tpu.memref_squeeze %get3A_762 : memref<1x96x128xf32, #tpu.memory_space<vmem>> -> memref<96x128xf32, #tpu.memory_space<vmem>>
          %get3A_764 = arith.index_cast %add3A_666 : i32 to index
          %get3A_765 = arith.constant 80 : index
          %get3A_766 = tpu.vector_load %get3A_763[%get3A_764, %get3A_765] {strides = array<i32>} : memref<96x128xf32, #tpu.memory_space<vmem>>, vector<1x16xf32>,
          %get3A_767 = vector.shape_cast %get3A_766 : vector<1x16xf32> to vector<16xf32>
          %mul3A_768 = arith.mulf %get3A_759, %get3A_767 : vector<16xf32>
          %get3A_769 = arith.constant 0 : i32
          %get3A_770 = arith.constant 0 : i32
          %get3A_771 = tpu.memref_slice %arg9[%scan3A_424, %get3A_769, %get3A_770] : memref<4x96x128xf32, #tpu.memory_space<vmem>> -> memref<1x96x128xf32, #tpu.memory_space<vmem>>
          %get3A_772 = tpu.memref_squeeze %get3A_771 : memref<1x96x128xf32, #tpu.memory_space<vmem>> -> memref<96x128xf32, #tpu.memory_space<vmem>>
          %get3A_773 = arith.index_cast %add3A_666 : i32 to index
          %get3A_774 = arith.constant 96 : index
          %get3A_775 = tpu.vector_load %get3A_772[%get3A_773, %get3A_774] {strides = array<i32>} : memref<96x128xf32, #tpu.memory_space<vmem>>, vector<1x16xf32>,
          %get3A_776 = vector.shape_cast %get3A_775 : vector<1x16xf32> to vector<16xf32>
          %get3A_777 = arith.constant 0 : i32
          %get3A_778 = arith.constant 0 : i32
          %get3A_779 = tpu.memref_slice %arg10[%scan3A_425, %get3A_777, %get3A_778] : memref<4x96x128xf32, #tpu.memory_space<vmem>> -> memref<1x96x128xf32, #tpu.memory_space<vmem>>
          %get3A_780 = tpu.memref_squeeze %get3A_779 : memref<1x96x128xf32, #tpu.memory_space<vmem>> -> memref<96x128xf32, #tpu.memory_space<vmem>>
          %get3A_781 = arith.index_cast %add3A_666 : i32 to index
          %get3A_782 = arith.constant 96 : index
          %get3A_783 = tpu.vector_load %get3A_780[%get3A_781, %get3A_782] {strides = array<i32>} : memref<96x128xf32, #tpu.memory_space<vmem>>, vector<1x16xf32>,
          %get3A_784 = vector.shape_cast %get3A_783 : vector<1x16xf32> to vector<16xf32>
          %mul3A_785 = arith.mulf %get3A_776, %get3A_784 : vector<16xf32>
          %get3A_786 = arith.constant 0 : i32
          %get3A_787 = arith.constant 0 : i32
          %get3A_788 = tpu.memref_slice %arg9[%scan3A_424, %get3A_786, %get3A_787] : memref<4x96x128xf32, #tpu.memory_space<vmem>> -> memref<1x96x128xf32, #tpu.memory_space<vmem>>
          %get3A_789 = tpu.memref_squeeze %get3A_788 : memref<1x96x128xf32, #tpu.memory_space<vmem>> -> memref<96x128xf32, #tpu.memory_space<vmem>>
          %get3A_790 = arith.index_cast %add3A_666 : i32 to index
          %get3A_791 = arith.constant 112 : index
          %get3A_792 = tpu.vector_load %get3A_789[%get3A_790, %get3A_791] {strides = array<i32>} : memref<96x128xf32, #tpu.memory_space<vmem>>, vector<1x16xf32>,
          %get3A_793 = vector.shape_cast %get3A_792 : vector<1x16xf32> to vector<16xf32>
          %get3A_794 = arith.constant 0 : i32
          %get3A_795 = arith.constant 0 : i32
          %get3A_796 = tpu.memref_slice %arg10[%scan3A_425, %get3A_794, %get3A_795] : memref<4x96x128xf32, #tpu.memory_space<vmem>> -> memref<1x96x128xf32, #tpu.memory_space<vmem>>
          %get3A_797 = tpu.memref_squeeze %get3A_796 : memref<1x96x128xf32, #tpu.memory_space<vmem>> -> memref<96x128xf32, #tpu.memory_space<vmem>>
          %get3A_798 = arith.index_cast %add3A_666 : i32 to index
          %get3A_799 = arith.constant 112 : index
          %get3A_800 = tpu.vector_load %get3A_797[%get3A_798, %get3A_799] {strides = array<i32>} : memref<96x128xf32, #tpu.memory_space<vmem>>, vector<1x16xf32>,
          %get3A_801 = vector.shape_cast %get3A_800 : vector<1x16xf32> to vector<16xf32>
          %mul3A_802 = arith.mulf %get3A_793, %get3A_801 : vector<16xf32>
          %add3A_803 = arith.addf %mul3A_683, %mul3A_700 : vector<16xf32>
          %add3A_804 = arith.addf %mul3A_717, %mul3A_734 : vector<16xf32>
          %add3A_805 = arith.addf %mul3A_751, %mul3A_768 : vector<16xf32>
          %add3A_806 = arith.addf %mul3A_785, %mul3A_802 : vector<16xf32>
          %add3A_807 = arith.addf %add3A_803, %add3A_804 : vector<16xf32>
          %add3A_808 = arith.addf %add3A_805, %add3A_806 : vector<16xf32>
          %add3A_809 = arith.addf %add3A_807, %add3A_808 : vector<16xf32>
          %broadcast_in_dim3A_810 = vector.shape_cast %xor3A_4 : vector<16xi32> to vector<16x1xi32>
          %gather3A_811 = vector.shape_cast %broadcast_in_dim3A_810 : vector<16x1xi32> to vector<16xi32>
          %gather3A_812 = tpu.dynamic_gather %add3A_809[%gather3A_811] in [0] : vector<16xf32>, vector<16xi32> -> vector<16xf32>
          %add3A_813 = arith.addf %add3A_809, %gather3A_812 : vector<16xf32>
          %broadcast_in_dim3A_814 = vector.shape_cast %xor3A_7 : vector<16xi32> to vector<16x1xi32>
          %gather3A_815 = vector.shape_cast %broadcast_in_dim3A_814 : vector<16x1xi32> to vector<16xi32>
          %gather3A_816 = tpu.dynamic_gather %add3A_813[%gather3A_815] in [0] : vector<16xf32>, vector<16xi32> -> vector<16xf32>
          %add3A_817 = arith.addf %add3A_813, %gather3A_816 : vector<16xf32>
          %broadcast_in_dim3A_818 = vector.shape_cast %xor3A_10 : vector<16xi32> to vector<16x1xi32>
          %gather3A_819 = vector.shape_cast %broadcast_in_dim3A_818 : vector<16x1xi32> to vector<16xi32>
          %gather3A_820 = tpu.dynamic_gather %add3A_817[%gather3A_819] in [0] : vector<16xf32>, vector<16xi32> -> vector<16xf32>
          %add3A_821 = arith.addf %add3A_817, %gather3A_820 : vector<16xf32>
          %broadcast_in_dim3A_822 = vector.shape_cast %xor3A_13 : vector<16xi32> to vector<16x1xi32>
          %gather3A_823 = vector.shape_cast %broadcast_in_dim3A_822 : vector<16x1xi32> to vector<16xi32>
          %gather3A_824 = tpu.dynamic_gather %add3A_821[%gather3A_823] in [0] : vector<16xf32>, vector<16xi32> -> vector<16xf32>
          %add3A_825 = arith.addf %add3A_821, %gather3A_824 : vector<16xf32>
          %eq3A_826 = vector.broadcast %scan3A_665 : i32 to vector<16xi32>
          %eq3A_827 = arith.cmpi eq, %iota3A, %eq3A_826 : vector<16xi32>
          %select_n3A_828 = arith.select %eq3A_827, %add3A_825, %select_n3A : vector<16xi1>, vector<16xf32>
          scf.yield %select_n3A_828 : vector<16xf32>
        }
        %scan3A_495 = arith.constant 16 : i32
        %mul3A_496 = arith.constant 96 : i32
        %mul3A_497 = arith.muli %add3A_380, %mul3A_496 : i32
        %add3A_498 = arith.addi %mul3A_497, %mul3A_487 : i32
        %swap3A_499 = arith.index_cast %add3A_498 : i32 to index
        %swap3A_500 = tpu.vector_load %arg11[%swap3A_499] {strides = array<i32>} : memref<10000xf32, #tpu.memory_space<vmem>>, vector<16xf32>,
        %swap3A_501 = vector.shape_cast %swap3A_500 : vector<16xf32> to vector<16xf32>
        %swap3A_502 = vector.shape_cast %scan3A_494 : vector<16xf32> to vector<16xf32>
        tpu.vector_store %arg11[%swap3A_499], %swap3A_502 {strides = array<i32>} : memref<10000xf32, #tpu.memory_space<vmem>>, vector<16xf32>,
      }
      %scan3A_430 = arith.constant 6 : i32
      %mul3A_431 = arith.constant 4 : i32
      %mul3A_432 = arith.muli %mul3A_431, %scan3A_268 : i32
      %add3A_433 = arith.constant 3 : i32
      %add3A_434 = arith.addi %mul3A_432, %add3A_433 : i32
      %dma_wait3A_435 = arith.constant 3 : i32
      %dma_wait3A_436 = arith.constant 0 : i32
      %dma_wait3A_437 = arith.constant 0 : i32
      %dma_wait3A_438 = tpu.memref_slice %arg9[%dma_wait3A_435, %dma_wait3A_436, %dma_wait3A_437] : memref<4x96x128xf32, #tpu.memory_space<vmem>> -> memref<1x96x128xf32, #tpu.memory_space<vmem>>
      %dma_wait3A_439 = tpu.memref_squeeze %dma_wait3A_438 : memref<1x96x128xf32, #tpu.memory_space<vmem>> -> memref<96x128xf32, #tpu.memory_space<vmem>>
      %dma_wait3A_440 = arith.constant 0 : i32
      %dma_wait3A_441 = tpu.memref_slice %arg7[%dma_wait3A_440] : memref<10000xi32, #tpu.memory_space<vmem>> -> memref<96xi32, #tpu.memory_space<vmem>>
      %dma_wait3A_442 = arith.constant 0 : i32
      %dma_wait3A_443 = arith.constant 0 : i32
      %dma_wait3A_444 = tpu.memref_slice %arg2[%dma_wait3A_442, %dma_wait3A_443] : memref<100000x128xf32, #tpu.memory_space<hbm>> -> memref<100000x128xf32, #tpu.memory_space<hbm>>
      tpu.wait_indirect_dma semaphore(%arg15 : memref<!tpu.dma_semaphore, #tpu.memory_space<semaphore_mem>>) src(%dma_wait3A_444 : memref<100000x128xf32, #tpu.memory_space<hbm>>) dst(%dma_wait3A_439 : memref<96x128xf32, #tpu.memory_space<vmem>>)
      %dma_wait3A_445 = arith.constant 3 : i32
      %dma_wait3A_446 = arith.constant 0 : i32
      %dma_wait3A_447 = arith.constant 0 : i32
      %dma_wait3A_448 = tpu.memref_slice %arg10[%dma_wait3A_445, %dma_wait3A_446, %dma_wait3A_447] : memref<4x96x128xf32, #tpu.memory_space<vmem>> -> memref<1x96x128xf32, #tpu.memory_space<vmem>>
      %dma_wait3A_449 = tpu.memref_squeeze %dma_wait3A_448 : memref<1x96x128xf32, #tpu.memory_space<vmem>> -> memref<96x128xf32, #tpu.memory_space<vmem>>
      %dma_wait3A_450 = arith.constant 0 : i32
      %dma_wait3A_451 = tpu.memref_slice %arg8[%dma_wait3A_450] : memref<10000xi32, #tpu.memory_space<vmem>> -> memref<96xi32, #tpu.memory_space<vmem>>
      %dma_wait3A_452 = arith.constant 0 : i32
      %dma_wait3A_453 = arith.constant 0 : i32
      %dma_wait3A_454 = tpu.memref_slice %arg3[%dma_wait3A_452, %dma_wait3A_453] : memref<100000x128xf32, #tpu.memory_space<hbm>> -> memref<100000x128xf32, #tpu.memory_space<hbm>>
      tpu.wait_indirect_dma semaphore(%arg19 : memref<!tpu.dma_semaphore, #tpu.memory_space<semaphore_mem>>) src(%dma_wait3A_454 : memref<100000x128xf32, #tpu.memory_space<hbm>>) dst(%dma_wait3A_449 : memref<96x128xf32, #tpu.memory_space<vmem>>)
      %add3A_455 = arith.constant 3 : i32
      %add3A_456 = arith.addi %add3A_434, %add3A_455 : i32
      %mul3A_457 = arith.constant 96 : i32
      %mul3A_458 = arith.muli %add3A_456, %mul3A_457 : i32
      %dma_start3A_459 = arith.constant 2 : i32
      %dma_start3A_460 = arith.constant 0 : i32
      %dma_start3A_461 = arith.constant 0 : i32
      %dma_start3A_462 = tpu.memref_slice %arg9[%dma_start3A_459, %dma_start3A_460, %dma_start3A_461] : memref<4x96x128xf32, #tpu.memory_space<vmem>> -> memref<1x96x128xf32, #tpu.memory_space<vmem>>
      %dma_start3A_463 = tpu.memref_squeeze %dma_start3A_462 : memref<1x96x128xf32, #tpu.memory_space<vmem>> -> memref<96x128xf32, #tpu.memory_space<vmem>>
      %dma_start3A_464 = tpu.memref_slice %arg7[%mul3A_458] : memref<10000xi32, #tpu.memory_space<vmem>> -> memref<96xi32, #tpu.memory_space<vmem>>
      %dma_start3A_465 = arith.constant 0 : i32
      %dma_start3A_466 = arith.constant 0 : i32
      %dma_start3A_467 = tpu.memref_slice %arg2[%dma_start3A_465, %dma_start3A_466] : memref<100000x128xf32, #tpu.memory_space<hbm>> -> memref<100000x128xf32, #tpu.memory_space<hbm>>
      tpu.enqueue_indirect_dma source(%dma_start3A_467 : memref<100000x128xf32, #tpu.memory_space<hbm>>) target(%dma_start3A_463 : memref<96x128xf32, #tpu.memory_space<vmem>>) offsets(%dma_start3A_464 : memref<96xi32, #tpu.memory_space<vmem>>) semaphore(%arg14 : memref<!tpu.dma_semaphore, #tpu.memory_space<semaphore_mem>>)
      %dma_start3A_468 = arith.constant 2 : i32
      %dma_start3A_469 = arith.constant 0 : i32
      %dma_start3A_470 = arith.constant 0 : i32
      %dma_start3A_471 = tpu.memref_slice %arg10[%dma_start3A_468, %dma_start3A_469, %dma_start3A_470] : memref<4x96x128xf32, #tpu.memory_space<vmem>> -> memref<1x96x128xf32, #tpu.memory_space<vmem>>
      %dma_start3A_472 = tpu.memref_squeeze %dma_start3A_471 : memref<1x96x128xf32, #tpu.memory_space<vmem>> -> memref<96x128xf32, #tpu.memory_space<vmem>>
      %dma_start3A_473 = tpu.memref_slice %arg8[%mul3A_458] : memref<10000xi32, #tpu.memory_space<vmem>> -> memref<96xi32, #tpu.memory_space<vmem>>
      %dma_start3A_474 = arith.constant 0 : i32
      %dma_start3A_475 = arith.constant 0 : i32
      %dma_start3A_476 = tpu.memref_slice %arg3[%dma_start3A_474, %dma_start3A_475] : memref<100000x128xf32, #tpu.memory_space<hbm>> -> memref<100000x128xf32, #tpu.memory_space<hbm>>
      tpu.enqueue_indirect_dma source(%dma_start3A_476 : memref<100000x128xf32, #tpu.memory_space<hbm>>) target(%dma_start3A_472 : memref<96x128xf32, #tpu.memory_space<vmem>>) offsets(%dma_start3A_473 : memref<96xi32, #tpu.memory_space<vmem>>) semaphore(%arg18 : memref<!tpu.dma_semaphore, #tpu.memory_space<semaphore_mem>>)
      %scan3A_477 = arith.constant 0 : i32
      %scan3A_478 = arith.constant 3 : i32
      %scan3A_479 = arith.constant 3 : i32
      %scan3A_480 = arith.constant 0 : i32
      %scan3A_481 = arith.constant 6 : i32
      %scan3A_482 = arith.addi %scan3A_480, %scan3A_481 : i32
      %scan3A_483 = arith.constant 1 : i32
      scf.for %scan3A_485 = %scan3A_480 to %scan3A_482 step %scan3A_483  : i32 {
        %mul3A_486 = arith.constant 16 : i32
        %mul3A_487 = arith.muli %scan3A_485, %mul3A_486 : i32
        %broadcast_in_dim3A_488 = arith.constant 0.000000e+00 : f32
        %broadcast_in_dim3A_489 = vector.broadcast %broadcast_in_dim3A_488 : f32 to vector<16xf32>
        %scan3A_490 = arith.constant 0 : i32
        %scan3A_491 = arith.constant 16 : i32
        %scan3A_492 = arith.addi %scan3A_490, %scan3A_491 : i32
        %scan3A_493 = arith.constant 2 : i32
        %scan3A_494 = scf.for %scan3A_503 = %scan3A_490 to %scan3A_492 step %scan3A_493 iter_args(%scan3A_504 = %broadcast_in_dim3A_489) -> (vector<16xf32>)  : i32 {
          %add3A_505 = arith.addi %mul3A_487, %scan3A_503 : i32
          %get3A = arith.constant 0 : i32
          %get3A_506 = arith.constant 0 : i32
          %get3A_507 = tpu.memref_slice %arg9[%scan3A_478, %get3A, %get3A_506] : memref<4x96x128xf32, #tpu.memory_space<vmem>> -> memref<1x96x128xf32, #tpu.memory_space<vmem>>
          %get3A_508 = tpu.memref_squeeze %get3A_507 : memref<1x96x128xf32, #tpu.memory_space<vmem>> -> memref<96x128xf32, #tpu.memory_space<vmem>>
          %get3A_509 = arith.index_cast %add3A_505 : i32 to index
          %get3A_510 = arith.constant 0 : index
          %get3A_511 = tpu.vector_load %get3A_508[%get3A_509, %get3A_510] {strides = array<i32>} : memref<96x128xf32, #tpu.memory_space<vmem>>, vector<1x16xf32>,
          %get3A_512 = vector.shape_cast %get3A_511 : vector<1x16xf32> to vector<16xf32>
          %get3A_513 = arith.constant 0 : i32
          %get3A_514 = arith.constant 0 : i32
          %get3A_515 = tpu.memref_slice %arg10[%scan3A_479, %get3A_513, %get3A_514] : memref<4x96x128xf32, #tpu.memory_space<vmem>> -> memref<1x96x128xf32, #tpu.memory_space<vmem>>
          %get3A_516 = tpu.memref_squeeze %get3A_515 : memref<1x96x128xf32, #tpu.memory_space<vmem>> -> memref<96x128xf32, #tpu.memory_space<vmem>>
          %get3A_517 = arith.index_cast %add3A_505 : i32 to index
          %get3A_518 = arith.constant 0 : index
          %get3A_519 = tpu.vector_load %get3A_516[%get3A_517, %get3A_518] {strides = array<i32>} : memref<96x128xf32, #tpu.memory_space<vmem>>, vector<1x16xf32>,
          %get3A_520 = vector.shape_cast %get3A_519 : vector<1x16xf32> to vector<16xf32>
          %mul3A_521 = arith.mulf %get3A_512, %get3A_520 : vector<16xf32>
          %get3A_522 = arith.constant 0 : i32
          %get3A_523 = arith.constant 0 : i32
          %get3A_524 = tpu.memref_slice %arg9[%scan3A_478, %get3A_522, %get3A_523] : memref<4x96x128xf32, #tpu.memory_space<vmem>> -> memref<1x96x128xf32, #tpu.memory_space<vmem>>
          %get3A_525 = tpu.memref_squeeze %get3A_524 : memref<1x96x128xf32, #tpu.memory_space<vmem>> -> memref<96x128xf32, #tpu.memory_space<vmem>>
          %get3A_526 = arith.index_cast %add3A_505 : i32 to index
          %get3A_527 = arith.constant 16 : index
          %get3A_528 = tpu.vector_load %get3A_525[%get3A_526, %get3A_527] {strides = array<i32>} : memref<96x128xf32, #tpu.memory_space<vmem>>, vector<1x16xf32>,
          %get3A_529 = vector.shape_cast %get3A_528 : vector<1x16xf32> to vector<16xf32>
          %get3A_530 = arith.constant 0 : i32
          %get3A_531 = arith.constant 0 : i32
          %get3A_532 = tpu.memref_slice %arg10[%scan3A_479, %get3A_530, %get3A_531] : memref<4x96x128xf32, #tpu.memory_space<vmem>> -> memref<1x96x128xf32, #tpu.memory_space<vmem>>
          %get3A_533 = tpu.memref_squeeze %get3A_532 : memref<1x96x128xf32, #tpu.memory_space<vmem>> -> memref<96x128xf32, #tpu.memory_space<vmem>>
          %get3A_534 = arith.index_cast %add3A_505 : i32 to index
          %get3A_535 = arith.constant 16 : index
          %get3A_536 = tpu.vector_load %get3A_533[%get3A_534, %get3A_535] {strides = array<i32>} : memref<96x128xf32, #tpu.memory_space<vmem>>, vector<1x16xf32>,
          %get3A_537 = vector.shape_cast %get3A_536 : vector<1x16xf32> to vector<16xf32>
          %mul3A_538 = arith.mulf %get3A_529, %get3A_537 : vector<16xf32>
          %get3A_539 = arith.constant 0 : i32
          %get3A_540 = arith.constant 0 : i32
          %get3A_541 = tpu.memref_slice %arg9[%scan3A_478, %get3A_539, %get3A_540] : memref<4x96x128xf32, #tpu.memory_space<vmem>> -> memref<1x96x128xf32, #tpu.memory_space<vmem>>
          %get3A_542 = tpu.memref_squeeze %get3A_541 : memref<1x96x128xf32, #tpu.memory_space<vmem>> -> memref<96x128xf32, #tpu.memory_space<vmem>>
          %get3A_543 = arith.index_cast %add3A_505 : i32 to index
          %get3A_544 = arith.constant 32 : index
          %get3A_545 = tpu.vector_load %get3A_542[%get3A_543, %get3A_544] {strides = array<i32>} : memref<96x128xf32, #tpu.memory_space<vmem>>, vector<1x16xf32>,
          %get3A_546 = vector.shape_cast %get3A_545 : vector<1x16xf32> to vector<16xf32>
          %get3A_547 = arith.constant 0 : i32
          %get3A_548 = arith.constant 0 : i32
          %get3A_549 = tpu.memref_slice %arg10[%scan3A_479, %get3A_547, %get3A_548] : memref<4x96x128xf32, #tpu.memory_space<vmem>> -> memref<1x96x128xf32, #tpu.memory_space<vmem>>
          %get3A_550 = tpu.memref_squeeze %get3A_549 : memref<1x96x128xf32, #tpu.memory_space<vmem>> -> memref<96x128xf32, #tpu.memory_space<vmem>>
          %get3A_551 = arith.index_cast %add3A_505 : i32 to index
          %get3A_552 = arith.constant 32 : index
          %get3A_553 = tpu.vector_load %get3A_550[%get3A_551, %get3A_552] {strides = array<i32>} : memref<96x128xf32, #tpu.memory_space<vmem>>, vector<1x16xf32>,
          %get3A_554 = vector.shape_cast %get3A_553 : vector<1x16xf32> to vector<16xf32>
          %mul3A_555 = arith.mulf %get3A_546, %get3A_554 : vector<16xf32>
          %get3A_556 = arith.constant 0 : i32
          %get3A_557 = arith.constant 0 : i32
          %get3A_558 = tpu.memref_slice %arg9[%scan3A_478, %get3A_556, %get3A_557] : memref<4x96x128xf32, #tpu.memory_space<vmem>> -> memref<1x96x128xf32, #tpu.memory_space<vmem>>
          %get3A_559 = tpu.memref_squeeze %get3A_558 : memref<1x96x128xf32, #tpu.memory_space<vmem>> -> memref<96x128xf32, #tpu.memory_space<vmem>>
          %get3A_560 = arith.index_cast %add3A_505 : i32 to index
          %get3A_561 = arith.constant 48 : index
          %get3A_562 = tpu.vector_load %get3A_559[%get3A_560, %get3A_561] {strides = array<i32>} : memref<96x128xf32, #tpu.memory_space<vmem>>, vector<1x16xf32>,
          %get3A_563 = vector.shape_cast %get3A_562 : vector<1x16xf32> to vector<16xf32>
          %get3A_564 = arith.constant 0 : i32
          %get3A_565 = arith.constant 0 : i32
          %get3A_566 = tpu.memref_slice %arg10[%scan3A_479, %get3A_564, %get3A_565] : memref<4x96x128xf32, #tpu.memory_space<vmem>> -> memref<1x96x128xf32, #tpu.memory_space<vmem>>
          %get3A_567 = tpu.memref_squeeze %get3A_566 : memref<1x96x128xf32, #tpu.memory_space<vmem>> -> memref<96x128xf32, #tpu.memory_space<vmem>>
          %get3A_568 = arith.index_cast %add3A_505 : i32 to index
          %get3A_569 = arith.constant 48 : index
          %get3A_570 = tpu.vector_load %get3A_567[%get3A_568, %get3A_569] {strides = array<i32>} : memref<96x128xf32, #tpu.memory_space<vmem>>, vector<1x16xf32>,
          %get3A_571 = vector.shape_cast %get3A_570 : vector<1x16xf32> to vector<16xf32>
          %mul3A_572 = arith.mulf %get3A_563, %get3A_571 : vector<16xf32>
          %get3A_573 = arith.constant 0 : i32
          %get3A_574 = arith.constant 0 : i32
          %get3A_575 = tpu.memref_slice %arg9[%scan3A_478, %get3A_573, %get3A_574] : memref<4x96x128xf32, #tpu.memory_space<vmem>> -> memref<1x96x128xf32, #tpu.memory_space<vmem>>
          %get3A_576 = tpu.memref_squeeze %get3A_575 : memref<1x96x128xf32, #tpu.memory_space<vmem>> -> memref<96x128xf32, #tpu.memory_space<vmem>>
          %get3A_577 = arith.index_cast %add3A_505 : i32 to index
          %get3A_578 = arith.constant 64 : index
          %get3A_579 = tpu.vector_load %get3A_576[%get3A_577, %get3A_578] {strides = array<i32>} : memref<96x128xf32, #tpu.memory_space<vmem>>, vector<1x16xf32>,
          %get3A_580 = vector.shape_cast %get3A_579 : vector<1x16xf32> to vector<16xf32>
          %get3A_581 = arith.constant 0 : i32
          %get3A_582 = arith.constant 0 : i32
          %get3A_583 = tpu.memref_slice %arg10[%scan3A_479, %get3A_581, %get3A_582] : memref<4x96x128xf32, #tpu.memory_space<vmem>> -> memref<1x96x128xf32, #tpu.memory_space<vmem>>
          %get3A_584 = tpu.memref_squeeze %get3A_583 : memref<1x96x128xf32, #tpu.memory_space<vmem>> -> memref<96x128xf32, #tpu.memory_space<vmem>>
          %get3A_585 = arith.index_cast %add3A_505 : i32 to index
          %get3A_586 = arith.constant 64 : index
          %get3A_587 = tpu.vector_load %get3A_584[%get3A_585, %get3A_586] {strides = array<i32>} : memref<96x128xf32, #tpu.memory_space<vmem>>, vector<1x16xf32>,
          %get3A_588 = vector.shape_cast %get3A_587 : vector<1x16xf32> to vector<16xf32>
          %mul3A_589 = arith.mulf %get3A_580, %get3A_588 : vector<16xf32>
          %get3A_590 = arith.constant 0 : i32
          %get3A_591 = arith.constant 0 : i32
          %get3A_592 = tpu.memref_slice %arg9[%scan3A_478, %get3A_590, %get3A_591] : memref<4x96x128xf32, #tpu.memory_space<vmem>> -> memref<1x96x128xf32, #tpu.memory_space<vmem>>
          %get3A_593 = tpu.memref_squeeze %get3A_592 : memref<1x96x128xf32, #tpu.memory_space<vmem>> -> memref<96x128xf32, #tpu.memory_space<vmem>>
          %get3A_594 = arith.index_cast %add3A_505 : i32 to index
          %get3A_595 = arith.constant 80 : index
          %get3A_596 = tpu.vector_load %get3A_593[%get3A_594, %get3A_595] {strides = array<i32>} : memref<96x128xf32, #tpu.memory_space<vmem>>, vector<1x16xf32>,
          %get3A_597 = vector.shape_cast %get3A_596 : vector<1x16xf32> to vector<16xf32>
          %get3A_598 = arith.constant 0 : i32
          %get3A_599 = arith.constant 0 : i32
          %get3A_600 = tpu.memref_slice %arg10[%scan3A_479, %get3A_598, %get3A_599] : memref<4x96x128xf32, #tpu.memory_space<vmem>> -> memref<1x96x128xf32, #tpu.memory_space<vmem>>
          %get3A_601 = tpu.memref_squeeze %get3A_600 : memref<1x96x128xf32, #tpu.memory_space<vmem>> -> memref<96x128xf32, #tpu.memory_space<vmem>>
          %get3A_602 = arith.index_cast %add3A_505 : i32 to index
          %get3A_603 = arith.constant 80 : index
          %get3A_604 = tpu.vector_load %get3A_601[%get3A_602, %get3A_603] {strides = array<i32>} : memref<96x128xf32, #tpu.memory_space<vmem>>, vector<1x16xf32>,
          %get3A_605 = vector.shape_cast %get3A_604 : vector<1x16xf32> to vector<16xf32>
          %mul3A_606 = arith.mulf %get3A_597, %get3A_605 : vector<16xf32>
          %get3A_607 = arith.constant 0 : i32
          %get3A_608 = arith.constant 0 : i32
          %get3A_609 = tpu.memref_slice %arg9[%scan3A_478, %get3A_607, %get3A_608] : memref<4x96x128xf32, #tpu.memory_space<vmem>> -> memref<1x96x128xf32, #tpu.memory_space<vmem>>
          %get3A_610 = tpu.memref_squeeze %get3A_609 : memref<1x96x128xf32, #tpu.memory_space<vmem>> -> memref<96x128xf32, #tpu.memory_space<vmem>>
          %get3A_611 = arith.index_cast %add3A_505 : i32 to index
          %get3A_612 = arith.constant 96 : index
          %get3A_613 = tpu.vector_load %get3A_610[%get3A_611, %get3A_612] {strides = array<i32>} : memref<96x128xf32, #tpu.memory_space<vmem>>, vector<1x16xf32>,
          %get3A_614 = vector.shape_cast %get3A_613 : vector<1x16xf32> to vector<16xf32>
          %get3A_615 = arith.constant 0 : i32
          %get3A_616 = arith.constant 0 : i32
          %get3A_617 = tpu.memref_slice %arg10[%scan3A_479, %get3A_615, %get3A_616] : memref<4x96x128xf32, #tpu.memory_space<vmem>> -> memref<1x96x128xf32, #tpu.memory_space<vmem>>
          %get3A_618 = tpu.memref_squeeze %get3A_617 : memref<1x96x128xf32, #tpu.memory_space<vmem>> -> memref<96x128xf32, #tpu.memory_space<vmem>>
          %get3A_619 = arith.index_cast %add3A_505 : i32 to index
          %get3A_620 = arith.constant 96 : index
          %get3A_621 = tpu.vector_load %get3A_618[%get3A_619, %get3A_620] {strides = array<i32>} : memref<96x128xf32, #tpu.memory_space<vmem>>, vector<1x16xf32>,
          %get3A_622 = vector.shape_cast %get3A_621 : vector<1x16xf32> to vector<16xf32>
          %mul3A_623 = arith.mulf %get3A_614, %get3A_622 : vector<16xf32>
          %get3A_624 = arith.constant 0 : i32
          %get3A_625 = arith.constant 0 : i32
          %get3A_626 = tpu.memref_slice %arg9[%scan3A_478, %get3A_624, %get3A_625] : memref<4x96x128xf32, #tpu.memory_space<vmem>> -> memref<1x96x128xf32, #tpu.memory_space<vmem>>
          %get3A_627 = tpu.memref_squeeze %get3A_626 : memref<1x96x128xf32, #tpu.memory_space<vmem>> -> memref<96x128xf32, #tpu.memory_space<vmem>>
          %get3A_628 = arith.index_cast %add3A_505 : i32 to index
          %get3A_629 = arith.constant 112 : index
          %get3A_630 = tpu.vector_load %get3A_627[%get3A_628, %get3A_629] {strides = array<i32>} : memref<96x128xf32, #tpu.memory_space<vmem>>, vector<1x16xf32>,
          %get3A_631 = vector.shape_cast %get3A_630 : vector<1x16xf32> to vector<16xf32>
          %get3A_632 = arith.constant 0 : i32
          %get3A_633 = arith.constant 0 : i32
          %get3A_634 = tpu.memref_slice %arg10[%scan3A_479, %get3A_632, %get3A_633] : memref<4x96x128xf32, #tpu.memory_space<vmem>> -> memref<1x96x128xf32, #tpu.memory_space<vmem>>
          %get3A_635 = tpu.memref_squeeze %get3A_634 : memref<1x96x128xf32, #tpu.memory_space<vmem>> -> memref<96x128xf32, #tpu.memory_space<vmem>>
          %get3A_636 = arith.index_cast %add3A_505 : i32 to index
          %get3A_637 = arith.constant 112 : index
          %get3A_638 = tpu.vector_load %get3A_635[%get3A_636, %get3A_637] {strides = array<i32>} : memref<96x128xf32, #tpu.memory_space<vmem>>, vector<1x16xf32>,
          %get3A_639 = vector.shape_cast %get3A_638 : vector<1x16xf32> to vector<16xf32>
          %mul3A_640 = arith.mulf %get3A_631, %get3A_639 : vector<16xf32>
          %add3A_641 = arith.addf %mul3A_521, %mul3A_538 : vector<16xf32>
          %add3A_642 = arith.addf %mul3A_555, %mul3A_572 : vector<16xf32>
          %add3A_643 = arith.addf %mul3A_589, %mul3A_606 : vector<16xf32>
          %add3A_644 = arith.addf %mul3A_623, %mul3A_640 : vector<16xf32>
          %add3A_645 = arith.addf %add3A_641, %add3A_642 : vector<16xf32>
          %add3A_646 = arith.addf %add3A_643, %add3A_644 : vector<16xf32>
          %add3A_647 = arith.addf %add3A_645, %add3A_646 : vector<16xf32>
          %broadcast_in_dim3A_648 = vector.shape_cast %xor3A_4 : vector<16xi32> to vector<16x1xi32>
          %gather3A = vector.shape_cast %broadcast_in_dim3A_648 : vector<16x1xi32> to vector<16xi32>
          %gather3A_649 = tpu.dynamic_gather %add3A_647[%gather3A] in [0] : vector<16xf32>, vector<16xi32> -> vector<16xf32>
          %add3A_650 = arith.addf %add3A_647, %gather3A_649 : vector<16xf32>
          %broadcast_in_dim3A_651 = vector.shape_cast %xor3A_7 : vector<16xi32> to vector<16x1xi32>
          %gather3A_652 = vector.shape_cast %broadcast_in_dim3A_651 : vector<16x1xi32> to vector<16xi32>
          %gather3A_653 = tpu.dynamic_gather %add3A_650[%gather3A_652] in [0] : vector<16xf32>, vector<16xi32> -> vector<16xf32>
          %add3A_654 = arith.addf %add3A_650, %gather3A_653 : vector<16xf32>
          %broadcast_in_dim3A_655 = vector.shape_cast %xor3A_10 : vector<16xi32> to vector<16x1xi32>
          %gather3A_656 = vector.shape_cast %broadcast_in_dim3A_655 : vector<16x1xi32> to vector<16xi32>
          %gather3A_657 = tpu.dynamic_gather %add3A_654[%gather3A_656] in [0] : vector<16xf32>, vector<16xi32> -> vector<16xf32>
          %add3A_658 = arith.addf %add3A_654, %gather3A_657 : vector<16xf32>
          %broadcast_in_dim3A_659 = vector.shape_cast %xor3A_13 : vector<16xi32> to vector<16x1xi32>
          %gather3A_660 = vector.shape_cast %broadcast_in_dim3A_659 : vector<16x1xi32> to vector<16xi32>
          %gather3A_661 = tpu.dynamic_gather %add3A_658[%gather3A_660] in [0] : vector<16xf32>, vector<16xi32> -> vector<16xf32>
          %add3A_662 = arith.addf %add3A_658, %gather3A_661 : vector<16xf32>
          %eq3A = vector.broadcast %scan3A_503 : i32 to vector<16xi32>
          %eq3A_663 = arith.cmpi eq, %iota3A, %eq3A : vector<16xi32>
          %select_n3A = arith.select %eq3A_663, %add3A_662, %scan3A_504 : vector<16xi1>, vector<16xf32>
          %scan3A_664 = arith.constant 1 : i32
          %scan3A_665 = arith.addi %scan3A_503, %scan3A_664 : i32
          %add3A_666 = arith.addi %mul3A_487, %scan3A_665 : i32
          %get3A_667 = arith.constant 0 : i32
          %get3A_668 = arith.constant 0 : i32
          %get3A_669 = tpu.memref_slice %arg9[%scan3A_478, %get3A_667, %get3A_668] : memref<4x96x128xf32, #tpu.memory_space<vmem>> -> memref<1x96x128xf32, #tpu.memory_space<vmem>>
          %get3A_670 = tpu.memref_squeeze %get3A_669 : memref<1x96x128xf32, #tpu.memory_space<vmem>> -> memref<96x128xf32, #tpu.memory_space<vmem>>
          %get3A_671 = arith.index_cast %add3A_666 : i32 to index
          %get3A_672 = arith.constant 0 : index
          %get3A_673 = tpu.vector_load %get3A_670[%get3A_671, %get3A_672] {strides = array<i32>} : memref<96x128xf32, #tpu.memory_space<vmem>>, vector<1x16xf32>,
          %get3A_674 = vector.shape_cast %get3A_673 : vector<1x16xf32> to vector<16xf32>
          %get3A_675 = arith.constant 0 : i32
          %get3A_676 = arith.constant 0 : i32
          %get3A_677 = tpu.memref_slice %arg10[%scan3A_479, %get3A_675, %get3A_676] : memref<4x96x128xf32, #tpu.memory_space<vmem>> -> memref<1x96x128xf32, #tpu.memory_space<vmem>>
          %get3A_678 = tpu.memref_squeeze %get3A_677 : memref<1x96x128xf32, #tpu.memory_space<vmem>> -> memref<96x128xf32, #tpu.memory_space<vmem>>
          %get3A_679 = arith.index_cast %add3A_666 : i32 to index
          %get3A_680 = arith.constant 0 : index
          %get3A_681 = tpu.vector_load %get3A_678[%get3A_679, %get3A_680] {strides = array<i32>} : memref<96x128xf32, #tpu.memory_space<vmem>>, vector<1x16xf32>,
          %get3A_682 = vector.shape_cast %get3A_681 : vector<1x16xf32> to vector<16xf32>
          %mul3A_683 = arith.mulf %get3A_674, %get3A_682 : vector<16xf32>
          %get3A_684 = arith.constant 0 : i32
          %get3A_685 = arith.constant 0 : i32
          %get3A_686 = tpu.memref_slice %arg9[%scan3A_478, %get3A_684, %get3A_685] : memref<4x96x128xf32, #tpu.memory_space<vmem>> -> memref<1x96x128xf32, #tpu.memory_space<vmem>>
          %get3A_687 = tpu.memref_squeeze %get3A_686 : memref<1x96x128xf32, #tpu.memory_space<vmem>> -> memref<96x128xf32, #tpu.memory_space<vmem>>
          %get3A_688 = arith.index_cast %add3A_666 : i32 to index
          %get3A_689 = arith.constant 16 : index
          %get3A_690 = tpu.vector_load %get3A_687[%get3A_688, %get3A_689] {strides = array<i32>} : memref<96x128xf32, #tpu.memory_space<vmem>>, vector<1x16xf32>,
          %get3A_691 = vector.shape_cast %get3A_690 : vector<1x16xf32> to vector<16xf32>
          %get3A_692 = arith.constant 0 : i32
          %get3A_693 = arith.constant 0 : i32
          %get3A_694 = tpu.memref_slice %arg10[%scan3A_479, %get3A_692, %get3A_693] : memref<4x96x128xf32, #tpu.memory_space<vmem>> -> memref<1x96x128xf32, #tpu.memory_space<vmem>>
          %get3A_695 = tpu.memref_squeeze %get3A_694 : memref<1x96x128xf32, #tpu.memory_space<vmem>> -> memref<96x128xf32, #tpu.memory_space<vmem>>
          %get3A_696 = arith.index_cast %add3A_666 : i32 to index
          %get3A_697 = arith.constant 16 : index
          %get3A_698 = tpu.vector_load %get3A_695[%get3A_696, %get3A_697] {strides = array<i32>} : memref<96x128xf32, #tpu.memory_space<vmem>>, vector<1x16xf32>,
          %get3A_699 = vector.shape_cast %get3A_698 : vector<1x16xf32> to vector<16xf32>
          %mul3A_700 = arith.mulf %get3A_691, %get3A_699 : vector<16xf32>
          %get3A_701 = arith.constant 0 : i32
          %get3A_702 = arith.constant 0 : i32
          %get3A_703 = tpu.memref_slice %arg9[%scan3A_478, %get3A_701, %get3A_702] : memref<4x96x128xf32, #tpu.memory_space<vmem>> -> memref<1x96x128xf32, #tpu.memory_space<vmem>>
          %get3A_704 = tpu.memref_squeeze %get3A_703 : memref<1x96x128xf32, #tpu.memory_space<vmem>> -> memref<96x128xf32, #tpu.memory_space<vmem>>
          %get3A_705 = arith.index_cast %add3A_666 : i32 to index
          %get3A_706 = arith.constant 32 : index
          %get3A_707 = tpu.vector_load %get3A_704[%get3A_705, %get3A_706] {strides = array<i32>} : memref<96x128xf32, #tpu.memory_space<vmem>>, vector<1x16xf32>,
          %get3A_708 = vector.shape_cast %get3A_707 : vector<1x16xf32> to vector<16xf32>
          %get3A_709 = arith.constant 0 : i32
          %get3A_710 = arith.constant 0 : i32
          %get3A_711 = tpu.memref_slice %arg10[%scan3A_479, %get3A_709, %get3A_710] : memref<4x96x128xf32, #tpu.memory_space<vmem>> -> memref<1x96x128xf32, #tpu.memory_space<vmem>>
          %get3A_712 = tpu.memref_squeeze %get3A_711 : memref<1x96x128xf32, #tpu.memory_space<vmem>> -> memref<96x128xf32, #tpu.memory_space<vmem>>
          %get3A_713 = arith.index_cast %add3A_666 : i32 to index
          %get3A_714 = arith.constant 32 : index
          %get3A_715 = tpu.vector_load %get3A_712[%get3A_713, %get3A_714] {strides = array<i32>} : memref<96x128xf32, #tpu.memory_space<vmem>>, vector<1x16xf32>,
          %get3A_716 = vector.shape_cast %get3A_715 : vector<1x16xf32> to vector<16xf32>
          %mul3A_717 = arith.mulf %get3A_708, %get3A_716 : vector<16xf32>
          %get3A_718 = arith.constant 0 : i32
          %get3A_719 = arith.constant 0 : i32
          %get3A_720 = tpu.memref_slice %arg9[%scan3A_478, %get3A_718, %get3A_719] : memref<4x96x128xf32, #tpu.memory_space<vmem>> -> memref<1x96x128xf32, #tpu.memory_space<vmem>>
          %get3A_721 = tpu.memref_squeeze %get3A_720 : memref<1x96x128xf32, #tpu.memory_space<vmem>> -> memref<96x128xf32, #tpu.memory_space<vmem>>
          %get3A_722 = arith.index_cast %add3A_666 : i32 to index
          %get3A_723 = arith.constant 48 : index
          %get3A_724 = tpu.vector_load %get3A_721[%get3A_722, %get3A_723] {strides = array<i32>} : memref<96x128xf32, #tpu.memory_space<vmem>>, vector<1x16xf32>,
          %get3A_725 = vector.shape_cast %get3A_724 : vector<1x16xf32> to vector<16xf32>
          %get3A_726 = arith.constant 0 : i32
          %get3A_727 = arith.constant 0 : i32
          %get3A_728 = tpu.memref_slice %arg10[%scan3A_479, %get3A_726, %get3A_727] : memref<4x96x128xf32, #tpu.memory_space<vmem>> -> memref<1x96x128xf32, #tpu.memory_space<vmem>>
          %get3A_729 = tpu.memref_squeeze %get3A_728 : memref<1x96x128xf32, #tpu.memory_space<vmem>> -> memref<96x128xf32, #tpu.memory_space<vmem>>
          %get3A_730 = arith.index_cast %add3A_666 : i32 to index
          %get3A_731 = arith.constant 48 : index
          %get3A_732 = tpu.vector_load %get3A_729[%get3A_730, %get3A_731] {strides = array<i32>} : memref<96x128xf32, #tpu.memory_space<vmem>>, vector<1x16xf32>,
          %get3A_733 = vector.shape_cast %get3A_732 : vector<1x16xf32> to vector<16xf32>
          %mul3A_734 = arith.mulf %get3A_725, %get3A_733 : vector<16xf32>
          %get3A_735 = arith.constant 0 : i32
          %get3A_736 = arith.constant 0 : i32
          %get3A_737 = tpu.memref_slice %arg9[%scan3A_478, %get3A_735, %get3A_736] : memref<4x96x128xf32, #tpu.memory_space<vmem>> -> memref<1x96x128xf32, #tpu.memory_space<vmem>>
          %get3A_738 = tpu.memref_squeeze %get3A_737 : memref<1x96x128xf32, #tpu.memory_space<vmem>> -> memref<96x128xf32, #tpu.memory_space<vmem>>
          %get3A_739 = arith.index_cast %add3A_666 : i32 to index
          %get3A_740 = arith.constant 64 : index
          %get3A_741 = tpu.vector_load %get3A_738[%get3A_739, %get3A_740] {strides = array<i32>} : memref<96x128xf32, #tpu.memory_space<vmem>>, vector<1x16xf32>,
          %get3A_742 = vector.shape_cast %get3A_741 : vector<1x16xf32> to vector<16xf32>
          %get3A_743 = arith.constant 0 : i32
          %get3A_744 = arith.constant 0 : i32
          %get3A_745 = tpu.memref_slice %arg10[%scan3A_479, %get3A_743, %get3A_744] : memref<4x96x128xf32, #tpu.memory_space<vmem>> -> memref<1x96x128xf32, #tpu.memory_space<vmem>>
          %get3A_746 = tpu.memref_squeeze %get3A_745 : memref<1x96x128xf32, #tpu.memory_space<vmem>> -> memref<96x128xf32, #tpu.memory_space<vmem>>
          %get3A_747 = arith.index_cast %add3A_666 : i32 to index
          %get3A_748 = arith.constant 64 : index
          %get3A_749 = tpu.vector_load %get3A_746[%get3A_747, %get3A_748] {strides = array<i32>} : memref<96x128xf32, #tpu.memory_space<vmem>>, vector<1x16xf32>,
          %get3A_750 = vector.shape_cast %get3A_749 : vector<1x16xf32> to vector<16xf32>
          %mul3A_751 = arith.mulf %get3A_742, %get3A_750 : vector<16xf32>
          %get3A_752 = arith.constant 0 : i32
          %get3A_753 = arith.constant 0 : i32
          %get3A_754 = tpu.memref_slice %arg9[%scan3A_478, %get3A_752, %get3A_753] : memref<4x96x128xf32, #tpu.memory_space<vmem>> -> memref<1x96x128xf32, #tpu.memory_space<vmem>>
          %get3A_755 = tpu.memref_squeeze %get3A_754 : memref<1x96x128xf32, #tpu.memory_space<vmem>> -> memref<96x128xf32, #tpu.memory_space<vmem>>
          %get3A_756 = arith.index_cast %add3A_666 : i32 to index
          %get3A_757 = arith.constant 80 : index
          %get3A_758 = tpu.vector_load %get3A_755[%get3A_756, %get3A_757] {strides = array<i32>} : memref<96x128xf32, #tpu.memory_space<vmem>>, vector<1x16xf32>,
          %get3A_759 = vector.shape_cast %get3A_758 : vector<1x16xf32> to vector<16xf32>
          %get3A_760 = arith.constant 0 : i32
          %get3A_761 = arith.constant 0 : i32
          %get3A_762 = tpu.memref_slice %arg10[%scan3A_479, %get3A_760, %get3A_761] : memref<4x96x128xf32, #tpu.memory_space<vmem>> -> memref<1x96x128xf32, #tpu.memory_space<vmem>>
          %get3A_763 = tpu.memref_squeeze %get3A_762 : memref<1x96x128xf32, #tpu.memory_space<vmem>> -> memref<96x128xf32, #tpu.memory_space<vmem>>
          %get3A_764 = arith.index_cast %add3A_666 : i32 to index
          %get3A_765 = arith.constant 80 : index
          %get3A_766 = tpu.vector_load %get3A_763[%get3A_764, %get3A_765] {strides = array<i32>} : memref<96x128xf32, #tpu.memory_space<vmem>>, vector<1x16xf32>,
          %get3A_767 = vector.shape_cast %get3A_766 : vector<1x16xf32> to vector<16xf32>
          %mul3A_768 = arith.mulf %get3A_759, %get3A_767 : vector<16xf32>
          %get3A_769 = arith.constant 0 : i32
          %get3A_770 = arith.constant 0 : i32
          %get3A_771 = tpu.memref_slice %arg9[%scan3A_478, %get3A_769, %get3A_770] : memref<4x96x128xf32, #tpu.memory_space<vmem>> -> memref<1x96x128xf32, #tpu.memory_space<vmem>>
          %get3A_772 = tpu.memref_squeeze %get3A_771 : memref<1x96x128xf32, #tpu.memory_space<vmem>> -> memref<96x128xf32, #tpu.memory_space<vmem>>
          %get3A_773 = arith.index_cast %add3A_666 : i32 to index
          %get3A_774 = arith.constant 96 : index
          %get3A_775 = tpu.vector_load %get3A_772[%get3A_773, %get3A_774] {strides = array<i32>} : memref<96x128xf32, #tpu.memory_space<vmem>>, vector<1x16xf32>,
          %get3A_776 = vector.shape_cast %get3A_775 : vector<1x16xf32> to vector<16xf32>
          %get3A_777 = arith.constant 0 : i32
          %get3A_778 = arith.constant 0 : i32
          %get3A_779 = tpu.memref_slice %arg10[%scan3A_479, %get3A_777, %get3A_778] : memref<4x96x128xf32, #tpu.memory_space<vmem>> -> memref<1x96x128xf32, #tpu.memory_space<vmem>>
          %get3A_780 = tpu.memref_squeeze %get3A_779 : memref<1x96x128xf32, #tpu.memory_space<vmem>> -> memref<96x128xf32, #tpu.memory_space<vmem>>
          %get3A_781 = arith.index_cast %add3A_666 : i32 to index
          %get3A_782 = arith.constant 96 : index
          %get3A_783 = tpu.vector_load %get3A_780[%get3A_781, %get3A_782] {strides = array<i32>} : memref<96x128xf32, #tpu.memory_space<vmem>>, vector<1x16xf32>,
          %get3A_784 = vector.shape_cast %get3A_783 : vector<1x16xf32> to vector<16xf32>
          %mul3A_785 = arith.mulf %get3A_776, %get3A_784 : vector<16xf32>
          %get3A_786 = arith.constant 0 : i32
          %get3A_787 = arith.constant 0 : i32
          %get3A_788 = tpu.memref_slice %arg9[%scan3A_478, %get3A_786, %get3A_787] : memref<4x96x128xf32, #tpu.memory_space<vmem>> -> memref<1x96x128xf32, #tpu.memory_space<vmem>>
          %get3A_789 = tpu.memref_squeeze %get3A_788 : memref<1x96x128xf32, #tpu.memory_space<vmem>> -> memref<96x128xf32, #tpu.memory_space<vmem>>
          %get3A_790 = arith.index_cast %add3A_666 : i32 to index
          %get3A_791 = arith.constant 112 : index
          %get3A_792 = tpu.vector_load %get3A_789[%get3A_790, %get3A_791] {strides = array<i32>} : memref<96x128xf32, #tpu.memory_space<vmem>>, vector<1x16xf32>,
          %get3A_793 = vector.shape_cast %get3A_792 : vector<1x16xf32> to vector<16xf32>
          %get3A_794 = arith.constant 0 : i32
          %get3A_795 = arith.constant 0 : i32
          %get3A_796 = tpu.memref_slice %arg10[%scan3A_479, %get3A_794, %get3A_795] : memref<4x96x128xf32, #tpu.memory_space<vmem>> -> memref<1x96x128xf32, #tpu.memory_space<vmem>>
          %get3A_797 = tpu.memref_squeeze %get3A_796 : memref<1x96x128xf32, #tpu.memory_space<vmem>> -> memref<96x128xf32, #tpu.memory_space<vmem>>
          %get3A_798 = arith.index_cast %add3A_666 : i32 to index
          %get3A_799 = arith.constant 112 : index
          %get3A_800 = tpu.vector_load %get3A_797[%get3A_798, %get3A_799] {strides = array<i32>} : memref<96x128xf32, #tpu.memory_space<vmem>>, vector<1x16xf32>,
          %get3A_801 = vector.shape_cast %get3A_800 : vector<1x16xf32> to vector<16xf32>
          %mul3A_802 = arith.mulf %get3A_793, %get3A_801 : vector<16xf32>
          %add3A_803 = arith.addf %mul3A_683, %mul3A_700 : vector<16xf32>
          %add3A_804 = arith.addf %mul3A_717, %mul3A_734 : vector<16xf32>
          %add3A_805 = arith.addf %mul3A_751, %mul3A_768 : vector<16xf32>
          %add3A_806 = arith.addf %mul3A_785, %mul3A_802 : vector<16xf32>
          %add3A_807 = arith.addf %add3A_803, %add3A_804 : vector<16xf32>
          %add3A_808 = arith.addf %add3A_805, %add3A_806 : vector<16xf32>
          %add3A_809 = arith.addf %add3A_807, %add3A_808 : vector<16xf32>
          %broadcast_in_dim3A_810 = vector.shape_cast %xor3A_4 : vector<16xi32> to vector<16x1xi32>
          %gather3A_811 = vector.shape_cast %broadcast_in_dim3A_810 : vector<16x1xi32> to vector<16xi32>
          %gather3A_812 = tpu.dynamic_gather %add3A_809[%gather3A_811] in [0] : vector<16xf32>, vector<16xi32> -> vector<16xf32>
          %add3A_813 = arith.addf %add3A_809, %gather3A_812 : vector<16xf32>
          %broadcast_in_dim3A_814 = vector.shape_cast %xor3A_7 : vector<16xi32> to vector<16x1xi32>
          %gather3A_815 = vector.shape_cast %broadcast_in_dim3A_814 : vector<16x1xi32> to vector<16xi32>
          %gather3A_816 = tpu.dynamic_gather %add3A_813[%gather3A_815] in [0] : vector<16xf32>, vector<16xi32> -> vector<16xf32>
          %add3A_817 = arith.addf %add3A_813, %gather3A_816 : vector<16xf32>
          %broadcast_in_dim3A_818 = vector.shape_cast %xor3A_10 : vector<16xi32> to vector<16x1xi32>
          %gather3A_819 = vector.shape_cast %broadcast_in_dim3A_818 : vector<16x1xi32> to vector<16xi32>
          %gather3A_820 = tpu.dynamic_gather %add3A_817[%gather3A_819] in [0] : vector<16xf32>, vector<16xi32> -> vector<16xf32>
          %add3A_821 = arith.addf %add3A_817, %gather3A_820 : vector<16xf32>
          %broadcast_in_dim3A_822 = vector.shape_cast %xor3A_13 : vector<16xi32> to vector<16x1xi32>
          %gather3A_823 = vector.shape_cast %broadcast_in_dim3A_822 : vector<16x1xi32> to vector<16xi32>
          %gather3A_824 = tpu.dynamic_gather %add3A_821[%gather3A_823] in [0] : vector<16xf32>, vector<16xi32> -> vector<16xf32>
          %add3A_825 = arith.addf %add3A_821, %gather3A_824 : vector<16xf32>
          %eq3A_826 = vector.broadcast %scan3A_665 : i32 to vector<16xi32>
          %eq3A_827 = arith.cmpi eq, %iota3A, %eq3A_826 : vector<16xi32>
          %select_n3A_828 = arith.select %eq3A_827, %add3A_825, %select_n3A : vector<16xi1>, vector<16xf32>
          scf.yield %select_n3A_828 : vector<16xf32>
        }
        %scan3A_495 = arith.constant 16 : i32
        %mul3A_496 = arith.constant 96 : i32
        %mul3A_497 = arith.muli %add3A_434, %mul3A_496 : i32
        %add3A_498 = arith.addi %mul3A_497, %mul3A_487 : i32
        %swap3A_499 = arith.index_cast %add3A_498 : i32 to index
        %swap3A_500 = tpu.vector_load %arg11[%swap3A_499] {strides = array<i32>} : memref<10000xf32, #tpu.memory_space<vmem>>, vector<16xf32>,
        %swap3A_501 = vector.shape_cast %swap3A_500 : vector<16xf32> to vector<16xf32>
        %swap3A_502 = vector.shape_cast %scan3A_494 : vector<16xf32> to vector<16xf32>
        tpu.vector_store %arg11[%swap3A_499], %swap3A_502 {strides = array<i32>} : memref<10000xf32, #tpu.memory_space<vmem>>, vector<16xf32>,
      }
      %scan3A_484 = arith.constant 6 : i32
    }
    %scan3A_77 = arith.constant 25 : i32
    %dma_wait3A = arith.constant 0 : i32
    %dma_wait3A_78 = arith.constant 0 : i32
    %dma_wait3A_79 = arith.constant 0 : i32
    %dma_wait3A_80 = tpu.memref_slice %arg9[%dma_wait3A, %dma_wait3A_78, %dma_wait3A_79] : memref<4x96x128xf32, #tpu.memory_space<vmem>> -> memref<1x96x128xf32, #tpu.memory_space<vmem>>
    %dma_wait3A_81 = tpu.memref_squeeze %dma_wait3A_80 : memref<1x96x128xf32, #tpu.memory_space<vmem>> -> memref<96x128xf32, #tpu.memory_space<vmem>>
    %dma_wait3A_82 = arith.constant 0 : i32
    %dma_wait3A_83 = tpu.memref_slice %arg7[%dma_wait3A_82] : memref<10000xi32, #tpu.memory_space<vmem>> -> memref<96xi32, #tpu.memory_space<vmem>>
    %dma_wait3A_84 = arith.constant 0 : i32
    %dma_wait3A_85 = arith.constant 0 : i32
    %dma_wait3A_86 = tpu.memref_slice %arg2[%dma_wait3A_84, %dma_wait3A_85] : memref<100000x128xf32, #tpu.memory_space<hbm>> -> memref<100000x128xf32, #tpu.memory_space<hbm>>
    tpu.wait_indirect_dma semaphore(%arg12 : memref<!tpu.dma_semaphore, #tpu.memory_space<semaphore_mem>>) src(%dma_wait3A_86 : memref<100000x128xf32, #tpu.memory_space<hbm>>) dst(%dma_wait3A_81 : memref<96x128xf32, #tpu.memory_space<vmem>>)
    %dma_wait3A_87 = arith.constant 0 : i32
    %dma_wait3A_88 = arith.constant 0 : i32
    %dma_wait3A_89 = arith.constant 0 : i32
    %dma_wait3A_90 = tpu.memref_slice %arg10[%dma_wait3A_87, %dma_wait3A_88, %dma_wait3A_89] : memref<4x96x128xf32, #tpu.memory_space<vmem>> -> memref<1x96x128xf32, #tpu.memory_space<vmem>>
    %dma_wait3A_91 = tpu.memref_squeeze %dma_wait3A_90 : memref<1x96x128xf32, #tpu.memory_space<vmem>> -> memref<96x128xf32, #tpu.memory_space<vmem>>
    %dma_wait3A_92 = arith.constant 0 : i32
    %dma_wait3A_93 = tpu.memref_slice %arg8[%dma_wait3A_92] : memref<10000xi32, #tpu.memory_space<vmem>> -> memref<96xi32, #tpu.memory_space<vmem>>
    %dma_wait3A_94 = arith.constant 0 : i32
    %dma_wait3A_95 = arith.constant 0 : i32
    %dma_wait3A_96 = tpu.memref_slice %arg3[%dma_wait3A_94, %dma_wait3A_95] : memref<100000x128xf32, #tpu.memory_space<hbm>> -> memref<100000x128xf32, #tpu.memory_space<hbm>>
    tpu.wait_indirect_dma semaphore(%arg16 : memref<!tpu.dma_semaphore, #tpu.memory_space<semaphore_mem>>) src(%dma_wait3A_96 : memref<100000x128xf32, #tpu.memory_space<hbm>>) dst(%dma_wait3A_91 : memref<96x128xf32, #tpu.memory_space<vmem>>)
    %dma_start3A_97 = arith.constant 3 : i32
    %dma_start3A_98 = arith.constant 0 : i32
    %dma_start3A_99 = arith.constant 0 : i32
    %dma_start3A_100 = tpu.memref_slice %arg9[%dma_start3A_97, %dma_start3A_98, %dma_start3A_99] : memref<4x96x128xf32, #tpu.memory_space<vmem>> -> memref<1x96x128xf32, #tpu.memory_space<vmem>>
    %dma_start3A_101 = tpu.memref_squeeze %dma_start3A_100 : memref<1x96x128xf32, #tpu.memory_space<vmem>> -> memref<96x128xf32, #tpu.memory_space<vmem>>
    %dma_start3A_102 = arith.constant 9888 : i32
    %dma_start3A_103 = tpu.memref_slice %arg7[%dma_start3A_102] : memref<10000xi32, #tpu.memory_space<vmem>> -> memref<96xi32, #tpu.memory_space<vmem>>
    %dma_start3A_104 = arith.constant 0 : i32
    %dma_start3A_105 = arith.constant 0 : i32
    %dma_start3A_106 = tpu.memref_slice %arg2[%dma_start3A_104, %dma_start3A_105] : memref<100000x128xf32, #tpu.memory_space<hbm>> -> memref<100000x128xf32, #tpu.memory_space<hbm>>
    tpu.enqueue_indirect_dma source(%dma_start3A_106 : memref<100000x128xf32, #tpu.memory_space<hbm>>) target(%dma_start3A_101 : memref<96x128xf32, #tpu.memory_space<vmem>>) offsets(%dma_start3A_103 : memref<96xi32, #tpu.memory_space<vmem>>) semaphore(%arg15 : memref<!tpu.dma_semaphore, #tpu.memory_space<semaphore_mem>>)
    %dma_start3A_107 = arith.constant 3 : i32
    %dma_start3A_108 = arith.constant 0 : i32
    %dma_start3A_109 = arith.constant 0 : i32
    %dma_start3A_110 = tpu.memref_slice %arg10[%dma_start3A_107, %dma_start3A_108, %dma_start3A_109] : memref<4x96x128xf32, #tpu.memory_space<vmem>> -> memref<1x96x128xf32, #tpu.memory_space<vmem>>
    %dma_start3A_111 = tpu.memref_squeeze %dma_start3A_110 : memref<1x96x128xf32, #tpu.memory_space<vmem>> -> memref<96x128xf32, #tpu.memory_space<vmem>>
    %dma_start3A_112 = arith.constant 9888 : i32
    %dma_start3A_113 = tpu.memref_slice %arg8[%dma_start3A_112] : memref<10000xi32, #tpu.memory_space<vmem>> -> memref<96xi32, #tpu.memory_space<vmem>>
    %dma_start3A_114 = arith.constant 0 : i32
    %dma_start3A_115 = arith.constant 0 : i32
    %dma_start3A_116 = tpu.memref_slice %arg3[%dma_start3A_114, %dma_start3A_115] : memref<100000x128xf32, #tpu.memory_space<hbm>> -> memref<100000x128xf32, #tpu.memory_space<hbm>>
    tpu.enqueue_indirect_dma source(%dma_start3A_116 : memref<100000x128xf32, #tpu.memory_space<hbm>>) target(%dma_start3A_111 : memref<96x128xf32, #tpu.memory_space<vmem>>) offsets(%dma_start3A_113 : memref<96xi32, #tpu.memory_space<vmem>>) semaphore(%arg19 : memref<!tpu.dma_semaphore, #tpu.memory_space<semaphore_mem>>)
    %scan3A_117 = arith.constant 0 : i32
    %scan3A_118 = arith.constant 0 : i32
    %scan3A_119 = arith.constant 0 : i32
    %scan3A_120 = arith.constant 0 : i32
    %scan3A_121 = arith.constant 6 : i32
    %scan3A_122 = arith.addi %scan3A_120, %scan3A_121 : i32
    %scan3A_123 = arith.constant 1 : i32
    scf.for %scan3A_268 = %scan3A_120 to %scan3A_122 step %scan3A_123  : i32 {
      %mul3A_269 = arith.constant 16 : i32
      %mul3A_270 = arith.muli %scan3A_268, %mul3A_269 : i32
      %broadcast_in_dim3A_271 = arith.constant 0.000000e+00 : f32
      %broadcast_in_dim3A_272 = vector.broadcast %broadcast_in_dim3A_271 : f32 to vector<16xf32>
      %scan3A_273 = arith.constant 0 : i32
      %scan3A_274 = arith.constant 16 : i32
      %scan3A_275 = arith.addi %scan3A_273, %scan3A_274 : i32
      %scan3A_276 = arith.constant 2 : i32
      %scan3A_277 = scf.for %scan3A_285 = %scan3A_273 to %scan3A_275 step %scan3A_276 iter_args(%scan3A_286 = %broadcast_in_dim3A_272) -> (vector<16xf32>)  : i32 {
        %add3A_287 = arith.addi %mul3A_270, %scan3A_285 : i32
        %get3A = arith.constant 0 : i32
        %get3A_288 = arith.constant 0 : i32
        %get3A_289 = tpu.memref_slice %arg9[%scan3A_118, %get3A, %get3A_288] : memref<4x96x128xf32, #tpu.memory_space<vmem>> -> memref<1x96x128xf32, #tpu.memory_space<vmem>>
        %get3A_290 = tpu.memref_squeeze %get3A_289 : memref<1x96x128xf32, #tpu.memory_space<vmem>> -> memref<96x128xf32, #tpu.memory_space<vmem>>
        %get3A_291 = arith.index_cast %add3A_287 : i32 to index
        %get3A_292 = arith.constant 0 : index
        %get3A_293 = tpu.vector_load %get3A_290[%get3A_291, %get3A_292] {strides = array<i32>} : memref<96x128xf32, #tpu.memory_space<vmem>>, vector<1x16xf32>,
        %get3A_294 = vector.shape_cast %get3A_293 : vector<1x16xf32> to vector<16xf32>
        %get3A_295 = arith.constant 0 : i32
        %get3A_296 = arith.constant 0 : i32
        %get3A_297 = tpu.memref_slice %arg10[%scan3A_119, %get3A_295, %get3A_296] : memref<4x96x128xf32, #tpu.memory_space<vmem>> -> memref<1x96x128xf32, #tpu.memory_space<vmem>>
        %get3A_298 = tpu.memref_squeeze %get3A_297 : memref<1x96x128xf32, #tpu.memory_space<vmem>> -> memref<96x128xf32, #tpu.memory_space<vmem>>
        %get3A_299 = arith.index_cast %add3A_287 : i32 to index
        %get3A_300 = arith.constant 0 : index
        %get3A_301 = tpu.vector_load %get3A_298[%get3A_299, %get3A_300] {strides = array<i32>} : memref<96x128xf32, #tpu.memory_space<vmem>>, vector<1x16xf32>,
        %get3A_302 = vector.shape_cast %get3A_301 : vector<1x16xf32> to vector<16xf32>
        %mul3A_303 = arith.mulf %get3A_294, %get3A_302 : vector<16xf32>
        %get3A_304 = arith.constant 0 : i32
        %get3A_305 = arith.constant 0 : i32
        %get3A_306 = tpu.memref_slice %arg9[%scan3A_118, %get3A_304, %get3A_305] : memref<4x96x128xf32, #tpu.memory_space<vmem>> -> memref<1x96x128xf32, #tpu.memory_space<vmem>>
        %get3A_307 = tpu.memref_squeeze %get3A_306 : memref<1x96x128xf32, #tpu.memory_space<vmem>> -> memref<96x128xf32, #tpu.memory_space<vmem>>
        %get3A_308 = arith.index_cast %add3A_287 : i32 to index
        %get3A_309 = arith.constant 16 : index
        %get3A_310 = tpu.vector_load %get3A_307[%get3A_308, %get3A_309] {strides = array<i32>} : memref<96x128xf32, #tpu.memory_space<vmem>>, vector<1x16xf32>,
        %get3A_311 = vector.shape_cast %get3A_310 : vector<1x16xf32> to vector<16xf32>
        %get3A_312 = arith.constant 0 : i32
        %get3A_313 = arith.constant 0 : i32
        %get3A_314 = tpu.memref_slice %arg10[%scan3A_119, %get3A_312, %get3A_313] : memref<4x96x128xf32, #tpu.memory_space<vmem>> -> memref<1x96x128xf32, #tpu.memory_space<vmem>>
        %get3A_315 = tpu.memref_squeeze %get3A_314 : memref<1x96x128xf32, #tpu.memory_space<vmem>> -> memref<96x128xf32, #tpu.memory_space<vmem>>
        %get3A_316 = arith.index_cast %add3A_287 : i32 to index
        %get3A_317 = arith.constant 16 : index
        %get3A_318 = tpu.vector_load %get3A_315[%get3A_316, %get3A_317] {strides = array<i32>} : memref<96x128xf32, #tpu.memory_space<vmem>>, vector<1x16xf32>,
        %get3A_319 = vector.shape_cast %get3A_318 : vector<1x16xf32> to vector<16xf32>
        %mul3A_320 = arith.mulf %get3A_311, %get3A_319 : vector<16xf32>
        %get3A_321 = arith.constant 0 : i32
        %get3A_322 = arith.constant 0 : i32
        %get3A_323 = tpu.memref_slice %arg9[%scan3A_118, %get3A_321, %get3A_322] : memref<4x96x128xf32, #tpu.memory_space<vmem>> -> memref<1x96x128xf32, #tpu.memory_space<vmem>>
        %get3A_324 = tpu.memref_squeeze %get3A_323 : memref<1x96x128xf32, #tpu.memory_space<vmem>> -> memref<96x128xf32, #tpu.memory_space<vmem>>
        %get3A_325 = arith.index_cast %add3A_287 : i32 to index
        %get3A_326 = arith.constant 32 : index
        %get3A_327 = tpu.vector_load %get3A_324[%get3A_325, %get3A_326] {strides = array<i32>} : memref<96x128xf32, #tpu.memory_space<vmem>>, vector<1x16xf32>,
        %get3A_328 = vector.shape_cast %get3A_327 : vector<1x16xf32> to vector<16xf32>
        %get3A_329 = arith.constant 0 : i32
        %get3A_330 = arith.constant 0 : i32
        %get3A_331 = tpu.memref_slice %arg10[%scan3A_119, %get3A_329, %get3A_330] : memref<4x96x128xf32, #tpu.memory_space<vmem>> -> memref<1x96x128xf32, #tpu.memory_space<vmem>>
        %get3A_332 = tpu.memref_squeeze %get3A_331 : memref<1x96x128xf32, #tpu.memory_space<vmem>> -> memref<96x128xf32, #tpu.memory_space<vmem>>
        %get3A_333 = arith.index_cast %add3A_287 : i32 to index
        %get3A_334 = arith.constant 32 : index
        %get3A_335 = tpu.vector_load %get3A_332[%get3A_333, %get3A_334] {strides = array<i32>} : memref<96x128xf32, #tpu.memory_space<vmem>>, vector<1x16xf32>,
        %get3A_336 = vector.shape_cast %get3A_335 : vector<1x16xf32> to vector<16xf32>
        %mul3A_337 = arith.mulf %get3A_328, %get3A_336 : vector<16xf32>
        %get3A_338 = arith.constant 0 : i32
        %get3A_339 = arith.constant 0 : i32
        %get3A_340 = tpu.memref_slice %arg9[%scan3A_118, %get3A_338, %get3A_339] : memref<4x96x128xf32, #tpu.memory_space<vmem>> -> memref<1x96x128xf32, #tpu.memory_space<vmem>>
        %get3A_341 = tpu.memref_squeeze %get3A_340 : memref<1x96x128xf32, #tpu.memory_space<vmem>> -> memref<96x128xf32, #tpu.memory_space<vmem>>
        %get3A_342 = arith.index_cast %add3A_287 : i32 to index
        %get3A_343 = arith.constant 48 : index
        %get3A_344 = tpu.vector_load %get3A_341[%get3A_342, %get3A_343] {strides = array<i32>} : memref<96x128xf32, #tpu.memory_space<vmem>>, vector<1x16xf32>,
        %get3A_345 = vector.shape_cast %get3A_344 : vector<1x16xf32> to vector<16xf32>
        %get3A_346 = arith.constant 0 : i32
        %get3A_347 = arith.constant 0 : i32
        %get3A_348 = tpu.memref_slice %arg10[%scan3A_119, %get3A_346, %get3A_347] : memref<4x96x128xf32, #tpu.memory_space<vmem>> -> memref<1x96x128xf32, #tpu.memory_space<vmem>>
        %get3A_349 = tpu.memref_squeeze %get3A_348 : memref<1x96x128xf32, #tpu.memory_space<vmem>> -> memref<96x128xf32, #tpu.memory_space<vmem>>
        %get3A_350 = arith.index_cast %add3A_287 : i32 to index
        %get3A_351 = arith.constant 48 : index
        %get3A_352 = tpu.vector_load %get3A_349[%get3A_350, %get3A_351] {strides = array<i32>} : memref<96x128xf32, #tpu.memory_space<vmem>>, vector<1x16xf32>,
        %get3A_353 = vector.shape_cast %get3A_352 : vector<1x16xf32> to vector<16xf32>
        %mul3A_354 = arith.mulf %get3A_345, %get3A_353 : vector<16xf32>
        %get3A_355 = arith.constant 0 : i32
        %get3A_356 = arith.constant 0 : i32
        %get3A_357 = tpu.memref_slice %arg9[%scan3A_118, %get3A_355, %get3A_356] : memref<4x96x128xf32, #tpu.memory_space<vmem>> -> memref<1x96x128xf32, #tpu.memory_space<vmem>>
        %get3A_358 = tpu.memref_squeeze %get3A_357 : memref<1x96x128xf32, #tpu.memory_space<vmem>> -> memref<96x128xf32, #tpu.memory_space<vmem>>
        %get3A_359 = arith.index_cast %add3A_287 : i32 to index
        %get3A_360 = arith.constant 64 : index
        %get3A_361 = tpu.vector_load %get3A_358[%get3A_359, %get3A_360] {strides = array<i32>} : memref<96x128xf32, #tpu.memory_space<vmem>>, vector<1x16xf32>,
        %get3A_362 = vector.shape_cast %get3A_361 : vector<1x16xf32> to vector<16xf32>
        %get3A_363 = arith.constant 0 : i32
        %get3A_364 = arith.constant 0 : i32
        %get3A_365 = tpu.memref_slice %arg10[%scan3A_119, %get3A_363, %get3A_364] : memref<4x96x128xf32, #tpu.memory_space<vmem>> -> memref<1x96x128xf32, #tpu.memory_space<vmem>>
        %get3A_366 = tpu.memref_squeeze %get3A_365 : memref<1x96x128xf32, #tpu.memory_space<vmem>> -> memref<96x128xf32, #tpu.memory_space<vmem>>
        %get3A_367 = arith.index_cast %add3A_287 : i32 to index
        %get3A_368 = arith.constant 64 : index
        %get3A_369 = tpu.vector_load %get3A_366[%get3A_367, %get3A_368] {strides = array<i32>} : memref<96x128xf32, #tpu.memory_space<vmem>>, vector<1x16xf32>,
        %get3A_370 = vector.shape_cast %get3A_369 : vector<1x16xf32> to vector<16xf32>
        %mul3A_371 = arith.mulf %get3A_362, %get3A_370 : vector<16xf32>
        %get3A_372 = arith.constant 0 : i32
        %get3A_373 = arith.constant 0 : i32
        %get3A_374 = tpu.memref_slice %arg9[%scan3A_118, %get3A_372, %get3A_373] : memref<4x96x128xf32, #tpu.memory_space<vmem>> -> memref<1x96x128xf32, #tpu.memory_space<vmem>>
        %get3A_375 = tpu.memref_squeeze %get3A_374 : memref<1x96x128xf32, #tpu.memory_space<vmem>> -> memref<96x128xf32, #tpu.memory_space<vmem>>
        %get3A_376 = arith.index_cast %add3A_287 : i32 to index
        %get3A_377 = arith.constant 80 : index
        %get3A_378 = tpu.vector_load %get3A_375[%get3A_376, %get3A_377] {strides = array<i32>} : memref<96x128xf32, #tpu.memory_space<vmem>>, vector<1x16xf32>,
        %get3A_379 = vector.shape_cast %get3A_378 : vector<1x16xf32> to vector<16xf32>
        %get3A_380 = arith.constant 0 : i32
        %get3A_381 = arith.constant 0 : i32
        %get3A_382 = tpu.memref_slice %arg10[%scan3A_119, %get3A_380, %get3A_381] : memref<4x96x128xf32, #tpu.memory_space<vmem>> -> memref<1x96x128xf32, #tpu.memory_space<vmem>>
        %get3A_383 = tpu.memref_squeeze %get3A_382 : memref<1x96x128xf32, #tpu.memory_space<vmem>> -> memref<96x128xf32, #tpu.memory_space<vmem>>
        %get3A_384 = arith.index_cast %add3A_287 : i32 to index
        %get3A_385 = arith.constant 80 : index
        %get3A_386 = tpu.vector_load %get3A_383[%get3A_384, %get3A_385] {strides = array<i32>} : memref<96x128xf32, #tpu.memory_space<vmem>>, vector<1x16xf32>,
        %get3A_387 = vector.shape_cast %get3A_386 : vector<1x16xf32> to vector<16xf32>
        %mul3A_388 = arith.mulf %get3A_379, %get3A_387 : vector<16xf32>
        %get3A_389 = arith.constant 0 : i32
        %get3A_390 = arith.constant 0 : i32
        %get3A_391 = tpu.memref_slice %arg9[%scan3A_118, %get3A_389, %get3A_390] : memref<4x96x128xf32, #tpu.memory_space<vmem>> -> memref<1x96x128xf32, #tpu.memory_space<vmem>>
        %get3A_392 = tpu.memref_squeeze %get3A_391 : memref<1x96x128xf32, #tpu.memory_space<vmem>> -> memref<96x128xf32, #tpu.memory_space<vmem>>
        %get3A_393 = arith.index_cast %add3A_287 : i32 to index
        %get3A_394 = arith.constant 96 : index
        %get3A_395 = tpu.vector_load %get3A_392[%get3A_393, %get3A_394] {strides = array<i32>} : memref<96x128xf32, #tpu.memory_space<vmem>>, vector<1x16xf32>,
        %get3A_396 = vector.shape_cast %get3A_395 : vector<1x16xf32> to vector<16xf32>
        %get3A_397 = arith.constant 0 : i32
        %get3A_398 = arith.constant 0 : i32
        %get3A_399 = tpu.memref_slice %arg10[%scan3A_119, %get3A_397, %get3A_398] : memref<4x96x128xf32, #tpu.memory_space<vmem>> -> memref<1x96x128xf32, #tpu.memory_space<vmem>>
        %get3A_400 = tpu.memref_squeeze %get3A_399 : memref<1x96x128xf32, #tpu.memory_space<vmem>> -> memref<96x128xf32, #tpu.memory_space<vmem>>
        %get3A_401 = arith.index_cast %add3A_287 : i32 to index
        %get3A_402 = arith.constant 96 : index
        %get3A_403 = tpu.vector_load %get3A_400[%get3A_401, %get3A_402] {strides = array<i32>} : memref<96x128xf32, #tpu.memory_space<vmem>>, vector<1x16xf32>,
        %get3A_404 = vector.shape_cast %get3A_403 : vector<1x16xf32> to vector<16xf32>
        %mul3A_405 = arith.mulf %get3A_396, %get3A_404 : vector<16xf32>
        %get3A_406 = arith.constant 0 : i32
        %get3A_407 = arith.constant 0 : i32
        %get3A_408 = tpu.memref_slice %arg9[%scan3A_118, %get3A_406, %get3A_407] : memref<4x96x128xf32, #tpu.memory_space<vmem>> -> memref<1x96x128xf32, #tpu.memory_space<vmem>>
        %get3A_409 = tpu.memref_squeeze %get3A_408 : memref<1x96x128xf32, #tpu.memory_space<vmem>> -> memref<96x128xf32, #tpu.memory_space<vmem>>
        %get3A_410 = arith.index_cast %add3A_287 : i32 to index
        %get3A_411 = arith.constant 112 : index
        %get3A_412 = tpu.vector_load %get3A_409[%get3A_410, %get3A_411] {strides = array<i32>} : memref<96x128xf32, #tpu.memory_space<vmem>>, vector<1x16xf32>,
        %get3A_413 = vector.shape_cast %get3A_412 : vector<1x16xf32> to vector<16xf32>
        %get3A_414 = arith.constant 0 : i32
        %get3A_415 = arith.constant 0 : i32
        %get3A_416 = tpu.memref_slice %arg10[%scan3A_119, %get3A_414, %get3A_415] : memref<4x96x128xf32, #tpu.memory_space<vmem>> -> memref<1x96x128xf32, #tpu.memory_space<vmem>>
        %get3A_417 = tpu.memref_squeeze %get3A_416 : memref<1x96x128xf32, #tpu.memory_space<vmem>> -> memref<96x128xf32, #tpu.memory_space<vmem>>
        %get3A_418 = arith.index_cast %add3A_287 : i32 to index
        %get3A_419 = arith.constant 112 : index
        %get3A_420 = tpu.vector_load %get3A_417[%get3A_418, %get3A_419] {strides = array<i32>} : memref<96x128xf32, #tpu.memory_space<vmem>>, vector<1x16xf32>,
        %get3A_421 = vector.shape_cast %get3A_420 : vector<1x16xf32> to vector<16xf32>
        %mul3A_422 = arith.mulf %get3A_413, %get3A_421 : vector<16xf32>
        %add3A_423 = arith.addf %mul3A_303, %mul3A_320 : vector<16xf32>
        %add3A_424 = arith.addf %mul3A_337, %mul3A_354 : vector<16xf32>
        %add3A_425 = arith.addf %mul3A_371, %mul3A_388 : vector<16xf32>
        %add3A_426 = arith.addf %mul3A_405, %mul3A_422 : vector<16xf32>
        %add3A_427 = arith.addf %add3A_423, %add3A_424 : vector<16xf32>
        %add3A_428 = arith.addf %add3A_425, %add3A_426 : vector<16xf32>
        %add3A_429 = arith.addf %add3A_427, %add3A_428 : vector<16xf32>
        %broadcast_in_dim3A_430 = vector.shape_cast %xor3A_4 : vector<16xi32> to vector<16x1xi32>
        %gather3A = vector.shape_cast %broadcast_in_dim3A_430 : vector<16x1xi32> to vector<16xi32>
        %gather3A_431 = tpu.dynamic_gather %add3A_429[%gather3A] in [0] : vector<16xf32>, vector<16xi32> -> vector<16xf32>
        %add3A_432 = arith.addf %add3A_429, %gather3A_431 : vector<16xf32>
        %broadcast_in_dim3A_433 = vector.shape_cast %xor3A_7 : vector<16xi32> to vector<16x1xi32>
        %gather3A_434 = vector.shape_cast %broadcast_in_dim3A_433 : vector<16x1xi32> to vector<16xi32>
        %gather3A_435 = tpu.dynamic_gather %add3A_432[%gather3A_434] in [0] : vector<16xf32>, vector<16xi32> -> vector<16xf32>
        %add3A_436 = arith.addf %add3A_432, %gather3A_435 : vector<16xf32>
        %broadcast_in_dim3A_437 = vector.shape_cast %xor3A_10 : vector<16xi32> to vector<16x1xi32>
        %gather3A_438 = vector.shape_cast %broadcast_in_dim3A_437 : vector<16x1xi32> to vector<16xi32>
        %gather3A_439 = tpu.dynamic_gather %add3A_436[%gather3A_438] in [0] : vector<16xf32>, vector<16xi32> -> vector<16xf32>
        %add3A_440 = arith.addf %add3A_436, %gather3A_439 : vector<16xf32>
        %broadcast_in_dim3A_441 = vector.shape_cast %xor3A_13 : vector<16xi32> to vector<16x1xi32>
        %gather3A_442 = vector.shape_cast %broadcast_in_dim3A_441 : vector<16x1xi32> to vector<16xi32>
        %gather3A_443 = tpu.dynamic_gather %add3A_440[%gather3A_442] in [0] : vector<16xf32>, vector<16xi32> -> vector<16xf32>
        %add3A_444 = arith.addf %add3A_440, %gather3A_443 : vector<16xf32>
        %eq3A = vector.broadcast %scan3A_285 : i32 to vector<16xi32>
        %eq3A_445 = arith.cmpi eq, %iota3A, %eq3A : vector<16xi32>
        %select_n3A = arith.select %eq3A_445, %add3A_444, %scan3A_286 : vector<16xi1>, vector<16xf32>
        %scan3A_446 = arith.constant 1 : i32
        %scan3A_447 = arith.addi %scan3A_285, %scan3A_446 : i32
        %add3A_448 = arith.addi %mul3A_270, %scan3A_447 : i32
        %get3A_449 = arith.constant 0 : i32
        %get3A_450 = arith.constant 0 : i32
        %get3A_451 = tpu.memref_slice %arg9[%scan3A_118, %get3A_449, %get3A_450] : memref<4x96x128xf32, #tpu.memory_space<vmem>> -> memref<1x96x128xf32, #tpu.memory_space<vmem>>
        %get3A_452 = tpu.memref_squeeze %get3A_451 : memref<1x96x128xf32, #tpu.memory_space<vmem>> -> memref<96x128xf32, #tpu.memory_space<vmem>>
        %get3A_453 = arith.index_cast %add3A_448 : i32 to index
        %get3A_454 = arith.constant 0 : index
        %get3A_455 = tpu.vector_load %get3A_452[%get3A_453, %get3A_454] {strides = array<i32>} : memref<96x128xf32, #tpu.memory_space<vmem>>, vector<1x16xf32>,
        %get3A_456 = vector.shape_cast %get3A_455 : vector<1x16xf32> to vector<16xf32>
        %get3A_457 = arith.constant 0 : i32
        %get3A_458 = arith.constant 0 : i32
        %get3A_459 = tpu.memref_slice %arg10[%scan3A_119, %get3A_457, %get3A_458] : memref<4x96x128xf32, #tpu.memory_space<vmem>> -> memref<1x96x128xf32, #tpu.memory_space<vmem>>
        %get3A_460 = tpu.memref_squeeze %get3A_459 : memref<1x96x128xf32, #tpu.memory_space<vmem>> -> memref<96x128xf32, #tpu.memory_space<vmem>>
        %get3A_461 = arith.index_cast %add3A_448 : i32 to index
        %get3A_462 = arith.constant 0 : index
        %get3A_463 = tpu.vector_load %get3A_460[%get3A_461, %get3A_462] {strides = array<i32>} : memref<96x128xf32, #tpu.memory_space<vmem>>, vector<1x16xf32>,
        %get3A_464 = vector.shape_cast %get3A_463 : vector<1x16xf32> to vector<16xf32>
        %mul3A_465 = arith.mulf %get3A_456, %get3A_464 : vector<16xf32>
        %get3A_466 = arith.constant 0 : i32
        %get3A_467 = arith.constant 0 : i32
        %get3A_468 = tpu.memref_slice %arg9[%scan3A_118, %get3A_466, %get3A_467] : memref<4x96x128xf32, #tpu.memory_space<vmem>> -> memref<1x96x128xf32, #tpu.memory_space<vmem>>
        %get3A_469 = tpu.memref_squeeze %get3A_468 : memref<1x96x128xf32, #tpu.memory_space<vmem>> -> memref<96x128xf32, #tpu.memory_space<vmem>>
        %get3A_470 = arith.index_cast %add3A_448 : i32 to index
        %get3A_471 = arith.constant 16 : index
        %get3A_472 = tpu.vector_load %get3A_469[%get3A_470, %get3A_471] {strides = array<i32>} : memref<96x128xf32, #tpu.memory_space<vmem>>, vector<1x16xf32>,
        %get3A_473 = vector.shape_cast %get3A_472 : vector<1x16xf32> to vector<16xf32>
        %get3A_474 = arith.constant 0 : i32
        %get3A_475 = arith.constant 0 : i32
        %get3A_476 = tpu.memref_slice %arg10[%scan3A_119, %get3A_474, %get3A_475] : memref<4x96x128xf32, #tpu.memory_space<vmem>> -> memref<1x96x128xf32, #tpu.memory_space<vmem>>
        %get3A_477 = tpu.memref_squeeze %get3A_476 : memref<1x96x128xf32, #tpu.memory_space<vmem>> -> memref<96x128xf32, #tpu.memory_space<vmem>>
        %get3A_478 = arith.index_cast %add3A_448 : i32 to index
        %get3A_479 = arith.constant 16 : index
        %get3A_480 = tpu.vector_load %get3A_477[%get3A_478, %get3A_479] {strides = array<i32>} : memref<96x128xf32, #tpu.memory_space<vmem>>, vector<1x16xf32>,
        %get3A_481 = vector.shape_cast %get3A_480 : vector<1x16xf32> to vector<16xf32>
        %mul3A_482 = arith.mulf %get3A_473, %get3A_481 : vector<16xf32>
        %get3A_483 = arith.constant 0 : i32
        %get3A_484 = arith.constant 0 : i32
        %get3A_485 = tpu.memref_slice %arg9[%scan3A_118, %get3A_483, %get3A_484] : memref<4x96x128xf32, #tpu.memory_space<vmem>> -> memref<1x96x128xf32, #tpu.memory_space<vmem>>
        %get3A_486 = tpu.memref_squeeze %get3A_485 : memref<1x96x128xf32, #tpu.memory_space<vmem>> -> memref<96x128xf32, #tpu.memory_space<vmem>>
        %get3A_487 = arith.index_cast %add3A_448 : i32 to index
        %get3A_488 = arith.constant 32 : index
        %get3A_489 = tpu.vector_load %get3A_486[%get3A_487, %get3A_488] {strides = array<i32>} : memref<96x128xf32, #tpu.memory_space<vmem>>, vector<1x16xf32>,
        %get3A_490 = vector.shape_cast %get3A_489 : vector<1x16xf32> to vector<16xf32>
        %get3A_491 = arith.constant 0 : i32
        %get3A_492 = arith.constant 0 : i32
        %get3A_493 = tpu.memref_slice %arg10[%scan3A_119, %get3A_491, %get3A_492] : memref<4x96x128xf32, #tpu.memory_space<vmem>> -> memref<1x96x128xf32, #tpu.memory_space<vmem>>
        %get3A_494 = tpu.memref_squeeze %get3A_493 : memref<1x96x128xf32, #tpu.memory_space<vmem>> -> memref<96x128xf32, #tpu.memory_space<vmem>>
        %get3A_495 = arith.index_cast %add3A_448 : i32 to index
        %get3A_496 = arith.constant 32 : index
        %get3A_497 = tpu.vector_load %get3A_494[%get3A_495, %get3A_496] {strides = array<i32>} : memref<96x128xf32, #tpu.memory_space<vmem>>, vector<1x16xf32>,
        %get3A_498 = vector.shape_cast %get3A_497 : vector<1x16xf32> to vector<16xf32>
        %mul3A_499 = arith.mulf %get3A_490, %get3A_498 : vector<16xf32>
        %get3A_500 = arith.constant 0 : i32
        %get3A_501 = arith.constant 0 : i32
        %get3A_502 = tpu.memref_slice %arg9[%scan3A_118, %get3A_500, %get3A_501] : memref<4x96x128xf32, #tpu.memory_space<vmem>> -> memref<1x96x128xf32, #tpu.memory_space<vmem>>
        %get3A_503 = tpu.memref_squeeze %get3A_502 : memref<1x96x128xf32, #tpu.memory_space<vmem>> -> memref<96x128xf32, #tpu.memory_space<vmem>>
        %get3A_504 = arith.index_cast %add3A_448 : i32 to index
        %get3A_505 = arith.constant 48 : index
        %get3A_506 = tpu.vector_load %get3A_503[%get3A_504, %get3A_505] {strides = array<i32>} : memref<96x128xf32, #tpu.memory_space<vmem>>, vector<1x16xf32>,
        %get3A_507 = vector.shape_cast %get3A_506 : vector<1x16xf32> to vector<16xf32>
        %get3A_508 = arith.constant 0 : i32
        %get3A_509 = arith.constant 0 : i32
        %get3A_510 = tpu.memref_slice %arg10[%scan3A_119, %get3A_508, %get3A_509] : memref<4x96x128xf32, #tpu.memory_space<vmem>> -> memref<1x96x128xf32, #tpu.memory_space<vmem>>
        %get3A_511 = tpu.memref_squeeze %get3A_510 : memref<1x96x128xf32, #tpu.memory_space<vmem>> -> memref<96x128xf32, #tpu.memory_space<vmem>>
        %get3A_512 = arith.index_cast %add3A_448 : i32 to index
        %get3A_513 = arith.constant 48 : index
        %get3A_514 = tpu.vector_load %get3A_511[%get3A_512, %get3A_513] {strides = array<i32>} : memref<96x128xf32, #tpu.memory_space<vmem>>, vector<1x16xf32>,
        %get3A_515 = vector.shape_cast %get3A_514 : vector<1x16xf32> to vector<16xf32>
        %mul3A_516 = arith.mulf %get3A_507, %get3A_515 : vector<16xf32>
        %get3A_517 = arith.constant 0 : i32
        %get3A_518 = arith.constant 0 : i32
        %get3A_519 = tpu.memref_slice %arg9[%scan3A_118, %get3A_517, %get3A_518] : memref<4x96x128xf32, #tpu.memory_space<vmem>> -> memref<1x96x128xf32, #tpu.memory_space<vmem>>
        %get3A_520 = tpu.memref_squeeze %get3A_519 : memref<1x96x128xf32, #tpu.memory_space<vmem>> -> memref<96x128xf32, #tpu.memory_space<vmem>>
        %get3A_521 = arith.index_cast %add3A_448 : i32 to index
        %get3A_522 = arith.constant 64 : index
        %get3A_523 = tpu.vector_load %get3A_520[%get3A_521, %get3A_522] {strides = array<i32>} : memref<96x128xf32, #tpu.memory_space<vmem>>, vector<1x16xf32>,
        %get3A_524 = vector.shape_cast %get3A_523 : vector<1x16xf32> to vector<16xf32>
        %get3A_525 = arith.constant 0 : i32
        %get3A_526 = arith.constant 0 : i32
        %get3A_527 = tpu.memref_slice %arg10[%scan3A_119, %get3A_525, %get3A_526] : memref<4x96x128xf32, #tpu.memory_space<vmem>> -> memref<1x96x128xf32, #tpu.memory_space<vmem>>
        %get3A_528 = tpu.memref_squeeze %get3A_527 : memref<1x96x128xf32, #tpu.memory_space<vmem>> -> memref<96x128xf32, #tpu.memory_space<vmem>>
        %get3A_529 = arith.index_cast %add3A_448 : i32 to index
        %get3A_530 = arith.constant 64 : index
        %get3A_531 = tpu.vector_load %get3A_528[%get3A_529, %get3A_530] {strides = array<i32>} : memref<96x128xf32, #tpu.memory_space<vmem>>, vector<1x16xf32>,
        %get3A_532 = vector.shape_cast %get3A_531 : vector<1x16xf32> to vector<16xf32>
        %mul3A_533 = arith.mulf %get3A_524, %get3A_532 : vector<16xf32>
        %get3A_534 = arith.constant 0 : i32
        %get3A_535 = arith.constant 0 : i32
        %get3A_536 = tpu.memref_slice %arg9[%scan3A_118, %get3A_534, %get3A_535] : memref<4x96x128xf32, #tpu.memory_space<vmem>> -> memref<1x96x128xf32, #tpu.memory_space<vmem>>
        %get3A_537 = tpu.memref_squeeze %get3A_536 : memref<1x96x128xf32, #tpu.memory_space<vmem>> -> memref<96x128xf32, #tpu.memory_space<vmem>>
        %get3A_538 = arith.index_cast %add3A_448 : i32 to index
        %get3A_539 = arith.constant 80 : index
        %get3A_540 = tpu.vector_load %get3A_537[%get3A_538, %get3A_539] {strides = array<i32>} : memref<96x128xf32, #tpu.memory_space<vmem>>, vector<1x16xf32>,
        %get3A_541 = vector.shape_cast %get3A_540 : vector<1x16xf32> to vector<16xf32>
        %get3A_542 = arith.constant 0 : i32
        %get3A_543 = arith.constant 0 : i32
        %get3A_544 = tpu.memref_slice %arg10[%scan3A_119, %get3A_542, %get3A_543] : memref<4x96x128xf32, #tpu.memory_space<vmem>> -> memref<1x96x128xf32, #tpu.memory_space<vmem>>
        %get3A_545 = tpu.memref_squeeze %get3A_544 : memref<1x96x128xf32, #tpu.memory_space<vmem>> -> memref<96x128xf32, #tpu.memory_space<vmem>>
        %get3A_546 = arith.index_cast %add3A_448 : i32 to index
        %get3A_547 = arith.constant 80 : index
        %get3A_548 = tpu.vector_load %get3A_545[%get3A_546, %get3A_547] {strides = array<i32>} : memref<96x128xf32, #tpu.memory_space<vmem>>, vector<1x16xf32>,
        %get3A_549 = vector.shape_cast %get3A_548 : vector<1x16xf32> to vector<16xf32>
        %mul3A_550 = arith.mulf %get3A_541, %get3A_549 : vector<16xf32>
        %get3A_551 = arith.constant 0 : i32
        %get3A_552 = arith.constant 0 : i32
        %get3A_553 = tpu.memref_slice %arg9[%scan3A_118, %get3A_551, %get3A_552] : memref<4x96x128xf32, #tpu.memory_space<vmem>> -> memref<1x96x128xf32, #tpu.memory_space<vmem>>
        %get3A_554 = tpu.memref_squeeze %get3A_553 : memref<1x96x128xf32, #tpu.memory_space<vmem>> -> memref<96x128xf32, #tpu.memory_space<vmem>>
        %get3A_555 = arith.index_cast %add3A_448 : i32 to index
        %get3A_556 = arith.constant 96 : index
        %get3A_557 = tpu.vector_load %get3A_554[%get3A_555, %get3A_556] {strides = array<i32>} : memref<96x128xf32, #tpu.memory_space<vmem>>, vector<1x16xf32>,
        %get3A_558 = vector.shape_cast %get3A_557 : vector<1x16xf32> to vector<16xf32>
        %get3A_559 = arith.constant 0 : i32
        %get3A_560 = arith.constant 0 : i32
        %get3A_561 = tpu.memref_slice %arg10[%scan3A_119, %get3A_559, %get3A_560] : memref<4x96x128xf32, #tpu.memory_space<vmem>> -> memref<1x96x128xf32, #tpu.memory_space<vmem>>
        %get3A_562 = tpu.memref_squeeze %get3A_561 : memref<1x96x128xf32, #tpu.memory_space<vmem>> -> memref<96x128xf32, #tpu.memory_space<vmem>>
        %get3A_563 = arith.index_cast %add3A_448 : i32 to index
        %get3A_564 = arith.constant 96 : index
        %get3A_565 = tpu.vector_load %get3A_562[%get3A_563, %get3A_564] {strides = array<i32>} : memref<96x128xf32, #tpu.memory_space<vmem>>, vector<1x16xf32>,
        %get3A_566 = vector.shape_cast %get3A_565 : vector<1x16xf32> to vector<16xf32>
        %mul3A_567 = arith.mulf %get3A_558, %get3A_566 : vector<16xf32>
        %get3A_568 = arith.constant 0 : i32
        %get3A_569 = arith.constant 0 : i32
        %get3A_570 = tpu.memref_slice %arg9[%scan3A_118, %get3A_568, %get3A_569] : memref<4x96x128xf32, #tpu.memory_space<vmem>> -> memref<1x96x128xf32, #tpu.memory_space<vmem>>
        %get3A_571 = tpu.memref_squeeze %get3A_570 : memref<1x96x128xf32, #tpu.memory_space<vmem>> -> memref<96x128xf32, #tpu.memory_space<vmem>>
        %get3A_572 = arith.index_cast %add3A_448 : i32 to index
        %get3A_573 = arith.constant 112 : index
        %get3A_574 = tpu.vector_load %get3A_571[%get3A_572, %get3A_573] {strides = array<i32>} : memref<96x128xf32, #tpu.memory_space<vmem>>, vector<1x16xf32>,
        %get3A_575 = vector.shape_cast %get3A_574 : vector<1x16xf32> to vector<16xf32>
        %get3A_576 = arith.constant 0 : i32
        %get3A_577 = arith.constant 0 : i32
        %get3A_578 = tpu.memref_slice %arg10[%scan3A_119, %get3A_576, %get3A_577] : memref<4x96x128xf32, #tpu.memory_space<vmem>> -> memref<1x96x128xf32, #tpu.memory_space<vmem>>
        %get3A_579 = tpu.memref_squeeze %get3A_578 : memref<1x96x128xf32, #tpu.memory_space<vmem>> -> memref<96x128xf32, #tpu.memory_space<vmem>>
        %get3A_580 = arith.index_cast %add3A_448 : i32 to index
        %get3A_581 = arith.constant 112 : index
        %get3A_582 = tpu.vector_load %get3A_579[%get3A_580, %get3A_581] {strides = array<i32>} : memref<96x128xf32, #tpu.memory_space<vmem>>, vector<1x16xf32>,
        %get3A_583 = vector.shape_cast %get3A_582 : vector<1x16xf32> to vector<16xf32>
        %mul3A_584 = arith.mulf %get3A_575, %get3A_583 : vector<16xf32>
        %add3A_585 = arith.addf %mul3A_465, %mul3A_482 : vector<16xf32>
        %add3A_586 = arith.addf %mul3A_499, %mul3A_516 : vector<16xf32>
        %add3A_587 = arith.addf %mul3A_533, %mul3A_550 : vector<16xf32>
        %add3A_588 = arith.addf %mul3A_567, %mul3A_584 : vector<16xf32>
        %add3A_589 = arith.addf %add3A_585, %add3A_586 : vector<16xf32>
        %add3A_590 = arith.addf %add3A_587, %add3A_588 : vector<16xf32>
        %add3A_591 = arith.addf %add3A_589, %add3A_590 : vector<16xf32>
        %broadcast_in_dim3A_592 = vector.shape_cast %xor3A_4 : vector<16xi32> to vector<16x1xi32>
        %gather3A_593 = vector.shape_cast %broadcast_in_dim3A_592 : vector<16x1xi32> to vector<16xi32>
        %gather3A_594 = tpu.dynamic_gather %add3A_591[%gather3A_593] in [0] : vector<16xf32>, vector<16xi32> -> vector<16xf32>
        %add3A_595 = arith.addf %add3A_591, %gather3A_594 : vector<16xf32>
        %broadcast_in_dim3A_596 = vector.shape_cast %xor3A_7 : vector<16xi32> to vector<16x1xi32>
        %gather3A_597 = vector.shape_cast %broadcast_in_dim3A_596 : vector<16x1xi32> to vector<16xi32>
        %gather3A_598 = tpu.dynamic_gather %add3A_595[%gather3A_597] in [0] : vector<16xf32>, vector<16xi32> -> vector<16xf32>
        %add3A_599 = arith.addf %add3A_595, %gather3A_598 : vector<16xf32>
        %broadcast_in_dim3A_600 = vector.shape_cast %xor3A_10 : vector<16xi32> to vector<16x1xi32>
        %gather3A_601 = vector.shape_cast %broadcast_in_dim3A_600 : vector<16x1xi32> to vector<16xi32>
        %gather3A_602 = tpu.dynamic_gather %add3A_599[%gather3A_601] in [0] : vector<16xf32>, vector<16xi32> -> vector<16xf32>
        %add3A_603 = arith.addf %add3A_599, %gather3A_602 : vector<16xf32>
        %broadcast_in_dim3A_604 = vector.shape_cast %xor3A_13 : vector<16xi32> to vector<16x1xi32>
        %gather3A_605 = vector.shape_cast %broadcast_in_dim3A_604 : vector<16x1xi32> to vector<16xi32>
        %gather3A_606 = tpu.dynamic_gather %add3A_603[%gather3A_605] in [0] : vector<16xf32>, vector<16xi32> -> vector<16xf32>
        %add3A_607 = arith.addf %add3A_603, %gather3A_606 : vector<16xf32>
        %eq3A_608 = vector.broadcast %scan3A_447 : i32 to vector<16xi32>
        %eq3A_609 = arith.cmpi eq, %iota3A, %eq3A_608 : vector<16xi32>
        %select_n3A_610 = arith.select %eq3A_609, %add3A_607, %select_n3A : vector<16xi1>, vector<16xf32>
        scf.yield %select_n3A_610 : vector<16xf32>
      }
      %scan3A_278 = arith.constant 16 : i32
      %add3A_279 = arith.constant 9600 : i32
      %add3A_280 = arith.addi %add3A_279, %mul3A_270 : i32
      %swap3A_281 = arith.index_cast %add3A_280 : i32 to index
      %swap3A_282 = tpu.vector_load %arg11[%swap3A_281] {strides = array<i32>} : memref<10000xf32, #tpu.memory_space<vmem>>, vector<16xf32>,
      %swap3A_283 = vector.shape_cast %swap3A_282 : vector<16xf32> to vector<16xf32>
      %swap3A_284 = vector.shape_cast %scan3A_277 : vector<16xf32> to vector<16xf32>
      tpu.vector_store %arg11[%swap3A_281], %swap3A_284 {strides = array<i32>} : memref<10000xf32, #tpu.memory_space<vmem>>, vector<16xf32>,
    }
    %scan3A_124 = arith.constant 6 : i32
    %dma_wait3A_125 = arith.constant 1 : i32
    %dma_wait3A_126 = arith.constant 0 : i32
    %dma_wait3A_127 = arith.constant 0 : i32
    %dma_wait3A_128 = tpu.memref_slice %arg9[%dma_wait3A_125, %dma_wait3A_126, %dma_wait3A_127] : memref<4x96x128xf32, #tpu.memory_space<vmem>> -> memref<1x96x128xf32, #tpu.memory_space<vmem>>
    %dma_wait3A_129 = tpu.memref_squeeze %dma_wait3A_128 : memref<1x96x128xf32, #tpu.memory_space<vmem>> -> memref<96x128xf32, #tpu.memory_space<vmem>>
    %dma_wait3A_130 = arith.constant 0 : i32
    %dma_wait3A_131 = tpu.memref_slice %arg7[%dma_wait3A_130] : memref<10000xi32, #tpu.memory_space<vmem>> -> memref<96xi32, #tpu.memory_space<vmem>>
    %dma_wait3A_132 = arith.constant 0 : i32
    %dma_wait3A_133 = arith.constant 0 : i32
    %dma_wait3A_134 = tpu.memref_slice %arg2[%dma_wait3A_132, %dma_wait3A_133] : memref<100000x128xf32, #tpu.memory_space<hbm>> -> memref<100000x128xf32, #tpu.memory_space<hbm>>
    tpu.wait_indirect_dma semaphore(%arg13 : memref<!tpu.dma_semaphore, #tpu.memory_space<semaphore_mem>>) src(%dma_wait3A_134 : memref<100000x128xf32, #tpu.memory_space<hbm>>) dst(%dma_wait3A_129 : memref<96x128xf32, #tpu.memory_space<vmem>>)
    %dma_wait3A_135 = arith.constant 1 : i32
    %dma_wait3A_136 = arith.constant 0 : i32
    %dma_wait3A_137 = arith.constant 0 : i32
    %dma_wait3A_138 = tpu.memref_slice %arg10[%dma_wait3A_135, %dma_wait3A_136, %dma_wait3A_137] : memref<4x96x128xf32, #tpu.memory_space<vmem>> -> memref<1x96x128xf32, #tpu.memory_space<vmem>>
    %dma_wait3A_139 = tpu.memref_squeeze %dma_wait3A_138 : memref<1x96x128xf32, #tpu.memory_space<vmem>> -> memref<96x128xf32, #tpu.memory_space<vmem>>
    %dma_wait3A_140 = arith.constant 0 : i32
    %dma_wait3A_141 = tpu.memref_slice %arg8[%dma_wait3A_140] : memref<10000xi32, #tpu.memory_space<vmem>> -> memref<96xi32, #tpu.memory_space<vmem>>
    %dma_wait3A_142 = arith.constant 0 : i32
    %dma_wait3A_143 = arith.constant 0 : i32
    %dma_wait3A_144 = tpu.memref_slice %arg3[%dma_wait3A_142, %dma_wait3A_143] : memref<100000x128xf32, #tpu.memory_space<hbm>> -> memref<100000x128xf32, #tpu.memory_space<hbm>>
    tpu.wait_indirect_dma semaphore(%arg17 : memref<!tpu.dma_semaphore, #tpu.memory_space<semaphore_mem>>) src(%dma_wait3A_144 : memref<100000x128xf32, #tpu.memory_space<hbm>>) dst(%dma_wait3A_139 : memref<96x128xf32, #tpu.memory_space<vmem>>)
    %dma_start3A_145 = arith.constant 0 : i32
    %dma_start3A_146 = arith.constant 0 : i32
    %dma_start3A_147 = arith.constant 0 : i32
    %dma_start3A_148 = tpu.memref_slice %arg9[%dma_start3A_145, %dma_start3A_146, %dma_start3A_147] : memref<4x96x128xf32, #tpu.memory_space<vmem>> -> memref<1x16x128xf32, #tpu.memory_space<vmem>>
    %dma_start3A_149 = tpu.memref_squeeze %dma_start3A_148 : memref<1x16x128xf32, #tpu.memory_space<vmem>> -> memref<16x128xf32, #tpu.memory_space<vmem>>
    %dma_start3A_150 = arith.constant 9984 : i32
    %dma_start3A_151 = tpu.memref_slice %arg7[%dma_start3A_150] : memref<10000xi32, #tpu.memory_space<vmem>> -> memref<16xi32, #tpu.memory_space<vmem>>
    %dma_start3A_152 = arith.constant 0 : i32
    %dma_start3A_153 = arith.constant 0 : i32
    %dma_start3A_154 = tpu.memref_slice %arg2[%dma_start3A_152, %dma_start3A_153] : memref<100000x128xf32, #tpu.memory_space<hbm>> -> memref<100000x128xf32, #tpu.memory_space<hbm>>
    tpu.enqueue_indirect_dma source(%dma_start3A_154 : memref<100000x128xf32, #tpu.memory_space<hbm>>) target(%dma_start3A_149 : memref<16x128xf32, #tpu.memory_space<vmem>>) offsets(%dma_start3A_151 : memref<16xi32, #tpu.memory_space<vmem>>) semaphore(%arg12 : memref<!tpu.dma_semaphore, #tpu.memory_space<semaphore_mem>>)
    %dma_start3A_155 = arith.constant 0 : i32
    %dma_start3A_156 = arith.constant 0 : i32
    %dma_start3A_157 = arith.constant 0 : i32
    %dma_start3A_158 = tpu.memref_slice %arg10[%dma_start3A_155, %dma_start3A_156, %dma_start3A_157] : memref<4x96x128xf32, #tpu.memory_space<vmem>> -> memref<1x16x128xf32, #tpu.memory_space<vmem>>
    %dma_start3A_159 = tpu.memref_squeeze %dma_start3A_158 : memref<1x16x128xf32, #tpu.memory_space<vmem>> -> memref<16x128xf32, #tpu.memory_space<vmem>>
    %dma_start3A_160 = arith.constant 9984 : i32
    %dma_start3A_161 = tpu.memref_slice %arg8[%dma_start3A_160] : memref<10000xi32, #tpu.memory_space<vmem>> -> memref<16xi32, #tpu.memory_space<vmem>>
    %dma_start3A_162 = arith.constant 0 : i32
    %dma_start3A_163 = arith.constant 0 : i32
    %dma_start3A_164 = tpu.memref_slice %arg3[%dma_start3A_162, %dma_start3A_163] : memref<100000x128xf32, #tpu.memory_space<hbm>> -> memref<100000x128xf32, #tpu.memory_space<hbm>>
    tpu.enqueue_indirect_dma source(%dma_start3A_164 : memref<100000x128xf32, #tpu.memory_space<hbm>>) target(%dma_start3A_159 : memref<16x128xf32, #tpu.memory_space<vmem>>) offsets(%dma_start3A_161 : memref<16xi32, #tpu.memory_space<vmem>>) semaphore(%arg16 : memref<!tpu.dma_semaphore, #tpu.memory_space<semaphore_mem>>)
    %scan3A_165 = arith.constant 0 : i32
    %scan3A_166 = arith.constant 1 : i32
    %scan3A_167 = arith.constant 1 : i32
    %scan3A_168 = arith.constant 0 : i32
    %scan3A_169 = arith.constant 6 : i32
    %scan3A_170 = arith.addi %scan3A_168, %scan3A_169 : i32
    %scan3A_171 = arith.constant 1 : i32
    scf.for %scan3A_268 = %scan3A_168 to %scan3A_170 step %scan3A_171  : i32 {
      %mul3A_269 = arith.constant 16 : i32
      %mul3A_270 = arith.muli %scan3A_268, %mul3A_269 : i32
      %broadcast_in_dim3A_271 = arith.constant 0.000000e+00 : f32
      %broadcast_in_dim3A_272 = vector.broadcast %broadcast_in_dim3A_271 : f32 to vector<16xf32>
      %scan3A_273 = arith.constant 0 : i32
      %scan3A_274 = arith.constant 16 : i32
      %scan3A_275 = arith.addi %scan3A_273, %scan3A_274 : i32
      %scan3A_276 = arith.constant 2 : i32
      %scan3A_277 = scf.for %scan3A_285 = %scan3A_273 to %scan3A_275 step %scan3A_276 iter_args(%scan3A_286 = %broadcast_in_dim3A_272) -> (vector<16xf32>)  : i32 {
        %add3A_287 = arith.addi %mul3A_270, %scan3A_285 : i32
        %get3A = arith.constant 0 : i32
        %get3A_288 = arith.constant 0 : i32
        %get3A_289 = tpu.memref_slice %arg9[%scan3A_166, %get3A, %get3A_288] : memref<4x96x128xf32, #tpu.memory_space<vmem>> -> memref<1x96x128xf32, #tpu.memory_space<vmem>>
        %get3A_290 = tpu.memref_squeeze %get3A_289 : memref<1x96x128xf32, #tpu.memory_space<vmem>> -> memref<96x128xf32, #tpu.memory_space<vmem>>
        %get3A_291 = arith.index_cast %add3A_287 : i32 to index
        %get3A_292 = arith.constant 0 : index
        %get3A_293 = tpu.vector_load %get3A_290[%get3A_291, %get3A_292] {strides = array<i32>} : memref<96x128xf32, #tpu.memory_space<vmem>>, vector<1x16xf32>,
        %get3A_294 = vector.shape_cast %get3A_293 : vector<1x16xf32> to vector<16xf32>
        %get3A_295 = arith.constant 0 : i32
        %get3A_296 = arith.constant 0 : i32
        %get3A_297 = tpu.memref_slice %arg10[%scan3A_167, %get3A_295, %get3A_296] : memref<4x96x128xf32, #tpu.memory_space<vmem>> -> memref<1x96x128xf32, #tpu.memory_space<vmem>>
        %get3A_298 = tpu.memref_squeeze %get3A_297 : memref<1x96x128xf32, #tpu.memory_space<vmem>> -> memref<96x128xf32, #tpu.memory_space<vmem>>
        %get3A_299 = arith.index_cast %add3A_287 : i32 to index
        %get3A_300 = arith.constant 0 : index
        %get3A_301 = tpu.vector_load %get3A_298[%get3A_299, %get3A_300] {strides = array<i32>} : memref<96x128xf32, #tpu.memory_space<vmem>>, vector<1x16xf32>,
        %get3A_302 = vector.shape_cast %get3A_301 : vector<1x16xf32> to vector<16xf32>
        %mul3A_303 = arith.mulf %get3A_294, %get3A_302 : vector<16xf32>
        %get3A_304 = arith.constant 0 : i32
        %get3A_305 = arith.constant 0 : i32
        %get3A_306 = tpu.memref_slice %arg9[%scan3A_166, %get3A_304, %get3A_305] : memref<4x96x128xf32, #tpu.memory_space<vmem>> -> memref<1x96x128xf32, #tpu.memory_space<vmem>>
        %get3A_307 = tpu.memref_squeeze %get3A_306 : memref<1x96x128xf32, #tpu.memory_space<vmem>> -> memref<96x128xf32, #tpu.memory_space<vmem>>
        %get3A_308 = arith.index_cast %add3A_287 : i32 to index
        %get3A_309 = arith.constant 16 : index
        %get3A_310 = tpu.vector_load %get3A_307[%get3A_308, %get3A_309] {strides = array<i32>} : memref<96x128xf32, #tpu.memory_space<vmem>>, vector<1x16xf32>,
        %get3A_311 = vector.shape_cast %get3A_310 : vector<1x16xf32> to vector<16xf32>
        %get3A_312 = arith.constant 0 : i32
        %get3A_313 = arith.constant 0 : i32
        %get3A_314 = tpu.memref_slice %arg10[%scan3A_167, %get3A_312, %get3A_313] : memref<4x96x128xf32, #tpu.memory_space<vmem>> -> memref<1x96x128xf32, #tpu.memory_space<vmem>>
        %get3A_315 = tpu.memref_squeeze %get3A_314 : memref<1x96x128xf32, #tpu.memory_space<vmem>> -> memref<96x128xf32, #tpu.memory_space<vmem>>
        %get3A_316 = arith.index_cast %add3A_287 : i32 to index
        %get3A_317 = arith.constant 16 : index
        %get3A_318 = tpu.vector_load %get3A_315[%get3A_316, %get3A_317] {strides = array<i32>} : memref<96x128xf32, #tpu.memory_space<vmem>>, vector<1x16xf32>,
        %get3A_319 = vector.shape_cast %get3A_318 : vector<1x16xf32> to vector<16xf32>
        %mul3A_320 = arith.mulf %get3A_311, %get3A_319 : vector<16xf32>
        %get3A_321 = arith.constant 0 : i32
        %get3A_322 = arith.constant 0 : i32
        %get3A_323 = tpu.memref_slice %arg9[%scan3A_166, %get3A_321, %get3A_322] : memref<4x96x128xf32, #tpu.memory_space<vmem>> -> memref<1x96x128xf32, #tpu.memory_space<vmem>>
        %get3A_324 = tpu.memref_squeeze %get3A_323 : memref<1x96x128xf32, #tpu.memory_space<vmem>> -> memref<96x128xf32, #tpu.memory_space<vmem>>
        %get3A_325 = arith.index_cast %add3A_287 : i32 to index
        %get3A_326 = arith.constant 32 : index
        %get3A_327 = tpu.vector_load %get3A_324[%get3A_325, %get3A_326] {strides = array<i32>} : memref<96x128xf32, #tpu.memory_space<vmem>>, vector<1x16xf32>,
        %get3A_328 = vector.shape_cast %get3A_327 : vector<1x16xf32> to vector<16xf32>
        %get3A_329 = arith.constant 0 : i32
        %get3A_330 = arith.constant 0 : i32
        %get3A_331 = tpu.memref_slice %arg10[%scan3A_167, %get3A_329, %get3A_330] : memref<4x96x128xf32, #tpu.memory_space<vmem>> -> memref<1x96x128xf32, #tpu.memory_space<vmem>>
        %get3A_332 = tpu.memref_squeeze %get3A_331 : memref<1x96x128xf32, #tpu.memory_space<vmem>> -> memref<96x128xf32, #tpu.memory_space<vmem>>
        %get3A_333 = arith.index_cast %add3A_287 : i32 to index
        %get3A_334 = arith.constant 32 : index
        %get3A_335 = tpu.vector_load %get3A_332[%get3A_333, %get3A_334] {strides = array<i32>} : memref<96x128xf32, #tpu.memory_space<vmem>>, vector<1x16xf32>,
        %get3A_336 = vector.shape_cast %get3A_335 : vector<1x16xf32> to vector<16xf32>
        %mul3A_337 = arith.mulf %get3A_328, %get3A_336 : vector<16xf32>
        %get3A_338 = arith.constant 0 : i32
        %get3A_339 = arith.constant 0 : i32
        %get3A_340 = tpu.memref_slice %arg9[%scan3A_166, %get3A_338, %get3A_339] : memref<4x96x128xf32, #tpu.memory_space<vmem>> -> memref<1x96x128xf32, #tpu.memory_space<vmem>>
        %get3A_341 = tpu.memref_squeeze %get3A_340 : memref<1x96x128xf32, #tpu.memory_space<vmem>> -> memref<96x128xf32, #tpu.memory_space<vmem>>
        %get3A_342 = arith.index_cast %add3A_287 : i32 to index
        %get3A_343 = arith.constant 48 : index
        %get3A_344 = tpu.vector_load %get3A_341[%get3A_342, %get3A_343] {strides = array<i32>} : memref<96x128xf32, #tpu.memory_space<vmem>>, vector<1x16xf32>,
        %get3A_345 = vector.shape_cast %get3A_344 : vector<1x16xf32> to vector<16xf32>
        %get3A_346 = arith.constant 0 : i32
        %get3A_347 = arith.constant 0 : i32
        %get3A_348 = tpu.memref_slice %arg10[%scan3A_167, %get3A_346, %get3A_347] : memref<4x96x128xf32, #tpu.memory_space<vmem>> -> memref<1x96x128xf32, #tpu.memory_space<vmem>>
        %get3A_349 = tpu.memref_squeeze %get3A_348 : memref<1x96x128xf32, #tpu.memory_space<vmem>> -> memref<96x128xf32, #tpu.memory_space<vmem>>
        %get3A_350 = arith.index_cast %add3A_287 : i32 to index
        %get3A_351 = arith.constant 48 : index
        %get3A_352 = tpu.vector_load %get3A_349[%get3A_350, %get3A_351] {strides = array<i32>} : memref<96x128xf32, #tpu.memory_space<vmem>>, vector<1x16xf32>,
        %get3A_353 = vector.shape_cast %get3A_352 : vector<1x16xf32> to vector<16xf32>
        %mul3A_354 = arith.mulf %get3A_345, %get3A_353 : vector<16xf32>
        %get3A_355 = arith.constant 0 : i32
        %get3A_356 = arith.constant 0 : i32
        %get3A_357 = tpu.memref_slice %arg9[%scan3A_166, %get3A_355, %get3A_356] : memref<4x96x128xf32, #tpu.memory_space<vmem>> -> memref<1x96x128xf32, #tpu.memory_space<vmem>>
        %get3A_358 = tpu.memref_squeeze %get3A_357 : memref<1x96x128xf32, #tpu.memory_space<vmem>> -> memref<96x128xf32, #tpu.memory_space<vmem>>
        %get3A_359 = arith.index_cast %add3A_287 : i32 to index
        %get3A_360 = arith.constant 64 : index
        %get3A_361 = tpu.vector_load %get3A_358[%get3A_359, %get3A_360] {strides = array<i32>} : memref<96x128xf32, #tpu.memory_space<vmem>>, vector<1x16xf32>,
        %get3A_362 = vector.shape_cast %get3A_361 : vector<1x16xf32> to vector<16xf32>
        %get3A_363 = arith.constant 0 : i32
        %get3A_364 = arith.constant 0 : i32
        %get3A_365 = tpu.memref_slice %arg10[%scan3A_167, %get3A_363, %get3A_364] : memref<4x96x128xf32, #tpu.memory_space<vmem>> -> memref<1x96x128xf32, #tpu.memory_space<vmem>>
        %get3A_366 = tpu.memref_squeeze %get3A_365 : memref<1x96x128xf32, #tpu.memory_space<vmem>> -> memref<96x128xf32, #tpu.memory_space<vmem>>
        %get3A_367 = arith.index_cast %add3A_287 : i32 to index
        %get3A_368 = arith.constant 64 : index
        %get3A_369 = tpu.vector_load %get3A_366[%get3A_367, %get3A_368] {strides = array<i32>} : memref<96x128xf32, #tpu.memory_space<vmem>>, vector<1x16xf32>,
        %get3A_370 = vector.shape_cast %get3A_369 : vector<1x16xf32> to vector<16xf32>
        %mul3A_371 = arith.mulf %get3A_362, %get3A_370 : vector<16xf32>
        %get3A_372 = arith.constant 0 : i32
        %get3A_373 = arith.constant 0 : i32
        %get3A_374 = tpu.memref_slice %arg9[%scan3A_166, %get3A_372, %get3A_373] : memref<4x96x128xf32, #tpu.memory_space<vmem>> -> memref<1x96x128xf32, #tpu.memory_space<vmem>>
        %get3A_375 = tpu.memref_squeeze %get3A_374 : memref<1x96x128xf32, #tpu.memory_space<vmem>> -> memref<96x128xf32, #tpu.memory_space<vmem>>
        %get3A_376 = arith.index_cast %add3A_287 : i32 to index
        %get3A_377 = arith.constant 80 : index
        %get3A_378 = tpu.vector_load %get3A_375[%get3A_376, %get3A_377] {strides = array<i32>} : memref<96x128xf32, #tpu.memory_space<vmem>>, vector<1x16xf32>,
        %get3A_379 = vector.shape_cast %get3A_378 : vector<1x16xf32> to vector<16xf32>
        %get3A_380 = arith.constant 0 : i32
        %get3A_381 = arith.constant 0 : i32
        %get3A_382 = tpu.memref_slice %arg10[%scan3A_167, %get3A_380, %get3A_381] : memref<4x96x128xf32, #tpu.memory_space<vmem>> -> memref<1x96x128xf32, #tpu.memory_space<vmem>>
        %get3A_383 = tpu.memref_squeeze %get3A_382 : memref<1x96x128xf32, #tpu.memory_space<vmem>> -> memref<96x128xf32, #tpu.memory_space<vmem>>
        %get3A_384 = arith.index_cast %add3A_287 : i32 to index
        %get3A_385 = arith.constant 80 : index
        %get3A_386 = tpu.vector_load %get3A_383[%get3A_384, %get3A_385] {strides = array<i32>} : memref<96x128xf32, #tpu.memory_space<vmem>>, vector<1x16xf32>,
        %get3A_387 = vector.shape_cast %get3A_386 : vector<1x16xf32> to vector<16xf32>
        %mul3A_388 = arith.mulf %get3A_379, %get3A_387 : vector<16xf32>
        %get3A_389 = arith.constant 0 : i32
        %get3A_390 = arith.constant 0 : i32
        %get3A_391 = tpu.memref_slice %arg9[%scan3A_166, %get3A_389, %get3A_390] : memref<4x96x128xf32, #tpu.memory_space<vmem>> -> memref<1x96x128xf32, #tpu.memory_space<vmem>>
        %get3A_392 = tpu.memref_squeeze %get3A_391 : memref<1x96x128xf32, #tpu.memory_space<vmem>> -> memref<96x128xf32, #tpu.memory_space<vmem>>
        %get3A_393 = arith.index_cast %add3A_287 : i32 to index
        %get3A_394 = arith.constant 96 : index
        %get3A_395 = tpu.vector_load %get3A_392[%get3A_393, %get3A_394] {strides = array<i32>} : memref<96x128xf32, #tpu.memory_space<vmem>>, vector<1x16xf32>,
        %get3A_396 = vector.shape_cast %get3A_395 : vector<1x16xf32> to vector<16xf32>
        %get3A_397 = arith.constant 0 : i32
        %get3A_398 = arith.constant 0 : i32
        %get3A_399 = tpu.memref_slice %arg10[%scan3A_167, %get3A_397, %get3A_398] : memref<4x96x128xf32, #tpu.memory_space<vmem>> -> memref<1x96x128xf32, #tpu.memory_space<vmem>>
        %get3A_400 = tpu.memref_squeeze %get3A_399 : memref<1x96x128xf32, #tpu.memory_space<vmem>> -> memref<96x128xf32, #tpu.memory_space<vmem>>
        %get3A_401 = arith.index_cast %add3A_287 : i32 to index
        %get3A_402 = arith.constant 96 : index
        %get3A_403 = tpu.vector_load %get3A_400[%get3A_401, %get3A_402] {strides = array<i32>} : memref<96x128xf32, #tpu.memory_space<vmem>>, vector<1x16xf32>,
        %get3A_404 = vector.shape_cast %get3A_403 : vector<1x16xf32> to vector<16xf32>
        %mul3A_405 = arith.mulf %get3A_396, %get3A_404 : vector<16xf32>
        %get3A_406 = arith.constant 0 : i32
        %get3A_407 = arith.constant 0 : i32
        %get3A_408 = tpu.memref_slice %arg9[%scan3A_166, %get3A_406, %get3A_407] : memref<4x96x128xf32, #tpu.memory_space<vmem>> -> memref<1x96x128xf32, #tpu.memory_space<vmem>>
        %get3A_409 = tpu.memref_squeeze %get3A_408 : memref<1x96x128xf32, #tpu.memory_space<vmem>> -> memref<96x128xf32, #tpu.memory_space<vmem>>
        %get3A_410 = arith.index_cast %add3A_287 : i32 to index
        %get3A_411 = arith.constant 112 : index
        %get3A_412 = tpu.vector_load %get3A_409[%get3A_410, %get3A_411] {strides = array<i32>} : memref<96x128xf32, #tpu.memory_space<vmem>>, vector<1x16xf32>,
        %get3A_413 = vector.shape_cast %get3A_412 : vector<1x16xf32> to vector<16xf32>
        %get3A_414 = arith.constant 0 : i32
        %get3A_415 = arith.constant 0 : i32
        %get3A_416 = tpu.memref_slice %arg10[%scan3A_167, %get3A_414, %get3A_415] : memref<4x96x128xf32, #tpu.memory_space<vmem>> -> memref<1x96x128xf32, #tpu.memory_space<vmem>>
        %get3A_417 = tpu.memref_squeeze %get3A_416 : memref<1x96x128xf32, #tpu.memory_space<vmem>> -> memref<96x128xf32, #tpu.memory_space<vmem>>
        %get3A_418 = arith.index_cast %add3A_287 : i32 to index
        %get3A_419 = arith.constant 112 : index
        %get3A_420 = tpu.vector_load %get3A_417[%get3A_418, %get3A_419] {strides = array<i32>} : memref<96x128xf32, #tpu.memory_space<vmem>>, vector<1x16xf32>,
        %get3A_421 = vector.shape_cast %get3A_420 : vector<1x16xf32> to vector<16xf32>
        %mul3A_422 = arith.mulf %get3A_413, %get3A_421 : vector<16xf32>
        %add3A_423 = arith.addf %mul3A_303, %mul3A_320 : vector<16xf32>
        %add3A_424 = arith.addf %mul3A_337, %mul3A_354 : vector<16xf32>
        %add3A_425 = arith.addf %mul3A_371, %mul3A_388 : vector<16xf32>
        %add3A_426 = arith.addf %mul3A_405, %mul3A_422 : vector<16xf32>
        %add3A_427 = arith.addf %add3A_423, %add3A_424 : vector<16xf32>
        %add3A_428 = arith.addf %add3A_425, %add3A_426 : vector<16xf32>
        %add3A_429 = arith.addf %add3A_427, %add3A_428 : vector<16xf32>
        %broadcast_in_dim3A_430 = vector.shape_cast %xor3A_4 : vector<16xi32> to vector<16x1xi32>
        %gather3A = vector.shape_cast %broadcast_in_dim3A_430 : vector<16x1xi32> to vector<16xi32>
        %gather3A_431 = tpu.dynamic_gather %add3A_429[%gather3A] in [0] : vector<16xf32>, vector<16xi32> -> vector<16xf32>
        %add3A_432 = arith.addf %add3A_429, %gather3A_431 : vector<16xf32>
        %broadcast_in_dim3A_433 = vector.shape_cast %xor3A_7 : vector<16xi32> to vector<16x1xi32>
        %gather3A_434 = vector.shape_cast %broadcast_in_dim3A_433 : vector<16x1xi32> to vector<16xi32>
        %gather3A_435 = tpu.dynamic_gather %add3A_432[%gather3A_434] in [0] : vector<16xf32>, vector<16xi32> -> vector<16xf32>
        %add3A_436 = arith.addf %add3A_432, %gather3A_435 : vector<16xf32>
        %broadcast_in_dim3A_437 = vector.shape_cast %xor3A_10 : vector<16xi32> to vector<16x1xi32>
        %gather3A_438 = vector.shape_cast %broadcast_in_dim3A_437 : vector<16x1xi32> to vector<16xi32>
        %gather3A_439 = tpu.dynamic_gather %add3A_436[%gather3A_438] in [0] : vector<16xf32>, vector<16xi32> -> vector<16xf32>
        %add3A_440 = arith.addf %add3A_436, %gather3A_439 : vector<16xf32>
        %broadcast_in_dim3A_441 = vector.shape_cast %xor3A_13 : vector<16xi32> to vector<16x1xi32>
        %gather3A_442 = vector.shape_cast %broadcast_in_dim3A_441 : vector<16x1xi32> to vector<16xi32>
        %gather3A_443 = tpu.dynamic_gather %add3A_440[%gather3A_442] in [0] : vector<16xf32>, vector<16xi32> -> vector<16xf32>
        %add3A_444 = arith.addf %add3A_440, %gather3A_443 : vector<16xf32>
        %eq3A = vector.broadcast %scan3A_285 : i32 to vector<16xi32>
        %eq3A_445 = arith.cmpi eq, %iota3A, %eq3A : vector<16xi32>
        %select_n3A = arith.select %eq3A_445, %add3A_444, %scan3A_286 : vector<16xi1>, vector<16xf32>
        %scan3A_446 = arith.constant 1 : i32
        %scan3A_447 = arith.addi %scan3A_285, %scan3A_446 : i32
        %add3A_448 = arith.addi %mul3A_270, %scan3A_447 : i32
        %get3A_449 = arith.constant 0 : i32
        %get3A_450 = arith.constant 0 : i32
        %get3A_451 = tpu.memref_slice %arg9[%scan3A_166, %get3A_449, %get3A_450] : memref<4x96x128xf32, #tpu.memory_space<vmem>> -> memref<1x96x128xf32, #tpu.memory_space<vmem>>
        %get3A_452 = tpu.memref_squeeze %get3A_451 : memref<1x96x128xf32, #tpu.memory_space<vmem>> -> memref<96x128xf32, #tpu.memory_space<vmem>>
        %get3A_453 = arith.index_cast %add3A_448 : i32 to index
        %get3A_454 = arith.constant 0 : index
        %get3A_455 = tpu.vector_load %get3A_452[%get3A_453, %get3A_454] {strides = array<i32>} : memref<96x128xf32, #tpu.memory_space<vmem>>, vector<1x16xf32>,
        %get3A_456 = vector.shape_cast %get3A_455 : vector<1x16xf32> to vector<16xf32>
        %get3A_457 = arith.constant 0 : i32
        %get3A_458 = arith.constant 0 : i32
        %get3A_459 = tpu.memref_slice %arg10[%scan3A_167, %get3A_457, %get3A_458] : memref<4x96x128xf32, #tpu.memory_space<vmem>> -> memref<1x96x128xf32, #tpu.memory_space<vmem>>
        %get3A_460 = tpu.memref_squeeze %get3A_459 : memref<1x96x128xf32, #tpu.memory_space<vmem>> -> memref<96x128xf32, #tpu.memory_space<vmem>>
        %get3A_461 = arith.index_cast %add3A_448 : i32 to index
        %get3A_462 = arith.constant 0 : index
        %get3A_463 = tpu.vector_load %get3A_460[%get3A_461, %get3A_462] {strides = array<i32>} : memref<96x128xf32, #tpu.memory_space<vmem>>, vector<1x16xf32>,
        %get3A_464 = vector.shape_cast %get3A_463 : vector<1x16xf32> to vector<16xf32>
        %mul3A_465 = arith.mulf %get3A_456, %get3A_464 : vector<16xf32>
        %get3A_466 = arith.constant 0 : i32
        %get3A_467 = arith.constant 0 : i32
        %get3A_468 = tpu.memref_slice %arg9[%scan3A_166, %get3A_466, %get3A_467] : memref<4x96x128xf32, #tpu.memory_space<vmem>> -> memref<1x96x128xf32, #tpu.memory_space<vmem>>
        %get3A_469 = tpu.memref_squeeze %get3A_468 : memref<1x96x128xf32, #tpu.memory_space<vmem>> -> memref<96x128xf32, #tpu.memory_space<vmem>>
        %get3A_470 = arith.index_cast %add3A_448 : i32 to index
        %get3A_471 = arith.constant 16 : index
        %get3A_472 = tpu.vector_load %get3A_469[%get3A_470, %get3A_471] {strides = array<i32>} : memref<96x128xf32, #tpu.memory_space<vmem>>, vector<1x16xf32>,
        %get3A_473 = vector.shape_cast %get3A_472 : vector<1x16xf32> to vector<16xf32>
        %get3A_474 = arith.constant 0 : i32
        %get3A_475 = arith.constant 0 : i32
        %get3A_476 = tpu.memref_slice %arg10[%scan3A_167, %get3A_474, %get3A_475] : memref<4x96x128xf32, #tpu.memory_space<vmem>> -> memref<1x96x128xf32, #tpu.memory_space<vmem>>
        %get3A_477 = tpu.memref_squeeze %get3A_476 : memref<1x96x128xf32, #tpu.memory_space<vmem>> -> memref<96x128xf32, #tpu.memory_space<vmem>>
        %get3A_478 = arith.index_cast %add3A_448 : i32 to index
        %get3A_479 = arith.constant 16 : index
        %get3A_480 = tpu.vector_load %get3A_477[%get3A_478, %get3A_479] {strides = array<i32>} : memref<96x128xf32, #tpu.memory_space<vmem>>, vector<1x16xf32>,
        %get3A_481 = vector.shape_cast %get3A_480 : vector<1x16xf32> to vector<16xf32>
        %mul3A_482 = arith.mulf %get3A_473, %get3A_481 : vector<16xf32>
        %get3A_483 = arith.constant 0 : i32
        %get3A_484 = arith.constant 0 : i32
        %get3A_485 = tpu.memref_slice %arg9[%scan3A_166, %get3A_483, %get3A_484] : memref<4x96x128xf32, #tpu.memory_space<vmem>> -> memref<1x96x128xf32, #tpu.memory_space<vmem>>
        %get3A_486 = tpu.memref_squeeze %get3A_485 : memref<1x96x128xf32, #tpu.memory_space<vmem>> -> memref<96x128xf32, #tpu.memory_space<vmem>>
        %get3A_487 = arith.index_cast %add3A_448 : i32 to index
        %get3A_488 = arith.constant 32 : index
        %get3A_489 = tpu.vector_load %get3A_486[%get3A_487, %get3A_488] {strides = array<i32>} : memref<96x128xf32, #tpu.memory_space<vmem>>, vector<1x16xf32>,
        %get3A_490 = vector.shape_cast %get3A_489 : vector<1x16xf32> to vector<16xf32>
        %get3A_491 = arith.constant 0 : i32
        %get3A_492 = arith.constant 0 : i32
        %get3A_493 = tpu.memref_slice %arg10[%scan3A_167, %get3A_491, %get3A_492] : memref<4x96x128xf32, #tpu.memory_space<vmem>> -> memref<1x96x128xf32, #tpu.memory_space<vmem>>
        %get3A_494 = tpu.memref_squeeze %get3A_493 : memref<1x96x128xf32, #tpu.memory_space<vmem>> -> memref<96x128xf32, #tpu.memory_space<vmem>>
        %get3A_495 = arith.index_cast %add3A_448 : i32 to index
        %get3A_496 = arith.constant 32 : index
        %get3A_497 = tpu.vector_load %get3A_494[%get3A_495, %get3A_496] {strides = array<i32>} : memref<96x128xf32, #tpu.memory_space<vmem>>, vector<1x16xf32>,
        %get3A_498 = vector.shape_cast %get3A_497 : vector<1x16xf32> to vector<16xf32>
        %mul3A_499 = arith.mulf %get3A_490, %get3A_498 : vector<16xf32>
        %get3A_500 = arith.constant 0 : i32
        %get3A_501 = arith.constant 0 : i32
        %get3A_502 = tpu.memref_slice %arg9[%scan3A_166, %get3A_500, %get3A_501] : memref<4x96x128xf32, #tpu.memory_space<vmem>> -> memref<1x96x128xf32, #tpu.memory_space<vmem>>
        %get3A_503 = tpu.memref_squeeze %get3A_502 : memref<1x96x128xf32, #tpu.memory_space<vmem>> -> memref<96x128xf32, #tpu.memory_space<vmem>>
        %get3A_504 = arith.index_cast %add3A_448 : i32 to index
        %get3A_505 = arith.constant 48 : index
        %get3A_506 = tpu.vector_load %get3A_503[%get3A_504, %get3A_505] {strides = array<i32>} : memref<96x128xf32, #tpu.memory_space<vmem>>, vector<1x16xf32>,
        %get3A_507 = vector.shape_cast %get3A_506 : vector<1x16xf32> to vector<16xf32>
        %get3A_508 = arith.constant 0 : i32
        %get3A_509 = arith.constant 0 : i32
        %get3A_510 = tpu.memref_slice %arg10[%scan3A_167, %get3A_508, %get3A_509] : memref<4x96x128xf32, #tpu.memory_space<vmem>> -> memref<1x96x128xf32, #tpu.memory_space<vmem>>
        %get3A_511 = tpu.memref_squeeze %get3A_510 : memref<1x96x128xf32, #tpu.memory_space<vmem>> -> memref<96x128xf32, #tpu.memory_space<vmem>>
        %get3A_512 = arith.index_cast %add3A_448 : i32 to index
        %get3A_513 = arith.constant 48 : index
        %get3A_514 = tpu.vector_load %get3A_511[%get3A_512, %get3A_513] {strides = array<i32>} : memref<96x128xf32, #tpu.memory_space<vmem>>, vector<1x16xf32>,
        %get3A_515 = vector.shape_cast %get3A_514 : vector<1x16xf32> to vector<16xf32>
        %mul3A_516 = arith.mulf %get3A_507, %get3A_515 : vector<16xf32>
        %get3A_517 = arith.constant 0 : i32
        %get3A_518 = arith.constant 0 : i32
        %get3A_519 = tpu.memref_slice %arg9[%scan3A_166, %get3A_517, %get3A_518] : memref<4x96x128xf32, #tpu.memory_space<vmem>> -> memref<1x96x128xf32, #tpu.memory_space<vmem>>
        %get3A_520 = tpu.memref_squeeze %get3A_519 : memref<1x96x128xf32, #tpu.memory_space<vmem>> -> memref<96x128xf32, #tpu.memory_space<vmem>>
        %get3A_521 = arith.index_cast %add3A_448 : i32 to index
        %get3A_522 = arith.constant 64 : index
        %get3A_523 = tpu.vector_load %get3A_520[%get3A_521, %get3A_522] {strides = array<i32>} : memref<96x128xf32, #tpu.memory_space<vmem>>, vector<1x16xf32>,
        %get3A_524 = vector.shape_cast %get3A_523 : vector<1x16xf32> to vector<16xf32>
        %get3A_525 = arith.constant 0 : i32
        %get3A_526 = arith.constant 0 : i32
        %get3A_527 = tpu.memref_slice %arg10[%scan3A_167, %get3A_525, %get3A_526] : memref<4x96x128xf32, #tpu.memory_space<vmem>> -> memref<1x96x128xf32, #tpu.memory_space<vmem>>
        %get3A_528 = tpu.memref_squeeze %get3A_527 : memref<1x96x128xf32, #tpu.memory_space<vmem>> -> memref<96x128xf32, #tpu.memory_space<vmem>>
        %get3A_529 = arith.index_cast %add3A_448 : i32 to index
        %get3A_530 = arith.constant 64 : index
        %get3A_531 = tpu.vector_load %get3A_528[%get3A_529, %get3A_530] {strides = array<i32>} : memref<96x128xf32, #tpu.memory_space<vmem>>, vector<1x16xf32>,
        %get3A_532 = vector.shape_cast %get3A_531 : vector<1x16xf32> to vector<16xf32>
        %mul3A_533 = arith.mulf %get3A_524, %get3A_532 : vector<16xf32>
        %get3A_534 = arith.constant 0 : i32
        %get3A_535 = arith.constant 0 : i32
        %get3A_536 = tpu.memref_slice %arg9[%scan3A_166, %get3A_534, %get3A_535] : memref<4x96x128xf32, #tpu.memory_space<vmem>> -> memref<1x96x128xf32, #tpu.memory_space<vmem>>
        %get3A_537 = tpu.memref_squeeze %get3A_536 : memref<1x96x128xf32, #tpu.memory_space<vmem>> -> memref<96x128xf32, #tpu.memory_space<vmem>>
        %get3A_538 = arith.index_cast %add3A_448 : i32 to index
        %get3A_539 = arith.constant 80 : index
        %get3A_540 = tpu.vector_load %get3A_537[%get3A_538, %get3A_539] {strides = array<i32>} : memref<96x128xf32, #tpu.memory_space<vmem>>, vector<1x16xf32>,
        %get3A_541 = vector.shape_cast %get3A_540 : vector<1x16xf32> to vector<16xf32>
        %get3A_542 = arith.constant 0 : i32
        %get3A_543 = arith.constant 0 : i32
        %get3A_544 = tpu.memref_slice %arg10[%scan3A_167, %get3A_542, %get3A_543] : memref<4x96x128xf32, #tpu.memory_space<vmem>> -> memref<1x96x128xf32, #tpu.memory_space<vmem>>
        %get3A_545 = tpu.memref_squeeze %get3A_544 : memref<1x96x128xf32, #tpu.memory_space<vmem>> -> memref<96x128xf32, #tpu.memory_space<vmem>>
        %get3A_546 = arith.index_cast %add3A_448 : i32 to index
        %get3A_547 = arith.constant 80 : index
        %get3A_548 = tpu.vector_load %get3A_545[%get3A_546, %get3A_547] {strides = array<i32>} : memref<96x128xf32, #tpu.memory_space<vmem>>, vector<1x16xf32>,
        %get3A_549 = vector.shape_cast %get3A_548 : vector<1x16xf32> to vector<16xf32>
        %mul3A_550 = arith.mulf %get3A_541, %get3A_549 : vector<16xf32>
        %get3A_551 = arith.constant 0 : i32
        %get3A_552 = arith.constant 0 : i32
        %get3A_553 = tpu.memref_slice %arg9[%scan3A_166, %get3A_551, %get3A_552] : memref<4x96x128xf32, #tpu.memory_space<vmem>> -> memref<1x96x128xf32, #tpu.memory_space<vmem>>
        %get3A_554 = tpu.memref_squeeze %get3A_553 : memref<1x96x128xf32, #tpu.memory_space<vmem>> -> memref<96x128xf32, #tpu.memory_space<vmem>>
        %get3A_555 = arith.index_cast %add3A_448 : i32 to index
        %get3A_556 = arith.constant 96 : index
        %get3A_557 = tpu.vector_load %get3A_554[%get3A_555, %get3A_556] {strides = array<i32>} : memref<96x128xf32, #tpu.memory_space<vmem>>, vector<1x16xf32>,
        %get3A_558 = vector.shape_cast %get3A_557 : vector<1x16xf32> to vector<16xf32>
        %get3A_559 = arith.constant 0 : i32
        %get3A_560 = arith.constant 0 : i32
        %get3A_561 = tpu.memref_slice %arg10[%scan3A_167, %get3A_559, %get3A_560] : memref<4x96x128xf32, #tpu.memory_space<vmem>> -> memref<1x96x128xf32, #tpu.memory_space<vmem>>
        %get3A_562 = tpu.memref_squeeze %get3A_561 : memref<1x96x128xf32, #tpu.memory_space<vmem>> -> memref<96x128xf32, #tpu.memory_space<vmem>>
        %get3A_563 = arith.index_cast %add3A_448 : i32 to index
        %get3A_564 = arith.constant 96 : index
        %get3A_565 = tpu.vector_load %get3A_562[%get3A_563, %get3A_564] {strides = array<i32>} : memref<96x128xf32, #tpu.memory_space<vmem>>, vector<1x16xf32>,
        %get3A_566 = vector.shape_cast %get3A_565 : vector<1x16xf32> to vector<16xf32>
        %mul3A_567 = arith.mulf %get3A_558, %get3A_566 : vector<16xf32>
        %get3A_568 = arith.constant 0 : i32
        %get3A_569 = arith.constant 0 : i32
        %get3A_570 = tpu.memref_slice %arg9[%scan3A_166, %get3A_568, %get3A_569] : memref<4x96x128xf32, #tpu.memory_space<vmem>> -> memref<1x96x128xf32, #tpu.memory_space<vmem>>
        %get3A_571 = tpu.memref_squeeze %get3A_570 : memref<1x96x128xf32, #tpu.memory_space<vmem>> -> memref<96x128xf32, #tpu.memory_space<vmem>>
        %get3A_572 = arith.index_cast %add3A_448 : i32 to index
        %get3A_573 = arith.constant 112 : index
        %get3A_574 = tpu.vector_load %get3A_571[%get3A_572, %get3A_573] {strides = array<i32>} : memref<96x128xf32, #tpu.memory_space<vmem>>, vector<1x16xf32>,
        %get3A_575 = vector.shape_cast %get3A_574 : vector<1x16xf32> to vector<16xf32>
        %get3A_576 = arith.constant 0 : i32
        %get3A_577 = arith.constant 0 : i32
        %get3A_578 = tpu.memref_slice %arg10[%scan3A_167, %get3A_576, %get3A_577] : memref<4x96x128xf32, #tpu.memory_space<vmem>> -> memref<1x96x128xf32, #tpu.memory_space<vmem>>
        %get3A_579 = tpu.memref_squeeze %get3A_578 : memref<1x96x128xf32, #tpu.memory_space<vmem>> -> memref<96x128xf32, #tpu.memory_space<vmem>>
        %get3A_580 = arith.index_cast %add3A_448 : i32 to index
        %get3A_581 = arith.constant 112 : index
        %get3A_582 = tpu.vector_load %get3A_579[%get3A_580, %get3A_581] {strides = array<i32>} : memref<96x128xf32, #tpu.memory_space<vmem>>, vector<1x16xf32>,
        %get3A_583 = vector.shape_cast %get3A_582 : vector<1x16xf32> to vector<16xf32>
        %mul3A_584 = arith.mulf %get3A_575, %get3A_583 : vector<16xf32>
        %add3A_585 = arith.addf %mul3A_465, %mul3A_482 : vector<16xf32>
        %add3A_586 = arith.addf %mul3A_499, %mul3A_516 : vector<16xf32>
        %add3A_587 = arith.addf %mul3A_533, %mul3A_550 : vector<16xf32>
        %add3A_588 = arith.addf %mul3A_567, %mul3A_584 : vector<16xf32>
        %add3A_589 = arith.addf %add3A_585, %add3A_586 : vector<16xf32>
        %add3A_590 = arith.addf %add3A_587, %add3A_588 : vector<16xf32>
        %add3A_591 = arith.addf %add3A_589, %add3A_590 : vector<16xf32>
        %broadcast_in_dim3A_592 = vector.shape_cast %xor3A_4 : vector<16xi32> to vector<16x1xi32>
        %gather3A_593 = vector.shape_cast %broadcast_in_dim3A_592 : vector<16x1xi32> to vector<16xi32>
        %gather3A_594 = tpu.dynamic_gather %add3A_591[%gather3A_593] in [0] : vector<16xf32>, vector<16xi32> -> vector<16xf32>
        %add3A_595 = arith.addf %add3A_591, %gather3A_594 : vector<16xf32>
        %broadcast_in_dim3A_596 = vector.shape_cast %xor3A_7 : vector<16xi32> to vector<16x1xi32>
        %gather3A_597 = vector.shape_cast %broadcast_in_dim3A_596 : vector<16x1xi32> to vector<16xi32>
        %gather3A_598 = tpu.dynamic_gather %add3A_595[%gather3A_597] in [0] : vector<16xf32>, vector<16xi32> -> vector<16xf32>
        %add3A_599 = arith.addf %add3A_595, %gather3A_598 : vector<16xf32>
        %broadcast_in_dim3A_600 = vector.shape_cast %xor3A_10 : vector<16xi32> to vector<16x1xi32>
        %gather3A_601 = vector.shape_cast %broadcast_in_dim3A_600 : vector<16x1xi32> to vector<16xi32>
        %gather3A_602 = tpu.dynamic_gather %add3A_599[%gather3A_601] in [0] : vector<16xf32>, vector<16xi32> -> vector<16xf32>
        %add3A_603 = arith.addf %add3A_599, %gather3A_602 : vector<16xf32>
        %broadcast_in_dim3A_604 = vector.shape_cast %xor3A_13 : vector<16xi32> to vector<16x1xi32>
        %gather3A_605 = vector.shape_cast %broadcast_in_dim3A_604 : vector<16x1xi32> to vector<16xi32>
        %gather3A_606 = tpu.dynamic_gather %add3A_603[%gather3A_605] in [0] : vector<16xf32>, vector<16xi32> -> vector<16xf32>
        %add3A_607 = arith.addf %add3A_603, %gather3A_606 : vector<16xf32>
        %eq3A_608 = vector.broadcast %scan3A_447 : i32 to vector<16xi32>
        %eq3A_609 = arith.cmpi eq, %iota3A, %eq3A_608 : vector<16xi32>
        %select_n3A_610 = arith.select %eq3A_609, %add3A_607, %select_n3A : vector<16xi1>, vector<16xf32>
        scf.yield %select_n3A_610 : vector<16xf32>
      }
      %scan3A_278 = arith.constant 16 : i32
      %add3A_279 = arith.constant 9696 : i32
      %add3A_280 = arith.addi %add3A_279, %mul3A_270 : i32
      %swap3A_281 = arith.index_cast %add3A_280 : i32 to index
      %swap3A_282 = tpu.vector_load %arg11[%swap3A_281] {strides = array<i32>} : memref<10000xf32, #tpu.memory_space<vmem>>, vector<16xf32>,
      %swap3A_283 = vector.shape_cast %swap3A_282 : vector<16xf32> to vector<16xf32>
      %swap3A_284 = vector.shape_cast %scan3A_277 : vector<16xf32> to vector<16xf32>
      tpu.vector_store %arg11[%swap3A_281], %swap3A_284 {strides = array<i32>} : memref<10000xf32, #tpu.memory_space<vmem>>, vector<16xf32>,
    }
    %scan3A_172 = arith.constant 6 : i32
    %dma_wait3A_173 = arith.constant 2 : i32
    %dma_wait3A_174 = arith.constant 0 : i32
    %dma_wait3A_175 = arith.constant 0 : i32
    %dma_wait3A_176 = tpu.memref_slice %arg9[%dma_wait3A_173, %dma_wait3A_174, %dma_wait3A_175] : memref<4x96x128xf32, #tpu.memory_space<vmem>> -> memref<1x96x128xf32, #tpu.memory_space<vmem>>
    %dma_wait3A_177 = tpu.memref_squeeze %dma_wait3A_176 : memref<1x96x128xf32, #tpu.memory_space<vmem>> -> memref<96x128xf32, #tpu.memory_space<vmem>>
    %dma_wait3A_178 = arith.constant 0 : i32
    %dma_wait3A_179 = tpu.memref_slice %arg7[%dma_wait3A_178] : memref<10000xi32, #tpu.memory_space<vmem>> -> memref<96xi32, #tpu.memory_space<vmem>>
    %dma_wait3A_180 = arith.constant 0 : i32
    %dma_wait3A_181 = arith.constant 0 : i32
    %dma_wait3A_182 = tpu.memref_slice %arg2[%dma_wait3A_180, %dma_wait3A_181] : memref<100000x128xf32, #tpu.memory_space<hbm>> -> memref<100000x128xf32, #tpu.memory_space<hbm>>
    tpu.wait_indirect_dma semaphore(%arg14 : memref<!tpu.dma_semaphore, #tpu.memory_space<semaphore_mem>>) src(%dma_wait3A_182 : memref<100000x128xf32, #tpu.memory_space<hbm>>) dst(%dma_wait3A_177 : memref<96x128xf32, #tpu.memory_space<vmem>>)
    %dma_wait3A_183 = arith.constant 2 : i32
    %dma_wait3A_184 = arith.constant 0 : i32
    %dma_wait3A_185 = arith.constant 0 : i32
    %dma_wait3A_186 = tpu.memref_slice %arg10[%dma_wait3A_183, %dma_wait3A_184, %dma_wait3A_185] : memref<4x96x128xf32, #tpu.memory_space<vmem>> -> memref<1x96x128xf32, #tpu.memory_space<vmem>>
    %dma_wait3A_187 = tpu.memref_squeeze %dma_wait3A_186 : memref<1x96x128xf32, #tpu.memory_space<vmem>> -> memref<96x128xf32, #tpu.memory_space<vmem>>
    %dma_wait3A_188 = arith.constant 0 : i32
    %dma_wait3A_189 = tpu.memref_slice %arg8[%dma_wait3A_188] : memref<10000xi32, #tpu.memory_space<vmem>> -> memref<96xi32, #tpu.memory_space<vmem>>
    %dma_wait3A_190 = arith.constant 0 : i32
    %dma_wait3A_191 = arith.constant 0 : i32
    %dma_wait3A_192 = tpu.memref_slice %arg3[%dma_wait3A_190, %dma_wait3A_191] : memref<100000x128xf32, #tpu.memory_space<hbm>> -> memref<100000x128xf32, #tpu.memory_space<hbm>>
    tpu.wait_indirect_dma semaphore(%arg18 : memref<!tpu.dma_semaphore, #tpu.memory_space<semaphore_mem>>) src(%dma_wait3A_192 : memref<100000x128xf32, #tpu.memory_space<hbm>>) dst(%dma_wait3A_187 : memref<96x128xf32, #tpu.memory_space<vmem>>)
    %scan3A_193 = arith.constant 0 : i32
    %scan3A_194 = arith.constant 2 : i32
    %scan3A_195 = arith.constant 2 : i32
    %scan3A_196 = arith.constant 0 : i32
    %scan3A_197 = arith.constant 6 : i32
    %scan3A_198 = arith.addi %scan3A_196, %scan3A_197 : i32
    %scan3A_199 = arith.constant 1 : i32
    scf.for %scan3A_268 = %scan3A_196 to %scan3A_198 step %scan3A_199  : i32 {
      %mul3A_269 = arith.constant 16 : i32
      %mul3A_270 = arith.muli %scan3A_268, %mul3A_269 : i32
      %broadcast_in_dim3A_271 = arith.constant 0.000000e+00 : f32
      %broadcast_in_dim3A_272 = vector.broadcast %broadcast_in_dim3A_271 : f32 to vector<16xf32>
      %scan3A_273 = arith.constant 0 : i32
      %scan3A_274 = arith.constant 16 : i32
      %scan3A_275 = arith.addi %scan3A_273, %scan3A_274 : i32
      %scan3A_276 = arith.constant 2 : i32
      %scan3A_277 = scf.for %scan3A_285 = %scan3A_273 to %scan3A_275 step %scan3A_276 iter_args(%scan3A_286 = %broadcast_in_dim3A_272) -> (vector<16xf32>)  : i32 {
        %add3A_287 = arith.addi %mul3A_270, %scan3A_285 : i32
        %get3A = arith.constant 0 : i32
        %get3A_288 = arith.constant 0 : i32
        %get3A_289 = tpu.memref_slice %arg9[%scan3A_194, %get3A, %get3A_288] : memref<4x96x128xf32, #tpu.memory_space<vmem>> -> memref<1x96x128xf32, #tpu.memory_space<vmem>>
        %get3A_290 = tpu.memref_squeeze %get3A_289 : memref<1x96x128xf32, #tpu.memory_space<vmem>> -> memref<96x128xf32, #tpu.memory_space<vmem>>
        %get3A_291 = arith.index_cast %add3A_287 : i32 to index
        %get3A_292 = arith.constant 0 : index
        %get3A_293 = tpu.vector_load %get3A_290[%get3A_291, %get3A_292] {strides = array<i32>} : memref<96x128xf32, #tpu.memory_space<vmem>>, vector<1x16xf32>,
        %get3A_294 = vector.shape_cast %get3A_293 : vector<1x16xf32> to vector<16xf32>
        %get3A_295 = arith.constant 0 : i32
        %get3A_296 = arith.constant 0 : i32
        %get3A_297 = tpu.memref_slice %arg10[%scan3A_195, %get3A_295, %get3A_296] : memref<4x96x128xf32, #tpu.memory_space<vmem>> -> memref<1x96x128xf32, #tpu.memory_space<vmem>>
        %get3A_298 = tpu.memref_squeeze %get3A_297 : memref<1x96x128xf32, #tpu.memory_space<vmem>> -> memref<96x128xf32, #tpu.memory_space<vmem>>
        %get3A_299 = arith.index_cast %add3A_287 : i32 to index
        %get3A_300 = arith.constant 0 : index
        %get3A_301 = tpu.vector_load %get3A_298[%get3A_299, %get3A_300] {strides = array<i32>} : memref<96x128xf32, #tpu.memory_space<vmem>>, vector<1x16xf32>,
        %get3A_302 = vector.shape_cast %get3A_301 : vector<1x16xf32> to vector<16xf32>
        %mul3A_303 = arith.mulf %get3A_294, %get3A_302 : vector<16xf32>
        %get3A_304 = arith.constant 0 : i32
        %get3A_305 = arith.constant 0 : i32
        %get3A_306 = tpu.memref_slice %arg9[%scan3A_194, %get3A_304, %get3A_305] : memref<4x96x128xf32, #tpu.memory_space<vmem>> -> memref<1x96x128xf32, #tpu.memory_space<vmem>>
        %get3A_307 = tpu.memref_squeeze %get3A_306 : memref<1x96x128xf32, #tpu.memory_space<vmem>> -> memref<96x128xf32, #tpu.memory_space<vmem>>
        %get3A_308 = arith.index_cast %add3A_287 : i32 to index
        %get3A_309 = arith.constant 16 : index
        %get3A_310 = tpu.vector_load %get3A_307[%get3A_308, %get3A_309] {strides = array<i32>} : memref<96x128xf32, #tpu.memory_space<vmem>>, vector<1x16xf32>,
        %get3A_311 = vector.shape_cast %get3A_310 : vector<1x16xf32> to vector<16xf32>
        %get3A_312 = arith.constant 0 : i32
        %get3A_313 = arith.constant 0 : i32
        %get3A_314 = tpu.memref_slice %arg10[%scan3A_195, %get3A_312, %get3A_313] : memref<4x96x128xf32, #tpu.memory_space<vmem>> -> memref<1x96x128xf32, #tpu.memory_space<vmem>>
        %get3A_315 = tpu.memref_squeeze %get3A_314 : memref<1x96x128xf32, #tpu.memory_space<vmem>> -> memref<96x128xf32, #tpu.memory_space<vmem>>
        %get3A_316 = arith.index_cast %add3A_287 : i32 to index
        %get3A_317 = arith.constant 16 : index
        %get3A_318 = tpu.vector_load %get3A_315[%get3A_316, %get3A_317] {strides = array<i32>} : memref<96x128xf32, #tpu.memory_space<vmem>>, vector<1x16xf32>,
        %get3A_319 = vector.shape_cast %get3A_318 : vector<1x16xf32> to vector<16xf32>
        %mul3A_320 = arith.mulf %get3A_311, %get3A_319 : vector<16xf32>
        %get3A_321 = arith.constant 0 : i32
        %get3A_322 = arith.constant 0 : i32
        %get3A_323 = tpu.memref_slice %arg9[%scan3A_194, %get3A_321, %get3A_322] : memref<4x96x128xf32, #tpu.memory_space<vmem>> -> memref<1x96x128xf32, #tpu.memory_space<vmem>>
        %get3A_324 = tpu.memref_squeeze %get3A_323 : memref<1x96x128xf32, #tpu.memory_space<vmem>> -> memref<96x128xf32, #tpu.memory_space<vmem>>
        %get3A_325 = arith.index_cast %add3A_287 : i32 to index
        %get3A_326 = arith.constant 32 : index
        %get3A_327 = tpu.vector_load %get3A_324[%get3A_325, %get3A_326] {strides = array<i32>} : memref<96x128xf32, #tpu.memory_space<vmem>>, vector<1x16xf32>,
        %get3A_328 = vector.shape_cast %get3A_327 : vector<1x16xf32> to vector<16xf32>
        %get3A_329 = arith.constant 0 : i32
        %get3A_330 = arith.constant 0 : i32
        %get3A_331 = tpu.memref_slice %arg10[%scan3A_195, %get3A_329, %get3A_330] : memref<4x96x128xf32, #tpu.memory_space<vmem>> -> memref<1x96x128xf32, #tpu.memory_space<vmem>>
        %get3A_332 = tpu.memref_squeeze %get3A_331 : memref<1x96x128xf32, #tpu.memory_space<vmem>> -> memref<96x128xf32, #tpu.memory_space<vmem>>
        %get3A_333 = arith.index_cast %add3A_287 : i32 to index
        %get3A_334 = arith.constant 32 : index
        %get3A_335 = tpu.vector_load %get3A_332[%get3A_333, %get3A_334] {strides = array<i32>} : memref<96x128xf32, #tpu.memory_space<vmem>>, vector<1x16xf32>,
        %get3A_336 = vector.shape_cast %get3A_335 : vector<1x16xf32> to vector<16xf32>
        %mul3A_337 = arith.mulf %get3A_328, %get3A_336 : vector<16xf32>
        %get3A_338 = arith.constant 0 : i32
        %get3A_339 = arith.constant 0 : i32
        %get3A_340 = tpu.memref_slice %arg9[%scan3A_194, %get3A_338, %get3A_339] : memref<4x96x128xf32, #tpu.memory_space<vmem>> -> memref<1x96x128xf32, #tpu.memory_space<vmem>>
        %get3A_341 = tpu.memref_squeeze %get3A_340 : memref<1x96x128xf32, #tpu.memory_space<vmem>> -> memref<96x128xf32, #tpu.memory_space<vmem>>
        %get3A_342 = arith.index_cast %add3A_287 : i32 to index
        %get3A_343 = arith.constant 48 : index
        %get3A_344 = tpu.vector_load %get3A_341[%get3A_342, %get3A_343] {strides = array<i32>} : memref<96x128xf32, #tpu.memory_space<vmem>>, vector<1x16xf32>,
        %get3A_345 = vector.shape_cast %get3A_344 : vector<1x16xf32> to vector<16xf32>
        %get3A_346 = arith.constant 0 : i32
        %get3A_347 = arith.constant 0 : i32
        %get3A_348 = tpu.memref_slice %arg10[%scan3A_195, %get3A_346, %get3A_347] : memref<4x96x128xf32, #tpu.memory_space<vmem>> -> memref<1x96x128xf32, #tpu.memory_space<vmem>>
        %get3A_349 = tpu.memref_squeeze %get3A_348 : memref<1x96x128xf32, #tpu.memory_space<vmem>> -> memref<96x128xf32, #tpu.memory_space<vmem>>
        %get3A_350 = arith.index_cast %add3A_287 : i32 to index
        %get3A_351 = arith.constant 48 : index
        %get3A_352 = tpu.vector_load %get3A_349[%get3A_350, %get3A_351] {strides = array<i32>} : memref<96x128xf32, #tpu.memory_space<vmem>>, vector<1x16xf32>,
        %get3A_353 = vector.shape_cast %get3A_352 : vector<1x16xf32> to vector<16xf32>
        %mul3A_354 = arith.mulf %get3A_345, %get3A_353 : vector<16xf32>
        %get3A_355 = arith.constant 0 : i32
        %get3A_356 = arith.constant 0 : i32
        %get3A_357 = tpu.memref_slice %arg9[%scan3A_194, %get3A_355, %get3A_356] : memref<4x96x128xf32, #tpu.memory_space<vmem>> -> memref<1x96x128xf32, #tpu.memory_space<vmem>>
        %get3A_358 = tpu.memref_squeeze %get3A_357 : memref<1x96x128xf32, #tpu.memory_space<vmem>> -> memref<96x128xf32, #tpu.memory_space<vmem>>
        %get3A_359 = arith.index_cast %add3A_287 : i32 to index
        %get3A_360 = arith.constant 64 : index
        %get3A_361 = tpu.vector_load %get3A_358[%get3A_359, %get3A_360] {strides = array<i32>} : memref<96x128xf32, #tpu.memory_space<vmem>>, vector<1x16xf32>,
        %get3A_362 = vector.shape_cast %get3A_361 : vector<1x16xf32> to vector<16xf32>
        %get3A_363 = arith.constant 0 : i32
        %get3A_364 = arith.constant 0 : i32
        %get3A_365 = tpu.memref_slice %arg10[%scan3A_195, %get3A_363, %get3A_364] : memref<4x96x128xf32, #tpu.memory_space<vmem>> -> memref<1x96x128xf32, #tpu.memory_space<vmem>>
        %get3A_366 = tpu.memref_squeeze %get3A_365 : memref<1x96x128xf32, #tpu.memory_space<vmem>> -> memref<96x128xf32, #tpu.memory_space<vmem>>
        %get3A_367 = arith.index_cast %add3A_287 : i32 to index
        %get3A_368 = arith.constant 64 : index
        %get3A_369 = tpu.vector_load %get3A_366[%get3A_367, %get3A_368] {strides = array<i32>} : memref<96x128xf32, #tpu.memory_space<vmem>>, vector<1x16xf32>,
        %get3A_370 = vector.shape_cast %get3A_369 : vector<1x16xf32> to vector<16xf32>
        %mul3A_371 = arith.mulf %get3A_362, %get3A_370 : vector<16xf32>
        %get3A_372 = arith.constant 0 : i32
        %get3A_373 = arith.constant 0 : i32
        %get3A_374 = tpu.memref_slice %arg9[%scan3A_194, %get3A_372, %get3A_373] : memref<4x96x128xf32, #tpu.memory_space<vmem>> -> memref<1x96x128xf32, #tpu.memory_space<vmem>>
        %get3A_375 = tpu.memref_squeeze %get3A_374 : memref<1x96x128xf32, #tpu.memory_space<vmem>> -> memref<96x128xf32, #tpu.memory_space<vmem>>
        %get3A_376 = arith.index_cast %add3A_287 : i32 to index
        %get3A_377 = arith.constant 80 : index
        %get3A_378 = tpu.vector_load %get3A_375[%get3A_376, %get3A_377] {strides = array<i32>} : memref<96x128xf32, #tpu.memory_space<vmem>>, vector<1x16xf32>,
        %get3A_379 = vector.shape_cast %get3A_378 : vector<1x16xf32> to vector<16xf32>
        %get3A_380 = arith.constant 0 : i32
        %get3A_381 = arith.constant 0 : i32
        %get3A_382 = tpu.memref_slice %arg10[%scan3A_195, %get3A_380, %get3A_381] : memref<4x96x128xf32, #tpu.memory_space<vmem>> -> memref<1x96x128xf32, #tpu.memory_space<vmem>>
        %get3A_383 = tpu.memref_squeeze %get3A_382 : memref<1x96x128xf32, #tpu.memory_space<vmem>> -> memref<96x128xf32, #tpu.memory_space<vmem>>
        %get3A_384 = arith.index_cast %add3A_287 : i32 to index
        %get3A_385 = arith.constant 80 : index
        %get3A_386 = tpu.vector_load %get3A_383[%get3A_384, %get3A_385] {strides = array<i32>} : memref<96x128xf32, #tpu.memory_space<vmem>>, vector<1x16xf32>,
        %get3A_387 = vector.shape_cast %get3A_386 : vector<1x16xf32> to vector<16xf32>
        %mul3A_388 = arith.mulf %get3A_379, %get3A_387 : vector<16xf32>
        %get3A_389 = arith.constant 0 : i32
        %get3A_390 = arith.constant 0 : i32
        %get3A_391 = tpu.memref_slice %arg9[%scan3A_194, %get3A_389, %get3A_390] : memref<4x96x128xf32, #tpu.memory_space<vmem>> -> memref<1x96x128xf32, #tpu.memory_space<vmem>>
        %get3A_392 = tpu.memref_squeeze %get3A_391 : memref<1x96x128xf32, #tpu.memory_space<vmem>> -> memref<96x128xf32, #tpu.memory_space<vmem>>
        %get3A_393 = arith.index_cast %add3A_287 : i32 to index
        %get3A_394 = arith.constant 96 : index
        %get3A_395 = tpu.vector_load %get3A_392[%get3A_393, %get3A_394] {strides = array<i32>} : memref<96x128xf32, #tpu.memory_space<vmem>>, vector<1x16xf32>,
        %get3A_396 = vector.shape_cast %get3A_395 : vector<1x16xf32> to vector<16xf32>
        %get3A_397 = arith.constant 0 : i32
        %get3A_398 = arith.constant 0 : i32
        %get3A_399 = tpu.memref_slice %arg10[%scan3A_195, %get3A_397, %get3A_398] : memref<4x96x128xf32, #tpu.memory_space<vmem>> -> memref<1x96x128xf32, #tpu.memory_space<vmem>>
        %get3A_400 = tpu.memref_squeeze %get3A_399 : memref<1x96x128xf32, #tpu.memory_space<vmem>> -> memref<96x128xf32, #tpu.memory_space<vmem>>
        %get3A_401 = arith.index_cast %add3A_287 : i32 to index
        %get3A_402 = arith.constant 96 : index
        %get3A_403 = tpu.vector_load %get3A_400[%get3A_401, %get3A_402] {strides = array<i32>} : memref<96x128xf32, #tpu.memory_space<vmem>>, vector<1x16xf32>,
        %get3A_404 = vector.shape_cast %get3A_403 : vector<1x16xf32> to vector<16xf32>
        %mul3A_405 = arith.mulf %get3A_396, %get3A_404 : vector<16xf32>
        %get3A_406 = arith.constant 0 : i32
        %get3A_407 = arith.constant 0 : i32
        %get3A_408 = tpu.memref_slice %arg9[%scan3A_194, %get3A_406, %get3A_407] : memref<4x96x128xf32, #tpu.memory_space<vmem>> -> memref<1x96x128xf32, #tpu.memory_space<vmem>>
        %get3A_409 = tpu.memref_squeeze %get3A_408 : memref<1x96x128xf32, #tpu.memory_space<vmem>> -> memref<96x128xf32, #tpu.memory_space<vmem>>
        %get3A_410 = arith.index_cast %add3A_287 : i32 to index
        %get3A_411 = arith.constant 112 : index
        %get3A_412 = tpu.vector_load %get3A_409[%get3A_410, %get3A_411] {strides = array<i32>} : memref<96x128xf32, #tpu.memory_space<vmem>>, vector<1x16xf32>,
        %get3A_413 = vector.shape_cast %get3A_412 : vector<1x16xf32> to vector<16xf32>
        %get3A_414 = arith.constant 0 : i32
        %get3A_415 = arith.constant 0 : i32
        %get3A_416 = tpu.memref_slice %arg10[%scan3A_195, %get3A_414, %get3A_415] : memref<4x96x128xf32, #tpu.memory_space<vmem>> -> memref<1x96x128xf32, #tpu.memory_space<vmem>>
        %get3A_417 = tpu.memref_squeeze %get3A_416 : memref<1x96x128xf32, #tpu.memory_space<vmem>> -> memref<96x128xf32, #tpu.memory_space<vmem>>
        %get3A_418 = arith.index_cast %add3A_287 : i32 to index
        %get3A_419 = arith.constant 112 : index
        %get3A_420 = tpu.vector_load %get3A_417[%get3A_418, %get3A_419] {strides = array<i32>} : memref<96x128xf32, #tpu.memory_space<vmem>>, vector<1x16xf32>,
        %get3A_421 = vector.shape_cast %get3A_420 : vector<1x16xf32> to vector<16xf32>
        %mul3A_422 = arith.mulf %get3A_413, %get3A_421 : vector<16xf32>
        %add3A_423 = arith.addf %mul3A_303, %mul3A_320 : vector<16xf32>
        %add3A_424 = arith.addf %mul3A_337, %mul3A_354 : vector<16xf32>
        %add3A_425 = arith.addf %mul3A_371, %mul3A_388 : vector<16xf32>
        %add3A_426 = arith.addf %mul3A_405, %mul3A_422 : vector<16xf32>
        %add3A_427 = arith.addf %add3A_423, %add3A_424 : vector<16xf32>
        %add3A_428 = arith.addf %add3A_425, %add3A_426 : vector<16xf32>
        %add3A_429 = arith.addf %add3A_427, %add3A_428 : vector<16xf32>
        %broadcast_in_dim3A_430 = vector.shape_cast %xor3A_4 : vector<16xi32> to vector<16x1xi32>
        %gather3A = vector.shape_cast %broadcast_in_dim3A_430 : vector<16x1xi32> to vector<16xi32>
        %gather3A_431 = tpu.dynamic_gather %add3A_429[%gather3A] in [0] : vector<16xf32>, vector<16xi32> -> vector<16xf32>
        %add3A_432 = arith.addf %add3A_429, %gather3A_431 : vector<16xf32>
        %broadcast_in_dim3A_433 = vector.shape_cast %xor3A_7 : vector<16xi32> to vector<16x1xi32>
        %gather3A_434 = vector.shape_cast %broadcast_in_dim3A_433 : vector<16x1xi32> to vector<16xi32>
        %gather3A_435 = tpu.dynamic_gather %add3A_432[%gather3A_434] in [0] : vector<16xf32>, vector<16xi32> -> vector<16xf32>
        %add3A_436 = arith.addf %add3A_432, %gather3A_435 : vector<16xf32>
        %broadcast_in_dim3A_437 = vector.shape_cast %xor3A_10 : vector<16xi32> to vector<16x1xi32>
        %gather3A_438 = vector.shape_cast %broadcast_in_dim3A_437 : vector<16x1xi32> to vector<16xi32>
        %gather3A_439 = tpu.dynamic_gather %add3A_436[%gather3A_438] in [0] : vector<16xf32>, vector<16xi32> -> vector<16xf32>
        %add3A_440 = arith.addf %add3A_436, %gather3A_439 : vector<16xf32>
        %broadcast_in_dim3A_441 = vector.shape_cast %xor3A_13 : vector<16xi32> to vector<16x1xi32>
        %gather3A_442 = vector.shape_cast %broadcast_in_dim3A_441 : vector<16x1xi32> to vector<16xi32>
        %gather3A_443 = tpu.dynamic_gather %add3A_440[%gather3A_442] in [0] : vector<16xf32>, vector<16xi32> -> vector<16xf32>
        %add3A_444 = arith.addf %add3A_440, %gather3A_443 : vector<16xf32>
        %eq3A = vector.broadcast %scan3A_285 : i32 to vector<16xi32>
        %eq3A_445 = arith.cmpi eq, %iota3A, %eq3A : vector<16xi32>
        %select_n3A = arith.select %eq3A_445, %add3A_444, %scan3A_286 : vector<16xi1>, vector<16xf32>
        %scan3A_446 = arith.constant 1 : i32
        %scan3A_447 = arith.addi %scan3A_285, %scan3A_446 : i32
        %add3A_448 = arith.addi %mul3A_270, %scan3A_447 : i32
        %get3A_449 = arith.constant 0 : i32
        %get3A_450 = arith.constant 0 : i32
        %get3A_451 = tpu.memref_slice %arg9[%scan3A_194, %get3A_449, %get3A_450] : memref<4x96x128xf32, #tpu.memory_space<vmem>> -> memref<1x96x128xf32, #tpu.memory_space<vmem>>
        %get3A_452 = tpu.memref_squeeze %get3A_451 : memref<1x96x128xf32, #tpu.memory_space<vmem>> -> memref<96x128xf32, #tpu.memory_space<vmem>>
        %get3A_453 = arith.index_cast %add3A_448 : i32 to index
        %get3A_454 = arith.constant 0 : index
        %get3A_455 = tpu.vector_load %get3A_452[%get3A_453, %get3A_454] {strides = array<i32>} : memref<96x128xf32, #tpu.memory_space<vmem>>, vector<1x16xf32>,
        %get3A_456 = vector.shape_cast %get3A_455 : vector<1x16xf32> to vector<16xf32>
        %get3A_457 = arith.constant 0 : i32
        %get3A_458 = arith.constant 0 : i32
        %get3A_459 = tpu.memref_slice %arg10[%scan3A_195, %get3A_457, %get3A_458] : memref<4x96x128xf32, #tpu.memory_space<vmem>> -> memref<1x96x128xf32, #tpu.memory_space<vmem>>
        %get3A_460 = tpu.memref_squeeze %get3A_459 : memref<1x96x128xf32, #tpu.memory_space<vmem>> -> memref<96x128xf32, #tpu.memory_space<vmem>>
        %get3A_461 = arith.index_cast %add3A_448 : i32 to index
        %get3A_462 = arith.constant 0 : index
        %get3A_463 = tpu.vector_load %get3A_460[%get3A_461, %get3A_462] {strides = array<i32>} : memref<96x128xf32, #tpu.memory_space<vmem>>, vector<1x16xf32>,
        %get3A_464 = vector.shape_cast %get3A_463 : vector<1x16xf32> to vector<16xf32>
        %mul3A_465 = arith.mulf %get3A_456, %get3A_464 : vector<16xf32>
        %get3A_466 = arith.constant 0 : i32
        %get3A_467 = arith.constant 0 : i32
        %get3A_468 = tpu.memref_slice %arg9[%scan3A_194, %get3A_466, %get3A_467] : memref<4x96x128xf32, #tpu.memory_space<vmem>> -> memref<1x96x128xf32, #tpu.memory_space<vmem>>
        %get3A_469 = tpu.memref_squeeze %get3A_468 : memref<1x96x128xf32, #tpu.memory_space<vmem>> -> memref<96x128xf32, #tpu.memory_space<vmem>>
        %get3A_470 = arith.index_cast %add3A_448 : i32 to index
        %get3A_471 = arith.constant 16 : index
        %get3A_472 = tpu.vector_load %get3A_469[%get3A_470, %get3A_471] {strides = array<i32>} : memref<96x128xf32, #tpu.memory_space<vmem>>, vector<1x16xf32>,
        %get3A_473 = vector.shape_cast %get3A_472 : vector<1x16xf32> to vector<16xf32>
        %get3A_474 = arith.constant 0 : i32
        %get3A_475 = arith.constant 0 : i32
        %get3A_476 = tpu.memref_slice %arg10[%scan3A_195, %get3A_474, %get3A_475] : memref<4x96x128xf32, #tpu.memory_space<vmem>> -> memref<1x96x128xf32, #tpu.memory_space<vmem>>
        %get3A_477 = tpu.memref_squeeze %get3A_476 : memref<1x96x128xf32, #tpu.memory_space<vmem>> -> memref<96x128xf32, #tpu.memory_space<vmem>>
        %get3A_478 = arith.index_cast %add3A_448 : i32 to index
        %get3A_479 = arith.constant 16 : index
        %get3A_480 = tpu.vector_load %get3A_477[%get3A_478, %get3A_479] {strides = array<i32>} : memref<96x128xf32, #tpu.memory_space<vmem>>, vector<1x16xf32>,
        %get3A_481 = vector.shape_cast %get3A_480 : vector<1x16xf32> to vector<16xf32>
        %mul3A_482 = arith.mulf %get3A_473, %get3A_481 : vector<16xf32>
        %get3A_483 = arith.constant 0 : i32
        %get3A_484 = arith.constant 0 : i32
        %get3A_485 = tpu.memref_slice %arg9[%scan3A_194, %get3A_483, %get3A_484] : memref<4x96x128xf32, #tpu.memory_space<vmem>> -> memref<1x96x128xf32, #tpu.memory_space<vmem>>
        %get3A_486 = tpu.memref_squeeze %get3A_485 : memref<1x96x128xf32, #tpu.memory_space<vmem>> -> memref<96x128xf32, #tpu.memory_space<vmem>>
        %get3A_487 = arith.index_cast %add3A_448 : i32 to index
        %get3A_488 = arith.constant 32 : index
        %get3A_489 = tpu.vector_load %get3A_486[%get3A_487, %get3A_488] {strides = array<i32>} : memref<96x128xf32, #tpu.memory_space<vmem>>, vector<1x16xf32>,
        %get3A_490 = vector.shape_cast %get3A_489 : vector<1x16xf32> to vector<16xf32>
        %get3A_491 = arith.constant 0 : i32
        %get3A_492 = arith.constant 0 : i32
        %get3A_493 = tpu.memref_slice %arg10[%scan3A_195, %get3A_491, %get3A_492] : memref<4x96x128xf32, #tpu.memory_space<vmem>> -> memref<1x96x128xf32, #tpu.memory_space<vmem>>
        %get3A_494 = tpu.memref_squeeze %get3A_493 : memref<1x96x128xf32, #tpu.memory_space<vmem>> -> memref<96x128xf32, #tpu.memory_space<vmem>>
        %get3A_495 = arith.index_cast %add3A_448 : i32 to index
        %get3A_496 = arith.constant 32 : index
        %get3A_497 = tpu.vector_load %get3A_494[%get3A_495, %get3A_496] {strides = array<i32>} : memref<96x128xf32, #tpu.memory_space<vmem>>, vector<1x16xf32>,
        %get3A_498 = vector.shape_cast %get3A_497 : vector<1x16xf32> to vector<16xf32>
        %mul3A_499 = arith.mulf %get3A_490, %get3A_498 : vector<16xf32>
        %get3A_500 = arith.constant 0 : i32
        %get3A_501 = arith.constant 0 : i32
        %get3A_502 = tpu.memref_slice %arg9[%scan3A_194, %get3A_500, %get3A_501] : memref<4x96x128xf32, #tpu.memory_space<vmem>> -> memref<1x96x128xf32, #tpu.memory_space<vmem>>
        %get3A_503 = tpu.memref_squeeze %get3A_502 : memref<1x96x128xf32, #tpu.memory_space<vmem>> -> memref<96x128xf32, #tpu.memory_space<vmem>>
        %get3A_504 = arith.index_cast %add3A_448 : i32 to index
        %get3A_505 = arith.constant 48 : index
        %get3A_506 = tpu.vector_load %get3A_503[%get3A_504, %get3A_505] {strides = array<i32>} : memref<96x128xf32, #tpu.memory_space<vmem>>, vector<1x16xf32>,
        %get3A_507 = vector.shape_cast %get3A_506 : vector<1x16xf32> to vector<16xf32>
        %get3A_508 = arith.constant 0 : i32
        %get3A_509 = arith.constant 0 : i32
        %get3A_510 = tpu.memref_slice %arg10[%scan3A_195, %get3A_508, %get3A_509] : memref<4x96x128xf32, #tpu.memory_space<vmem>> -> memref<1x96x128xf32, #tpu.memory_space<vmem>>
        %get3A_511 = tpu.memref_squeeze %get3A_510 : memref<1x96x128xf32, #tpu.memory_space<vmem>> -> memref<96x128xf32, #tpu.memory_space<vmem>>
        %get3A_512 = arith.index_cast %add3A_448 : i32 to index
        %get3A_513 = arith.constant 48 : index
        %get3A_514 = tpu.vector_load %get3A_511[%get3A_512, %get3A_513] {strides = array<i32>} : memref<96x128xf32, #tpu.memory_space<vmem>>, vector<1x16xf32>,
        %get3A_515 = vector.shape_cast %get3A_514 : vector<1x16xf32> to vector<16xf32>
        %mul3A_516 = arith.mulf %get3A_507, %get3A_515 : vector<16xf32>
        %get3A_517 = arith.constant 0 : i32
        %get3A_518 = arith.constant 0 : i32
        %get3A_519 = tpu.memref_slice %arg9[%scan3A_194, %get3A_517, %get3A_518] : memref<4x96x128xf32, #tpu.memory_space<vmem>> -> memref<1x96x128xf32, #tpu.memory_space<vmem>>
        %get3A_520 = tpu.memref_squeeze %get3A_519 : memref<1x96x128xf32, #tpu.memory_space<vmem>> -> memref<96x128xf32, #tpu.memory_space<vmem>>
        %get3A_521 = arith.index_cast %add3A_448 : i32 to index
        %get3A_522 = arith.constant 64 : index
        %get3A_523 = tpu.vector_load %get3A_520[%get3A_521, %get3A_522] {strides = array<i32>} : memref<96x128xf32, #tpu.memory_space<vmem>>, vector<1x16xf32>,
        %get3A_524 = vector.shape_cast %get3A_523 : vector<1x16xf32> to vector<16xf32>
        %get3A_525 = arith.constant 0 : i32
        %get3A_526 = arith.constant 0 : i32
        %get3A_527 = tpu.memref_slice %arg10[%scan3A_195, %get3A_525, %get3A_526] : memref<4x96x128xf32, #tpu.memory_space<vmem>> -> memref<1x96x128xf32, #tpu.memory_space<vmem>>
        %get3A_528 = tpu.memref_squeeze %get3A_527 : memref<1x96x128xf32, #tpu.memory_space<vmem>> -> memref<96x128xf32, #tpu.memory_space<vmem>>
        %get3A_529 = arith.index_cast %add3A_448 : i32 to index
        %get3A_530 = arith.constant 64 : index
        %get3A_531 = tpu.vector_load %get3A_528[%get3A_529, %get3A_530] {strides = array<i32>} : memref<96x128xf32, #tpu.memory_space<vmem>>, vector<1x16xf32>,
        %get3A_532 = vector.shape_cast %get3A_531 : vector<1x16xf32> to vector<16xf32>
        %mul3A_533 = arith.mulf %get3A_524, %get3A_532 : vector<16xf32>
        %get3A_534 = arith.constant 0 : i32
        %get3A_535 = arith.constant 0 : i32
        %get3A_536 = tpu.memref_slice %arg9[%scan3A_194, %get3A_534, %get3A_535] : memref<4x96x128xf32, #tpu.memory_space<vmem>> -> memref<1x96x128xf32, #tpu.memory_space<vmem>>
        %get3A_537 = tpu.memref_squeeze %get3A_536 : memref<1x96x128xf32, #tpu.memory_space<vmem>> -> memref<96x128xf32, #tpu.memory_space<vmem>>
        %get3A_538 = arith.index_cast %add3A_448 : i32 to index
        %get3A_539 = arith.constant 80 : index
        %get3A_540 = tpu.vector_load %get3A_537[%get3A_538, %get3A_539] {strides = array<i32>} : memref<96x128xf32, #tpu.memory_space<vmem>>, vector<1x16xf32>,
        %get3A_541 = vector.shape_cast %get3A_540 : vector<1x16xf32> to vector<16xf32>
        %get3A_542 = arith.constant 0 : i32
        %get3A_543 = arith.constant 0 : i32
        %get3A_544 = tpu.memref_slice %arg10[%scan3A_195, %get3A_542, %get3A_543] : memref<4x96x128xf32, #tpu.memory_space<vmem>> -> memref<1x96x128xf32, #tpu.memory_space<vmem>>
        %get3A_545 = tpu.memref_squeeze %get3A_544 : memref<1x96x128xf32, #tpu.memory_space<vmem>> -> memref<96x128xf32, #tpu.memory_space<vmem>>
        %get3A_546 = arith.index_cast %add3A_448 : i32 to index
        %get3A_547 = arith.constant 80 : index
        %get3A_548 = tpu.vector_load %get3A_545[%get3A_546, %get3A_547] {strides = array<i32>} : memref<96x128xf32, #tpu.memory_space<vmem>>, vector<1x16xf32>,
        %get3A_549 = vector.shape_cast %get3A_548 : vector<1x16xf32> to vector<16xf32>
        %mul3A_550 = arith.mulf %get3A_541, %get3A_549 : vector<16xf32>
        %get3A_551 = arith.constant 0 : i32
        %get3A_552 = arith.constant 0 : i32
        %get3A_553 = tpu.memref_slice %arg9[%scan3A_194, %get3A_551, %get3A_552] : memref<4x96x128xf32, #tpu.memory_space<vmem>> -> memref<1x96x128xf32, #tpu.memory_space<vmem>>
        %get3A_554 = tpu.memref_squeeze %get3A_553 : memref<1x96x128xf32, #tpu.memory_space<vmem>> -> memref<96x128xf32, #tpu.memory_space<vmem>>
        %get3A_555 = arith.index_cast %add3A_448 : i32 to index
        %get3A_556 = arith.constant 96 : index
        %get3A_557 = tpu.vector_load %get3A_554[%get3A_555, %get3A_556] {strides = array<i32>} : memref<96x128xf32, #tpu.memory_space<vmem>>, vector<1x16xf32>,
        %get3A_558 = vector.shape_cast %get3A_557 : vector<1x16xf32> to vector<16xf32>
        %get3A_559 = arith.constant 0 : i32
        %get3A_560 = arith.constant 0 : i32
        %get3A_561 = tpu.memref_slice %arg10[%scan3A_195, %get3A_559, %get3A_560] : memref<4x96x128xf32, #tpu.memory_space<vmem>> -> memref<1x96x128xf32, #tpu.memory_space<vmem>>
        %get3A_562 = tpu.memref_squeeze %get3A_561 : memref<1x96x128xf32, #tpu.memory_space<vmem>> -> memref<96x128xf32, #tpu.memory_space<vmem>>
        %get3A_563 = arith.index_cast %add3A_448 : i32 to index
        %get3A_564 = arith.constant 96 : index
        %get3A_565 = tpu.vector_load %get3A_562[%get3A_563, %get3A_564] {strides = array<i32>} : memref<96x128xf32, #tpu.memory_space<vmem>>, vector<1x16xf32>,
        %get3A_566 = vector.shape_cast %get3A_565 : vector<1x16xf32> to vector<16xf32>
        %mul3A_567 = arith.mulf %get3A_558, %get3A_566 : vector<16xf32>
        %get3A_568 = arith.constant 0 : i32
        %get3A_569 = arith.constant 0 : i32
        %get3A_570 = tpu.memref_slice %arg9[%scan3A_194, %get3A_568, %get3A_569] : memref<4x96x128xf32, #tpu.memory_space<vmem>> -> memref<1x96x128xf32, #tpu.memory_space<vmem>>
        %get3A_571 = tpu.memref_squeeze %get3A_570 : memref<1x96x128xf32, #tpu.memory_space<vmem>> -> memref<96x128xf32, #tpu.memory_space<vmem>>
        %get3A_572 = arith.index_cast %add3A_448 : i32 to index
        %get3A_573 = arith.constant 112 : index
        %get3A_574 = tpu.vector_load %get3A_571[%get3A_572, %get3A_573] {strides = array<i32>} : memref<96x128xf32, #tpu.memory_space<vmem>>, vector<1x16xf32>,
        %get3A_575 = vector.shape_cast %get3A_574 : vector<1x16xf32> to vector<16xf32>
        %get3A_576 = arith.constant 0 : i32
        %get3A_577 = arith.constant 0 : i32
        %get3A_578 = tpu.memref_slice %arg10[%scan3A_195, %get3A_576, %get3A_577] : memref<4x96x128xf32, #tpu.memory_space<vmem>> -> memref<1x96x128xf32, #tpu.memory_space<vmem>>
        %get3A_579 = tpu.memref_squeeze %get3A_578 : memref<1x96x128xf32, #tpu.memory_space<vmem>> -> memref<96x128xf32, #tpu.memory_space<vmem>>
        %get3A_580 = arith.index_cast %add3A_448 : i32 to index
        %get3A_581 = arith.constant 112 : index
        %get3A_582 = tpu.vector_load %get3A_579[%get3A_580, %get3A_581] {strides = array<i32>} : memref<96x128xf32, #tpu.memory_space<vmem>>, vector<1x16xf32>,
        %get3A_583 = vector.shape_cast %get3A_582 : vector<1x16xf32> to vector<16xf32>
        %mul3A_584 = arith.mulf %get3A_575, %get3A_583 : vector<16xf32>
        %add3A_585 = arith.addf %mul3A_465, %mul3A_482 : vector<16xf32>
        %add3A_586 = arith.addf %mul3A_499, %mul3A_516 : vector<16xf32>
        %add3A_587 = arith.addf %mul3A_533, %mul3A_550 : vector<16xf32>
        %add3A_588 = arith.addf %mul3A_567, %mul3A_584 : vector<16xf32>
        %add3A_589 = arith.addf %add3A_585, %add3A_586 : vector<16xf32>
        %add3A_590 = arith.addf %add3A_587, %add3A_588 : vector<16xf32>
        %add3A_591 = arith.addf %add3A_589, %add3A_590 : vector<16xf32>
        %broadcast_in_dim3A_592 = vector.shape_cast %xor3A_4 : vector<16xi32> to vector<16x1xi32>
        %gather3A_593 = vector.shape_cast %broadcast_in_dim3A_592 : vector<16x1xi32> to vector<16xi32>
        %gather3A_594 = tpu.dynamic_gather %add3A_591[%gather3A_593] in [0] : vector<16xf32>, vector<16xi32> -> vector<16xf32>
        %add3A_595 = arith.addf %add3A_591, %gather3A_594 : vector<16xf32>
        %broadcast_in_dim3A_596 = vector.shape_cast %xor3A_7 : vector<16xi32> to vector<16x1xi32>
        %gather3A_597 = vector.shape_cast %broadcast_in_dim3A_596 : vector<16x1xi32> to vector<16xi32>
        %gather3A_598 = tpu.dynamic_gather %add3A_595[%gather3A_597] in [0] : vector<16xf32>, vector<16xi32> -> vector<16xf32>
        %add3A_599 = arith.addf %add3A_595, %gather3A_598 : vector<16xf32>
        %broadcast_in_dim3A_600 = vector.shape_cast %xor3A_10 : vector<16xi32> to vector<16x1xi32>
        %gather3A_601 = vector.shape_cast %broadcast_in_dim3A_600 : vector<16x1xi32> to vector<16xi32>
        %gather3A_602 = tpu.dynamic_gather %add3A_599[%gather3A_601] in [0] : vector<16xf32>, vector<16xi32> -> vector<16xf32>
        %add3A_603 = arith.addf %add3A_599, %gather3A_602 : vector<16xf32>
        %broadcast_in_dim3A_604 = vector.shape_cast %xor3A_13 : vector<16xi32> to vector<16x1xi32>
        %gather3A_605 = vector.shape_cast %broadcast_in_dim3A_604 : vector<16x1xi32> to vector<16xi32>
        %gather3A_606 = tpu.dynamic_gather %add3A_603[%gather3A_605] in [0] : vector<16xf32>, vector<16xi32> -> vector<16xf32>
        %add3A_607 = arith.addf %add3A_603, %gather3A_606 : vector<16xf32>
        %eq3A_608 = vector.broadcast %scan3A_447 : i32 to vector<16xi32>
        %eq3A_609 = arith.cmpi eq, %iota3A, %eq3A_608 : vector<16xi32>
        %select_n3A_610 = arith.select %eq3A_609, %add3A_607, %select_n3A : vector<16xi1>, vector<16xf32>
        scf.yield %select_n3A_610 : vector<16xf32>
      }
      %scan3A_278 = arith.constant 16 : i32
      %add3A_279 = arith.constant 9792 : i32
      %add3A_280 = arith.addi %add3A_279, %mul3A_270 : i32
      %swap3A_281 = arith.index_cast %add3A_280 : i32 to index
      %swap3A_282 = tpu.vector_load %arg11[%swap3A_281] {strides = array<i32>} : memref<10000xf32, #tpu.memory_space<vmem>>, vector<16xf32>,
      %swap3A_283 = vector.shape_cast %swap3A_282 : vector<16xf32> to vector<16xf32>
      %swap3A_284 = vector.shape_cast %scan3A_277 : vector<16xf32> to vector<16xf32>
      tpu.vector_store %arg11[%swap3A_281], %swap3A_284 {strides = array<i32>} : memref<10000xf32, #tpu.memory_space<vmem>>, vector<16xf32>,
    }
    %scan3A_200 = arith.constant 6 : i32
    %dma_wait3A_201 = arith.constant 3 : i32
    %dma_wait3A_202 = arith.constant 0 : i32
    %dma_wait3A_203 = arith.constant 0 : i32
    %dma_wait3A_204 = tpu.memref_slice %arg9[%dma_wait3A_201, %dma_wait3A_202, %dma_wait3A_203] : memref<4x96x128xf32, #tpu.memory_space<vmem>> -> memref<1x96x128xf32, #tpu.memory_space<vmem>>
    %dma_wait3A_205 = tpu.memref_squeeze %dma_wait3A_204 : memref<1x96x128xf32, #tpu.memory_space<vmem>> -> memref<96x128xf32, #tpu.memory_space<vmem>>
    %dma_wait3A_206 = arith.constant 0 : i32
    %dma_wait3A_207 = tpu.memref_slice %arg7[%dma_wait3A_206] : memref<10000xi32, #tpu.memory_space<vmem>> -> memref<96xi32, #tpu.memory_space<vmem>>
    %dma_wait3A_208 = arith.constant 0 : i32
    %dma_wait3A_209 = arith.constant 0 : i32
    %dma_wait3A_210 = tpu.memref_slice %arg2[%dma_wait3A_208, %dma_wait3A_209] : memref<100000x128xf32, #tpu.memory_space<hbm>> -> memref<100000x128xf32, #tpu.memory_space<hbm>>
    tpu.wait_indirect_dma semaphore(%arg15 : memref<!tpu.dma_semaphore, #tpu.memory_space<semaphore_mem>>) src(%dma_wait3A_210 : memref<100000x128xf32, #tpu.memory_space<hbm>>) dst(%dma_wait3A_205 : memref<96x128xf32, #tpu.memory_space<vmem>>)
    %dma_wait3A_211 = arith.constant 3 : i32
    %dma_wait3A_212 = arith.constant 0 : i32
    %dma_wait3A_213 = arith.constant 0 : i32
    %dma_wait3A_214 = tpu.memref_slice %arg10[%dma_wait3A_211, %dma_wait3A_212, %dma_wait3A_213] : memref<4x96x128xf32, #tpu.memory_space<vmem>> -> memref<1x96x128xf32, #tpu.memory_space<vmem>>
    %dma_wait3A_215 = tpu.memref_squeeze %dma_wait3A_214 : memref<1x96x128xf32, #tpu.memory_space<vmem>> -> memref<96x128xf32, #tpu.memory_space<vmem>>
    %dma_wait3A_216 = arith.constant 0 : i32
    %dma_wait3A_217 = tpu.memref_slice %arg8[%dma_wait3A_216] : memref<10000xi32, #tpu.memory_space<vmem>> -> memref<96xi32, #tpu.memory_space<vmem>>
    %dma_wait3A_218 = arith.constant 0 : i32
    %dma_wait3A_219 = arith.constant 0 : i32
    %dma_wait3A_220 = tpu.memref_slice %arg3[%dma_wait3A_218, %dma_wait3A_219] : memref<100000x128xf32, #tpu.memory_space<hbm>> -> memref<100000x128xf32, #tpu.memory_space<hbm>>
    tpu.wait_indirect_dma semaphore(%arg19 : memref<!tpu.dma_semaphore, #tpu.memory_space<semaphore_mem>>) src(%dma_wait3A_220 : memref<100000x128xf32, #tpu.memory_space<hbm>>) dst(%dma_wait3A_215 : memref<96x128xf32, #tpu.memory_space<vmem>>)
    %scan3A_221 = arith.constant 0 : i32
    %scan3A_222 = arith.constant 3 : i32
    %scan3A_223 = arith.constant 3 : i32
    %scan3A_224 = arith.constant 0 : i32
    %scan3A_225 = arith.constant 6 : i32
    %scan3A_226 = arith.addi %scan3A_224, %scan3A_225 : i32
    %scan3A_227 = arith.constant 1 : i32
    scf.for %scan3A_268 = %scan3A_224 to %scan3A_226 step %scan3A_227  : i32 {
      %mul3A_269 = arith.constant 16 : i32
      %mul3A_270 = arith.muli %scan3A_268, %mul3A_269 : i32
      %broadcast_in_dim3A_271 = arith.constant 0.000000e+00 : f32
      %broadcast_in_dim3A_272 = vector.broadcast %broadcast_in_dim3A_271 : f32 to vector<16xf32>
      %scan3A_273 = arith.constant 0 : i32
      %scan3A_274 = arith.constant 16 : i32
      %scan3A_275 = arith.addi %scan3A_273, %scan3A_274 : i32
      %scan3A_276 = arith.constant 2 : i32
      %scan3A_277 = scf.for %scan3A_285 = %scan3A_273 to %scan3A_275 step %scan3A_276 iter_args(%scan3A_286 = %broadcast_in_dim3A_272) -> (vector<16xf32>)  : i32 {
        %add3A_287 = arith.addi %mul3A_270, %scan3A_285 : i32
        %get3A = arith.constant 0 : i32
        %get3A_288 = arith.constant 0 : i32
        %get3A_289 = tpu.memref_slice %arg9[%scan3A_222, %get3A, %get3A_288] : memref<4x96x128xf32, #tpu.memory_space<vmem>> -> memref<1x96x128xf32, #tpu.memory_space<vmem>>
        %get3A_290 = tpu.memref_squeeze %get3A_289 : memref<1x96x128xf32, #tpu.memory_space<vmem>> -> memref<96x128xf32, #tpu.memory_space<vmem>>
        %get3A_291 = arith.index_cast %add3A_287 : i32 to index
        %get3A_292 = arith.constant 0 : index
        %get3A_293 = tpu.vector_load %get3A_290[%get3A_291, %get3A_292] {strides = array<i32>} : memref<96x128xf32, #tpu.memory_space<vmem>>, vector<1x16xf32>,
        %get3A_294 = vector.shape_cast %get3A_293 : vector<1x16xf32> to vector<16xf32>
        %get3A_295 = arith.constant 0 : i32
        %get3A_296 = arith.constant 0 : i32
        %get3A_297 = tpu.memref_slice %arg10[%scan3A_223, %get3A_295, %get3A_296] : memref<4x96x128xf32, #tpu.memory_space<vmem>> -> memref<1x96x128xf32, #tpu.memory_space<vmem>>
        %get3A_298 = tpu.memref_squeeze %get3A_297 : memref<1x96x128xf32, #tpu.memory_space<vmem>> -> memref<96x128xf32, #tpu.memory_space<vmem>>
        %get3A_299 = arith.index_cast %add3A_287 : i32 to index
        %get3A_300 = arith.constant 0 : index
        %get3A_301 = tpu.vector_load %get3A_298[%get3A_299, %get3A_300] {strides = array<i32>} : memref<96x128xf32, #tpu.memory_space<vmem>>, vector<1x16xf32>,
        %get3A_302 = vector.shape_cast %get3A_301 : vector<1x16xf32> to vector<16xf32>
        %mul3A_303 = arith.mulf %get3A_294, %get3A_302 : vector<16xf32>
        %get3A_304 = arith.constant 0 : i32
        %get3A_305 = arith.constant 0 : i32
        %get3A_306 = tpu.memref_slice %arg9[%scan3A_222, %get3A_304, %get3A_305] : memref<4x96x128xf32, #tpu.memory_space<vmem>> -> memref<1x96x128xf32, #tpu.memory_space<vmem>>
        %get3A_307 = tpu.memref_squeeze %get3A_306 : memref<1x96x128xf32, #tpu.memory_space<vmem>> -> memref<96x128xf32, #tpu.memory_space<vmem>>
        %get3A_308 = arith.index_cast %add3A_287 : i32 to index
        %get3A_309 = arith.constant 16 : index
        %get3A_310 = tpu.vector_load %get3A_307[%get3A_308, %get3A_309] {strides = array<i32>} : memref<96x128xf32, #tpu.memory_space<vmem>>, vector<1x16xf32>,
        %get3A_311 = vector.shape_cast %get3A_310 : vector<1x16xf32> to vector<16xf32>
        %get3A_312 = arith.constant 0 : i32
        %get3A_313 = arith.constant 0 : i32
        %get3A_314 = tpu.memref_slice %arg10[%scan3A_223, %get3A_312, %get3A_313] : memref<4x96x128xf32, #tpu.memory_space<vmem>> -> memref<1x96x128xf32, #tpu.memory_space<vmem>>
        %get3A_315 = tpu.memref_squeeze %get3A_314 : memref<1x96x128xf32, #tpu.memory_space<vmem>> -> memref<96x128xf32, #tpu.memory_space<vmem>>
        %get3A_316 = arith.index_cast %add3A_287 : i32 to index
        %get3A_317 = arith.constant 16 : index
        %get3A_318 = tpu.vector_load %get3A_315[%get3A_316, %get3A_317] {strides = array<i32>} : memref<96x128xf32, #tpu.memory_space<vmem>>, vector<1x16xf32>,
        %get3A_319 = vector.shape_cast %get3A_318 : vector<1x16xf32> to vector<16xf32>
        %mul3A_320 = arith.mulf %get3A_311, %get3A_319 : vector<16xf32>
        %get3A_321 = arith.constant 0 : i32
        %get3A_322 = arith.constant 0 : i32
        %get3A_323 = tpu.memref_slice %arg9[%scan3A_222, %get3A_321, %get3A_322] : memref<4x96x128xf32, #tpu.memory_space<vmem>> -> memref<1x96x128xf32, #tpu.memory_space<vmem>>
        %get3A_324 = tpu.memref_squeeze %get3A_323 : memref<1x96x128xf32, #tpu.memory_space<vmem>> -> memref<96x128xf32, #tpu.memory_space<vmem>>
        %get3A_325 = arith.index_cast %add3A_287 : i32 to index
        %get3A_326 = arith.constant 32 : index
        %get3A_327 = tpu.vector_load %get3A_324[%get3A_325, %get3A_326] {strides = array<i32>} : memref<96x128xf32, #tpu.memory_space<vmem>>, vector<1x16xf32>,
        %get3A_328 = vector.shape_cast %get3A_327 : vector<1x16xf32> to vector<16xf32>
        %get3A_329 = arith.constant 0 : i32
        %get3A_330 = arith.constant 0 : i32
        %get3A_331 = tpu.memref_slice %arg10[%scan3A_223, %get3A_329, %get3A_330] : memref<4x96x128xf32, #tpu.memory_space<vmem>> -> memref<1x96x128xf32, #tpu.memory_space<vmem>>
        %get3A_332 = tpu.memref_squeeze %get3A_331 : memref<1x96x128xf32, #tpu.memory_space<vmem>> -> memref<96x128xf32, #tpu.memory_space<vmem>>
        %get3A_333 = arith.index_cast %add3A_287 : i32 to index
        %get3A_334 = arith.constant 32 : index
        %get3A_335 = tpu.vector_load %get3A_332[%get3A_333, %get3A_334] {strides = array<i32>} : memref<96x128xf32, #tpu.memory_space<vmem>>, vector<1x16xf32>,
        %get3A_336 = vector.shape_cast %get3A_335 : vector<1x16xf32> to vector<16xf32>
        %mul3A_337 = arith.mulf %get3A_328, %get3A_336 : vector<16xf32>
        %get3A_338 = arith.constant 0 : i32
        %get3A_339 = arith.constant 0 : i32
        %get3A_340 = tpu.memref_slice %arg9[%scan3A_222, %get3A_338, %get3A_339] : memref<4x96x128xf32, #tpu.memory_space<vmem>> -> memref<1x96x128xf32, #tpu.memory_space<vmem>>
        %get3A_341 = tpu.memref_squeeze %get3A_340 : memref<1x96x128xf32, #tpu.memory_space<vmem>> -> memref<96x128xf32, #tpu.memory_space<vmem>>
        %get3A_342 = arith.index_cast %add3A_287 : i32 to index
        %get3A_343 = arith.constant 48 : index
        %get3A_344 = tpu.vector_load %get3A_341[%get3A_342, %get3A_343] {strides = array<i32>} : memref<96x128xf32, #tpu.memory_space<vmem>>, vector<1x16xf32>,
        %get3A_345 = vector.shape_cast %get3A_344 : vector<1x16xf32> to vector<16xf32>
        %get3A_346 = arith.constant 0 : i32
        %get3A_347 = arith.constant 0 : i32
        %get3A_348 = tpu.memref_slice %arg10[%scan3A_223, %get3A_346, %get3A_347] : memref<4x96x128xf32, #tpu.memory_space<vmem>> -> memref<1x96x128xf32, #tpu.memory_space<vmem>>
        %get3A_349 = tpu.memref_squeeze %get3A_348 : memref<1x96x128xf32, #tpu.memory_space<vmem>> -> memref<96x128xf32, #tpu.memory_space<vmem>>
        %get3A_350 = arith.index_cast %add3A_287 : i32 to index
        %get3A_351 = arith.constant 48 : index
        %get3A_352 = tpu.vector_load %get3A_349[%get3A_350, %get3A_351] {strides = array<i32>} : memref<96x128xf32, #tpu.memory_space<vmem>>, vector<1x16xf32>,
        %get3A_353 = vector.shape_cast %get3A_352 : vector<1x16xf32> to vector<16xf32>
        %mul3A_354 = arith.mulf %get3A_345, %get3A_353 : vector<16xf32>
        %get3A_355 = arith.constant 0 : i32
        %get3A_356 = arith.constant 0 : i32
        %get3A_357 = tpu.memref_slice %arg9[%scan3A_222, %get3A_355, %get3A_356] : memref<4x96x128xf32, #tpu.memory_space<vmem>> -> memref<1x96x128xf32, #tpu.memory_space<vmem>>
        %get3A_358 = tpu.memref_squeeze %get3A_357 : memref<1x96x128xf32, #tpu.memory_space<vmem>> -> memref<96x128xf32, #tpu.memory_space<vmem>>
        %get3A_359 = arith.index_cast %add3A_287 : i32 to index
        %get3A_360 = arith.constant 64 : index
        %get3A_361 = tpu.vector_load %get3A_358[%get3A_359, %get3A_360] {strides = array<i32>} : memref<96x128xf32, #tpu.memory_space<vmem>>, vector<1x16xf32>,
        %get3A_362 = vector.shape_cast %get3A_361 : vector<1x16xf32> to vector<16xf32>
        %get3A_363 = arith.constant 0 : i32
        %get3A_364 = arith.constant 0 : i32
        %get3A_365 = tpu.memref_slice %arg10[%scan3A_223, %get3A_363, %get3A_364] : memref<4x96x128xf32, #tpu.memory_space<vmem>> -> memref<1x96x128xf32, #tpu.memory_space<vmem>>
        %get3A_366 = tpu.memref_squeeze %get3A_365 : memref<1x96x128xf32, #tpu.memory_space<vmem>> -> memref<96x128xf32, #tpu.memory_space<vmem>>
        %get3A_367 = arith.index_cast %add3A_287 : i32 to index
        %get3A_368 = arith.constant 64 : index
        %get3A_369 = tpu.vector_load %get3A_366[%get3A_367, %get3A_368] {strides = array<i32>} : memref<96x128xf32, #tpu.memory_space<vmem>>, vector<1x16xf32>,
        %get3A_370 = vector.shape_cast %get3A_369 : vector<1x16xf32> to vector<16xf32>
        %mul3A_371 = arith.mulf %get3A_362, %get3A_370 : vector<16xf32>
        %get3A_372 = arith.constant 0 : i32
        %get3A_373 = arith.constant 0 : i32
        %get3A_374 = tpu.memref_slice %arg9[%scan3A_222, %get3A_372, %get3A_373] : memref<4x96x128xf32, #tpu.memory_space<vmem>> -> memref<1x96x128xf32, #tpu.memory_space<vmem>>
        %get3A_375 = tpu.memref_squeeze %get3A_374 : memref<1x96x128xf32, #tpu.memory_space<vmem>> -> memref<96x128xf32, #tpu.memory_space<vmem>>
        %get3A_376 = arith.index_cast %add3A_287 : i32 to index
        %get3A_377 = arith.constant 80 : index
        %get3A_378 = tpu.vector_load %get3A_375[%get3A_376, %get3A_377] {strides = array<i32>} : memref<96x128xf32, #tpu.memory_space<vmem>>, vector<1x16xf32>,
        %get3A_379 = vector.shape_cast %get3A_378 : vector<1x16xf32> to vector<16xf32>
        %get3A_380 = arith.constant 0 : i32
        %get3A_381 = arith.constant 0 : i32
        %get3A_382 = tpu.memref_slice %arg10[%scan3A_223, %get3A_380, %get3A_381] : memref<4x96x128xf32, #tpu.memory_space<vmem>> -> memref<1x96x128xf32, #tpu.memory_space<vmem>>
        %get3A_383 = tpu.memref_squeeze %get3A_382 : memref<1x96x128xf32, #tpu.memory_space<vmem>> -> memref<96x128xf32, #tpu.memory_space<vmem>>
        %get3A_384 = arith.index_cast %add3A_287 : i32 to index
        %get3A_385 = arith.constant 80 : index
        %get3A_386 = tpu.vector_load %get3A_383[%get3A_384, %get3A_385] {strides = array<i32>} : memref<96x128xf32, #tpu.memory_space<vmem>>, vector<1x16xf32>,
        %get3A_387 = vector.shape_cast %get3A_386 : vector<1x16xf32> to vector<16xf32>
        %mul3A_388 = arith.mulf %get3A_379, %get3A_387 : vector<16xf32>
        %get3A_389 = arith.constant 0 : i32
        %get3A_390 = arith.constant 0 : i32
        %get3A_391 = tpu.memref_slice %arg9[%scan3A_222, %get3A_389, %get3A_390] : memref<4x96x128xf32, #tpu.memory_space<vmem>> -> memref<1x96x128xf32, #tpu.memory_space<vmem>>
        %get3A_392 = tpu.memref_squeeze %get3A_391 : memref<1x96x128xf32, #tpu.memory_space<vmem>> -> memref<96x128xf32, #tpu.memory_space<vmem>>
        %get3A_393 = arith.index_cast %add3A_287 : i32 to index
        %get3A_394 = arith.constant 96 : index
        %get3A_395 = tpu.vector_load %get3A_392[%get3A_393, %get3A_394] {strides = array<i32>} : memref<96x128xf32, #tpu.memory_space<vmem>>, vector<1x16xf32>,
        %get3A_396 = vector.shape_cast %get3A_395 : vector<1x16xf32> to vector<16xf32>
        %get3A_397 = arith.constant 0 : i32
        %get3A_398 = arith.constant 0 : i32
        %get3A_399 = tpu.memref_slice %arg10[%scan3A_223, %get3A_397, %get3A_398] : memref<4x96x128xf32, #tpu.memory_space<vmem>> -> memref<1x96x128xf32, #tpu.memory_space<vmem>>
        %get3A_400 = tpu.memref_squeeze %get3A_399 : memref<1x96x128xf32, #tpu.memory_space<vmem>> -> memref<96x128xf32, #tpu.memory_space<vmem>>
        %get3A_401 = arith.index_cast %add3A_287 : i32 to index
        %get3A_402 = arith.constant 96 : index
        %get3A_403 = tpu.vector_load %get3A_400[%get3A_401, %get3A_402] {strides = array<i32>} : memref<96x128xf32, #tpu.memory_space<vmem>>, vector<1x16xf32>,
        %get3A_404 = vector.shape_cast %get3A_403 : vector<1x16xf32> to vector<16xf32>
        %mul3A_405 = arith.mulf %get3A_396, %get3A_404 : vector<16xf32>
        %get3A_406 = arith.constant 0 : i32
        %get3A_407 = arith.constant 0 : i32
        %get3A_408 = tpu.memref_slice %arg9[%scan3A_222, %get3A_406, %get3A_407] : memref<4x96x128xf32, #tpu.memory_space<vmem>> -> memref<1x96x128xf32, #tpu.memory_space<vmem>>
        %get3A_409 = tpu.memref_squeeze %get3A_408 : memref<1x96x128xf32, #tpu.memory_space<vmem>> -> memref<96x128xf32, #tpu.memory_space<vmem>>
        %get3A_410 = arith.index_cast %add3A_287 : i32 to index
        %get3A_411 = arith.constant 112 : index
        %get3A_412 = tpu.vector_load %get3A_409[%get3A_410, %get3A_411] {strides = array<i32>} : memref<96x128xf32, #tpu.memory_space<vmem>>, vector<1x16xf32>,
        %get3A_413 = vector.shape_cast %get3A_412 : vector<1x16xf32> to vector<16xf32>
        %get3A_414 = arith.constant 0 : i32
        %get3A_415 = arith.constant 0 : i32
        %get3A_416 = tpu.memref_slice %arg10[%scan3A_223, %get3A_414, %get3A_415] : memref<4x96x128xf32, #tpu.memory_space<vmem>> -> memref<1x96x128xf32, #tpu.memory_space<vmem>>
        %get3A_417 = tpu.memref_squeeze %get3A_416 : memref<1x96x128xf32, #tpu.memory_space<vmem>> -> memref<96x128xf32, #tpu.memory_space<vmem>>
        %get3A_418 = arith.index_cast %add3A_287 : i32 to index
        %get3A_419 = arith.constant 112 : index
        %get3A_420 = tpu.vector_load %get3A_417[%get3A_418, %get3A_419] {strides = array<i32>} : memref<96x128xf32, #tpu.memory_space<vmem>>, vector<1x16xf32>,
        %get3A_421 = vector.shape_cast %get3A_420 : vector<1x16xf32> to vector<16xf32>
        %mul3A_422 = arith.mulf %get3A_413, %get3A_421 : vector<16xf32>
        %add3A_423 = arith.addf %mul3A_303, %mul3A_320 : vector<16xf32>
        %add3A_424 = arith.addf %mul3A_337, %mul3A_354 : vector<16xf32>
        %add3A_425 = arith.addf %mul3A_371, %mul3A_388 : vector<16xf32>
        %add3A_426 = arith.addf %mul3A_405, %mul3A_422 : vector<16xf32>
        %add3A_427 = arith.addf %add3A_423, %add3A_424 : vector<16xf32>
        %add3A_428 = arith.addf %add3A_425, %add3A_426 : vector<16xf32>
        %add3A_429 = arith.addf %add3A_427, %add3A_428 : vector<16xf32>
        %broadcast_in_dim3A_430 = vector.shape_cast %xor3A_4 : vector<16xi32> to vector<16x1xi32>
        %gather3A = vector.shape_cast %broadcast_in_dim3A_430 : vector<16x1xi32> to vector<16xi32>
        %gather3A_431 = tpu.dynamic_gather %add3A_429[%gather3A] in [0] : vector<16xf32>, vector<16xi32> -> vector<16xf32>
        %add3A_432 = arith.addf %add3A_429, %gather3A_431 : vector<16xf32>
        %broadcast_in_dim3A_433 = vector.shape_cast %xor3A_7 : vector<16xi32> to vector<16x1xi32>
        %gather3A_434 = vector.shape_cast %broadcast_in_dim3A_433 : vector<16x1xi32> to vector<16xi32>
        %gather3A_435 = tpu.dynamic_gather %add3A_432[%gather3A_434] in [0] : vector<16xf32>, vector<16xi32> -> vector<16xf32>
        %add3A_436 = arith.addf %add3A_432, %gather3A_435 : vector<16xf32>
        %broadcast_in_dim3A_437 = vector.shape_cast %xor3A_10 : vector<16xi32> to vector<16x1xi32>
        %gather3A_438 = vector.shape_cast %broadcast_in_dim3A_437 : vector<16x1xi32> to vector<16xi32>
        %gather3A_439 = tpu.dynamic_gather %add3A_436[%gather3A_438] in [0] : vector<16xf32>, vector<16xi32> -> vector<16xf32>
        %add3A_440 = arith.addf %add3A_436, %gather3A_439 : vector<16xf32>
        %broadcast_in_dim3A_441 = vector.shape_cast %xor3A_13 : vector<16xi32> to vector<16x1xi32>
        %gather3A_442 = vector.shape_cast %broadcast_in_dim3A_441 : vector<16x1xi32> to vector<16xi32>
        %gather3A_443 = tpu.dynamic_gather %add3A_440[%gather3A_442] in [0] : vector<16xf32>, vector<16xi32> -> vector<16xf32>
        %add3A_444 = arith.addf %add3A_440, %gather3A_443 : vector<16xf32>
        %eq3A = vector.broadcast %scan3A_285 : i32 to vector<16xi32>
        %eq3A_445 = arith.cmpi eq, %iota3A, %eq3A : vector<16xi32>
        %select_n3A = arith.select %eq3A_445, %add3A_444, %scan3A_286 : vector<16xi1>, vector<16xf32>
        %scan3A_446 = arith.constant 1 : i32
        %scan3A_447 = arith.addi %scan3A_285, %scan3A_446 : i32
        %add3A_448 = arith.addi %mul3A_270, %scan3A_447 : i32
        %get3A_449 = arith.constant 0 : i32
        %get3A_450 = arith.constant 0 : i32
        %get3A_451 = tpu.memref_slice %arg9[%scan3A_222, %get3A_449, %get3A_450] : memref<4x96x128xf32, #tpu.memory_space<vmem>> -> memref<1x96x128xf32, #tpu.memory_space<vmem>>
        %get3A_452 = tpu.memref_squeeze %get3A_451 : memref<1x96x128xf32, #tpu.memory_space<vmem>> -> memref<96x128xf32, #tpu.memory_space<vmem>>
        %get3A_453 = arith.index_cast %add3A_448 : i32 to index
        %get3A_454 = arith.constant 0 : index
        %get3A_455 = tpu.vector_load %get3A_452[%get3A_453, %get3A_454] {strides = array<i32>} : memref<96x128xf32, #tpu.memory_space<vmem>>, vector<1x16xf32>,
        %get3A_456 = vector.shape_cast %get3A_455 : vector<1x16xf32> to vector<16xf32>
        %get3A_457 = arith.constant 0 : i32
        %get3A_458 = arith.constant 0 : i32
        %get3A_459 = tpu.memref_slice %arg10[%scan3A_223, %get3A_457, %get3A_458] : memref<4x96x128xf32, #tpu.memory_space<vmem>> -> memref<1x96x128xf32, #tpu.memory_space<vmem>>
        %get3A_460 = tpu.memref_squeeze %get3A_459 : memref<1x96x128xf32, #tpu.memory_space<vmem>> -> memref<96x128xf32, #tpu.memory_space<vmem>>
        %get3A_461 = arith.index_cast %add3A_448 : i32 to index
        %get3A_462 = arith.constant 0 : index
        %get3A_463 = tpu.vector_load %get3A_460[%get3A_461, %get3A_462] {strides = array<i32>} : memref<96x128xf32, #tpu.memory_space<vmem>>, vector<1x16xf32>,
        %get3A_464 = vector.shape_cast %get3A_463 : vector<1x16xf32> to vector<16xf32>
        %mul3A_465 = arith.mulf %get3A_456, %get3A_464 : vector<16xf32>
        %get3A_466 = arith.constant 0 : i32
        %get3A_467 = arith.constant 0 : i32
        %get3A_468 = tpu.memref_slice %arg9[%scan3A_222, %get3A_466, %get3A_467] : memref<4x96x128xf32, #tpu.memory_space<vmem>> -> memref<1x96x128xf32, #tpu.memory_space<vmem>>
        %get3A_469 = tpu.memref_squeeze %get3A_468 : memref<1x96x128xf32, #tpu.memory_space<vmem>> -> memref<96x128xf32, #tpu.memory_space<vmem>>
        %get3A_470 = arith.index_cast %add3A_448 : i32 to index
        %get3A_471 = arith.constant 16 : index
        %get3A_472 = tpu.vector_load %get3A_469[%get3A_470, %get3A_471] {strides = array<i32>} : memref<96x128xf32, #tpu.memory_space<vmem>>, vector<1x16xf32>,
        %get3A_473 = vector.shape_cast %get3A_472 : vector<1x16xf32> to vector<16xf32>
        %get3A_474 = arith.constant 0 : i32
        %get3A_475 = arith.constant 0 : i32
        %get3A_476 = tpu.memref_slice %arg10[%scan3A_223, %get3A_474, %get3A_475] : memref<4x96x128xf32, #tpu.memory_space<vmem>> -> memref<1x96x128xf32, #tpu.memory_space<vmem>>
        %get3A_477 = tpu.memref_squeeze %get3A_476 : memref<1x96x128xf32, #tpu.memory_space<vmem>> -> memref<96x128xf32, #tpu.memory_space<vmem>>
        %get3A_478 = arith.index_cast %add3A_448 : i32 to index
        %get3A_479 = arith.constant 16 : index
        %get3A_480 = tpu.vector_load %get3A_477[%get3A_478, %get3A_479] {strides = array<i32>} : memref<96x128xf32, #tpu.memory_space<vmem>>, vector<1x16xf32>,
        %get3A_481 = vector.shape_cast %get3A_480 : vector<1x16xf32> to vector<16xf32>
        %mul3A_482 = arith.mulf %get3A_473, %get3A_481 : vector<16xf32>
        %get3A_483 = arith.constant 0 : i32
        %get3A_484 = arith.constant 0 : i32
        %get3A_485 = tpu.memref_slice %arg9[%scan3A_222, %get3A_483, %get3A_484] : memref<4x96x128xf32, #tpu.memory_space<vmem>> -> memref<1x96x128xf32, #tpu.memory_space<vmem>>
        %get3A_486 = tpu.memref_squeeze %get3A_485 : memref<1x96x128xf32, #tpu.memory_space<vmem>> -> memref<96x128xf32, #tpu.memory_space<vmem>>
        %get3A_487 = arith.index_cast %add3A_448 : i32 to index
        %get3A_488 = arith.constant 32 : index
        %get3A_489 = tpu.vector_load %get3A_486[%get3A_487, %get3A_488] {strides = array<i32>} : memref<96x128xf32, #tpu.memory_space<vmem>>, vector<1x16xf32>,
        %get3A_490 = vector.shape_cast %get3A_489 : vector<1x16xf32> to vector<16xf32>
        %get3A_491 = arith.constant 0 : i32
        %get3A_492 = arith.constant 0 : i32
        %get3A_493 = tpu.memref_slice %arg10[%scan3A_223, %get3A_491, %get3A_492] : memref<4x96x128xf32, #tpu.memory_space<vmem>> -> memref<1x96x128xf32, #tpu.memory_space<vmem>>
        %get3A_494 = tpu.memref_squeeze %get3A_493 : memref<1x96x128xf32, #tpu.memory_space<vmem>> -> memref<96x128xf32, #tpu.memory_space<vmem>>
        %get3A_495 = arith.index_cast %add3A_448 : i32 to index
        %get3A_496 = arith.constant 32 : index
        %get3A_497 = tpu.vector_load %get3A_494[%get3A_495, %get3A_496] {strides = array<i32>} : memref<96x128xf32, #tpu.memory_space<vmem>>, vector<1x16xf32>,
        %get3A_498 = vector.shape_cast %get3A_497 : vector<1x16xf32> to vector<16xf32>
        %mul3A_499 = arith.mulf %get3A_490, %get3A_498 : vector<16xf32>
        %get3A_500 = arith.constant 0 : i32
        %get3A_501 = arith.constant 0 : i32
        %get3A_502 = tpu.memref_slice %arg9[%scan3A_222, %get3A_500, %get3A_501] : memref<4x96x128xf32, #tpu.memory_space<vmem>> -> memref<1x96x128xf32, #tpu.memory_space<vmem>>
        %get3A_503 = tpu.memref_squeeze %get3A_502 : memref<1x96x128xf32, #tpu.memory_space<vmem>> -> memref<96x128xf32, #tpu.memory_space<vmem>>
        %get3A_504 = arith.index_cast %add3A_448 : i32 to index
        %get3A_505 = arith.constant 48 : index
        %get3A_506 = tpu.vector_load %get3A_503[%get3A_504, %get3A_505] {strides = array<i32>} : memref<96x128xf32, #tpu.memory_space<vmem>>, vector<1x16xf32>,
        %get3A_507 = vector.shape_cast %get3A_506 : vector<1x16xf32> to vector<16xf32>
        %get3A_508 = arith.constant 0 : i32
        %get3A_509 = arith.constant 0 : i32
        %get3A_510 = tpu.memref_slice %arg10[%scan3A_223, %get3A_508, %get3A_509] : memref<4x96x128xf32, #tpu.memory_space<vmem>> -> memref<1x96x128xf32, #tpu.memory_space<vmem>>
        %get3A_511 = tpu.memref_squeeze %get3A_510 : memref<1x96x128xf32, #tpu.memory_space<vmem>> -> memref<96x128xf32, #tpu.memory_space<vmem>>
        %get3A_512 = arith.index_cast %add3A_448 : i32 to index
        %get3A_513 = arith.constant 48 : index
        %get3A_514 = tpu.vector_load %get3A_511[%get3A_512, %get3A_513] {strides = array<i32>} : memref<96x128xf32, #tpu.memory_space<vmem>>, vector<1x16xf32>,
        %get3A_515 = vector.shape_cast %get3A_514 : vector<1x16xf32> to vector<16xf32>
        %mul3A_516 = arith.mulf %get3A_507, %get3A_515 : vector<16xf32>
        %get3A_517 = arith.constant 0 : i32
        %get3A_518 = arith.constant 0 : i32
        %get3A_519 = tpu.memref_slice %arg9[%scan3A_222, %get3A_517, %get3A_518] : memref<4x96x128xf32, #tpu.memory_space<vmem>> -> memref<1x96x128xf32, #tpu.memory_space<vmem>>
        %get3A_520 = tpu.memref_squeeze %get3A_519 : memref<1x96x128xf32, #tpu.memory_space<vmem>> -> memref<96x128xf32, #tpu.memory_space<vmem>>
        %get3A_521 = arith.index_cast %add3A_448 : i32 to index
        %get3A_522 = arith.constant 64 : index
        %get3A_523 = tpu.vector_load %get3A_520[%get3A_521, %get3A_522] {strides = array<i32>} : memref<96x128xf32, #tpu.memory_space<vmem>>, vector<1x16xf32>,
        %get3A_524 = vector.shape_cast %get3A_523 : vector<1x16xf32> to vector<16xf32>
        %get3A_525 = arith.constant 0 : i32
        %get3A_526 = arith.constant 0 : i32
        %get3A_527 = tpu.memref_slice %arg10[%scan3A_223, %get3A_525, %get3A_526] : memref<4x96x128xf32, #tpu.memory_space<vmem>> -> memref<1x96x128xf32, #tpu.memory_space<vmem>>
        %get3A_528 = tpu.memref_squeeze %get3A_527 : memref<1x96x128xf32, #tpu.memory_space<vmem>> -> memref<96x128xf32, #tpu.memory_space<vmem>>
        %get3A_529 = arith.index_cast %add3A_448 : i32 to index
        %get3A_530 = arith.constant 64 : index
        %get3A_531 = tpu.vector_load %get3A_528[%get3A_529, %get3A_530] {strides = array<i32>} : memref<96x128xf32, #tpu.memory_space<vmem>>, vector<1x16xf32>,
        %get3A_532 = vector.shape_cast %get3A_531 : vector<1x16xf32> to vector<16xf32>
        %mul3A_533 = arith.mulf %get3A_524, %get3A_532 : vector<16xf32>
        %get3A_534 = arith.constant 0 : i32
        %get3A_535 = arith.constant 0 : i32
        %get3A_536 = tpu.memref_slice %arg9[%scan3A_222, %get3A_534, %get3A_535] : memref<4x96x128xf32, #tpu.memory_space<vmem>> -> memref<1x96x128xf32, #tpu.memory_space<vmem>>
        %get3A_537 = tpu.memref_squeeze %get3A_536 : memref<1x96x128xf32, #tpu.memory_space<vmem>> -> memref<96x128xf32, #tpu.memory_space<vmem>>
        %get3A_538 = arith.index_cast %add3A_448 : i32 to index
        %get3A_539 = arith.constant 80 : index
        %get3A_540 = tpu.vector_load %get3A_537[%get3A_538, %get3A_539] {strides = array<i32>} : memref<96x128xf32, #tpu.memory_space<vmem>>, vector<1x16xf32>,
        %get3A_541 = vector.shape_cast %get3A_540 : vector<1x16xf32> to vector<16xf32>
        %get3A_542 = arith.constant 0 : i32
        %get3A_543 = arith.constant 0 : i32
        %get3A_544 = tpu.memref_slice %arg10[%scan3A_223, %get3A_542, %get3A_543] : memref<4x96x128xf32, #tpu.memory_space<vmem>> -> memref<1x96x128xf32, #tpu.memory_space<vmem>>
        %get3A_545 = tpu.memref_squeeze %get3A_544 : memref<1x96x128xf32, #tpu.memory_space<vmem>> -> memref<96x128xf32, #tpu.memory_space<vmem>>
        %get3A_546 = arith.index_cast %add3A_448 : i32 to index
        %get3A_547 = arith.constant 80 : index
        %get3A_548 = tpu.vector_load %get3A_545[%get3A_546, %get3A_547] {strides = array<i32>} : memref<96x128xf32, #tpu.memory_space<vmem>>, vector<1x16xf32>,
        %get3A_549 = vector.shape_cast %get3A_548 : vector<1x16xf32> to vector<16xf32>
        %mul3A_550 = arith.mulf %get3A_541, %get3A_549 : vector<16xf32>
        %get3A_551 = arith.constant 0 : i32
        %get3A_552 = arith.constant 0 : i32
        %get3A_553 = tpu.memref_slice %arg9[%scan3A_222, %get3A_551, %get3A_552] : memref<4x96x128xf32, #tpu.memory_space<vmem>> -> memref<1x96x128xf32, #tpu.memory_space<vmem>>
        %get3A_554 = tpu.memref_squeeze %get3A_553 : memref<1x96x128xf32, #tpu.memory_space<vmem>> -> memref<96x128xf32, #tpu.memory_space<vmem>>
        %get3A_555 = arith.index_cast %add3A_448 : i32 to index
        %get3A_556 = arith.constant 96 : index
        %get3A_557 = tpu.vector_load %get3A_554[%get3A_555, %get3A_556] {strides = array<i32>} : memref<96x128xf32, #tpu.memory_space<vmem>>, vector<1x16xf32>,
        %get3A_558 = vector.shape_cast %get3A_557 : vector<1x16xf32> to vector<16xf32>
        %get3A_559 = arith.constant 0 : i32
        %get3A_560 = arith.constant 0 : i32
        %get3A_561 = tpu.memref_slice %arg10[%scan3A_223, %get3A_559, %get3A_560] : memref<4x96x128xf32, #tpu.memory_space<vmem>> -> memref<1x96x128xf32, #tpu.memory_space<vmem>>
        %get3A_562 = tpu.memref_squeeze %get3A_561 : memref<1x96x128xf32, #tpu.memory_space<vmem>> -> memref<96x128xf32, #tpu.memory_space<vmem>>
        %get3A_563 = arith.index_cast %add3A_448 : i32 to index
        %get3A_564 = arith.constant 96 : index
        %get3A_565 = tpu.vector_load %get3A_562[%get3A_563, %get3A_564] {strides = array<i32>} : memref<96x128xf32, #tpu.memory_space<vmem>>, vector<1x16xf32>,
        %get3A_566 = vector.shape_cast %get3A_565 : vector<1x16xf32> to vector<16xf32>
        %mul3A_567 = arith.mulf %get3A_558, %get3A_566 : vector<16xf32>
        %get3A_568 = arith.constant 0 : i32
        %get3A_569 = arith.constant 0 : i32
        %get3A_570 = tpu.memref_slice %arg9[%scan3A_222, %get3A_568, %get3A_569] : memref<4x96x128xf32, #tpu.memory_space<vmem>> -> memref<1x96x128xf32, #tpu.memory_space<vmem>>
        %get3A_571 = tpu.memref_squeeze %get3A_570 : memref<1x96x128xf32, #tpu.memory_space<vmem>> -> memref<96x128xf32, #tpu.memory_space<vmem>>
        %get3A_572 = arith.index_cast %add3A_448 : i32 to index
        %get3A_573 = arith.constant 112 : index
        %get3A_574 = tpu.vector_load %get3A_571[%get3A_572, %get3A_573] {strides = array<i32>} : memref<96x128xf32, #tpu.memory_space<vmem>>, vector<1x16xf32>,
        %get3A_575 = vector.shape_cast %get3A_574 : vector<1x16xf32> to vector<16xf32>
        %get3A_576 = arith.constant 0 : i32
        %get3A_577 = arith.constant 0 : i32
        %get3A_578 = tpu.memref_slice %arg10[%scan3A_223, %get3A_576, %get3A_577] : memref<4x96x128xf32, #tpu.memory_space<vmem>> -> memref<1x96x128xf32, #tpu.memory_space<vmem>>
        %get3A_579 = tpu.memref_squeeze %get3A_578 : memref<1x96x128xf32, #tpu.memory_space<vmem>> -> memref<96x128xf32, #tpu.memory_space<vmem>>
        %get3A_580 = arith.index_cast %add3A_448 : i32 to index
        %get3A_581 = arith.constant 112 : index
        %get3A_582 = tpu.vector_load %get3A_579[%get3A_580, %get3A_581] {strides = array<i32>} : memref<96x128xf32, #tpu.memory_space<vmem>>, vector<1x16xf32>,
        %get3A_583 = vector.shape_cast %get3A_582 : vector<1x16xf32> to vector<16xf32>
        %mul3A_584 = arith.mulf %get3A_575, %get3A_583 : vector<16xf32>
        %add3A_585 = arith.addf %mul3A_465, %mul3A_482 : vector<16xf32>
        %add3A_586 = arith.addf %mul3A_499, %mul3A_516 : vector<16xf32>
        %add3A_587 = arith.addf %mul3A_533, %mul3A_550 : vector<16xf32>
        %add3A_588 = arith.addf %mul3A_567, %mul3A_584 : vector<16xf32>
        %add3A_589 = arith.addf %add3A_585, %add3A_586 : vector<16xf32>
        %add3A_590 = arith.addf %add3A_587, %add3A_588 : vector<16xf32>
        %add3A_591 = arith.addf %add3A_589, %add3A_590 : vector<16xf32>
        %broadcast_in_dim3A_592 = vector.shape_cast %xor3A_4 : vector<16xi32> to vector<16x1xi32>
        %gather3A_593 = vector.shape_cast %broadcast_in_dim3A_592 : vector<16x1xi32> to vector<16xi32>
        %gather3A_594 = tpu.dynamic_gather %add3A_591[%gather3A_593] in [0] : vector<16xf32>, vector<16xi32> -> vector<16xf32>
        %add3A_595 = arith.addf %add3A_591, %gather3A_594 : vector<16xf32>
        %broadcast_in_dim3A_596 = vector.shape_cast %xor3A_7 : vector<16xi32> to vector<16x1xi32>
        %gather3A_597 = vector.shape_cast %broadcast_in_dim3A_596 : vector<16x1xi32> to vector<16xi32>
        %gather3A_598 = tpu.dynamic_gather %add3A_595[%gather3A_597] in [0] : vector<16xf32>, vector<16xi32> -> vector<16xf32>
        %add3A_599 = arith.addf %add3A_595, %gather3A_598 : vector<16xf32>
        %broadcast_in_dim3A_600 = vector.shape_cast %xor3A_10 : vector<16xi32> to vector<16x1xi32>
        %gather3A_601 = vector.shape_cast %broadcast_in_dim3A_600 : vector<16x1xi32> to vector<16xi32>
        %gather3A_602 = tpu.dynamic_gather %add3A_599[%gather3A_601] in [0] : vector<16xf32>, vector<16xi32> -> vector<16xf32>
        %add3A_603 = arith.addf %add3A_599, %gather3A_602 : vector<16xf32>
        %broadcast_in_dim3A_604 = vector.shape_cast %xor3A_13 : vector<16xi32> to vector<16x1xi32>
        %gather3A_605 = vector.shape_cast %broadcast_in_dim3A_604 : vector<16x1xi32> to vector<16xi32>
        %gather3A_606 = tpu.dynamic_gather %add3A_603[%gather3A_605] in [0] : vector<16xf32>, vector<16xi32> -> vector<16xf32>
        %add3A_607 = arith.addf %add3A_603, %gather3A_606 : vector<16xf32>
        %eq3A_608 = vector.broadcast %scan3A_447 : i32 to vector<16xi32>
        %eq3A_609 = arith.cmpi eq, %iota3A, %eq3A_608 : vector<16xi32>
        %select_n3A_610 = arith.select %eq3A_609, %add3A_607, %select_n3A : vector<16xi1>, vector<16xf32>
        scf.yield %select_n3A_610 : vector<16xf32>
      }
      %scan3A_278 = arith.constant 16 : i32
      %add3A_279 = arith.constant 9888 : i32
      %add3A_280 = arith.addi %add3A_279, %mul3A_270 : i32
      %swap3A_281 = arith.index_cast %add3A_280 : i32 to index
      %swap3A_282 = tpu.vector_load %arg11[%swap3A_281] {strides = array<i32>} : memref<10000xf32, #tpu.memory_space<vmem>>, vector<16xf32>,
      %swap3A_283 = vector.shape_cast %swap3A_282 : vector<16xf32> to vector<16xf32>
      %swap3A_284 = vector.shape_cast %scan3A_277 : vector<16xf32> to vector<16xf32>
      tpu.vector_store %arg11[%swap3A_281], %swap3A_284 {strides = array<i32>} : memref<10000xf32, #tpu.memory_space<vmem>>, vector<16xf32>,
    }
    %scan3A_228 = arith.constant 6 : i32
    %dma_wait3A_229 = arith.constant 0 : i32
    %dma_wait3A_230 = arith.constant 0 : i32
    %dma_wait3A_231 = arith.constant 0 : i32
    %dma_wait3A_232 = tpu.memref_slice %arg9[%dma_wait3A_229, %dma_wait3A_230, %dma_wait3A_231] : memref<4x96x128xf32, #tpu.memory_space<vmem>> -> memref<1x16x128xf32, #tpu.memory_space<vmem>>
    %dma_wait3A_233 = tpu.memref_squeeze %dma_wait3A_232 : memref<1x16x128xf32, #tpu.memory_space<vmem>> -> memref<16x128xf32, #tpu.memory_space<vmem>>
    %dma_wait3A_234 = arith.constant 0 : i32
    %dma_wait3A_235 = tpu.memref_slice %arg7[%dma_wait3A_234] : memref<10000xi32, #tpu.memory_space<vmem>> -> memref<16xi32, #tpu.memory_space<vmem>>
    %dma_wait3A_236 = arith.constant 0 : i32
    %dma_wait3A_237 = arith.constant 0 : i32
    %dma_wait3A_238 = tpu.memref_slice %arg2[%dma_wait3A_236, %dma_wait3A_237] : memref<100000x128xf32, #tpu.memory_space<hbm>> -> memref<100000x128xf32, #tpu.memory_space<hbm>>
    tpu.wait_indirect_dma semaphore(%arg12 : memref<!tpu.dma_semaphore, #tpu.memory_space<semaphore_mem>>) src(%dma_wait3A_238 : memref<100000x128xf32, #tpu.memory_space<hbm>>) dst(%dma_wait3A_233 : memref<16x128xf32, #tpu.memory_space<vmem>>)
    %dma_wait3A_239 = arith.constant 0 : i32
    %dma_wait3A_240 = arith.constant 0 : i32
    %dma_wait3A_241 = arith.constant 0 : i32
    %dma_wait3A_242 = tpu.memref_slice %arg10[%dma_wait3A_239, %dma_wait3A_240, %dma_wait3A_241] : memref<4x96x128xf32, #tpu.memory_space<vmem>> -> memref<1x16x128xf32, #tpu.memory_space<vmem>>
    %dma_wait3A_243 = tpu.memref_squeeze %dma_wait3A_242 : memref<1x16x128xf32, #tpu.memory_space<vmem>> -> memref<16x128xf32, #tpu.memory_space<vmem>>
    %dma_wait3A_244 = arith.constant 0 : i32
    %dma_wait3A_245 = tpu.memref_slice %arg8[%dma_wait3A_244] : memref<10000xi32, #tpu.memory_space<vmem>> -> memref<16xi32, #tpu.memory_space<vmem>>
    %dma_wait3A_246 = arith.constant 0 : i32
    %dma_wait3A_247 = arith.constant 0 : i32
    %dma_wait3A_248 = tpu.memref_slice %arg3[%dma_wait3A_246, %dma_wait3A_247] : memref<100000x128xf32, #tpu.memory_space<hbm>> -> memref<100000x128xf32, #tpu.memory_space<hbm>>
    tpu.wait_indirect_dma semaphore(%arg16 : memref<!tpu.dma_semaphore, #tpu.memory_space<semaphore_mem>>) src(%dma_wait3A_248 : memref<100000x128xf32, #tpu.memory_space<hbm>>) dst(%dma_wait3A_243 : memref<16x128xf32, #tpu.memory_space<vmem>>)
    %scan3A_249 = arith.constant 0 : i32
    %scan3A_250 = arith.constant 0 : i32
    %scan3A_251 = arith.constant 0 : i32
    %scan3A_252 = arith.constant 0 : i32
    %mul3A_253 = arith.constant 16 : i32
    %mul3A_254 = arith.muli %scan3A_252, %mul3A_253 : i32
    %broadcast_in_dim3A = arith.constant 0.000000e+00 : f32
    %broadcast_in_dim3A_255 = vector.broadcast %broadcast_in_dim3A : f32 to vector<16xf32>
    %scan3A_256 = arith.constant 0 : i32
    %scan3A_257 = arith.constant 16 : i32
    %scan3A_258 = arith.addi %scan3A_256, %scan3A_257 : i32
    %scan3A_259 = arith.constant 2 : i32
    %scan3A_260 = scf.for %scan3A_268 = %scan3A_256 to %scan3A_258 step %scan3A_259 iter_args(%scan3A_269 = %broadcast_in_dim3A_255) -> (vector<16xf32>)  : i32 {
      %add3A_270 = arith.addi %mul3A_254, %scan3A_268 : i32
      %get3A = arith.constant 0 : i32
      %get3A_271 = arith.constant 0 : i32
      %get3A_272 = tpu.memref_slice %arg9[%scan3A_250, %get3A, %get3A_271] : memref<4x96x128xf32, #tpu.memory_space<vmem>> -> memref<1x96x128xf32, #tpu.memory_space<vmem>>
      %get3A_273 = tpu.memref_squeeze %get3A_272 : memref<1x96x128xf32, #tpu.memory_space<vmem>> -> memref<96x128xf32, #tpu.memory_space<vmem>>
      %get3A_274 = arith.index_cast %add3A_270 : i32 to index
      %get3A_275 = arith.constant 0 : index
      %get3A_276 = tpu.vector_load %get3A_273[%get3A_274, %get3A_275] {strides = array<i32>} : memref<96x128xf32, #tpu.memory_space<vmem>>, vector<1x16xf32>,
      %get3A_277 = vector.shape_cast %get3A_276 : vector<1x16xf32> to vector<16xf32>
      %get3A_278 = arith.constant 0 : i32
      %get3A_279 = arith.constant 0 : i32
      %get3A_280 = tpu.memref_slice %arg10[%scan3A_251, %get3A_278, %get3A_279] : memref<4x96x128xf32, #tpu.memory_space<vmem>> -> memref<1x96x128xf32, #tpu.memory_space<vmem>>
      %get3A_281 = tpu.memref_squeeze %get3A_280 : memref<1x96x128xf32, #tpu.memory_space<vmem>> -> memref<96x128xf32, #tpu.memory_space<vmem>>
      %get3A_282 = arith.index_cast %add3A_270 : i32 to index
      %get3A_283 = arith.constant 0 : index
      %get3A_284 = tpu.vector_load %get3A_281[%get3A_282, %get3A_283] {strides = array<i32>} : memref<96x128xf32, #tpu.memory_space<vmem>>, vector<1x16xf32>,
      %get3A_285 = vector.shape_cast %get3A_284 : vector<1x16xf32> to vector<16xf32>
      %mul3A_286 = arith.mulf %get3A_277, %get3A_285 : vector<16xf32>
      %get3A_287 = arith.constant 0 : i32
      %get3A_288 = arith.constant 0 : i32
      %get3A_289 = tpu.memref_slice %arg9[%scan3A_250, %get3A_287, %get3A_288] : memref<4x96x128xf32, #tpu.memory_space<vmem>> -> memref<1x96x128xf32, #tpu.memory_space<vmem>>
      %get3A_290 = tpu.memref_squeeze %get3A_289 : memref<1x96x128xf32, #tpu.memory_space<vmem>> -> memref<96x128xf32, #tpu.memory_space<vmem>>
      %get3A_291 = arith.index_cast %add3A_270 : i32 to index
      %get3A_292 = arith.constant 16 : index
      %get3A_293 = tpu.vector_load %get3A_290[%get3A_291, %get3A_292] {strides = array<i32>} : memref<96x128xf32, #tpu.memory_space<vmem>>, vector<1x16xf32>,
      %get3A_294 = vector.shape_cast %get3A_293 : vector<1x16xf32> to vector<16xf32>
      %get3A_295 = arith.constant 0 : i32
      %get3A_296 = arith.constant 0 : i32
      %get3A_297 = tpu.memref_slice %arg10[%scan3A_251, %get3A_295, %get3A_296] : memref<4x96x128xf32, #tpu.memory_space<vmem>> -> memref<1x96x128xf32, #tpu.memory_space<vmem>>
      %get3A_298 = tpu.memref_squeeze %get3A_297 : memref<1x96x128xf32, #tpu.memory_space<vmem>> -> memref<96x128xf32, #tpu.memory_space<vmem>>
      %get3A_299 = arith.index_cast %add3A_270 : i32 to index
      %get3A_300 = arith.constant 16 : index
      %get3A_301 = tpu.vector_load %get3A_298[%get3A_299, %get3A_300] {strides = array<i32>} : memref<96x128xf32, #tpu.memory_space<vmem>>, vector<1x16xf32>,
      %get3A_302 = vector.shape_cast %get3A_301 : vector<1x16xf32> to vector<16xf32>
      %mul3A_303 = arith.mulf %get3A_294, %get3A_302 : vector<16xf32>
      %get3A_304 = arith.constant 0 : i32
      %get3A_305 = arith.constant 0 : i32
      %get3A_306 = tpu.memref_slice %arg9[%scan3A_250, %get3A_304, %get3A_305] : memref<4x96x128xf32, #tpu.memory_space<vmem>> -> memref<1x96x128xf32, #tpu.memory_space<vmem>>
      %get3A_307 = tpu.memref_squeeze %get3A_306 : memref<1x96x128xf32, #tpu.memory_space<vmem>> -> memref<96x128xf32, #tpu.memory_space<vmem>>
      %get3A_308 = arith.index_cast %add3A_270 : i32 to index
      %get3A_309 = arith.constant 32 : index
      %get3A_310 = tpu.vector_load %get3A_307[%get3A_308, %get3A_309] {strides = array<i32>} : memref<96x128xf32, #tpu.memory_space<vmem>>, vector<1x16xf32>,
      %get3A_311 = vector.shape_cast %get3A_310 : vector<1x16xf32> to vector<16xf32>
      %get3A_312 = arith.constant 0 : i32
      %get3A_313 = arith.constant 0 : i32
      %get3A_314 = tpu.memref_slice %arg10[%scan3A_251, %get3A_312, %get3A_313] : memref<4x96x128xf32, #tpu.memory_space<vmem>> -> memref<1x96x128xf32, #tpu.memory_space<vmem>>
      %get3A_315 = tpu.memref_squeeze %get3A_314 : memref<1x96x128xf32, #tpu.memory_space<vmem>> -> memref<96x128xf32, #tpu.memory_space<vmem>>
      %get3A_316 = arith.index_cast %add3A_270 : i32 to index
      %get3A_317 = arith.constant 32 : index
      %get3A_318 = tpu.vector_load %get3A_315[%get3A_316, %get3A_317] {strides = array<i32>} : memref<96x128xf32, #tpu.memory_space<vmem>>, vector<1x16xf32>,
      %get3A_319 = vector.shape_cast %get3A_318 : vector<1x16xf32> to vector<16xf32>
      %mul3A_320 = arith.mulf %get3A_311, %get3A_319 : vector<16xf32>
      %get3A_321 = arith.constant 0 : i32
      %get3A_322 = arith.constant 0 : i32
      %get3A_323 = tpu.memref_slice %arg9[%scan3A_250, %get3A_321, %get3A_322] : memref<4x96x128xf32, #tpu.memory_space<vmem>> -> memref<1x96x128xf32, #tpu.memory_space<vmem>>
      %get3A_324 = tpu.memref_squeeze %get3A_323 : memref<1x96x128xf32, #tpu.memory_space<vmem>> -> memref<96x128xf32, #tpu.memory_space<vmem>>
      %get3A_325 = arith.index_cast %add3A_270 : i32 to index
      %get3A_326 = arith.constant 48 : index
      %get3A_327 = tpu.vector_load %get3A_324[%get3A_325, %get3A_326] {strides = array<i32>} : memref<96x128xf32, #tpu.memory_space<vmem>>, vector<1x16xf32>,
      %get3A_328 = vector.shape_cast %get3A_327 : vector<1x16xf32> to vector<16xf32>
      %get3A_329 = arith.constant 0 : i32
      %get3A_330 = arith.constant 0 : i32
      %get3A_331 = tpu.memref_slice %arg10[%scan3A_251, %get3A_329, %get3A_330] : memref<4x96x128xf32, #tpu.memory_space<vmem>> -> memref<1x96x128xf32, #tpu.memory_space<vmem>>
      %get3A_332 = tpu.memref_squeeze %get3A_331 : memref<1x96x128xf32, #tpu.memory_space<vmem>> -> memref<96x128xf32, #tpu.memory_space<vmem>>
      %get3A_333 = arith.index_cast %add3A_270 : i32 to index
      %get3A_334 = arith.constant 48 : index
      %get3A_335 = tpu.vector_load %get3A_332[%get3A_333, %get3A_334] {strides = array<i32>} : memref<96x128xf32, #tpu.memory_space<vmem>>, vector<1x16xf32>,
      %get3A_336 = vector.shape_cast %get3A_335 : vector<1x16xf32> to vector<16xf32>
      %mul3A_337 = arith.mulf %get3A_328, %get3A_336 : vector<16xf32>
      %get3A_338 = arith.constant 0 : i32
      %get3A_339 = arith.constant 0 : i32
      %get3A_340 = tpu.memref_slice %arg9[%scan3A_250, %get3A_338, %get3A_339] : memref<4x96x128xf32, #tpu.memory_space<vmem>> -> memref<1x96x128xf32, #tpu.memory_space<vmem>>
      %get3A_341 = tpu.memref_squeeze %get3A_340 : memref<1x96x128xf32, #tpu.memory_space<vmem>> -> memref<96x128xf32, #tpu.memory_space<vmem>>
      %get3A_342 = arith.index_cast %add3A_270 : i32 to index
      %get3A_343 = arith.constant 64 : index
      %get3A_344 = tpu.vector_load %get3A_341[%get3A_342, %get3A_343] {strides = array<i32>} : memref<96x128xf32, #tpu.memory_space<vmem>>, vector<1x16xf32>,
      %get3A_345 = vector.shape_cast %get3A_344 : vector<1x16xf32> to vector<16xf32>
      %get3A_346 = arith.constant 0 : i32
      %get3A_347 = arith.constant 0 : i32
      %get3A_348 = tpu.memref_slice %arg10[%scan3A_251, %get3A_346, %get3A_347] : memref<4x96x128xf32, #tpu.memory_space<vmem>> -> memref<1x96x128xf32, #tpu.memory_space<vmem>>
      %get3A_349 = tpu.memref_squeeze %get3A_348 : memref<1x96x128xf32, #tpu.memory_space<vmem>> -> memref<96x128xf32, #tpu.memory_space<vmem>>
      %get3A_350 = arith.index_cast %add3A_270 : i32 to index
      %get3A_351 = arith.constant 64 : index
      %get3A_352 = tpu.vector_load %get3A_349[%get3A_350, %get3A_351] {strides = array<i32>} : memref<96x128xf32, #tpu.memory_space<vmem>>, vector<1x16xf32>,
      %get3A_353 = vector.shape_cast %get3A_352 : vector<1x16xf32> to vector<16xf32>
      %mul3A_354 = arith.mulf %get3A_345, %get3A_353 : vector<16xf32>
      %get3A_355 = arith.constant 0 : i32
      %get3A_356 = arith.constant 0 : i32
      %get3A_357 = tpu.memref_slice %arg9[%scan3A_250, %get3A_355, %get3A_356] : memref<4x96x128xf32, #tpu.memory_space<vmem>> -> memref<1x96x128xf32, #tpu.memory_space<vmem>>
      %get3A_358 = tpu.memref_squeeze %get3A_357 : memref<1x96x128xf32, #tpu.memory_space<vmem>> -> memref<96x128xf32, #tpu.memory_space<vmem>>
      %get3A_359 = arith.index_cast %add3A_270 : i32 to index
      %get3A_360 = arith.constant 80 : index
      %get3A_361 = tpu.vector_load %get3A_358[%get3A_359, %get3A_360] {strides = array<i32>} : memref<96x128xf32, #tpu.memory_space<vmem>>, vector<1x16xf32>,
      %get3A_362 = vector.shape_cast %get3A_361 : vector<1x16xf32> to vector<16xf32>
      %get3A_363 = arith.constant 0 : i32
      %get3A_364 = arith.constant 0 : i32
      %get3A_365 = tpu.memref_slice %arg10[%scan3A_251, %get3A_363, %get3A_364] : memref<4x96x128xf32, #tpu.memory_space<vmem>> -> memref<1x96x128xf32, #tpu.memory_space<vmem>>
      %get3A_366 = tpu.memref_squeeze %get3A_365 : memref<1x96x128xf32, #tpu.memory_space<vmem>> -> memref<96x128xf32, #tpu.memory_space<vmem>>
      %get3A_367 = arith.index_cast %add3A_270 : i32 to index
      %get3A_368 = arith.constant 80 : index
      %get3A_369 = tpu.vector_load %get3A_366[%get3A_367, %get3A_368] {strides = array<i32>} : memref<96x128xf32, #tpu.memory_space<vmem>>, vector<1x16xf32>,
      %get3A_370 = vector.shape_cast %get3A_369 : vector<1x16xf32> to vector<16xf32>
      %mul3A_371 = arith.mulf %get3A_362, %get3A_370 : vector<16xf32>
      %get3A_372 = arith.constant 0 : i32
      %get3A_373 = arith.constant 0 : i32
      %get3A_374 = tpu.memref_slice %arg9[%scan3A_250, %get3A_372, %get3A_373] : memref<4x96x128xf32, #tpu.memory_space<vmem>> -> memref<1x96x128xf32, #tpu.memory_space<vmem>>
      %get3A_375 = tpu.memref_squeeze %get3A_374 : memref<1x96x128xf32, #tpu.memory_space<vmem>> -> memref<96x128xf32, #tpu.memory_space<vmem>>
      %get3A_376 = arith.index_cast %add3A_270 : i32 to index
      %get3A_377 = arith.constant 96 : index
      %get3A_378 = tpu.vector_load %get3A_375[%get3A_376, %get3A_377] {strides = array<i32>} : memref<96x128xf32, #tpu.memory_space<vmem>>, vector<1x16xf32>,
      %get3A_379 = vector.shape_cast %get3A_378 : vector<1x16xf32> to vector<16xf32>
      %get3A_380 = arith.constant 0 : i32
      %get3A_381 = arith.constant 0 : i32
      %get3A_382 = tpu.memref_slice %arg10[%scan3A_251, %get3A_380, %get3A_381] : memref<4x96x128xf32, #tpu.memory_space<vmem>> -> memref<1x96x128xf32, #tpu.memory_space<vmem>>
      %get3A_383 = tpu.memref_squeeze %get3A_382 : memref<1x96x128xf32, #tpu.memory_space<vmem>> -> memref<96x128xf32, #tpu.memory_space<vmem>>
      %get3A_384 = arith.index_cast %add3A_270 : i32 to index
      %get3A_385 = arith.constant 96 : index
      %get3A_386 = tpu.vector_load %get3A_383[%get3A_384, %get3A_385] {strides = array<i32>} : memref<96x128xf32, #tpu.memory_space<vmem>>, vector<1x16xf32>,
      %get3A_387 = vector.shape_cast %get3A_386 : vector<1x16xf32> to vector<16xf32>
      %mul3A_388 = arith.mulf %get3A_379, %get3A_387 : vector<16xf32>
      %get3A_389 = arith.constant 0 : i32
      %get3A_390 = arith.constant 0 : i32
      %get3A_391 = tpu.memref_slice %arg9[%scan3A_250, %get3A_389, %get3A_390] : memref<4x96x128xf32, #tpu.memory_space<vmem>> -> memref<1x96x128xf32, #tpu.memory_space<vmem>>
      %get3A_392 = tpu.memref_squeeze %get3A_391 : memref<1x96x128xf32, #tpu.memory_space<vmem>> -> memref<96x128xf32, #tpu.memory_space<vmem>>
      %get3A_393 = arith.index_cast %add3A_270 : i32 to index
      %get3A_394 = arith.constant 112 : index
      %get3A_395 = tpu.vector_load %get3A_392[%get3A_393, %get3A_394] {strides = array<i32>} : memref<96x128xf32, #tpu.memory_space<vmem>>, vector<1x16xf32>,
      %get3A_396 = vector.shape_cast %get3A_395 : vector<1x16xf32> to vector<16xf32>
      %get3A_397 = arith.constant 0 : i32
      %get3A_398 = arith.constant 0 : i32
      %get3A_399 = tpu.memref_slice %arg10[%scan3A_251, %get3A_397, %get3A_398] : memref<4x96x128xf32, #tpu.memory_space<vmem>> -> memref<1x96x128xf32, #tpu.memory_space<vmem>>
      %get3A_400 = tpu.memref_squeeze %get3A_399 : memref<1x96x128xf32, #tpu.memory_space<vmem>> -> memref<96x128xf32, #tpu.memory_space<vmem>>
      %get3A_401 = arith.index_cast %add3A_270 : i32 to index
      %get3A_402 = arith.constant 112 : index
      %get3A_403 = tpu.vector_load %get3A_400[%get3A_401, %get3A_402] {strides = array<i32>} : memref<96x128xf32, #tpu.memory_space<vmem>>, vector<1x16xf32>,
      %get3A_404 = vector.shape_cast %get3A_403 : vector<1x16xf32> to vector<16xf32>
      %mul3A_405 = arith.mulf %get3A_396, %get3A_404 : vector<16xf32>
      %add3A_406 = arith.addf %mul3A_286, %mul3A_303 : vector<16xf32>
      %add3A_407 = arith.addf %mul3A_320, %mul3A_337 : vector<16xf32>
      %add3A_408 = arith.addf %mul3A_354, %mul3A_371 : vector<16xf32>
      %add3A_409 = arith.addf %mul3A_388, %mul3A_405 : vector<16xf32>
      %add3A_410 = arith.addf %add3A_406, %add3A_407 : vector<16xf32>
      %add3A_411 = arith.addf %add3A_408, %add3A_409 : vector<16xf32>
      %add3A_412 = arith.addf %add3A_410, %add3A_411 : vector<16xf32>
      %broadcast_in_dim3A_413 = vector.shape_cast %xor3A_4 : vector<16xi32> to vector<16x1xi32>
      %gather3A = vector.shape_cast %broadcast_in_dim3A_413 : vector<16x1xi32> to vector<16xi32>
      %gather3A_414 = tpu.dynamic_gather %add3A_412[%gather3A] in [0] : vector<16xf32>, vector<16xi32> -> vector<16xf32>
      %add3A_415 = arith.addf %add3A_412, %gather3A_414 : vector<16xf32>
      %broadcast_in_dim3A_416 = vector.shape_cast %xor3A_7 : vector<16xi32> to vector<16x1xi32>
      %gather3A_417 = vector.shape_cast %broadcast_in_dim3A_416 : vector<16x1xi32> to vector<16xi32>
      %gather3A_418 = tpu.dynamic_gather %add3A_415[%gather3A_417] in [0] : vector<16xf32>, vector<16xi32> -> vector<16xf32>
      %add3A_419 = arith.addf %add3A_415, %gather3A_418 : vector<16xf32>
      %broadcast_in_dim3A_420 = vector.shape_cast %xor3A_10 : vector<16xi32> to vector<16x1xi32>
      %gather3A_421 = vector.shape_cast %broadcast_in_dim3A_420 : vector<16x1xi32> to vector<16xi32>
      %gather3A_422 = tpu.dynamic_gather %add3A_419[%gather3A_421] in [0] : vector<16xf32>, vector<16xi32> -> vector<16xf32>
      %add3A_423 = arith.addf %add3A_419, %gather3A_422 : vector<16xf32>
      %broadcast_in_dim3A_424 = vector.shape_cast %xor3A_13 : vector<16xi32> to vector<16x1xi32>
      %gather3A_425 = vector.shape_cast %broadcast_in_dim3A_424 : vector<16x1xi32> to vector<16xi32>
      %gather3A_426 = tpu.dynamic_gather %add3A_423[%gather3A_425] in [0] : vector<16xf32>, vector<16xi32> -> vector<16xf32>
      %add3A_427 = arith.addf %add3A_423, %gather3A_426 : vector<16xf32>
      %eq3A = vector.broadcast %scan3A_268 : i32 to vector<16xi32>
      %eq3A_428 = arith.cmpi eq, %iota3A, %eq3A : vector<16xi32>
      %select_n3A = arith.select %eq3A_428, %add3A_427, %scan3A_269 : vector<16xi1>, vector<16xf32>
      %scan3A_429 = arith.constant 1 : i32
      %scan3A_430 = arith.addi %scan3A_268, %scan3A_429 : i32
      %add3A_431 = arith.addi %mul3A_254, %scan3A_430 : i32
      %get3A_432 = arith.constant 0 : i32
      %get3A_433 = arith.constant 0 : i32
      %get3A_434 = tpu.memref_slice %arg9[%scan3A_250, %get3A_432, %get3A_433] : memref<4x96x128xf32, #tpu.memory_space<vmem>> -> memref<1x96x128xf32, #tpu.memory_space<vmem>>
      %get3A_435 = tpu.memref_squeeze %get3A_434 : memref<1x96x128xf32, #tpu.memory_space<vmem>> -> memref<96x128xf32, #tpu.memory_space<vmem>>
      %get3A_436 = arith.index_cast %add3A_431 : i32 to index
      %get3A_437 = arith.constant 0 : index
      %get3A_438 = tpu.vector_load %get3A_435[%get3A_436, %get3A_437] {strides = array<i32>} : memref<96x128xf32, #tpu.memory_space<vmem>>, vector<1x16xf32>,
      %get3A_439 = vector.shape_cast %get3A_438 : vector<1x16xf32> to vector<16xf32>
      %get3A_440 = arith.constant 0 : i32
      %get3A_441 = arith.constant 0 : i32
      %get3A_442 = tpu.memref_slice %arg10[%scan3A_251, %get3A_440, %get3A_441] : memref<4x96x128xf32, #tpu.memory_space<vmem>> -> memref<1x96x128xf32, #tpu.memory_space<vmem>>
      %get3A_443 = tpu.memref_squeeze %get3A_442 : memref<1x96x128xf32, #tpu.memory_space<vmem>> -> memref<96x128xf32, #tpu.memory_space<vmem>>
      %get3A_444 = arith.index_cast %add3A_431 : i32 to index
      %get3A_445 = arith.constant 0 : index
      %get3A_446 = tpu.vector_load %get3A_443[%get3A_444, %get3A_445] {strides = array<i32>} : memref<96x128xf32, #tpu.memory_space<vmem>>, vector<1x16xf32>,
      %get3A_447 = vector.shape_cast %get3A_446 : vector<1x16xf32> to vector<16xf32>
      %mul3A_448 = arith.mulf %get3A_439, %get3A_447 : vector<16xf32>
      %get3A_449 = arith.constant 0 : i32
      %get3A_450 = arith.constant 0 : i32
      %get3A_451 = tpu.memref_slice %arg9[%scan3A_250, %get3A_449, %get3A_450] : memref<4x96x128xf32, #tpu.memory_space<vmem>> -> memref<1x96x128xf32, #tpu.memory_space<vmem>>
      %get3A_452 = tpu.memref_squeeze %get3A_451 : memref<1x96x128xf32, #tpu.memory_space<vmem>> -> memref<96x128xf32, #tpu.memory_space<vmem>>
      %get3A_453 = arith.index_cast %add3A_431 : i32 to index
      %get3A_454 = arith.constant 16 : index
      %get3A_455 = tpu.vector_load %get3A_452[%get3A_453, %get3A_454] {strides = array<i32>} : memref<96x128xf32, #tpu.memory_space<vmem>>, vector<1x16xf32>,
      %get3A_456 = vector.shape_cast %get3A_455 : vector<1x16xf32> to vector<16xf32>
      %get3A_457 = arith.constant 0 : i32
      %get3A_458 = arith.constant 0 : i32
      %get3A_459 = tpu.memref_slice %arg10[%scan3A_251, %get3A_457, %get3A_458] : memref<4x96x128xf32, #tpu.memory_space<vmem>> -> memref<1x96x128xf32, #tpu.memory_space<vmem>>
      %get3A_460 = tpu.memref_squeeze %get3A_459 : memref<1x96x128xf32, #tpu.memory_space<vmem>> -> memref<96x128xf32, #tpu.memory_space<vmem>>
      %get3A_461 = arith.index_cast %add3A_431 : i32 to index
      %get3A_462 = arith.constant 16 : index
      %get3A_463 = tpu.vector_load %get3A_460[%get3A_461, %get3A_462] {strides = array<i32>} : memref<96x128xf32, #tpu.memory_space<vmem>>, vector<1x16xf32>,
      %get3A_464 = vector.shape_cast %get3A_463 : vector<1x16xf32> to vector<16xf32>
      %mul3A_465 = arith.mulf %get3A_456, %get3A_464 : vector<16xf32>
      %get3A_466 = arith.constant 0 : i32
      %get3A_467 = arith.constant 0 : i32
      %get3A_468 = tpu.memref_slice %arg9[%scan3A_250, %get3A_466, %get3A_467] : memref<4x96x128xf32, #tpu.memory_space<vmem>> -> memref<1x96x128xf32, #tpu.memory_space<vmem>>
      %get3A_469 = tpu.memref_squeeze %get3A_468 : memref<1x96x128xf32, #tpu.memory_space<vmem>> -> memref<96x128xf32, #tpu.memory_space<vmem>>
      %get3A_470 = arith.index_cast %add3A_431 : i32 to index
      %get3A_471 = arith.constant 32 : index
      %get3A_472 = tpu.vector_load %get3A_469[%get3A_470, %get3A_471] {strides = array<i32>} : memref<96x128xf32, #tpu.memory_space<vmem>>, vector<1x16xf32>,
      %get3A_473 = vector.shape_cast %get3A_472 : vector<1x16xf32> to vector<16xf32>
      %get3A_474 = arith.constant 0 : i32
      %get3A_475 = arith.constant 0 : i32
      %get3A_476 = tpu.memref_slice %arg10[%scan3A_251, %get3A_474, %get3A_475] : memref<4x96x128xf32, #tpu.memory_space<vmem>> -> memref<1x96x128xf32, #tpu.memory_space<vmem>>
      %get3A_477 = tpu.memref_squeeze %get3A_476 : memref<1x96x128xf32, #tpu.memory_space<vmem>> -> memref<96x128xf32, #tpu.memory_space<vmem>>
      %get3A_478 = arith.index_cast %add3A_431 : i32 to index
      %get3A_479 = arith.constant 32 : index
      %get3A_480 = tpu.vector_load %get3A_477[%get3A_478, %get3A_479] {strides = array<i32>} : memref<96x128xf32, #tpu.memory_space<vmem>>, vector<1x16xf32>,
      %get3A_481 = vector.shape_cast %get3A_480 : vector<1x16xf32> to vector<16xf32>
      %mul3A_482 = arith.mulf %get3A_473, %get3A_481 : vector<16xf32>
      %get3A_483 = arith.constant 0 : i32
      %get3A_484 = arith.constant 0 : i32
      %get3A_485 = tpu.memref_slice %arg9[%scan3A_250, %get3A_483, %get3A_484] : memref<4x96x128xf32, #tpu.memory_space<vmem>> -> memref<1x96x128xf32, #tpu.memory_space<vmem>>
      %get3A_486 = tpu.memref_squeeze %get3A_485 : memref<1x96x128xf32, #tpu.memory_space<vmem>> -> memref<96x128xf32, #tpu.memory_space<vmem>>
      %get3A_487 = arith.index_cast %add3A_431 : i32 to index
      %get3A_488 = arith.constant 48 : index
      %get3A_489 = tpu.vector_load %get3A_486[%get3A_487, %get3A_488] {strides = array<i32>} : memref<96x128xf32, #tpu.memory_space<vmem>>, vector<1x16xf32>,
      %get3A_490 = vector.shape_cast %get3A_489 : vector<1x16xf32> to vector<16xf32>
      %get3A_491 = arith.constant 0 : i32
      %get3A_492 = arith.constant 0 : i32
      %get3A_493 = tpu.memref_slice %arg10[%scan3A_251, %get3A_491, %get3A_492] : memref<4x96x128xf32, #tpu.memory_space<vmem>> -> memref<1x96x128xf32, #tpu.memory_space<vmem>>
      %get3A_494 = tpu.memref_squeeze %get3A_493 : memref<1x96x128xf32, #tpu.memory_space<vmem>> -> memref<96x128xf32, #tpu.memory_space<vmem>>
      %get3A_495 = arith.index_cast %add3A_431 : i32 to index
      %get3A_496 = arith.constant 48 : index
      %get3A_497 = tpu.vector_load %get3A_494[%get3A_495, %get3A_496] {strides = array<i32>} : memref<96x128xf32, #tpu.memory_space<vmem>>, vector<1x16xf32>,
      %get3A_498 = vector.shape_cast %get3A_497 : vector<1x16xf32> to vector<16xf32>
      %mul3A_499 = arith.mulf %get3A_490, %get3A_498 : vector<16xf32>
      %get3A_500 = arith.constant 0 : i32
      %get3A_501 = arith.constant 0 : i32
      %get3A_502 = tpu.memref_slice %arg9[%scan3A_250, %get3A_500, %get3A_501] : memref<4x96x128xf32, #tpu.memory_space<vmem>> -> memref<1x96x128xf32, #tpu.memory_space<vmem>>
      %get3A_503 = tpu.memref_squeeze %get3A_502 : memref<1x96x128xf32, #tpu.memory_space<vmem>> -> memref<96x128xf32, #tpu.memory_space<vmem>>
      %get3A_504 = arith.index_cast %add3A_431 : i32 to index
      %get3A_505 = arith.constant 64 : index
      %get3A_506 = tpu.vector_load %get3A_503[%get3A_504, %get3A_505] {strides = array<i32>} : memref<96x128xf32, #tpu.memory_space<vmem>>, vector<1x16xf32>,
      %get3A_507 = vector.shape_cast %get3A_506 : vector<1x16xf32> to vector<16xf32>
      %get3A_508 = arith.constant 0 : i32
      %get3A_509 = arith.constant 0 : i32
      %get3A_510 = tpu.memref_slice %arg10[%scan3A_251, %get3A_508, %get3A_509] : memref<4x96x128xf32, #tpu.memory_space<vmem>> -> memref<1x96x128xf32, #tpu.memory_space<vmem>>
      %get3A_511 = tpu.memref_squeeze %get3A_510 : memref<1x96x128xf32, #tpu.memory_space<vmem>> -> memref<96x128xf32, #tpu.memory_space<vmem>>
      %get3A_512 = arith.index_cast %add3A_431 : i32 to index
      %get3A_513 = arith.constant 64 : index
      %get3A_514 = tpu.vector_load %get3A_511[%get3A_512, %get3A_513] {strides = array<i32>} : memref<96x128xf32, #tpu.memory_space<vmem>>, vector<1x16xf32>,
      %get3A_515 = vector.shape_cast %get3A_514 : vector<1x16xf32> to vector<16xf32>
      %mul3A_516 = arith.mulf %get3A_507, %get3A_515 : vector<16xf32>
      %get3A_517 = arith.constant 0 : i32
      %get3A_518 = arith.constant 0 : i32
      %get3A_519 = tpu.memref_slice %arg9[%scan3A_250, %get3A_517, %get3A_518] : memref<4x96x128xf32, #tpu.memory_space<vmem>> -> memref<1x96x128xf32, #tpu.memory_space<vmem>>
      %get3A_520 = tpu.memref_squeeze %get3A_519 : memref<1x96x128xf32, #tpu.memory_space<vmem>> -> memref<96x128xf32, #tpu.memory_space<vmem>>
      %get3A_521 = arith.index_cast %add3A_431 : i32 to index
      %get3A_522 = arith.constant 80 : index
      %get3A_523 = tpu.vector_load %get3A_520[%get3A_521, %get3A_522] {strides = array<i32>} : memref<96x128xf32, #tpu.memory_space<vmem>>, vector<1x16xf32>,
      %get3A_524 = vector.shape_cast %get3A_523 : vector<1x16xf32> to vector<16xf32>
      %get3A_525 = arith.constant 0 : i32
      %get3A_526 = arith.constant 0 : i32
      %get3A_527 = tpu.memref_slice %arg10[%scan3A_251, %get3A_525, %get3A_526] : memref<4x96x128xf32, #tpu.memory_space<vmem>> -> memref<1x96x128xf32, #tpu.memory_space<vmem>>
      %get3A_528 = tpu.memref_squeeze %get3A_527 : memref<1x96x128xf32, #tpu.memory_space<vmem>> -> memref<96x128xf32, #tpu.memory_space<vmem>>
      %get3A_529 = arith.index_cast %add3A_431 : i32 to index
      %get3A_530 = arith.constant 80 : index
      %get3A_531 = tpu.vector_load %get3A_528[%get3A_529, %get3A_530] {strides = array<i32>} : memref<96x128xf32, #tpu.memory_space<vmem>>, vector<1x16xf32>,
      %get3A_532 = vector.shape_cast %get3A_531 : vector<1x16xf32> to vector<16xf32>
      %mul3A_533 = arith.mulf %get3A_524, %get3A_532 : vector<16xf32>
      %get3A_534 = arith.constant 0 : i32
      %get3A_535 = arith.constant 0 : i32
      %get3A_536 = tpu.memref_slice %arg9[%scan3A_250, %get3A_534, %get3A_535] : memref<4x96x128xf32, #tpu.memory_space<vmem>> -> memref<1x96x128xf32, #tpu.memory_space<vmem>>
      %get3A_537 = tpu.memref_squeeze %get3A_536 : memref<1x96x128xf32, #tpu.memory_space<vmem>> -> memref<96x128xf32, #tpu.memory_space<vmem>>
      %get3A_538 = arith.index_cast %add3A_431 : i32 to index
      %get3A_539 = arith.constant 96 : index
      %get3A_540 = tpu.vector_load %get3A_537[%get3A_538, %get3A_539] {strides = array<i32>} : memref<96x128xf32, #tpu.memory_space<vmem>>, vector<1x16xf32>,
      %get3A_541 = vector.shape_cast %get3A_540 : vector<1x16xf32> to vector<16xf32>
      %get3A_542 = arith.constant 0 : i32
      %get3A_543 = arith.constant 0 : i32
      %get3A_544 = tpu.memref_slice %arg10[%scan3A_251, %get3A_542, %get3A_543] : memref<4x96x128xf32, #tpu.memory_space<vmem>> -> memref<1x96x128xf32, #tpu.memory_space<vmem>>
      %get3A_545 = tpu.memref_squeeze %get3A_544 : memref<1x96x128xf32, #tpu.memory_space<vmem>> -> memref<96x128xf32, #tpu.memory_space<vmem>>
      %get3A_546 = arith.index_cast %add3A_431 : i32 to index
      %get3A_547 = arith.constant 96 : index
      %get3A_548 = tpu.vector_load %get3A_545[%get3A_546, %get3A_547] {strides = array<i32>} : memref<96x128xf32, #tpu.memory_space<vmem>>, vector<1x16xf32>,
      %get3A_549 = vector.shape_cast %get3A_548 : vector<1x16xf32> to vector<16xf32>
      %mul3A_550 = arith.mulf %get3A_541, %get3A_549 : vector<16xf32>
      %get3A_551 = arith.constant 0 : i32
      %get3A_552 = arith.constant 0 : i32
      %get3A_553 = tpu.memref_slice %arg9[%scan3A_250, %get3A_551, %get3A_552] : memref<4x96x128xf32, #tpu.memory_space<vmem>> -> memref<1x96x128xf32, #tpu.memory_space<vmem>>
      %get3A_554 = tpu.memref_squeeze %get3A_553 : memref<1x96x128xf32, #tpu.memory_space<vmem>> -> memref<96x128xf32, #tpu.memory_space<vmem>>
      %get3A_555 = arith.index_cast %add3A_431 : i32 to index
      %get3A_556 = arith.constant 112 : index
      %get3A_557 = tpu.vector_load %get3A_554[%get3A_555, %get3A_556] {strides = array<i32>} : memref<96x128xf32, #tpu.memory_space<vmem>>, vector<1x16xf32>,
      %get3A_558 = vector.shape_cast %get3A_557 : vector<1x16xf32> to vector<16xf32>
      %get3A_559 = arith.constant 0 : i32
      %get3A_560 = arith.constant 0 : i32
      %get3A_561 = tpu.memref_slice %arg10[%scan3A_251, %get3A_559, %get3A_560] : memref<4x96x128xf32, #tpu.memory_space<vmem>> -> memref<1x96x128xf32, #tpu.memory_space<vmem>>
      %get3A_562 = tpu.memref_squeeze %get3A_561 : memref<1x96x128xf32, #tpu.memory_space<vmem>> -> memref<96x128xf32, #tpu.memory_space<vmem>>
      %get3A_563 = arith.index_cast %add3A_431 : i32 to index
      %get3A_564 = arith.constant 112 : index
      %get3A_565 = tpu.vector_load %get3A_562[%get3A_563, %get3A_564] {strides = array<i32>} : memref<96x128xf32, #tpu.memory_space<vmem>>, vector<1x16xf32>,
      %get3A_566 = vector.shape_cast %get3A_565 : vector<1x16xf32> to vector<16xf32>
      %mul3A_567 = arith.mulf %get3A_558, %get3A_566 : vector<16xf32>
      %add3A_568 = arith.addf %mul3A_448, %mul3A_465 : vector<16xf32>
      %add3A_569 = arith.addf %mul3A_482, %mul3A_499 : vector<16xf32>
      %add3A_570 = arith.addf %mul3A_516, %mul3A_533 : vector<16xf32>
      %add3A_571 = arith.addf %mul3A_550, %mul3A_567 : vector<16xf32>
      %add3A_572 = arith.addf %add3A_568, %add3A_569 : vector<16xf32>
      %add3A_573 = arith.addf %add3A_570, %add3A_571 : vector<16xf32>
      %add3A_574 = arith.addf %add3A_572, %add3A_573 : vector<16xf32>
      %broadcast_in_dim3A_575 = vector.shape_cast %xor3A_4 : vector<16xi32> to vector<16x1xi32>
      %gather3A_576 = vector.shape_cast %broadcast_in_dim3A_575 : vector<16x1xi32> to vector<16xi32>
      %gather3A_577 = tpu.dynamic_gather %add3A_574[%gather3A_576] in [0] : vector<16xf32>, vector<16xi32> -> vector<16xf32>
      %add3A_578 = arith.addf %add3A_574, %gather3A_577 : vector<16xf32>
      %broadcast_in_dim3A_579 = vector.shape_cast %xor3A_7 : vector<16xi32> to vector<16x1xi32>
      %gather3A_580 = vector.shape_cast %broadcast_in_dim3A_579 : vector<16x1xi32> to vector<16xi32>
      %gather3A_581 = tpu.dynamic_gather %add3A_578[%gather3A_580] in [0] : vector<16xf32>, vector<16xi32> -> vector<16xf32>
      %add3A_582 = arith.addf %add3A_578, %gather3A_581 : vector<16xf32>
      %broadcast_in_dim3A_583 = vector.shape_cast %xor3A_10 : vector<16xi32> to vector<16x1xi32>
      %gather3A_584 = vector.shape_cast %broadcast_in_dim3A_583 : vector<16x1xi32> to vector<16xi32>
      %gather3A_585 = tpu.dynamic_gather %add3A_582[%gather3A_584] in [0] : vector<16xf32>, vector<16xi32> -> vector<16xf32>
      %add3A_586 = arith.addf %add3A_582, %gather3A_585 : vector<16xf32>
      %broadcast_in_dim3A_587 = vector.shape_cast %xor3A_13 : vector<16xi32> to vector<16x1xi32>
      %gather3A_588 = vector.shape_cast %broadcast_in_dim3A_587 : vector<16x1xi32> to vector<16xi32>
      %gather3A_589 = tpu.dynamic_gather %add3A_586[%gather3A_588] in [0] : vector<16xf32>, vector<16xi32> -> vector<16xf32>
      %add3A_590 = arith.addf %add3A_586, %gather3A_589 : vector<16xf32>
      %eq3A_591 = vector.broadcast %scan3A_430 : i32 to vector<16xi32>
      %eq3A_592 = arith.cmpi eq, %iota3A, %eq3A_591 : vector<16xi32>
      %select_n3A_593 = arith.select %eq3A_592, %add3A_590, %select_n3A : vector<16xi1>, vector<16xf32>
      scf.yield %select_n3A_593 : vector<16xf32>
    }
    %scan3A_261 = arith.constant 16 : i32
    %add3A_262 = arith.constant 9984 : i32
    %add3A_263 = arith.addi %add3A_262, %mul3A_254 : i32
    %swap3A = arith.index_cast %add3A_263 : i32 to index
    %swap3A_264 = tpu.vector_load %arg11[%swap3A] {strides = array<i32>} : memref<10000xf32, #tpu.memory_space<vmem>>, vector<16xf32>,
    %swap3A_265 = vector.shape_cast %swap3A_264 : vector<16xf32> to vector<16xf32>
    %swap3A_266 = vector.shape_cast %scan3A_260 : vector<16xf32> to vector<16xf32>
    tpu.vector_store %arg11[%swap3A], %swap3A_266 {strides = array<i32>} : memref<10000xf32, #tpu.memory_space<vmem>>, vector<16xf32>,
    %scan3A_267 = arith.constant 1 : i32
    "tpu.region"() ({
      %run_scoped3A = tpu.sem_alloc : memref<!tpu.dma_semaphore, #tpu.memory_space<semaphore_mem>>
      %dma_start3A_268 = tpu.memref_slice %arg6[%mul3A_2] : memref<320000xf32, #tpu.memory_space<hbm>> -> memref<10000xf32, #tpu.memory_space<hbm>>
      %dma_start3A_269 = tpu.memref_slice %arg6[%mul3A_2] : memref<320000xf32, #tpu.memory_space<hbm>> -> memref<10000xf32, #tpu.memory_space<hbm>>
      tpu.enqueue_dma source(%arg11 : memref<10000xf32, #tpu.memory_space<vmem>>) target(%dma_start3A_269 : memref<10000xf32, #tpu.memory_space<hbm>>) target_semaphore(%run_scoped3A : memref<!tpu.dma_semaphore, #tpu.memory_space<semaphore_mem>>)
      %dma_wait3A_270 = tpu.memref_slice %arg6[%mul3A_2] : memref<320000xf32, #tpu.memory_space<hbm>> -> memref<10000xf32, #tpu.memory_space<hbm>>
      %dma_wait3A_271 = tpu.memref_slice %arg6[%mul3A_2] : memref<320000xf32, #tpu.memory_space<hbm>> -> memref<10000xf32, #tpu.memory_space<hbm>>
      tpu.wait_dma2 semaphore(%run_scoped3A : memref<!tpu.dma_semaphore, #tpu.memory_space<semaphore_mem>>) src(%arg11 : memref<10000xf32, #tpu.memory_space<vmem>>) dst(%dma_wait3A_271 : memref<10000xf32, #tpu.memory_space<hbm>>)
      tpu.yield
    }) : () -> ()
    return
  }
}

</mosaic_0001>

<sc_bundles>
// kernel: kernel.3.cloned.1.call-start
scs
__scs_entry_jumppad:
0x0: {  	(pc) =	sbr.rel $0x88, $3  }
0x1: {  	(tag) =	ssettag $0x0;
	lr =	simm.s32 $0x1  }
0x2: {  	[smem:$0x3F9E] =	sst lr;
	_ =	strace $0xD0000000  }
0x3: {  	_ = 	snop  }
0x4: {  	_ = 	snop  }
0x5: {  	_ = 	snop  }
0x6: {  	_ = 	snop  }
0x7: {  	_ = 	snop  }
__scs_overlays_trampoline_lowered:
0x8: {  	[smem:$0x3FAD] =	sst s0  }
0x9: {  	[smem:$0x3FAE] =	sst s1  }
0xa: {  	[smem:$0x3FAF] =	sst s2  }
0xb: {  	[smem:$0x3FB0] =	sst s3  }
0xc: {  	[smem:$0x3FB1] =	sst s4  }
0xd: {  	[smem:$0x3FB2] =	sst s5  }
0xe: {  	[smem:$0x3FB3] =	sst s6  }
0xf: {  	[smem:$0x3FB4] =	sst s7  }
0x10: {  	[smem:$0x3FB5] =	sst s8  }
0x11: {  	[smem:$0x3FB6] =	sst s9;
	s0 =	simm.s32 @!p0 $0x0  }
0x12: {  	s1 =	sld [smem:$0x3F9C];
	s0 =	simm.s32 @p0 $0x1  }
0x13: {  	[smem:$0x3FB7] =	sst s0;
	s0 =	simm.s32 @!p1 $0x0  }
0x14: {  	s2 =	sld [smem:$0x3F9B];
	s0 =	simm.s32 @p1 $0x1  }
0x15: {  	[smem:$0x3FB8] =	sst s0;
	s0 =	simm.s32 @!p2 $0x0  }
0x16: {  	s3 =	sld [smem:$0x3FDB];
	s0 =	simm.s32 @p2 $0x1  }
0x17: {  	s4 =	simm.s32 $0x1BF5;
	[smem:$0x3FBA] =	sst s0  }
0x18: {  	s0 =	sld [smem:$0x3F9D];
	_ =	swait.ge [sflag:s4], $0x0  }
0x19: {  	s7 =	sld [smem:$0x3F9E]  }
0x1a: {  	s8 =	sadd.s32 $0xFFFFE003, lr  }
0x1b: {  	s9 =	sadd.s32 $0xFFFFFEF7, lr;
	s5 =	simm.s32 $0xFFFFFFFF;
	p2 =	slt.u32 s8, $0xFFFFF086  }
0x1c: {  	p1 =	slt.u32 s9, $0xF7A;
	s5 =	simm.s32 @!p2 $0x0  }
0x1d: {  	s5 =	simm.s32 @p1 $0x1;
	p0 =	seq.s32 s7, s2  }
0x1e: {  	s7 =	smul.u32 @!p0 $0xF7A, s2;
	p2 =	seq.s32 @!p0 s5, $0x0  }
0x1f: {  	s9 =	smul.u32 $0xF7A, s1;
	s8 =	simm.s32 @!p0 $0x1BF5;
	p2 =	por !p2, p0  }
0x20: {  	[sflag:s8] =	ssyncset.s32 @!p0 $0xFFFFF086;
	s6 =	sadd.s32 @!p0 s3, s7;
	s7 =	simm.s32 @!p0 $0x108  }
0x21: {  	s3 =	sadd.s32 s3, s9;
	s6 =	sadd.s32 @!p0 $0x88, s6;
	s7 =	simm.s32 @p2 $0x1082  }
0x22: {  	[simem:s7], [sflag:s8] =	dma.local @!p0 [hbm:s6], $0xF7A  }
0x23: {  	s9 =	sor.u32 $0xD0000000, s2;
	s6 =	simm.s32 $0x108;
	_ =	swait.ge @!p0 [sflag:s8], $0x0  }
0x24: {  	s3 =	sadd.s32 $0x88, s3;
	s6 =	simm.s32 @!p1 $0x1082;
	[sflag:s4] =	ssyncset.s32 $0xFFFFF086  }
0x25: {  	[simem:s6], [sflag:s4] =	dma.local [hbm:s3], $0xF7A  }
0x26: {  	[smem:$0x3F9E] =	sst s1;
	(tag) =	ssettag s2;
	_ =	strace s9  }
0x27: {  	s1 =	sld [smem:$0x3FAE]  }
0x28: {  	s2 =	sld [smem:$0x3FAF]  }
0x29: {  	s4 =	sld [smem:$0x3FB1]  }
0x2a: {  	p0 =	seq.s32 s5, $0x0;
	s5 =	sld [smem:$0x3FB2]  }
0x2b: {  	s6 =	sld [smem:$0x3FB3]  }
0x2c: {  	s7 =	sld [smem:$0x3FB4]  }
0x2d: {  	s3 =	simm.s32 $0x108;
	s8 =	sld [smem:$0x3FB5]  }
0x2e: {  	s3 =	simm.s32 @!p0 $0x1082;
	s9 =	sld [smem:$0x3FB6]  }
0x2f: {  	lr =	sadd.s32 s0, s3;
	s0 =	sld [smem:$0x3FAD]  }
0x30: {  	s3 =	sld [smem:$0x3FB0]  }
0x31: {  	[smem:$0x3FB9] =	sst s10  }
0x32: {  	s10 =	sld [smem:$0x3FB7];
	_ =	sdelay $0x3  }
0x33: {  	p0 =	seq.s32 s10, $0x1;
	s10 =	sld [smem:$0x3FB9];
	_ =	sdelay $0x3  }
0x34: {  	[smem:$0x3FB9] =	sst s10  }
0x35: {  	s10 =	sld [smem:$0x3FB8];
	_ =	sdelay $0x3  }
0x36: {  	p1 =	seq.s32 s10, $0x1;
	s10 =	sld [smem:$0x3FB9];
	_ =	sdelay $0x3  }
0x37: {  	[smem:$0x3FB9] =	sst s10  }
0x38: {  	s10 =	sld [smem:$0x3FBA]  }
0x39: {  	_ = 	snop;
	(pc) =	sbr.ind lr, $3  }
0x3a: {  	_ = 	snop  }
0x3b: {  	_ = 	snop  }
0x3c: {  	p2 =	seq.s32 s10, $0x1;
	s10 =	sld [smem:$0x3FB9]  }
0x3d: {  	_ =	shalt  }
0x3e: {  	_ =	shalt  }
0x3f: {  	_ =	shalt  }
0x40: {  	_ =	shalt  }
0x41: {  	_ =	shalt  }
0x42: {  	_ =	shalt  }
0x43: {  	_ =	shalt  }
0x44: {  	_ =	shalt  }
0x45: {  	_ =	shalt  }
0x46: {  	_ =	shalt  }
0x47: {  	_ =	shalt  }
0x48: {  	_ =	shalt  }
0x49: {  	_ =	shalt  }
0x4a: {  	_ =	shalt  }
0x4b: {  	_ =	shalt  }
0x4c: {  	_ =	shalt  }
0x4d: {  	_ =	shalt  }
0x4e: {  	_ =	shalt  }
0x4f: {  	_ =	shalt  }
0x50: {  	_ =	shalt  }
0x51: {  	_ =	shalt  }
0x52: {  	_ =	shalt  }
0x53: {  	_ =	shalt  }
0x54: {  	_ =	shalt  }
0x55: {  	_ =	shalt  }
0x56: {  	_ =	shalt  }
0x57: {  	_ =	shalt  }
0x58: {  	_ =	shalt  }
0x59: {  	_ =	shalt  }
0x5a: {  	_ =	shalt  }
0x5b: {  	_ =	shalt  }
0x5c: {  	_ =	shalt  }
0x5d: {  	_ =	shalt  }
0x5e: {  	_ =	shalt  }
0x5f: {  	_ =	shalt  }
0x60: {  	_ =	shalt  }
0x61: {  	_ =	shalt  }
0x62: {  	_ =	shalt  }
0x63: {  	_ =	shalt  }
0x64: {  	_ =	shalt  }
0x65: {  	_ =	shalt  }
0x66: {  	_ =	shalt  }
0x67: {  	_ =	shalt  }
0x68: {  	_ =	shalt  }
0x69: {  	_ =	shalt  }
0x6a: {  	_ =	shalt  }
0x6b: {  	_ =	shalt  }
0x6c: {  	_ =	shalt  }
0x6d: {  	_ =	shalt  }
0x6e: {  	_ =	shalt  }
0x6f: {  	_ =	shalt  }
0x70: {  	_ =	shalt  }
0x71: {  	_ =	shalt  }
0x72: {  	_ =	shalt  }
0x73: {  	_ =	shalt  }
0x74: {  	_ =	shalt  }
0x75: {  	_ =	shalt  }
0x76: {  	_ =	shalt  }
0x77: {  	_ =	shalt  }
0x78: {  	_ =	shalt  }
0x79: {  	_ =	shalt  }
0x7a: {  	_ =	shalt  }
0x7b: {  	_ =	shalt  }
0x7c: {  	_ =	shalt  }
0x7d: {  	_ =	shalt  }
0x7e: {  	_ =	shalt  }
0x7f: {  	_ =	shalt  }
0x80: {  	_ =	shalt  }
0x81: {  	_ =	shalt  }
0x82: {  	_ =	shalt  }
0x83: {  	_ =	shalt  }
0x84: {  	_ =	shalt  }
0x85: {  	_ =	shalt  }
0x86: {  	_ =	shalt  }
0x87: {  	_ =	shalt  }
.Lfunc_end0:
.L_simem_size_0:
called_computation_lowered:
.L_overlay_start_0:
0x88: {  	s2 =	sld [smem:$0x3FD9]  }
0x89: {  	s3 =	sld [smem:$0x3FFE];
	_ =	sdelay $0x1  }
0x8a: {  	s1 =	srdreg.scid  }
0x8b: {  	s0 =	sand.u32 $0x1, s1  }
0x8c: {  	s17 =	sshll.u32 s0, $0xA;
	s2 =	sadd.s32 s3, s2  }
0x8d: {  	s2 =	sadd.s32 s2, s17  }
0x8e: {  	[smem:$0x3FC5] =	sst s2  }
0x8f: {  	_ = 	snop  }
0x90: {  	s2 =	sld [smem:$0x3FC9]  }
0x91: {  	s18 =	sld [smem:$0x3FC8]  }
0x92: {  	s4 =	sld [smem:$0x3FD0];
	(tm) =	ssettm $0x1  }
0x93: {  	s5 =	sld [smem:$0x3FFB];
	_ =	sdelay $0x3  }
0x94: {  	_ =	strace s5  }
0x95: {  	s5 =	sld [smem:$0x3FFC];
	_ =	sdelay $0x3  }
0x96: {  	_ =	strace s5  }
0x97: {  	s5 =	sld [smem:$0x3FFD];
	_ =	sdelay $0x3  }
0x98: {  	_ =	strace s5  }
0x99: {  	_ =	strace $0x8FFFFFFF  }
0x9a: {  	s19 =	sld [smem:$0x3FDB];
	_ =	sdelay $0x1  }
0x9b: {  	s6 =	simm.s32 $_scs_section_size  }
0x9c: {  	s7 =	simm.s32 $_size__tile_overlayer_lowered;
	s8 =	simm.s32 $_tile_overlayer_lowered  }
0x9d: {  	s22 =	simm.s32 $0x1BFF;
	s21 =	sshll.u32 s8, $0x1;
	s5 =	sadd.s32 s6, s19  }
0x9e: {  	s9 =	simm.s32 $0x0;
	s20 =	sshll.u32 s7, $0x1;
	s7 =	sadd.s32 s21, s5  }
0x9f: {  	[timem:s9], [sflag:s22] =	dma.local [hbm:s7], s20  }
0xa0: {  	_ =	swait.ge [sflag:s22], s20  }
0xa1: {  	s6 =	ssub.s32 $0x0, s20;
	[sflag:s22] =	ssyncset.done $0x0  }
0xa2: {  	[sflag:s22] =	ssyncadd.s32 s6;
	_ =	sdelay $0x1  }
0xa3: {  	s23 =	simm.s32 $0x1B8B  }
0xa4: {  	_ =	swait.ge [sflag:s23], $0x1  }
0xa5: {  	[sflag:s23] =	ssyncset.done $0x0  }
0xa6: {  	s25 =	simm.s32 $0x1B8E;
	s24 =	sld [smem:$0x3FFE];
	[sflag:s23] =	ssyncadd.s32 $0xFFFFFFFF  }
0xa7: {  	s26 =	simm.s32 $execute0_lowered;
	[smem:$0x3FD2] =	sst s25  }
0xa8: {  	s7 =	sshll.u32 s26, $0x1;
	_ =	strace $0x80000046;
	[dreg:$0x1] =	wrdreg $0xFFFFFFFF  }
0xa9: {  	s28 =	simm.s32 $_size_execute0_lowered;
	s5 =	sadd.s32 s5, s7;
	[dreg:$0x0] =	wrdreg $0x0  }
0xaa: {  	s7 =	sshll.u32 s28, $0x1;
	[dreg:$0x2] =	wrdreg s5  }
0xab: {  	[dreg:$0x3] =	wrdreg s7  }
0xac: {  	[dreg:$0x4] =	wrdreg $0xC0  }
0xad: {  	_ =	task [dreg:s9], $0x5FFFF  }
0xae: {  	[dreg:$0x1] =	wrdreg $0xFFFFFFFF  }
0xaf: {  	[dreg:$0x0] =	wrdreg $0x60  }
0xb0: {  	[dreg:$0x2] =	wrdreg s2  }
0xb1: {  	[dreg:$0x3] =	wrdreg s18  }
0xb2: {  	[dreg:$0x4] =	wrdreg s24  }
0xb3: {  	[dreg:$0x5] =	wrdreg s4  }
0xb4: {  	[dreg:$0x6] =	wrdreg $0x9  }
0xb5: {  	_ =	task.clear_ibuf [dreg:s9], $0x7FFFF;
	_ =	strace $0x90000046  }
0xb6: {  	s29 =	simm.s32 $0x9;
	_ =	strace $0x80000048  }
0xb7: {  	_ =	swait.ge [sflag:s29], $0x1  }
0xb8: {  	[sflag:s29] =	ssyncadd.s32 $0xFFFFFFFF  }
0xb9: {  	_ =	strace $0x90000048  }
0xba: {  	_ =	sfence  }
0xbb: {  	s30 =	sld [smem:$0x0];
	_ =	sdelay $0x2  }
0xbc: {  	s31 =	sshll.u32 s1, $0xD;
	s1 =	sshrl.u32 s1, $0x2  }
0xbd: {  	s3 =	sand.u32 $0x4000, s31;
	s1 =	sadd.s32 s1, s30  }
0xbe: {  	s0 =	sor.u32 s3, s0;
	s1 =	sshll.u32 s1, $0x11  }
0xbf: {  	s0 =	sor.u32 s1, s0  }
0xc0: {  	s0 =	sadd.s32 $0x8F2B, s0  }
0xc1: {  	[sflag:s0] =	ssyncadd.remote.s32 $0x1  }
0xc2: {  	_ =	sfence.sel $0xFFFF  }
0xc3: {  	[dreg:$0x0] =	wrdreg $0xFFFFFFFF;
	(pc) =	sbr.abs _section_cstart, $3  }
0xc4: {  	[dreg:$0x1] =	wrdreg $0xFFFFFFFF  }
0xc5: {  	_ =	task.clear_ibuf [dreg:s9], $0x2FFFF;
	_ =	strace $0x9FFFFFFF  }
0xc6: {  	(tm) =	ssettm $0x7FFFFFFF  }
0xc7: {  	_ =	shalt  }
tec
execute0_lowered:
.L_overlay_start_1:
0x0: {  	(tag) =	ssettag $0x1  }
0x1: {  	s1 =	rddreg [dreg:$0x0]  }
0x2: {  	s2 =	rddreg [dreg:$0x1]  }
0x3: {  	s0 =	srdreg.scid;
	s3 =	rddreg [dreg:$0x2]  }
0x4: {  	s4 =	stileid.u32;
	s5 =	rddreg [dreg:$0x3];
	v0 =	vimm.s32 $0xFEDCBA98;
	v1 =	vimm.s32 $0x76543210  }
0x5: {  	s6 =	simm.s32 $0x0;
	s9 =	simm.s32 $0x4F00;
	s10 =	simm.s32 $0x10F00;
	v2 =	vimm.s32 $0xBA98FEDC;
	v3 =	vimm.s32 $0x32107654  }
0x6: {  	v4 =	vimm.s32 $0xDCFE98BA;
	s13 =	simm.s32 $0x13F00;
	s16 =	simm.s32 $0x60;
	v5 =	vimm.s32 $0x54761032;
	s18 =	simm.s32 $0xAF00  }
0x7: {  	v6 =	vimm.s32 $0xEFCDAB89;
	v7 =	vimm.s32 $0x67452301;
	s20 =	simm.s32 $0x16F00;
	s21 =	simm.s32 $0x1;
	s22 =	simm.s32 $0x5  }
0x8: {  	s23 =	simm.s32 $0xDF00;
	s0 =	sand.u32 $0x1, s0;
	s4 =	sshll.u32 s4, $0x1;
	v0 =	vunpack.c.l.s4.s8 v0;
	v1 =	vunpack.c.l.s4.s8 v1;
	v2 =	vunpack.c.l.s4.s8 v2  }
0x9: {  	s24 =	simm.s32 $0x19F00;
	s28 =	simm.s32 $0x3;
	v3 =	vunpack.c.l.s4.s8 v3;
	v4 =	vunpack.c.l.s4.s8 v4;
	v5 =	vunpack.c.l.s4.s8 v5;
	s4 =	sor.u32 s0, s4  }
0xa: {  	s29 =	simm.s32 $0x7;
	s30 =	simm.s32 $0x4;
	v6 =	vunpack.c.l.s4.s8 v6;
	v7 =	vunpack.c.l.s4.s8 v7;
	s4 =	smul.u32 $0x4E2, s4;
	v0 =	vunpack.c.0.s8.s32 v0  }
0xb: {  	s31 =	simm.s32 $0x8;
	[smem:$0x7FF] =	sst s6;
	s0 =	ssub.s32 $0x2, s0;
	v2 =	vunpack.c.0.s8.s32 v2;
	v3 =	vunpack.c.0.s8.s32 v3;
	v4 =	vunpack.c.0.s8.s32 v4  }
0xc: {  	_ =	strace $0x80000047;
	s25 =	sshrl.u32 s0, $0x1;
	v5 =	vunpack.c.0.s8.s32 v5;
	v6 =	vunpack.c.0.s8.s32 v6;
	v7 =	vunpack.c.0.s8.s32 v7;
	s7 =	sadd.s32 s3, s4  }
0xd: {  	v1 =	vunpack.c.0.s8.s32 v1;
	s0 =	ssub.s32 s0, s25;
	s26 =	sadd.s32 s5, s4;
	v2 =	vcombine.low v3, v2;
	[dreg:$0x5] =	wrdreg s7  }
0xe: {  	s25 =	simm.s32 $0x2;
	s0 =	smax.u32 s0, $0x1;
	v3 =	vcombine.low v5, v4;
	v4 =	vcombine.low v7, v6;
	v0 =	vand.u32 $0xF, v0;
	[dreg:$0x7] =	wrdreg s26  }
0xf: {  	s3 =	simm.s32 $0x0;
	s7 =	sadd.s32 $0x9E00, s7;
	[dreg:$0x8] =	wrdreg s0;
	v0 =	vcombine.low v0, v1;
	v1 =	vand.u32 $0xF, v2  }
0x10: {  	s26 =	simm.s32 $0x6;
	[dreg:$0x6] =	wrdreg s7;
	s7 =	simm.s32 $0x9;
	v2 =	vand.u32 $0xF, v3;
	v3 =	vand.u32 $0xF, v4;
	v4 =	vlaneseq.u32  }
.LBB2_1:
0x11: {  	[dreg:$0x9] =	wrdreg s3  }
0x12: {  	s0 =	rddreg [dreg:$0x6]  }
0x13: {  	[tilespmem:s6], [sflag:$0x9] =	stream.linear.gather [hbm4b:s0+s6], $0x2710, $0x38;
	[tilespmem:$0x1F680] =	vst v63  }
0x14: {  	_ =	swait.ge [sflag:s7], $0x2710  }
0x15: {  	[sflag:s7] =	ssyncset.done $0x0  }
0x16: {  	s12 =	simm.s32 $0x2780;
	s11 =	rddreg [dreg:$0x5];
	[sflag:s7] =	ssyncadd.s32 $0xFFFFD8F0  }
0x17: {  	[tilespmem:s12], [sflag:$0x9] =	stream.linear.gather [hbm4b:s11+s6], $0x2710, $0x38;
	[tilespmem:$0x1F680] =	vst v63  }
0x18: {  	_ =	swait.ge [sflag:s7], $0x2710  }
0x19: {  	[sflag:s7] =	ssyncset.done $0x0  }
0x1a: {  	[sflag:s7] =	ssyncadd.s32 $0xFFFFD8F0  }
0x1b: {  	[tilespmem:s9], [sflag:$0x1] =	stream.indirect.gather [hbm4b:s1+s16], $0x80, s6, s16, $0xb8;
	[tilespmem:$0x1F680] =	vst v63  }
0x1c: {  	_ = 	snop  }
0x1d: {  	[tilespmem:s10], [sflag:$0x5] =	stream.indirect.gather [hbm4b:s2+s16], $0x80, s12, s16, $0xb8;
	[tilespmem:$0x1F680] =	vst v63  }
0x1e: {  	s14 =	simm.s32 $0x7F00  }
0x1f: {  	[tilespmem:s14], [sflag:$0x2] =	stream.indirect.gather [hbm4b:s1+s16], $0x80, s16, s16, $0xb8;
	[tilespmem:$0x1F680] =	vst v63  }
0x20: {  	s15 =	simm.s32 $0x27E0  }
0x21: {  	[tilespmem:s13], [sflag:$0x6] =	stream.indirect.gather [hbm4b:s2+s16], $0x80, s15, s16, $0xb8;
	[tilespmem:$0x1F680] =	vst v63  }
0x22: {  	s17 =	simm.s32 $0xC0  }
0x23: {  	[tilespmem:s18], [sflag:$0x3] =	stream.indirect.gather [hbm4b:s1+s16], $0x80, s17, s16, $0xb8;
	[tilespmem:$0x1F680] =	vst v63  }
0x24: {  	s19 =	simm.s32 $0x2840;
	s17 =	simm.s32 $0x0  }
0x25: {  	[tilespmem:s20], [sflag:$0x7] =	stream.indirect.gather [hbm4b:s2+s16], $0x80, s19, s16, $0xb8;
	[tilespmem:$0x1F680] =	vst v63  }
.LBB2_2:
0x26: {  	_ =	swait.ge [sflag:s21], $0x3000  }
0x27: {  	[sflag:s21] =	ssyncset.done $0x0  }
0x28: {  	s19 =	smul.u32 $0x180, s17;
	[sflag:s21] =	ssyncadd.s32 $0xFFFFD000  }
0x29: {  	s4 =	smul.u32 $0x600, s17;
	_ =	swait.ge [sflag:s22], $0x3000  }
0x2a: {  	[sflag:s22] =	ssyncset.done $0x0  }
0x2b: {  	s3 =	sadd.s32 $0x120, s19;
	s8 =	sshra.s32 s4, $0x2;
	[sflag:s22] =	ssyncadd.s32 $0xFFFFD000  }
0x2c: {  	[tilespmem:s23], [sflag:$0x4] =	stream.indirect.gather [hbm4b:s1+s16], $0x80, s3, s16, $0xb8;
	[tilespmem:$0x1F680] =	vst v63  }
0x2d: {  	s0 =	sadd.s32 $0x28A0, s19;
	s5 =	sadd.s32 $0x1CF00, s8  }
0x2e: {  	[tilespmem:s24], [sflag:$0x8] =	stream.indirect.gather [hbm4b:s2+s16], $0x80, s0, s16, $0xb8;
	[tilespmem:$0x1F680] =	vst v63  }
0x2f: {  	s6 =	simm.s32 $0x0;
	s4 =	simm.s32 $0x10F80;
	v5 =	vmov s5;
	s0 =	simm.s32 $0x4F80  }
.LBB2_3:
0x30: {  	v6 =	vld [tilespmem:s0+$0x0]  }
0x31: {  	v22 =	vld [tilespmem:s4+$0x0]  }
0x32: {  	v24 =	vld [tilespmem:s0+$0x10]  }
0x33: {  	v26 =	vld [tilespmem:s4+$0x10]  }
0x34: {  	v28 =	vld [tilespmem:s0+$0x20]  }
0x35: {  	v30 =	vld [tilespmem:s4+$0x20]  }
0x36: {  	v31 =	vld [tilespmem:s0+$0x30]  }
0x37: {  	v32 =	vld [tilespmem:s4+$0x30]  }
0x38: {  	v33 =	vld [tilespmem:s0+$0x40]  }
0x39: {  	v34 =	vld [tilespmem:s4+$0x40]  }
0x3a: {  	v35 =	vld [tilespmem:s0+$0x50]  }
0x3b: {  	v36 =	vld [tilespmem:s4+$0x50]  }
0x3c: {  	v8 =	vld [tilespmem:s0+$0x60]  }
0x3d: {  	v9 =	vld [tilespmem:s4+$0x60]  }
0x3e: {  	v7 =	vld [tilespmem:s0+$0x70]  }
0x3f: {  	v11 =	vld [tilespmem:s0+$0xFFFFFF80]  }
0x40: {  	v13 =	vld [tilespmem:s4+$0xFFFFFF80]  }
0x41: {  	v10 =	vld [tilespmem:s0+$0xFFFFFF90]  }
0x42: {  	v12 =	vld [tilespmem:s4+$0xFFFFFF90]  }
0x43: {  	v14 =	vld [tilespmem:s0+$0xFFFFFFA0]  }
0x44: {  	v16 =	vld [tilespmem:s4+$0xFFFFFFA0]  }
0x45: {  	v15 =	vld [tilespmem:s0+$0xFFFFFFB0]  }
0x46: {  	v17 =	vld [tilespmem:s4+$0xFFFFFFB0]  }
0x47: {  	v18 =	vld [tilespmem:s0+$0xFFFFFFC0]  }
0x48: {  	v19 =	vld [tilespmem:s4+$0xFFFFFFC0]  }
0x49: {  	v20 =	vld [tilespmem:s0+$0xFFFFFFD0]  }
0x4a: {  	v21 =	vld [tilespmem:s4+$0xFFFFFFD0]  }
0x4b: {  	v23 =	vld [tilespmem:s0+$0xFFFFFFE0]  }
0x4c: {  	v27 =	vld [tilespmem:s4+$0xFFFFFFE0];
	v25 =	vmul.f32 v22, v6;
	v26 =	vmul.f32 v26, v24  }
0x4d: {  	v29 =	vld [tilespmem:s0+$0xFFFFFFF0];
	s12 =	sshll.u32 s6, $0x4;
	s7 =	simm.s32 $0x2;
	v28 =	vmul.f32 v30, v28;
	v30 =	vmul.f32 v32, v31  }
0x4e: {  	s14 =	smov.u32 s4;
	s15 =	smov.u32 s0;
	s5 =	simm.s32 $0x0;
	v6 =	vimm.f32 $0.0e+00;
	v31 =	vld [tilespmem:s4+$0xFFFFFFF0];
	v22 =	vmul.f32 v34, v33;
	v24 =	vmul.f32 v36, v35  }
.LBB2_4:
0x4f: {  	p0 =	slt.u32 s7, $0xE;
	v11 =	vmul.f32 v13, v11;
	v8 =	vmul.f32 v9, v8;
	v9 =	vld [tilespmem:s14+$0x70];
	s15 =	sadd.s32 $0x100, s15  }
0x50: {  	v10 =	vmul.f32 v12, v10;
	v12 =	vmul.f32 v16, v14;
	s14 =	sadd.s32 $0x100, s14;
	v32 =	vld [tilespmem:s15+$0x0]  }
0x51: {  	v13 =	vmul.f32 v17, v15;
	v14 =	vmul.f32 v19, v18;
	v33 =	vld [tilespmem:s14+$0x0]  }
0x52: {  	v15 =	vmul.f32 v21, v20;
	v16 =	vmul.f32 v27, v23;
	v34 =	vld [tilespmem:s15+$0x10]  }
0x53: {  	v18 =	vadd.f32 v26, v25;
	v19 =	vadd.f32 v30, v28;
	v35 =	vld [tilespmem:s14+$0x10];
	v17 =	vmul.f32 v31, v29  }
0x54: {  	v10 =	vadd.f32 v10, v11;
	v11 =	vadd.f32 v13, v12;
	v28 =	vld [tilespmem:s15+$0x20];
	v7 =	vmul.f32 v9, v7  }
0x55: {  	v9 =	vadd.f32 v15, v14;
	v30 =	vld [tilespmem:s14+$0x20];
	v12 =	vadd.f32 v17, v16  }
0x56: {  	v13 =	vadd.f32 v24, v22;
	v31 =	vld [tilespmem:s15+$0x30];
	v7 =	vadd.f32 v7, v8  }
0x57: {  	v8 =	vadd.f32 v11, v10;
	v22 =	vld [tilespmem:s14+$0x30];
	v9 =	vadd.f32 v12, v9  }
0x58: {  	v10 =	vadd.f32 v19, v18;
	v24 =	vld [tilespmem:s15+$0x40];
	v7 =	vadd.f32 v7, v13  }
0x59: {  	v36 =	vld [tilespmem:s14+$0x40];
	v11 =	vadd.f32 v9, v8  }
0x5a: {  	v37 =	vld [tilespmem:s15+$0x50];
	v10 =	vadd.f32 v7, v10  }
0x5b: {  	v38 =	vld [tilespmem:s14+$0x50];
	v7 =	vperm.xlane v11, v0  }
0x5c: {  	v8 =	vld [tilespmem:s15+$0x60];
	v12 =	vperm.xlane v10, v0  }
0x5d: {  	v9 =	vld [tilespmem:s14+$0x60];
	v14 =	vadd.f32 v11, v7  }
0x5e: {  	v7 =	vld [tilespmem:s15+$0x70];
	v15 =	vadd.f32 v10, v12  }
0x5f: {  	v11 =	vld [tilespmem:s15+$0xFFFFFF80];
	v12 =	vperm.xlane v14, v1  }
0x60: {  	v13 =	vld [tilespmem:s14+$0xFFFFFF80];
	v16 =	vperm.xlane v15, v1  }
0x61: {  	v10 =	vld [tilespmem:s15+$0xFFFFFF90];
	v17 =	vadd.f32 v14, v12  }
0x62: {  	v12 =	vld [tilespmem:s14+$0xFFFFFF90];
	v18 =	vadd.f32 v15, v16  }
0x63: {  	v14 =	vld [tilespmem:s15+$0xFFFFFFA0];
	v19 =	vperm.xlane v17, v2  }
0x64: {  	v16 =	vld [tilespmem:s14+$0xFFFFFFA0];
	v20 =	vperm.xlane v18, v2  }
0x65: {  	v15 =	vld [tilespmem:s15+$0xFFFFFFB0];
	v21 =	vadd.f32 v17, v19  }
0x66: {  	v17 =	vld [tilespmem:s14+$0xFFFFFFB0];
	v23 =	vadd.f32 v18, v20  }
0x67: {  	v18 =	vld [tilespmem:s15+$0xFFFFFFC0];
	v25 =	vperm.xlane v21, v3  }
0x68: {  	v19 =	vld [tilespmem:s14+$0xFFFFFFC0];
	v26 =	vperm.xlane v23, v3  }
0x69: {  	s11 =	sadd.s32 $0x1, s5;
	v27 =	vmov s5;
	s5 =	smov.u32 s7;
	v20 =	vld [tilespmem:s15+$0xFFFFFFD0];
	v25 =	vadd.f32 v21, v25  }
.Ltmp0:
0x6a: {  	vm0 =	veq.s32 v27, v4;
	v21 =	vld [tilespmem:s14+$0xFFFFFFD0];
	v29 =	vadd.f32 v23, v26;
	v26 =	vmov s11;
	(pc) =	sbr.rel @p0 .LBB2_4-.Ltmp0, $4  }
0x6b: {  	v23 =	vld [tilespmem:s15+$0xFFFFFFE0];
	v6 =	vsel vm0, v25, v6;
	vm0 =	veq.s32 v26, v4  }
0x6c: {  	v25 =	vmul.f32 v33, v32;
	v26 =	vmul.f32 v35, v34;
	v27 =	vld [tilespmem:s14+$0xFFFFFFE0];
	v6 =	vsel vm0, v29, v6  }
0x6d: {  	v28 =	vmul.f32 v30, v28;
	v30 =	vmul.f32 v22, v31;
	v29 =	vld [tilespmem:s15+$0xFFFFFFF0]  }
0x6e: {  	s7 =	sadd.s32 $0x2, s7;
	v22 =	vmul.f32 v36, v24;
	v24 =	vmul.f32 v38, v37;
	v31 =	vld [tilespmem:s14+$0xFFFFFFF0]  }
0x6f: {  	v11 =	vmul.f32 v13, v11;
	v47 =	vld [tilespmem:s14+$0x70]  }
0x70: {  	v8 =	vmul.f32 v9, v8;
	v10 =	vmul.f32 v12, v10  }
0x71: {  	v48 =	vmul.f32 v16, v14;
	v49 =	vmul.f32 v17, v15  }
0x72: {  	v50 =	vmul.f32 v19, v18;
	v51 =	vmul.f32 v21, v20;
	v54 =	vadd.f32 v26, v25  }
0x73: {  	v55 =	vadd.f32 v30, v28;
	v52 =	vmul.f32 v27, v23;
	v53 =	vmul.f32 v31, v29  }
0x74: {  	v10 =	vadd.f32 v10, v11;
	v56 =	vadd.f32 v49, v48;
	v7 =	vmul.f32 v47, v7  }
0x75: {  	v57 =	vadd.f32 v51, v50;
	v58 =	vadd.f32 v53, v52  }
0x76: {  	v59 =	vadd.f32 v24, v22;
	v7 =	vadd.f32 v7, v8  }
0x77: {  	v60 =	vadd.f32 v56, v10;
	v9 =	vadd.f32 v58, v57  }
0x78: {  	v61 =	vadd.f32 v55, v54;
	v7 =	vadd.f32 v7, v59  }
0x79: {  	v8 =	vadd.f32 v9, v60  }
0x7a: {  	v7 =	vadd.f32 v7, v61  }
0x7b: {  	v9 =	vperm.xlane v8, v0  }
0x7c: {  	v10 =	vperm.xlane v7, v0  }
0x7d: {  	v8 =	vadd.f32 v8, v9  }
0x7e: {  	v7 =	vadd.f32 v7, v10  }
0x7f: {  	v9 =	vperm.xlane v8, v1  }
0x80: {  	v10 =	vperm.xlane v7, v1  }
0x81: {  	v8 =	vadd.f32 v8, v9  }
0x82: {  	v7 =	vadd.f32 v7, v10  }
0x83: {  	v9 =	vperm.xlane v8, v2  }
0x84: {  	v10 =	vperm.xlane v7, v2  }
0x85: {  	v8 =	vadd.f32 v8, v9  }
0x86: {  	v7 =	vadd.f32 v7, v10  }
0x87: {  	s6 =	sadd.s32 $0x1, s6;
	v9 =	vperm.xlane v8, v3  }
0x88: {  	p0 =	sne.s32 s6, $0x6;
	v10 =	vperm.xlane v7, v3  }
.Ltmp1:
0x89: {  	v62 =	vmov s5;
	s15 =	sadd.s32 $0x1, s5;
	v8 =	vadd.f32 v8, v9;
	(pc) =	sbr.rel @p0 .LBB2_3-.Ltmp1, $4  }
0x8a: {  	vm0 =	veq.s32 v62, v4;
	v63 =	vmov s15;
	v7 =	vadd.f32 v7, v10  }
0x8b: {  	vm15 =	veq.s32 v63, v4;
	v6 =	vsel vm0, v8, v6  }
0x8c: {  	v6 =	vsel vm15, v7, v6  }
0x8d: {  	s4 =	sadd.s32 $0x800, s4;
	s0 =	sadd.s32 $0x800, s0;
	[tilespmem:v5+s12+$0x0 ss:$0x1] =	vst.idx.msk $0xffff, v6  }
0x8e: {  	_ =	swait.ge [sflag:s25], $0x3000  }
0x8f: {  	[sflag:s25] =	ssyncset.done $0x0  }
0x90: {  	[sflag:s25] =	ssyncadd.s32 $0xFFFFD000  }
0x91: {  	_ =	swait.ge [sflag:s26], $0x3000  }
0x92: {  	s0 =	sadd.s32 $0x180, s19;
	[sflag:s26] =	ssyncset.done $0x0  }
0x93: {  	s11 =	sadd.s32 $0x2900, s19;
	s12 =	sadd.s32 $0x1CF60, s8;
	[sflag:s26] =	ssyncadd.s32 $0xFFFFD000  }
0x94: {  	[tilespmem:s9], [sflag:$0x1] =	stream.indirect.gather [hbm4b:s1+s16], $0x80, s0, s16, $0xb8;
	[tilespmem:$0x1F680] =	vst v63  }
0x95: {  	s6 =	simm.s32 $0x0;
	s14 =	simm.s32 $0x7FF0;
	s15 =	simm.s32 $0x13FF0  }
0x96: {  	v5 =	vmov s12;
	[tilespmem:s10], [sflag:$0x5] =	stream.indirect.gather [hbm4b:s2+s16], $0x80, s11, s16, $0xb8;
	[tilespmem:$0x1F680] =	vst v63  }
.LBB2_7:
0x97: {  	v6 =	vld [tilespmem:s14+$0xFFFFFF90]  }
0x98: {  	v22 =	vld [tilespmem:s15+$0xFFFFFF90]  }
0x99: {  	v24 =	vld [tilespmem:s14+$0xFFFFFFA0]  }
0x9a: {  	v26 =	vld [tilespmem:s15+$0xFFFFFFA0]  }
0x9b: {  	v28 =	vld [tilespmem:s14+$0xFFFFFFB0]  }
0x9c: {  	v30 =	vld [tilespmem:s15+$0xFFFFFFB0]  }
0x9d: {  	v31 =	vld [tilespmem:s14+$0xFFFFFFC0]  }
0x9e: {  	v32 =	vld [tilespmem:s15+$0xFFFFFFC0]  }
0x9f: {  	v33 =	vld [tilespmem:s14+$0xFFFFFFD0]  }
0xa0: {  	v34 =	vld [tilespmem:s15+$0xFFFFFFD0]  }
0xa1: {  	v35 =	vld [tilespmem:s14+$0xFFFFFFE0]  }
0xa2: {  	v36 =	vld [tilespmem:s15+$0xFFFFFFE0]  }
0xa3: {  	v8 =	vld [tilespmem:s14+$0xFFFFFFF0]  }
0xa4: {  	v9 =	vld [tilespmem:s15+$0xFFFFFFF0]  }
0xa5: {  	v7 =	vld [tilespmem:s14+$0x0]  }
0xa6: {  	v11 =	vld [tilespmem:s14+$0xFFFFFF10]  }
0xa7: {  	v13 =	vld [tilespmem:s15+$0xFFFFFF10]  }
0xa8: {  	v10 =	vld [tilespmem:s14+$0xFFFFFF20]  }
0xa9: {  	v12 =	vld [tilespmem:s15+$0xFFFFFF20]  }
0xaa: {  	v14 =	vld [tilespmem:s14+$0xFFFFFF30]  }
0xab: {  	v16 =	vld [tilespmem:s15+$0xFFFFFF30]  }
0xac: {  	v15 =	vld [tilespmem:s14+$0xFFFFFF40]  }
0xad: {  	v17 =	vld [tilespmem:s15+$0xFFFFFF40]  }
0xae: {  	v18 =	vld [tilespmem:s14+$0xFFFFFF50]  }
0xaf: {  	v19 =	vld [tilespmem:s15+$0xFFFFFF50]  }
0xb0: {  	v20 =	vld [tilespmem:s14+$0xFFFFFF60]  }
0xb1: {  	v21 =	vld [tilespmem:s15+$0xFFFFFF60]  }
0xb2: {  	v23 =	vld [tilespmem:s14+$0xFFFFFF70]  }
0xb3: {  	v27 =	vld [tilespmem:s15+$0xFFFFFF70];
	v25 =	vmul.f32 v22, v6;
	v26 =	vmul.f32 v26, v24  }
0xb4: {  	v29 =	vld [tilespmem:s14+$0xFFFFFF80];
	s12 =	sshll.u32 s6, $0x4;
	s7 =	simm.s32 $0x2;
	v28 =	vmul.f32 v30, v28;
	v30 =	vmul.f32 v32, v31  }
0xb5: {  	s4 =	smov.u32 s15;
	s0 =	smov.u32 s14;
	s5 =	simm.s32 $0x0;
	v6 =	vimm.f32 $0.0e+00;
	v31 =	vld [tilespmem:s15+$0xFFFFFF80];
	v22 =	vmul.f32 v34, v33;
	v24 =	vmul.f32 v36, v35  }
.LBB2_8:
0xb6: {  	p0 =	slt.u32 s7, $0xE;
	v11 =	vmul.f32 v13, v11;
	v8 =	vmul.f32 v9, v8;
	v9 =	vld [tilespmem:s4+$0x0];
	s0 =	sadd.s32 $0x100, s0  }
0xb7: {  	v10 =	vmul.f32 v12, v10;
	v12 =	vmul.f32 v16, v14;
	s4 =	sadd.s32 $0x100, s4;
	v32 =	vld [tilespmem:s0+$0xFFFFFF90]  }
0xb8: {  	v13 =	vmul.f32 v17, v15;
	v14 =	vmul.f32 v19, v18;
	v33 =	vld [tilespmem:s4+$0xFFFFFF90]  }
0xb9: {  	v15 =	vmul.f32 v21, v20;
	v16 =	vmul.f32 v27, v23;
	v34 =	vld [tilespmem:s0+$0xFFFFFFA0]  }
0xba: {  	v18 =	vadd.f32 v26, v25;
	v19 =	vadd.f32 v30, v28;
	v35 =	vld [tilespmem:s4+$0xFFFFFFA0];
	v17 =	vmul.f32 v31, v29  }
0xbb: {  	v10 =	vadd.f32 v10, v11;
	v11 =	vadd.f32 v13, v12;
	v28 =	vld [tilespmem:s0+$0xFFFFFFB0];
	v7 =	vmul.f32 v9, v7  }
0xbc: {  	v9 =	vadd.f32 v15, v14;
	v30 =	vld [tilespmem:s4+$0xFFFFFFB0];
	v12 =	vadd.f32 v17, v16  }
0xbd: {  	v13 =	vadd.f32 v24, v22;
	v31 =	vld [tilespmem:s0+$0xFFFFFFC0];
	v7 =	vadd.f32 v7, v8  }
0xbe: {  	v8 =	vadd.f32 v11, v10;
	v22 =	vld [tilespmem:s4+$0xFFFFFFC0];
	v9 =	vadd.f32 v12, v9  }
0xbf: {  	v10 =	vadd.f32 v19, v18;
	v24 =	vld [tilespmem:s0+$0xFFFFFFD0];
	v7 =	vadd.f32 v7, v13  }
0xc0: {  	v36 =	vld [tilespmem:s4+$0xFFFFFFD0];
	v11 =	vadd.f32 v9, v8  }
0xc1: {  	v37 =	vld [tilespmem:s0+$0xFFFFFFE0];
	v10 =	vadd.f32 v7, v10  }
0xc2: {  	v38 =	vld [tilespmem:s4+$0xFFFFFFE0];
	v7 =	vperm.xlane v11, v0  }
0xc3: {  	v8 =	vld [tilespmem:s0+$0xFFFFFFF0];
	v12 =	vperm.xlane v10, v0  }
0xc4: {  	v9 =	vld [tilespmem:s4+$0xFFFFFFF0];
	v14 =	vadd.f32 v11, v7  }
0xc5: {  	v7 =	vld [tilespmem:s0+$0x0];
	v15 =	vadd.f32 v10, v12  }
0xc6: {  	v11 =	vld [tilespmem:s0+$0xFFFFFF10];
	v12 =	vperm.xlane v14, v1  }
0xc7: {  	v13 =	vld [tilespmem:s4+$0xFFFFFF10];
	v16 =	vperm.xlane v15, v1  }
0xc8: {  	v10 =	vld [tilespmem:s0+$0xFFFFFF20];
	v17 =	vadd.f32 v14, v12  }
0xc9: {  	v12 =	vld [tilespmem:s4+$0xFFFFFF20];
	v18 =	vadd.f32 v15, v16  }
0xca: {  	v14 =	vld [tilespmem:s0+$0xFFFFFF30];
	v19 =	vperm.xlane v17, v2  }
0xcb: {  	v16 =	vld [tilespmem:s4+$0xFFFFFF30];
	v20 =	vperm.xlane v18, v2  }
0xcc: {  	v15 =	vld [tilespmem:s0+$0xFFFFFF40];
	v21 =	vadd.f32 v17, v19  }
0xcd: {  	v17 =	vld [tilespmem:s4+$0xFFFFFF40];
	v23 =	vadd.f32 v18, v20  }
0xce: {  	v18 =	vld [tilespmem:s0+$0xFFFFFF50];
	v25 =	vperm.xlane v21, v3  }
0xcf: {  	v19 =	vld [tilespmem:s4+$0xFFFFFF50];
	v26 =	vperm.xlane v23, v3  }
0xd0: {  	s11 =	sadd.s32 $0x1, s5;
	v27 =	vmov s5;
	s5 =	smov.u32 s7;
	v20 =	vld [tilespmem:s0+$0xFFFFFF60];
	v25 =	vadd.f32 v21, v25  }
.Ltmp2:
0xd1: {  	vm0 =	veq.s32 v27, v4;
	v21 =	vld [tilespmem:s4+$0xFFFFFF60];
	v29 =	vadd.f32 v23, v26;
	v26 =	vmov s11;
	(pc) =	sbr.rel @p0 .LBB2_8-.Ltmp2, $4  }
0xd2: {  	v23 =	vld [tilespmem:s0+$0xFFFFFF70];
	v6 =	vsel vm0, v25, v6;
	vm0 =	veq.s32 v26, v4  }
0xd3: {  	v25 =	vmul.f32 v33, v32;
	v26 =	vmul.f32 v35, v34;
	v27 =	vld [tilespmem:s4+$0xFFFFFF70];
	v6 =	vsel vm0, v29, v6  }
0xd4: {  	v28 =	vmul.f32 v30, v28;
	v30 =	vmul.f32 v22, v31;
	v29 =	vld [tilespmem:s0+$0xFFFFFF80]  }
0xd5: {  	s7 =	sadd.s32 $0x2, s7;
	v22 =	vmul.f32 v36, v24;
	v24 =	vmul.f32 v38, v37;
	v31 =	vld [tilespmem:s4+$0xFFFFFF80]  }
0xd6: {  	v11 =	vmul.f32 v13, v11;
	v47 =	vld [tilespmem:s4+$0x0]  }
0xd7: {  	v8 =	vmul.f32 v9, v8;
	v10 =	vmul.f32 v12, v10  }
0xd8: {  	v48 =	vmul.f32 v16, v14;
	v49 =	vmul.f32 v17, v15  }
0xd9: {  	v50 =	vmul.f32 v19, v18;
	v51 =	vmul.f32 v21, v20;
	v54 =	vadd.f32 v26, v25  }
0xda: {  	v55 =	vadd.f32 v30, v28;
	v52 =	vmul.f32 v27, v23;
	v53 =	vmul.f32 v31, v29  }
0xdb: {  	v10 =	vadd.f32 v10, v11;
	v56 =	vadd.f32 v49, v48;
	v7 =	vmul.f32 v47, v7  }
0xdc: {  	v57 =	vadd.f32 v51, v50;
	v58 =	vadd.f32 v53, v52  }
0xdd: {  	v59 =	vadd.f32 v24, v22;
	v7 =	vadd.f32 v7, v8  }
0xde: {  	v60 =	vadd.f32 v56, v10;
	v9 =	vadd.f32 v58, v57  }
0xdf: {  	v61 =	vadd.f32 v55, v54;
	v7 =	vadd.f32 v7, v59  }
0xe0: {  	v8 =	vadd.f32 v9, v60  }
0xe1: {  	v7 =	vadd.f32 v7, v61  }
0xe2: {  	v9 =	vperm.xlane v8, v0  }
0xe3: {  	v10 =	vperm.xlane v7, v0  }
0xe4: {  	v8 =	vadd.f32 v8, v9  }
0xe5: {  	v7 =	vadd.f32 v7, v10  }
0xe6: {  	v9 =	vperm.xlane v8, v1  }
0xe7: {  	v10 =	vperm.xlane v7, v1  }
0xe8: {  	v8 =	vadd.f32 v8, v9  }
0xe9: {  	v7 =	vadd.f32 v7, v10  }
0xea: {  	v9 =	vperm.xlane v8, v2  }
0xeb: {  	v10 =	vperm.xlane v7, v2  }
0xec: {  	v8 =	vadd.f32 v8, v9  }
0xed: {  	v7 =	vadd.f32 v7, v10  }
0xee: {  	s6 =	sadd.s32 $0x1, s6;
	v9 =	vperm.xlane v8, v3  }
0xef: {  	p0 =	sne.s32 s6, $0x6;
	v10 =	vperm.xlane v7, v3  }
.Ltmp3:
0xf0: {  	v62 =	vmov s5;
	s0 =	sadd.s32 $0x1, s5;
	v8 =	vadd.f32 v8, v9;
	(pc) =	sbr.rel @p0 .LBB2_7-.Ltmp3, $4  }
0xf1: {  	vm0 =	veq.s32 v62, v4;
	v63 =	vmov s0;
	v7 =	vadd.f32 v7, v10  }
0xf2: {  	vm15 =	veq.s32 v63, v4;
	v6 =	vsel vm0, v8, v6  }
0xf3: {  	v6 =	vsel vm15, v7, v6  }
0xf4: {  	s14 =	sadd.s32 $0x800, s14;
	s15 =	sadd.s32 $0x800, s15;
	[tilespmem:v5+s12+$0x0 ss:$0x1] =	vst.idx.msk $0xffff, v6  }
0xf5: {  	_ =	swait.ge [sflag:s28], $0x3000  }
0xf6: {  	[sflag:s28] =	ssyncset.done $0x0  }
0xf7: {  	[sflag:s28] =	ssyncadd.s32 $0xFFFFD000  }
0xf8: {  	_ =	swait.ge [sflag:s29], $0x3000  }
0xf9: {  	s0 =	sadd.s32 $0x1E0, s19;
	[sflag:s29] =	ssyncset.done $0x0  }
0xfa: {  	s4 =	simm.s32 $0x7F00;
	s14 =	sadd.s32 $0x2960, s19;
	[sflag:s29] =	ssyncadd.s32 $0xFFFFD000  }
0xfb: {  	[tilespmem:s4], [sflag:$0x2] =	stream.indirect.gather [hbm4b:s1+s16], $0x80, s0, s16, $0xb8;
	[tilespmem:$0x1F680] =	vst v63  }
0xfc: {  	s15 =	sadd.s32 $0x1CFC0, s8;
	s6 =	simm.s32 $0x0;
	s8 =	simm.s32 $0x0  }
0xfd: {  	v5 =	vmov s15;
	[tilespmem:s13], [sflag:$0x6] =	stream.indirect.gather [hbm4b:s2+s16], $0x80, s14, s16, $0xb8;
	[tilespmem:$0x1F680] =	vst v63  }
.LBB2_11:
0xfe: {  	s15 =	sshra.s32 s6, $0x2  }
0xff: {  	v6 =	vld [tilespmem:s15+$0xAF80]  }
0x100: {  	v27 =	vld [tilespmem:s15+$0x16F80]  }
0x101: {  	v28 =	vld [tilespmem:s15+$0xAF90]  }
0x102: {  	v30 =	vld [tilespmem:s15+$0x16F90]  }
0x103: {  	v32 =	vld [tilespmem:s15+$0xAFA0]  }
0x104: {  	v33 =	vld [tilespmem:s15+$0x16FA0]  }
0x105: {  	v34 =	vld [tilespmem:s15+$0xAFB0]  }
0x106: {  	v35 =	vld [tilespmem:s15+$0x16FB0]  }
0x107: {  	v8 =	vld [tilespmem:s15+$0xAFC0]  }
0x108: {  	v9 =	vld [tilespmem:s15+$0x16FC0]  }
0x109: {  	v10 =	vld [tilespmem:s15+$0xAFD0]  }
0x10a: {  	v12 =	vld [tilespmem:s15+$0x16FD0]  }
0x10b: {  	v11 =	vld [tilespmem:s15+$0xAFE0]  }
0x10c: {  	v13 =	vld [tilespmem:s15+$0x16FE0]  }
0x10d: {  	v7 =	vld [tilespmem:s15+$0xAFF0]  }
0x10e: {  	v15 =	vld [tilespmem:s15+$0xAF00]  }
0x10f: {  	v17 =	vld [tilespmem:s15+$0x16F00]  }
0x110: {  	v14 =	vld [tilespmem:s15+$0xAF10]  }
0x111: {  	v16 =	vld [tilespmem:s15+$0x16F10]  }
0x112: {  	v18 =	vld [tilespmem:s15+$0xAF20]  }
0x113: {  	v19 =	vld [tilespmem:s15+$0x16F20]  }
0x114: {  	v20 =	vld [tilespmem:s15+$0xAF30]  }
0x115: {  	v21 =	vld [tilespmem:s15+$0x16F30]  }
0x116: {  	v22 =	vld [tilespmem:s15+$0xAF40]  }
0x117: {  	v23 =	vld [tilespmem:s15+$0x16F40]  }
0x118: {  	v24 =	vld [tilespmem:s15+$0xAF50]  }
0x119: {  	v25 =	vld [tilespmem:s15+$0x16F50]  }
0x11a: {  	v26 =	vld [tilespmem:s15+$0xAF60]  }
0x11b: {  	s14 =	sshll.u32 s8, $0x4;
	v29 =	vld [tilespmem:s15+$0x16F60];
	v27 =	vmul.f32 v27, v6;
	v28 =	vmul.f32 v30, v28  }
0x11c: {  	s4 =	simm.s32 $0x2;
	s0 =	smov.u32 s6;
	s12 =	simm.s32 $0x0;
	v31 =	vld [tilespmem:s15+$0xAF70];
	v6 =	vimm.f32 $0.0e+00;
	v30 =	vmul.f32 v33, v32;
	v32 =	vmul.f32 v35, v34  }
.LBB2_12:
0x11d: {  	p0 =	slt.u32 s4, $0xE;
	v33 =	vld [tilespmem:s15+$0x16F70];
	v8 =	vmul.f32 v9, v8;
	v9 =	vmul.f32 v12, v10;
	s0 =	sadd.s32 $0x400, s0  }
0x11e: {  	v10 =	vmul.f32 v17, v15;
	v11 =	vmul.f32 v13, v11;
	v12 =	vld [tilespmem:s15+$0x16FF0];
	s15 =	sshra.s32 s0, $0x2  }
0x11f: {  	v13 =	vmul.f32 v16, v14;
	v14 =	vmul.f32 v19, v18;
	v34 =	vld [tilespmem:s15+$0xAF80]  }
0x120: {  	v15 =	vmul.f32 v21, v20;
	v16 =	vmul.f32 v23, v22;
	v35 =	vld [tilespmem:s15+$0x16F80]  }
0x121: {  	v17 =	vmul.f32 v25, v24;
	v18 =	vmul.f32 v29, v26;
	v36 =	vld [tilespmem:s15+$0xAF90]  }
0x122: {  	v20 =	vadd.f32 v28, v27;
	v21 =	vadd.f32 v32, v30;
	v37 =	vld [tilespmem:s15+$0x16F90];
	v19 =	vmul.f32 v33, v31  }
0x123: {  	v10 =	vadd.f32 v13, v10;
	v13 =	vadd.f32 v15, v14;
	v30 =	vld [tilespmem:s15+$0xAFA0];
	v7 =	vmul.f32 v12, v7  }
0x124: {  	v12 =	vadd.f32 v17, v16;
	v32 =	vld [tilespmem:s15+$0x16FA0];
	v14 =	vadd.f32 v19, v18  }
0x125: {  	v9 =	vadd.f32 v9, v8;
	v33 =	vld [tilespmem:s15+$0xAFB0];
	v7 =	vadd.f32 v7, v11  }
0x126: {  	v10 =	vadd.f32 v13, v10;
	v38 =	vld [tilespmem:s15+$0x16FB0];
	v11 =	vadd.f32 v14, v12  }
0x127: {  	v12 =	vadd.f32 v21, v20;
	v8 =	vld [tilespmem:s15+$0xAFC0];
	v7 =	vadd.f32 v7, v9  }
0x128: {  	v9 =	vld [tilespmem:s15+$0x16FC0];
	v14 =	vadd.f32 v11, v10  }
0x129: {  	v10 =	vld [tilespmem:s15+$0xAFD0];
	v15 =	vadd.f32 v7, v12  }
0x12a: {  	v12 =	vld [tilespmem:s15+$0x16FD0];
	v7 =	vperm.xlane v14, v0  }
0x12b: {  	v11 =	vld [tilespmem:s15+$0xAFE0];
	v16 =	vperm.xlane v15, v0  }
0x12c: {  	v13 =	vld [tilespmem:s15+$0x16FE0];
	v18 =	vadd.f32 v14, v7  }
0x12d: {  	v7 =	vld [tilespmem:s15+$0xAFF0];
	v19 =	vadd.f32 v15, v16  }
0x12e: {  	v15 =	vld [tilespmem:s15+$0xAF00];
	v16 =	vperm.xlane v18, v1  }
0x12f: {  	v17 =	vld [tilespmem:s15+$0x16F00];
	v20 =	vperm.xlane v19, v1  }
0x130: {  	v14 =	vld [tilespmem:s15+$0xAF10];
	v21 =	vadd.f32 v18, v16  }
0x131: {  	v16 =	vld [tilespmem:s15+$0x16F10];
	v22 =	vadd.f32 v19, v20  }
0x132: {  	v18 =	vld [tilespmem:s15+$0xAF20];
	v23 =	vperm.xlane v21, v2  }
0x133: {  	v19 =	vld [tilespmem:s15+$0x16F20];
	v24 =	vperm.xlane v22, v2  }
0x134: {  	v20 =	vld [tilespmem:s15+$0xAF30];
	v25 =	vadd.f32 v21, v23  }
0x135: {  	v21 =	vld [tilespmem:s15+$0x16F30];
	v26 =	vadd.f32 v22, v24  }
0x136: {  	v22 =	vld [tilespmem:s15+$0xAF40];
	v27 =	vperm.xlane v25, v3  }
0x137: {  	v23 =	vld [tilespmem:s15+$0x16F40];
	v28 =	vperm.xlane v26, v3  }
.Ltmp4:
0x138: {  	s5 =	sadd.s32 $0x1, s12;
	v29 =	vmov s12;
	s12 =	smov.u32 s4;
	v24 =	vld [tilespmem:s15+$0xAF50];
	v27 =	vadd.f32 v25, v27;
	(pc) =	sbr.rel @p0 .LBB2_12-.Ltmp4, $4  }
0x139: {  	vm0 =	veq.s32 v29, v4;
	v25 =	vld [tilespmem:s15+$0x16F50];
	v31 =	vadd.f32 v26, v28;
	v28 =	vmov s5  }
0x13a: {  	v26 =	vld [tilespmem:s15+$0xAF60];
	v6 =	vsel vm0, v27, v6;
	vm0 =	veq.s32 v28, v4  }
0x13b: {  	v27 =	vmul.f32 v35, v34;
	v28 =	vmul.f32 v37, v36;
	v29 =	vld [tilespmem:s15+$0x16F60];
	v6 =	vsel vm0, v31, v6  }
0x13c: {  	s4 =	sadd.s32 $0x2, s4;
	v30 =	vmul.f32 v32, v30;
	v32 =	vmul.f32 v38, v33;
	v31 =	vld [tilespmem:s15+$0xAF70]  }
0x13d: {  	v33 =	vld [tilespmem:s15+$0x16F70];
	v8 =	vmul.f32 v9, v8  }
0x13e: {  	v42 =	vmul.f32 v12, v10;
	v43 =	vmul.f32 v17, v15;
	v44 =	vld [tilespmem:s15+$0x16FF0]  }
0x13f: {  	v11 =	vmul.f32 v13, v11;
	v45 =	vmul.f32 v16, v14  }
0x140: {  	v46 =	vmul.f32 v19, v18;
	v47 =	vmul.f32 v21, v20  }
0x141: {  	v48 =	vmul.f32 v23, v22;
	v52 =	vadd.f32 v28, v27;
	v49 =	vmul.f32 v25, v24  }
0x142: {  	v53 =	vadd.f32 v32, v30;
	v50 =	vmul.f32 v29, v26;
	v51 =	vmul.f32 v33, v31  }
0x143: {  	v10 =	vadd.f32 v45, v43;
	v54 =	vadd.f32 v47, v46;
	v7 =	vmul.f32 v44, v7  }
0x144: {  	v55 =	vadd.f32 v49, v48;
	v56 =	vadd.f32 v51, v50  }
0x145: {  	v8 =	vadd.f32 v42, v8;
	v7 =	vadd.f32 v7, v11  }
0x146: {  	v57 =	vadd.f32 v54, v10;
	v58 =	vadd.f32 v56, v55  }
0x147: {  	v59 =	vadd.f32 v53, v52;
	v7 =	vadd.f32 v7, v8  }
0x148: {  	v60 =	vadd.f32 v58, v57  }
0x149: {  	v7 =	vadd.f32 v7, v59  }
0x14a: {  	v9 =	vperm.xlane v60, v0  }
0x14b: {  	v61 =	vperm.xlane v7, v0  }
0x14c: {  	v8 =	vadd.f32 v60, v9  }
0x14d: {  	v7 =	vadd.f32 v7, v61  }
0x14e: {  	v9 =	vperm.xlane v8, v1  }
0x14f: {  	v10 =	vperm.xlane v7, v1  }
0x150: {  	v8 =	vadd.f32 v8, v9  }
0x151: {  	v7 =	vadd.f32 v7, v10  }
0x152: {  	v9 =	vperm.xlane v8, v2  }
0x153: {  	v10 =	vperm.xlane v7, v2  }
0x154: {  	v8 =	vadd.f32 v8, v9  }
0x155: {  	v7 =	vadd.f32 v7, v10  }
0x156: {  	s8 =	sadd.s32 $0x1, s8;
	v9 =	vperm.xlane v8, v3  }
0x157: {  	p0 =	sne.s32 s8, $0x6;
	v10 =	vperm.xlane v7, v3  }
.Ltmp5:
0x158: {  	v62 =	vmov s12;
	s0 =	sadd.s32 $0x1, s12;
	v8 =	vadd.f32 v8, v9;
	(pc) =	sbr.rel @p0 .LBB2_11-.Ltmp5, $4  }
0x159: {  	vm0 =	veq.s32 v62, v4;
	v63 =	vmov s0;
	v7 =	vadd.f32 v7, v10  }
0x15a: {  	vm15 =	veq.s32 v63, v4;
	v6 =	vsel vm0, v8, v6  }
0x15b: {  	v6 =	vsel vm15, v7, v6  }
0x15c: {  	s6 =	sadd.s32 $0x2000, s6;
	[tilespmem:v5+s14+$0x0 ss:$0x1] =	vst.idx.msk $0xffff, v6  }
0x15d: {  	_ =	swait.ge [sflag:s30], $0x3000  }
0x15e: {  	[sflag:s30] =	ssyncset.done $0x0  }
0x15f: {  	[sflag:s30] =	ssyncadd.s32 $0xFFFFD000  }
0x160: {  	_ =	swait.ge [sflag:s31], $0x3000  }
0x161: {  	[sflag:s31] =	ssyncset.done $0x0  }
0x162: {  	s0 =	sadd.s32 $0x240, s19;
	s15 =	sadd.s32 $0x29C0, s19;
	[sflag:s31] =	ssyncadd.s32 $0xFFFFD000  }
0x163: {  	[tilespmem:s18], [sflag:$0x3] =	stream.indirect.gather [hbm4b:s1+s16], $0x80, s0, s16, $0xb8;
	[tilespmem:$0x1F680] =	vst v63  }
0x164: {  	s19 =	sadd.s32 $0x1CF00, s3;
	s3 =	simm.s32 $0x0;
	s6 =	simm.s32 $0x0  }
0x165: {  	v5 =	vmov s19;
	[tilespmem:s20], [sflag:$0x7] =	stream.indirect.gather [hbm4b:s2+s16], $0x80, s15, s16, $0xb8;
	[tilespmem:$0x1F680] =	vst v63  }
.LBB2_15:
0x166: {  	s14 =	sshra.s32 s3, $0x2  }
0x167: {  	v6 =	vld [tilespmem:s14+$0xDF80]  }
0x168: {  	v27 =	vld [tilespmem:s14+$0x19F80]  }
0x169: {  	v28 =	vld [tilespmem:s14+$0xDF90]  }
0x16a: {  	v30 =	vld [tilespmem:s14+$0x19F90]  }
0x16b: {  	v32 =	vld [tilespmem:s14+$0xDFA0]  }
0x16c: {  	v33 =	vld [tilespmem:s14+$0x19FA0]  }
0x16d: {  	v34 =	vld [tilespmem:s14+$0xDFB0]  }
0x16e: {  	v35 =	vld [tilespmem:s14+$0x19FB0]  }
0x16f: {  	v8 =	vld [tilespmem:s14+$0xDFC0]  }
0x170: {  	v9 =	vld [tilespmem:s14+$0x19FC0]  }
0x171: {  	v10 =	vld [tilespmem:s14+$0xDFD0]  }
0x172: {  	v12 =	vld [tilespmem:s14+$0x19FD0]  }
0x173: {  	v11 =	vld [tilespmem:s14+$0xDFE0]  }
0x174: {  	v13 =	vld [tilespmem:s14+$0x19FE0]  }
0x175: {  	v7 =	vld [tilespmem:s14+$0xDFF0]  }
0x176: {  	v15 =	vld [tilespmem:s14+$0xDF00]  }
0x177: {  	v17 =	vld [tilespmem:s14+$0x19F00]  }
0x178: {  	v14 =	vld [tilespmem:s14+$0xDF10]  }
0x179: {  	v16 =	vld [tilespmem:s14+$0x19F10]  }
0x17a: {  	v18 =	vld [tilespmem:s14+$0xDF20]  }
0x17b: {  	v19 =	vld [tilespmem:s14+$0x19F20]  }
0x17c: {  	v20 =	vld [tilespmem:s14+$0xDF30]  }
0x17d: {  	v21 =	vld [tilespmem:s14+$0x19F30]  }
0x17e: {  	v22 =	vld [tilespmem:s14+$0xDF40]  }
0x17f: {  	v23 =	vld [tilespmem:s14+$0x19F40]  }
0x180: {  	v24 =	vld [tilespmem:s14+$0xDF50]  }
0x181: {  	v25 =	vld [tilespmem:s14+$0x19F50]  }
0x182: {  	v26 =	vld [tilespmem:s14+$0xDF60]  }
0x183: {  	s8 =	sshll.u32 s6, $0x4;
	v29 =	vld [tilespmem:s14+$0x19F60];
	v27 =	vmul.f32 v27, v6;
	v28 =	vmul.f32 v30, v28  }
0x184: {  	s4 =	simm.s32 $0x2;
	s0 =	smov.u32 s3;
	s12 =	simm.s32 $0x0;
	v31 =	vld [tilespmem:s14+$0xDF70];
	v6 =	vimm.f32 $0.0e+00;
	v30 =	vmul.f32 v33, v32;
	v32 =	vmul.f32 v35, v34  }
.LBB2_16:
0x185: {  	p0 =	slt.u32 s4, $0xE;
	v33 =	vld [tilespmem:s14+$0x19F70];
	v8 =	vmul.f32 v9, v8;
	v9 =	vmul.f32 v12, v10;
	s0 =	sadd.s32 $0x400, s0  }
0x186: {  	v10 =	vmul.f32 v17, v15;
	v11 =	vmul.f32 v13, v11;
	v12 =	vld [tilespmem:s14+$0x19FF0];
	s14 =	sshra.s32 s0, $0x2  }
0x187: {  	v13 =	vmul.f32 v16, v14;
	v14 =	vmul.f32 v19, v18;
	v34 =	vld [tilespmem:s14+$0xDF80]  }
0x188: {  	v15 =	vmul.f32 v21, v20;
	v16 =	vmul.f32 v23, v22;
	v35 =	vld [tilespmem:s14+$0x19F80]  }
0x189: {  	v17 =	vmul.f32 v25, v24;
	v18 =	vmul.f32 v29, v26;
	v36 =	vld [tilespmem:s14+$0xDF90]  }
0x18a: {  	v20 =	vadd.f32 v28, v27;
	v21 =	vadd.f32 v32, v30;
	v37 =	vld [tilespmem:s14+$0x19F90];
	v19 =	vmul.f32 v33, v31  }
0x18b: {  	v10 =	vadd.f32 v13, v10;
	v13 =	vadd.f32 v15, v14;
	v30 =	vld [tilespmem:s14+$0xDFA0];
	v7 =	vmul.f32 v12, v7  }
0x18c: {  	v12 =	vadd.f32 v17, v16;
	v32 =	vld [tilespmem:s14+$0x19FA0];
	v14 =	vadd.f32 v19, v18  }
0x18d: {  	v9 =	vadd.f32 v9, v8;
	v33 =	vld [tilespmem:s14+$0xDFB0];
	v7 =	vadd.f32 v7, v11  }
0x18e: {  	v10 =	vadd.f32 v13, v10;
	v38 =	vld [tilespmem:s14+$0x19FB0];
	v11 =	vadd.f32 v14, v12  }
0x18f: {  	v12 =	vadd.f32 v21, v20;
	v8 =	vld [tilespmem:s14+$0xDFC0];
	v7 =	vadd.f32 v7, v9  }
0x190: {  	v9 =	vld [tilespmem:s14+$0x19FC0];
	v14 =	vadd.f32 v11, v10  }
0x191: {  	v10 =	vld [tilespmem:s14+$0xDFD0];
	v15 =	vadd.f32 v7, v12  }
0x192: {  	v12 =	vld [tilespmem:s14+$0x19FD0];
	v7 =	vperm.xlane v14, v0  }
0x193: {  	v11 =	vld [tilespmem:s14+$0xDFE0];
	v16 =	vperm.xlane v15, v0  }
0x194: {  	v13 =	vld [tilespmem:s14+$0x19FE0];
	v18 =	vadd.f32 v14, v7  }
0x195: {  	v7 =	vld [tilespmem:s14+$0xDFF0];
	v19 =	vadd.f32 v15, v16  }
0x196: {  	v15 =	vld [tilespmem:s14+$0xDF00];
	v16 =	vperm.xlane v18, v1  }
0x197: {  	v17 =	vld [tilespmem:s14+$0x19F00];
	v20 =	vperm.xlane v19, v1  }
0x198: {  	v14 =	vld [tilespmem:s14+$0xDF10];
	v21 =	vadd.f32 v18, v16  }
0x199: {  	v16 =	vld [tilespmem:s14+$0x19F10];
	v22 =	vadd.f32 v19, v20  }
0x19a: {  	v18 =	vld [tilespmem:s14+$0xDF20];
	v23 =	vperm.xlane v21, v2  }
0x19b: {  	v19 =	vld [tilespmem:s14+$0x19F20];
	v24 =	vperm.xlane v22, v2  }
0x19c: {  	v20 =	vld [tilespmem:s14+$0xDF30];
	v25 =	vadd.f32 v21, v23  }
0x19d: {  	v21 =	vld [tilespmem:s14+$0x19F30];
	v26 =	vadd.f32 v22, v24  }
0x19e: {  	v22 =	vld [tilespmem:s14+$0xDF40];
	v27 =	vperm.xlane v25, v3  }
0x19f: {  	v23 =	vld [tilespmem:s14+$0x19F40];
	v28 =	vperm.xlane v26, v3  }
.Ltmp6:
0x1a0: {  	s5 =	sadd.s32 $0x1, s12;
	v29 =	vmov s12;
	s12 =	smov.u32 s4;
	v24 =	vld [tilespmem:s14+$0xDF50];
	v27 =	vadd.f32 v25, v27;
	(pc) =	sbr.rel @p0 .LBB2_16-.Ltmp6, $4  }
0x1a1: {  	vm0 =	veq.s32 v29, v4;
	v25 =	vld [tilespmem:s14+$0x19F50];
	v31 =	vadd.f32 v26, v28;
	v28 =	vmov s5  }
0x1a2: {  	v26 =	vld [tilespmem:s14+$0xDF60];
	v6 =	vsel vm0, v27, v6;
	vm0 =	veq.s32 v28, v4  }
0x1a3: {  	v27 =	vmul.f32 v35, v34;
	v28 =	vmul.f32 v37, v36;
	v29 =	vld [tilespmem:s14+$0x19F60];
	v6 =	vsel vm0, v31, v6  }
0x1a4: {  	s4 =	sadd.s32 $0x2, s4;
	v30 =	vmul.f32 v32, v30;
	v32 =	vmul.f32 v38, v33;
	v31 =	vld [tilespmem:s14+$0xDF70]  }
0x1a5: {  	v33 =	vld [tilespmem:s14+$0x19F70];
	v8 =	vmul.f32 v9, v8  }
0x1a6: {  	v42 =	vmul.f32 v12, v10;
	v43 =	vmul.f32 v17, v15;
	v44 =	vld [tilespmem:s14+$0x19FF0]  }
0x1a7: {  	v11 =	vmul.f32 v13, v11;
	v45 =	vmul.f32 v16, v14  }
0x1a8: {  	v46 =	vmul.f32 v19, v18;
	v47 =	vmul.f32 v21, v20  }
0x1a9: {  	v48 =	vmul.f32 v23, v22;
	v52 =	vadd.f32 v28, v27;
	v49 =	vmul.f32 v25, v24  }
0x1aa: {  	v53 =	vadd.f32 v32, v30;
	v50 =	vmul.f32 v29, v26;
	v51 =	vmul.f32 v33, v31  }
0x1ab: {  	v10 =	vadd.f32 v45, v43;
	v54 =	vadd.f32 v47, v46;
	v7 =	vmul.f32 v44, v7  }
0x1ac: {  	v55 =	vadd.f32 v49, v48;
	v56 =	vadd.f32 v51, v50  }
0x1ad: {  	v8 =	vadd.f32 v42, v8;
	v7 =	vadd.f32 v7, v11  }
0x1ae: {  	v57 =	vadd.f32 v54, v10;
	v58 =	vadd.f32 v56, v55  }
0x1af: {  	v59 =	vadd.f32 v53, v52;
	v7 =	vadd.f32 v7, v8  }
0x1b0: {  	v60 =	vadd.f32 v58, v57  }
0x1b1: {  	v7 =	vadd.f32 v7, v59  }
0x1b2: {  	v9 =	vperm.xlane v60, v0  }
0x1b3: {  	v61 =	vperm.xlane v7, v0  }
0x1b4: {  	v8 =	vadd.f32 v60, v9  }
0x1b5: {  	v7 =	vadd.f32 v7, v61  }
0x1b6: {  	v9 =	vperm.xlane v8, v1  }
0x1b7: {  	v10 =	vperm.xlane v7, v1  }
0x1b8: {  	v8 =	vadd.f32 v8, v9  }
0x1b9: {  	v7 =	vadd.f32 v7, v10  }
0x1ba: {  	v9 =	vperm.xlane v8, v2  }
0x1bb: {  	v10 =	vperm.xlane v7, v2  }
0x1bc: {  	v8 =	vadd.f32 v8, v9  }
0x1bd: {  	v7 =	vadd.f32 v7, v10  }
0x1be: {  	s6 =	sadd.s32 $0x1, s6;
	v9 =	vperm.xlane v8, v3  }
0x1bf: {  	p0 =	sne.s32 s6, $0x6;
	v10 =	vperm.xlane v7, v3  }
.Ltmp7:
0x1c0: {  	v62 =	vmov s12;
	s0 =	sadd.s32 $0x1, s12;
	v8 =	vadd.f32 v8, v9;
	(pc) =	sbr.rel @p0 .LBB2_15-.Ltmp7, $4  }
0x1c1: {  	vm0 =	veq.s32 v62, v4;
	v63 =	vmov s0;
	v7 =	vadd.f32 v7, v10  }
0x1c2: {  	vm15 =	veq.s32 v63, v4;
	v6 =	vsel vm0, v8, v6  }
0x1c3: {  	v6 =	vsel vm15, v7, v6  }
0x1c4: {  	s3 =	sadd.s32 $0x2000, s3;
	[tilespmem:v5+s8+$0x0 ss:$0x1] =	vst.idx.msk $0xffff, v6  }
0x1c5: {  	s17 =	sadd.s32 $0x1, s17  }
0x1c6: {  	p0 =	sne.s32 s17, $0x19  }
.Ltmp8:
0x1c7: {  	_ = 	snop;
	(pc) =	sbr.rel @p0 .LBB2_2-.Ltmp8, $1  }
0x1c8: {  	_ =	sdelay $0x3  }
0x1c9: {  	_ =	swait.ge [sflag:s21], $0x3000  }
0x1ca: {  	[sflag:s21] =	ssyncset.done $0x0  }
0x1cb: {  	[sflag:s21] =	ssyncadd.s32 $0xFFFFD000  }
0x1cc: {  	_ =	swait.ge [sflag:s22], $0x3000  }
0x1cd: {  	[sflag:s22] =	ssyncset.done $0x0  }
0x1ce: {  	s0 =	simm.s32 $0x26A0;
	s19 =	simm.s32 $0x4E20;
	[sflag:s22] =	ssyncadd.s32 $0xFFFFD000  }
0x1cf: {  	[tilespmem:s23], [sflag:$0x4] =	stream.indirect.gather [hbm4b:s1+s16], $0x80, s0, s16, $0xb8;
	[tilespmem:$0x1F680] =	vst v63  }
0x1d0: {  	s3 =	simm.s32 $0x0;
	s6 =	simm.s32 $0x10F80;
	s8 =	simm.s32 $0x4F80  }
0x1d1: {  	[tilespmem:s24], [sflag:$0x8] =	stream.indirect.gather [hbm4b:s2+s16], $0x80, s19, s16, $0xb8;
	[tilespmem:$0x1F680] =	vst v63  }
.LBB2_20:
0x1d2: {  	v5 =	vld [tilespmem:s8+$0x0]  }
0x1d3: {  	v21 =	vld [tilespmem:s6+$0x0]  }
0x1d4: {  	v23 =	vld [tilespmem:s8+$0x10]  }
0x1d5: {  	v25 =	vld [tilespmem:s6+$0x10]  }
0x1d6: {  	v27 =	vld [tilespmem:s8+$0x20]  }
0x1d7: {  	v29 =	vld [tilespmem:s6+$0x20]  }
0x1d8: {  	v30 =	vld [tilespmem:s8+$0x30]  }
0x1d9: {  	v31 =	vld [tilespmem:s6+$0x30]  }
0x1da: {  	v32 =	vld [tilespmem:s8+$0x40]  }
0x1db: {  	v33 =	vld [tilespmem:s6+$0x40]  }
0x1dc: {  	v34 =	vld [tilespmem:s8+$0x50]  }
0x1dd: {  	v35 =	vld [tilespmem:s6+$0x50]  }
0x1de: {  	v7 =	vld [tilespmem:s8+$0x60]  }
0x1df: {  	v8 =	vld [tilespmem:s6+$0x60]  }
0x1e0: {  	v6 =	vld [tilespmem:s8+$0x70]  }
0x1e1: {  	v10 =	vld [tilespmem:s8+$0xFFFFFF80]  }
0x1e2: {  	v12 =	vld [tilespmem:s6+$0xFFFFFF80]  }
0x1e3: {  	v9 =	vld [tilespmem:s8+$0xFFFFFF90]  }
0x1e4: {  	v11 =	vld [tilespmem:s6+$0xFFFFFF90]  }
0x1e5: {  	v13 =	vld [tilespmem:s8+$0xFFFFFFA0]  }
0x1e6: {  	v15 =	vld [tilespmem:s6+$0xFFFFFFA0]  }
0x1e7: {  	v14 =	vld [tilespmem:s8+$0xFFFFFFB0]  }
0x1e8: {  	v16 =	vld [tilespmem:s6+$0xFFFFFFB0]  }
0x1e9: {  	v17 =	vld [tilespmem:s8+$0xFFFFFFC0]  }
0x1ea: {  	v18 =	vld [tilespmem:s6+$0xFFFFFFC0]  }
0x1eb: {  	v19 =	vld [tilespmem:s8+$0xFFFFFFD0]  }
0x1ec: {  	v20 =	vld [tilespmem:s6+$0xFFFFFFD0]  }
0x1ed: {  	v22 =	vld [tilespmem:s8+$0xFFFFFFE0]  }
0x1ee: {  	v26 =	vld [tilespmem:s6+$0xFFFFFFE0];
	v24 =	vmul.f32 v21, v5;
	v25 =	vmul.f32 v25, v23  }
0x1ef: {  	v28 =	vld [tilespmem:s8+$0xFFFFFFF0];
	s12 =	sshll.u32 s3, $0x4;
	s7 =	simm.s32 $0x2;
	v27 =	vmul.f32 v29, v27;
	v29 =	vmul.f32 v31, v30  }
0x1f0: {  	s4 =	smov.u32 s6;
	s0 =	smov.u32 s8;
	s5 =	simm.s32 $0x0;
	v5 =	vimm.f32 $0.0e+00;
	v30 =	vld [tilespmem:s6+$0xFFFFFFF0];
	v21 =	vmul.f32 v33, v32;
	v23 =	vmul.f32 v35, v34  }
.LBB2_21:
0x1f1: {  	p0 =	slt.u32 s7, $0xE;
	v10 =	vmul.f32 v12, v10;
	v7 =	vmul.f32 v8, v7;
	v8 =	vld [tilespmem:s4+$0x70];
	s0 =	sadd.s32 $0x100, s0  }
0x1f2: {  	v9 =	vmul.f32 v11, v9;
	v11 =	vmul.f32 v15, v13;
	s4 =	sadd.s32 $0x100, s4;
	v31 =	vld [tilespmem:s0+$0x0]  }
0x1f3: {  	v12 =	vmul.f32 v16, v14;
	v13 =	vmul.f32 v18, v17;
	v32 =	vld [tilespmem:s4+$0x0]  }
0x1f4: {  	v14 =	vmul.f32 v20, v19;
	v15 =	vmul.f32 v26, v22;
	v33 =	vld [tilespmem:s0+$0x10]  }
0x1f5: {  	v17 =	vadd.f32 v25, v24;
	v18 =	vadd.f32 v29, v27;
	v34 =	vld [tilespmem:s4+$0x10];
	v16 =	vmul.f32 v30, v28  }
0x1f6: {  	v9 =	vadd.f32 v9, v10;
	v10 =	vadd.f32 v12, v11;
	v27 =	vld [tilespmem:s0+$0x20];
	v6 =	vmul.f32 v8, v6  }
0x1f7: {  	v8 =	vadd.f32 v14, v13;
	v29 =	vld [tilespmem:s4+$0x20];
	v11 =	vadd.f32 v16, v15  }
0x1f8: {  	v12 =	vadd.f32 v23, v21;
	v30 =	vld [tilespmem:s0+$0x30];
	v6 =	vadd.f32 v6, v7  }
0x1f9: {  	v7 =	vadd.f32 v10, v9;
	v21 =	vld [tilespmem:s4+$0x30];
	v8 =	vadd.f32 v11, v8  }
0x1fa: {  	v9 =	vadd.f32 v18, v17;
	v23 =	vld [tilespmem:s0+$0x40];
	v6 =	vadd.f32 v6, v12  }
0x1fb: {  	v35 =	vld [tilespmem:s4+$0x40];
	v10 =	vadd.f32 v8, v7  }
0x1fc: {  	v36 =	vld [tilespmem:s0+$0x50];
	v9 =	vadd.f32 v6, v9  }
0x1fd: {  	v37 =	vld [tilespmem:s4+$0x50];
	v6 =	vperm.xlane v10, v0  }
0x1fe: {  	v7 =	vld [tilespmem:s0+$0x60];
	v11 =	vperm.xlane v9, v0  }
0x1ff: {  	v8 =	vld [tilespmem:s4+$0x60];
	v13 =	vadd.f32 v10, v6  }
0x200: {  	v6 =	vld [tilespmem:s0+$0x70];
	v14 =	vadd.f32 v9, v11  }
0x201: {  	v10 =	vld [tilespmem:s0+$0xFFFFFF80];
	v11 =	vperm.xlane v13, v1  }
0x202: {  	v12 =	vld [tilespmem:s4+$0xFFFFFF80];
	v15 =	vperm.xlane v14, v1  }
0x203: {  	v9 =	vld [tilespmem:s0+$0xFFFFFF90];
	v16 =	vadd.f32 v13, v11  }
0x204: {  	v11 =	vld [tilespmem:s4+$0xFFFFFF90];
	v17 =	vadd.f32 v14, v15  }
0x205: {  	v13 =	vld [tilespmem:s0+$0xFFFFFFA0];
	v18 =	vperm.xlane v16, v2  }
0x206: {  	v15 =	vld [tilespmem:s4+$0xFFFFFFA0];
	v19 =	vperm.xlane v17, v2  }
0x207: {  	v14 =	vld [tilespmem:s0+$0xFFFFFFB0];
	v20 =	vadd.f32 v16, v18  }
0x208: {  	v16 =	vld [tilespmem:s4+$0xFFFFFFB0];
	v22 =	vadd.f32 v17, v19  }
0x209: {  	v17 =	vld [tilespmem:s0+$0xFFFFFFC0];
	v24 =	vperm.xlane v20, v3  }
0x20a: {  	v18 =	vld [tilespmem:s4+$0xFFFFFFC0];
	v25 =	vperm.xlane v22, v3  }
0x20b: {  	s11 =	sadd.s32 $0x1, s5;
	v26 =	vmov s5;
	s5 =	smov.u32 s7;
	v19 =	vld [tilespmem:s0+$0xFFFFFFD0];
	v24 =	vadd.f32 v20, v24  }
.Ltmp9:
0x20c: {  	vm0 =	veq.s32 v26, v4;
	v20 =	vld [tilespmem:s4+$0xFFFFFFD0];
	v28 =	vadd.f32 v22, v25;
	v25 =	vmov s11;
	(pc) =	sbr.rel @p0 .LBB2_21-.Ltmp9, $4  }
0x20d: {  	v22 =	vld [tilespmem:s0+$0xFFFFFFE0];
	v5 =	vsel vm0, v24, v5;
	vm0 =	veq.s32 v25, v4  }
0x20e: {  	v24 =	vmul.f32 v32, v31;
	v25 =	vmul.f32 v34, v33;
	v26 =	vld [tilespmem:s4+$0xFFFFFFE0];
	v5 =	vsel vm0, v28, v5  }
0x20f: {  	v27 =	vmul.f32 v29, v27;
	v29 =	vmul.f32 v21, v30;
	v28 =	vld [tilespmem:s0+$0xFFFFFFF0]  }
0x210: {  	s7 =	sadd.s32 $0x2, s7;
	v21 =	vmul.f32 v35, v23;
	v23 =	vmul.f32 v37, v36;
	v30 =	vld [tilespmem:s4+$0xFFFFFFF0]  }
0x211: {  	v10 =	vmul.f32 v12, v10;
	v48 =	vld [tilespmem:s4+$0x70]  }
0x212: {  	v7 =	vmul.f32 v8, v7;
	v9 =	vmul.f32 v11, v9  }
0x213: {  	v49 =	vmul.f32 v15, v13;
	v50 =	vmul.f32 v16, v14  }
0x214: {  	v51 =	vmul.f32 v18, v17;
	v52 =	vmul.f32 v20, v19;
	v55 =	vadd.f32 v25, v24  }
0x215: {  	v56 =	vadd.f32 v29, v27;
	v53 =	vmul.f32 v26, v22;
	v54 =	vmul.f32 v30, v28  }
0x216: {  	v9 =	vadd.f32 v9, v10;
	v57 =	vadd.f32 v50, v49;
	v6 =	vmul.f32 v48, v6  }
0x217: {  	v58 =	vadd.f32 v52, v51;
	v59 =	vadd.f32 v54, v53  }
0x218: {  	v60 =	vadd.f32 v23, v21;
	v6 =	vadd.f32 v6, v7  }
0x219: {  	v7 =	vadd.f32 v57, v9;
	v8 =	vadd.f32 v59, v58  }
0x21a: {  	v61 =	vadd.f32 v56, v55;
	v6 =	vadd.f32 v6, v60  }
0x21b: {  	v7 =	vadd.f32 v8, v7  }
0x21c: {  	v6 =	vadd.f32 v6, v61  }
0x21d: {  	v8 =	vperm.xlane v7, v0  }
0x21e: {  	v9 =	vperm.xlane v6, v0  }
0x21f: {  	v7 =	vadd.f32 v7, v8  }
0x220: {  	v6 =	vadd.f32 v6, v9  }
0x221: {  	v8 =	vperm.xlane v7, v1  }
0x222: {  	v9 =	vperm.xlane v6, v1  }
0x223: {  	v7 =	vadd.f32 v7, v8  }
0x224: {  	v6 =	vadd.f32 v6, v9  }
0x225: {  	v8 =	vperm.xlane v7, v2  }
0x226: {  	v9 =	vperm.xlane v6, v2  }
0x227: {  	v7 =	vadd.f32 v7, v8  }
0x228: {  	v6 =	vadd.f32 v6, v9  }
0x229: {  	s3 =	sadd.s32 $0x1, s3;
	v8 =	vperm.xlane v7, v3  }
0x22a: {  	p0 =	sne.s32 s3, $0x6;
	v9 =	vperm.xlane v6, v3  }
.Ltmp10:
0x22b: {  	v62 =	vmov s5;
	s0 =	sadd.s32 $0x1, s5;
	v7 =	vadd.f32 v7, v8;
	(pc) =	sbr.rel @p0 .LBB2_20-.Ltmp10, $4  }
0x22c: {  	vm0 =	veq.s32 v62, v4;
	v63 =	vmov s0;
	v6 =	vadd.f32 v6, v9  }
0x22d: {  	vm15 =	veq.s32 v63, v4;
	v5 =	vsel vm0, v7, v5  }
0x22e: {  	v5 =	vsel vm15, v6, v5  }
0x22f: {  	s6 =	sadd.s32 $0x800, s6;
	s8 =	sadd.s32 $0x800, s8;
	[tilespmem:s12+$0x1F480] =	vst v5  }
0x230: {  	_ =	swait.ge [sflag:s25], $0x3000  }
0x231: {  	[sflag:s25] =	ssyncset.done $0x0  }
0x232: {  	[sflag:s25] =	ssyncadd.s32 $0xFFFFD000  }
0x233: {  	_ =	swait.ge [sflag:s26], $0x3000  }
0x234: {  	s0 =	simm.s32 $0x10;
	[sflag:s26] =	ssyncset.done $0x0  }
0x235: {  	s3 =	simm.s32 $0x2700;
	s19 =	simm.s32 $0x4E80;
	[sflag:s26] =	ssyncadd.s32 $0xFFFFD000  }
0x236: {  	[tilespmem:s9], [sflag:$0x1] =	stream.indirect.gather [hbm4b:s1+s0], $0x80, s3, s0, $0xb8;
	[tilespmem:$0x1F680] =	vst v63  }
0x237: {  	s6 =	simm.s32 $0x7FF0;
	s8 =	simm.s32 $0x13FF0;
	s3 =	simm.s32 $0x0  }
0x238: {  	[tilespmem:s10], [sflag:$0x5] =	stream.indirect.gather [hbm4b:s2+s0], $0x80, s19, s0, $0xb8;
	[tilespmem:$0x1F680] =	vst v63  }
.LBB2_24:
0x239: {  	v5 =	vld [tilespmem:s6+$0xFFFFFF90]  }
0x23a: {  	v21 =	vld [tilespmem:s8+$0xFFFFFF90]  }
0x23b: {  	v23 =	vld [tilespmem:s6+$0xFFFFFFA0]  }
0x23c: {  	v25 =	vld [tilespmem:s8+$0xFFFFFFA0]  }
0x23d: {  	v27 =	vld [tilespmem:s6+$0xFFFFFFB0]  }
0x23e: {  	v29 =	vld [tilespmem:s8+$0xFFFFFFB0]  }
0x23f: {  	v30 =	vld [tilespmem:s6+$0xFFFFFFC0]  }
0x240: {  	v31 =	vld [tilespmem:s8+$0xFFFFFFC0]  }
0x241: {  	v32 =	vld [tilespmem:s6+$0xFFFFFFD0]  }
0x242: {  	v33 =	vld [tilespmem:s8+$0xFFFFFFD0]  }
0x243: {  	v34 =	vld [tilespmem:s6+$0xFFFFFFE0]  }
0x244: {  	v35 =	vld [tilespmem:s8+$0xFFFFFFE0]  }
0x245: {  	v7 =	vld [tilespmem:s6+$0xFFFFFFF0]  }
0x246: {  	v8 =	vld [tilespmem:s8+$0xFFFFFFF0]  }
0x247: {  	v6 =	vld [tilespmem:s6+$0x0]  }
0x248: {  	v10 =	vld [tilespmem:s6+$0xFFFFFF10]  }
0x249: {  	v12 =	vld [tilespmem:s8+$0xFFFFFF10]  }
0x24a: {  	v9 =	vld [tilespmem:s6+$0xFFFFFF20]  }
0x24b: {  	v11 =	vld [tilespmem:s8+$0xFFFFFF20]  }
0x24c: {  	v13 =	vld [tilespmem:s6+$0xFFFFFF30]  }
0x24d: {  	v15 =	vld [tilespmem:s8+$0xFFFFFF30]  }
0x24e: {  	v14 =	vld [tilespmem:s6+$0xFFFFFF40]  }
0x24f: {  	v16 =	vld [tilespmem:s8+$0xFFFFFF40]  }
0x250: {  	v17 =	vld [tilespmem:s6+$0xFFFFFF50]  }
0x251: {  	v18 =	vld [tilespmem:s8+$0xFFFFFF50]  }
0x252: {  	v19 =	vld [tilespmem:s6+$0xFFFFFF60]  }
0x253: {  	v20 =	vld [tilespmem:s8+$0xFFFFFF60]  }
0x254: {  	v22 =	vld [tilespmem:s6+$0xFFFFFF70]  }
0x255: {  	v26 =	vld [tilespmem:s8+$0xFFFFFF70];
	v24 =	vmul.f32 v21, v5;
	v25 =	vmul.f32 v25, v23  }
0x256: {  	v28 =	vld [tilespmem:s6+$0xFFFFFF80];
	s12 =	sshll.u32 s3, $0x4;
	s7 =	simm.s32 $0x2;
	v27 =	vmul.f32 v29, v27;
	v29 =	vmul.f32 v31, v30  }
0x257: {  	s4 =	smov.u32 s8;
	s0 =	smov.u32 s6;
	s5 =	simm.s32 $0x0;
	v5 =	vimm.f32 $0.0e+00;
	v30 =	vld [tilespmem:s8+$0xFFFFFF80];
	v21 =	vmul.f32 v33, v32;
	v23 =	vmul.f32 v35, v34  }
.LBB2_25:
0x258: {  	p0 =	slt.u32 s7, $0xE;
	v10 =	vmul.f32 v12, v10;
	v7 =	vmul.f32 v8, v7;
	v8 =	vld [tilespmem:s4+$0x0];
	s0 =	sadd.s32 $0x100, s0  }
0x259: {  	v9 =	vmul.f32 v11, v9;
	v11 =	vmul.f32 v15, v13;
	s4 =	sadd.s32 $0x100, s4;
	v31 =	vld [tilespmem:s0+$0xFFFFFF90]  }
0x25a: {  	v12 =	vmul.f32 v16, v14;
	v13 =	vmul.f32 v18, v17;
	v32 =	vld [tilespmem:s4+$0xFFFFFF90]  }
0x25b: {  	v14 =	vmul.f32 v20, v19;
	v15 =	vmul.f32 v26, v22;
	v33 =	vld [tilespmem:s0+$0xFFFFFFA0]  }
0x25c: {  	v17 =	vadd.f32 v25, v24;
	v18 =	vadd.f32 v29, v27;
	v34 =	vld [tilespmem:s4+$0xFFFFFFA0];
	v16 =	vmul.f32 v30, v28  }
0x25d: {  	v9 =	vadd.f32 v9, v10;
	v10 =	vadd.f32 v12, v11;
	v27 =	vld [tilespmem:s0+$0xFFFFFFB0];
	v6 =	vmul.f32 v8, v6  }
0x25e: {  	v8 =	vadd.f32 v14, v13;
	v29 =	vld [tilespmem:s4+$0xFFFFFFB0];
	v11 =	vadd.f32 v16, v15  }
0x25f: {  	v12 =	vadd.f32 v23, v21;
	v30 =	vld [tilespmem:s0+$0xFFFFFFC0];
	v6 =	vadd.f32 v6, v7  }
0x260: {  	v7 =	vadd.f32 v10, v9;
	v21 =	vld [tilespmem:s4+$0xFFFFFFC0];
	v8 =	vadd.f32 v11, v8  }
0x261: {  	v9 =	vadd.f32 v18, v17;
	v23 =	vld [tilespmem:s0+$0xFFFFFFD0];
	v6 =	vadd.f32 v6, v12  }
0x262: {  	v35 =	vld [tilespmem:s4+$0xFFFFFFD0];
	v10 =	vadd.f32 v8, v7  }
0x263: {  	v36 =	vld [tilespmem:s0+$0xFFFFFFE0];
	v9 =	vadd.f32 v6, v9  }
0x264: {  	v37 =	vld [tilespmem:s4+$0xFFFFFFE0];
	v6 =	vperm.xlane v10, v0  }
0x265: {  	v7 =	vld [tilespmem:s0+$0xFFFFFFF0];
	v11 =	vperm.xlane v9, v0  }
0x266: {  	v8 =	vld [tilespmem:s4+$0xFFFFFFF0];
	v13 =	vadd.f32 v10, v6  }
0x267: {  	v6 =	vld [tilespmem:s0+$0x0];
	v14 =	vadd.f32 v9, v11  }
0x268: {  	v10 =	vld [tilespmem:s0+$0xFFFFFF10];
	v11 =	vperm.xlane v13, v1  }
0x269: {  	v12 =	vld [tilespmem:s4+$0xFFFFFF10];
	v15 =	vperm.xlane v14, v1  }
0x26a: {  	v9 =	vld [tilespmem:s0+$0xFFFFFF20];
	v16 =	vadd.f32 v13, v11  }
0x26b: {  	v11 =	vld [tilespmem:s4+$0xFFFFFF20];
	v17 =	vadd.f32 v14, v15  }
0x26c: {  	v13 =	vld [tilespmem:s0+$0xFFFFFF30];
	v18 =	vperm.xlane v16, v2  }
0x26d: {  	v15 =	vld [tilespmem:s4+$0xFFFFFF30];
	v19 =	vperm.xlane v17, v2  }
0x26e: {  	v14 =	vld [tilespmem:s0+$0xFFFFFF40];
	v20 =	vadd.f32 v16, v18  }
0x26f: {  	v16 =	vld [tilespmem:s4+$0xFFFFFF40];
	v22 =	vadd.f32 v17, v19  }
0x270: {  	v17 =	vld [tilespmem:s0+$0xFFFFFF50];
	v24 =	vperm.xlane v20, v3  }
0x271: {  	v18 =	vld [tilespmem:s4+$0xFFFFFF50];
	v25 =	vperm.xlane v22, v3  }
0x272: {  	s11 =	sadd.s32 $0x1, s5;
	v26 =	vmov s5;
	s5 =	smov.u32 s7;
	v19 =	vld [tilespmem:s0+$0xFFFFFF60];
	v24 =	vadd.f32 v20, v24  }
.Ltmp11:
0x273: {  	vm0 =	veq.s32 v26, v4;
	v20 =	vld [tilespmem:s4+$0xFFFFFF60];
	v28 =	vadd.f32 v22, v25;
	v25 =	vmov s11;
	(pc) =	sbr.rel @p0 .LBB2_25-.Ltmp11, $4  }
0x274: {  	v22 =	vld [tilespmem:s0+$0xFFFFFF70];
	v5 =	vsel vm0, v24, v5;
	vm0 =	veq.s32 v25, v4  }
0x275: {  	v24 =	vmul.f32 v32, v31;
	v25 =	vmul.f32 v34, v33;
	v26 =	vld [tilespmem:s4+$0xFFFFFF70];
	v5 =	vsel vm0, v28, v5  }
0x276: {  	v27 =	vmul.f32 v29, v27;
	v29 =	vmul.f32 v21, v30;
	v28 =	vld [tilespmem:s0+$0xFFFFFF80]  }
0x277: {  	s7 =	sadd.s32 $0x2, s7;
	v21 =	vmul.f32 v35, v23;
	v23 =	vmul.f32 v37, v36;
	v30 =	vld [tilespmem:s4+$0xFFFFFF80]  }
0x278: {  	v10 =	vmul.f32 v12, v10;
	v48 =	vld [tilespmem:s4+$0x0]  }
0x279: {  	v7 =	vmul.f32 v8, v7;
	v9 =	vmul.f32 v11, v9  }
0x27a: {  	v49 =	vmul.f32 v15, v13;
	v50 =	vmul.f32 v16, v14  }
0x27b: {  	v51 =	vmul.f32 v18, v17;
	v52 =	vmul.f32 v20, v19;
	v55 =	vadd.f32 v25, v24  }
0x27c: {  	v56 =	vadd.f32 v29, v27;
	v53 =	vmul.f32 v26, v22;
	v54 =	vmul.f32 v30, v28  }
0x27d: {  	v9 =	vadd.f32 v9, v10;
	v57 =	vadd.f32 v50, v49;
	v6 =	vmul.f32 v48, v6  }
0x27e: {  	v58 =	vadd.f32 v52, v51;
	v59 =	vadd.f32 v54, v53  }
0x27f: {  	v60 =	vadd.f32 v23, v21;
	v6 =	vadd.f32 v6, v7  }
0x280: {  	v7 =	vadd.f32 v57, v9;
	v8 =	vadd.f32 v59, v58  }
0x281: {  	v61 =	vadd.f32 v56, v55;
	v6 =	vadd.f32 v6, v60  }
0x282: {  	v7 =	vadd.f32 v8, v7  }
0x283: {  	v6 =	vadd.f32 v6, v61  }
0x284: {  	v8 =	vperm.xlane v7, v0  }
0x285: {  	v9 =	vperm.xlane v6, v0  }
0x286: {  	v7 =	vadd.f32 v7, v8  }
0x287: {  	v6 =	vadd.f32 v6, v9  }
0x288: {  	v8 =	vperm.xlane v7, v1  }
0x289: {  	v9 =	vperm.xlane v6, v1  }
0x28a: {  	v7 =	vadd.f32 v7, v8  }
0x28b: {  	v6 =	vadd.f32 v6, v9  }
0x28c: {  	v8 =	vperm.xlane v7, v2  }
0x28d: {  	v9 =	vperm.xlane v6, v2  }
0x28e: {  	v7 =	vadd.f32 v7, v8  }
0x28f: {  	v6 =	vadd.f32 v6, v9  }
0x290: {  	s3 =	sadd.s32 $0x1, s3;
	v8 =	vperm.xlane v7, v3  }
0x291: {  	p0 =	sne.s32 s3, $0x6;
	v9 =	vperm.xlane v6, v3  }
.Ltmp12:
0x292: {  	v62 =	vmov s5;
	s0 =	sadd.s32 $0x1, s5;
	v7 =	vadd.f32 v7, v8;
	(pc) =	sbr.rel @p0 .LBB2_24-.Ltmp12, $4  }
0x293: {  	vm0 =	veq.s32 v62, v4;
	v63 =	vmov s0;
	v6 =	vadd.f32 v6, v9  }
0x294: {  	vm15 =	veq.s32 v63, v4;
	v5 =	vsel vm0, v7, v5  }
0x295: {  	v5 =	vsel vm15, v6, v5  }
0x296: {  	s6 =	sadd.s32 $0x800, s6;
	s8 =	sadd.s32 $0x800, s8;
	[tilespmem:s12+$0x1F4E0] =	vst v5  }
0x297: {  	_ =	swait.ge [sflag:s28], $0x3000  }
0x298: {  	[sflag:s28] =	ssyncset.done $0x0  }
0x299: {  	[sflag:s28] =	ssyncadd.s32 $0xFFFFD000  }
0x29a: {  	_ =	swait.ge [sflag:s29], $0x3000  }
0x29b: {  	[sflag:s29] =	ssyncset.done $0x0  }
0x29c: {  	s3 =	simm.s32 $0x0;
	s6 =	simm.s32 $0x0;
	[sflag:s29] =	ssyncadd.s32 $0xFFFFD000  }
.LBB2_28:
0x29d: {  	s14 =	sshra.s32 s3, $0x2  }
0x29e: {  	v5 =	vld [tilespmem:s14+$0xAF80]  }
0x29f: {  	v26 =	vld [tilespmem:s14+$0x16F80]  }
0x2a0: {  	v27 =	vld [tilespmem:s14+$0xAF90]  }
0x2a1: {  	v29 =	vld [tilespmem:s14+$0x16F90]  }
0x2a2: {  	v31 =	vld [tilespmem:s14+$0xAFA0]  }
0x2a3: {  	v32 =	vld [tilespmem:s14+$0x16FA0]  }
0x2a4: {  	v33 =	vld [tilespmem:s14+$0xAFB0]  }
0x2a5: {  	v34 =	vld [tilespmem:s14+$0x16FB0]  }
0x2a6: {  	v7 =	vld [tilespmem:s14+$0xAFC0]  }
0x2a7: {  	v8 =	vld [tilespmem:s14+$0x16FC0]  }
0x2a8: {  	v9 =	vld [tilespmem:s14+$0xAFD0]  }
0x2a9: {  	v11 =	vld [tilespmem:s14+$0x16FD0]  }
0x2aa: {  	v10 =	vld [tilespmem:s14+$0xAFE0]  }
0x2ab: {  	v12 =	vld [tilespmem:s14+$0x16FE0]  }
0x2ac: {  	v6 =	vld [tilespmem:s14+$0xAFF0]  }
0x2ad: {  	v14 =	vld [tilespmem:s14+$0xAF00]  }
0x2ae: {  	v16 =	vld [tilespmem:s14+$0x16F00]  }
0x2af: {  	v13 =	vld [tilespmem:s14+$0xAF10]  }
0x2b0: {  	v15 =	vld [tilespmem:s14+$0x16F10]  }
0x2b1: {  	v17 =	vld [tilespmem:s14+$0xAF20]  }
0x2b2: {  	v18 =	vld [tilespmem:s14+$0x16F20]  }
0x2b3: {  	v19 =	vld [tilespmem:s14+$0xAF30]  }
0x2b4: {  	v20 =	vld [tilespmem:s14+$0x16F30]  }
0x2b5: {  	v21 =	vld [tilespmem:s14+$0xAF40]  }
0x2b6: {  	v22 =	vld [tilespmem:s14+$0x16F40]  }
0x2b7: {  	v23 =	vld [tilespmem:s14+$0xAF50]  }
0x2b8: {  	v24 =	vld [tilespmem:s14+$0x16F50]  }
0x2b9: {  	v25 =	vld [tilespmem:s14+$0xAF60]  }
0x2ba: {  	s8 =	sshll.u32 s6, $0x4;
	v28 =	vld [tilespmem:s14+$0x16F60];
	v26 =	vmul.f32 v26, v5;
	v27 =	vmul.f32 v29, v27  }
0x2bb: {  	s4 =	simm.s32 $0x2;
	s0 =	smov.u32 s3;
	s12 =	simm.s32 $0x0;
	v30 =	vld [tilespmem:s14+$0xAF70];
	v5 =	vimm.f32 $0.0e+00;
	v29 =	vmul.f32 v32, v31;
	v31 =	vmul.f32 v34, v33  }
.LBB2_29:
0x2bc: {  	p0 =	slt.u32 s4, $0xE;
	v32 =	vld [tilespmem:s14+$0x16F70];
	v7 =	vmul.f32 v8, v7;
	v8 =	vmul.f32 v11, v9;
	s0 =	sadd.s32 $0x400, s0  }
0x2bd: {  	v9 =	vmul.f32 v16, v14;
	v10 =	vmul.f32 v12, v10;
	v11 =	vld [tilespmem:s14+$0x16FF0];
	s14 =	sshra.s32 s0, $0x2  }
0x2be: {  	v12 =	vmul.f32 v15, v13;
	v13 =	vmul.f32 v18, v17;
	v33 =	vld [tilespmem:s14+$0xAF80]  }
0x2bf: {  	v14 =	vmul.f32 v20, v19;
	v15 =	vmul.f32 v22, v21;
	v34 =	vld [tilespmem:s14+$0x16F80]  }
0x2c0: {  	v16 =	vmul.f32 v24, v23;
	v17 =	vmul.f32 v28, v25;
	v35 =	vld [tilespmem:s14+$0xAF90]  }
0x2c1: {  	v19 =	vadd.f32 v27, v26;
	v20 =	vadd.f32 v31, v29;
	v36 =	vld [tilespmem:s14+$0x16F90];
	v18 =	vmul.f32 v32, v30  }
0x2c2: {  	v9 =	vadd.f32 v12, v9;
	v12 =	vadd.f32 v14, v13;
	v29 =	vld [tilespmem:s14+$0xAFA0];
	v6 =	vmul.f32 v11, v6  }
0x2c3: {  	v11 =	vadd.f32 v16, v15;
	v31 =	vld [tilespmem:s14+$0x16FA0];
	v13 =	vadd.f32 v18, v17  }
0x2c4: {  	v8 =	vadd.f32 v8, v7;
	v32 =	vld [tilespmem:s14+$0xAFB0];
	v6 =	vadd.f32 v6, v10  }
0x2c5: {  	v9 =	vadd.f32 v12, v9;
	v37 =	vld [tilespmem:s14+$0x16FB0];
	v10 =	vadd.f32 v13, v11  }
0x2c6: {  	v11 =	vadd.f32 v20, v19;
	v7 =	vld [tilespmem:s14+$0xAFC0];
	v6 =	vadd.f32 v6, v8  }
0x2c7: {  	v8 =	vld [tilespmem:s14+$0x16FC0];
	v13 =	vadd.f32 v10, v9  }
0x2c8: {  	v9 =	vld [tilespmem:s14+$0xAFD0];
	v14 =	vadd.f32 v6, v11  }
0x2c9: {  	v11 =	vld [tilespmem:s14+$0x16FD0];
	v6 =	vperm.xlane v13, v0  }
0x2ca: {  	v10 =	vld [tilespmem:s14+$0xAFE0];
	v15 =	vperm.xlane v14, v0  }
0x2cb: {  	v12 =	vld [tilespmem:s14+$0x16FE0];
	v17 =	vadd.f32 v13, v6  }
0x2cc: {  	v6 =	vld [tilespmem:s14+$0xAFF0];
	v18 =	vadd.f32 v14, v15  }
0x2cd: {  	v14 =	vld [tilespmem:s14+$0xAF00];
	v15 =	vperm.xlane v17, v1  }
0x2ce: {  	v16 =	vld [tilespmem:s14+$0x16F00];
	v19 =	vperm.xlane v18, v1  }
0x2cf: {  	v13 =	vld [tilespmem:s14+$0xAF10];
	v20 =	vadd.f32 v17, v15  }
0x2d0: {  	v15 =	vld [tilespmem:s14+$0x16F10];
	v21 =	vadd.f32 v18, v19  }
0x2d1: {  	v17 =	vld [tilespmem:s14+$0xAF20];
	v22 =	vperm.xlane v20, v2  }
0x2d2: {  	v18 =	vld [tilespmem:s14+$0x16F20];
	v23 =	vperm.xlane v21, v2  }
0x2d3: {  	v19 =	vld [tilespmem:s14+$0xAF30];
	v24 =	vadd.f32 v20, v22  }
0x2d4: {  	v20 =	vld [tilespmem:s14+$0x16F30];
	v25 =	vadd.f32 v21, v23  }
0x2d5: {  	v21 =	vld [tilespmem:s14+$0xAF40];
	v26 =	vperm.xlane v24, v3  }
0x2d6: {  	v22 =	vld [tilespmem:s14+$0x16F40];
	v27 =	vperm.xlane v25, v3  }
.Ltmp13:
0x2d7: {  	s5 =	sadd.s32 $0x1, s12;
	v28 =	vmov s12;
	s12 =	smov.u32 s4;
	v23 =	vld [tilespmem:s14+$0xAF50];
	v26 =	vadd.f32 v24, v26;
	(pc) =	sbr.rel @p0 .LBB2_29-.Ltmp13, $4  }
0x2d8: {  	vm0 =	veq.s32 v28, v4;
	v24 =	vld [tilespmem:s14+$0x16F50];
	v30 =	vadd.f32 v25, v27;
	v27 =	vmov s5  }
0x2d9: {  	v25 =	vld [tilespmem:s14+$0xAF60];
	v5 =	vsel vm0, v26, v5;
	vm0 =	veq.s32 v27, v4  }
0x2da: {  	v26 =	vmul.f32 v34, v33;
	v27 =	vmul.f32 v36, v35;
	v28 =	vld [tilespmem:s14+$0x16F60];
	v5 =	vsel vm0, v30, v5  }
0x2db: {  	s4 =	sadd.s32 $0x2, s4;
	v29 =	vmul.f32 v31, v29;
	v31 =	vmul.f32 v37, v32;
	v30 =	vld [tilespmem:s14+$0xAF70]  }
0x2dc: {  	v32 =	vld [tilespmem:s14+$0x16F70];
	v7 =	vmul.f32 v8, v7  }
0x2dd: {  	v43 =	vmul.f32 v11, v9;
	v44 =	vmul.f32 v16, v14;
	v45 =	vld [tilespmem:s14+$0x16FF0]  }
0x2de: {  	v10 =	vmul.f32 v12, v10;
	v46 =	vmul.f32 v15, v13  }
0x2df: {  	v47 =	vmul.f32 v18, v17;
	v48 =	vmul.f32 v20, v19  }
0x2e0: {  	v49 =	vmul.f32 v22, v21;
	v53 =	vadd.f32 v27, v26;
	v50 =	vmul.f32 v24, v23  }
0x2e1: {  	v54 =	vadd.f32 v31, v29;
	v51 =	vmul.f32 v28, v25;
	v52 =	vmul.f32 v32, v30  }
0x2e2: {  	v9 =	vadd.f32 v46, v44;
	v55 =	vadd.f32 v48, v47;
	v6 =	vmul.f32 v45, v6  }
0x2e3: {  	v56 =	vadd.f32 v50, v49;
	v57 =	vadd.f32 v52, v51  }
0x2e4: {  	v7 =	vadd.f32 v43, v7;
	v6 =	vadd.f32 v6, v10  }
0x2e5: {  	v58 =	vadd.f32 v55, v9;
	v59 =	vadd.f32 v57, v56  }
0x2e6: {  	v60 =	vadd.f32 v54, v53;
	v6 =	vadd.f32 v6, v7  }
0x2e7: {  	v7 =	vadd.f32 v59, v58  }
0x2e8: {  	v6 =	vadd.f32 v6, v60  }
0x2e9: {  	v8 =	vperm.xlane v7, v0  }
0x2ea: {  	v61 =	vperm.xlane v6, v0  }
0x2eb: {  	v7 =	vadd.f32 v7, v8  }
0x2ec: {  	v6 =	vadd.f32 v6, v61  }
0x2ed: {  	v8 =	vperm.xlane v7, v1  }
0x2ee: {  	v9 =	vperm.xlane v6, v1  }
0x2ef: {  	v7 =	vadd.f32 v7, v8  }
0x2f0: {  	v6 =	vadd.f32 v6, v9  }
0x2f1: {  	v8 =	vperm.xlane v7, v2  }
0x2f2: {  	v9 =	vperm.xlane v6, v2  }
0x2f3: {  	v7 =	vadd.f32 v7, v8  }
0x2f4: {  	v6 =	vadd.f32 v6, v9  }
0x2f5: {  	s6 =	sadd.s32 $0x1, s6;
	v8 =	vperm.xlane v7, v3  }
0x2f6: {  	p0 =	sne.s32 s6, $0x6;
	v9 =	vperm.xlane v6, v3  }
.Ltmp14:
0x2f7: {  	v62 =	vmov s12;
	s0 =	sadd.s32 $0x1, s12;
	v7 =	vadd.f32 v7, v8;
	(pc) =	sbr.rel @p0 .LBB2_28-.Ltmp14, $4  }
0x2f8: {  	vm0 =	veq.s32 v62, v4;
	v63 =	vmov s0;
	v6 =	vadd.f32 v6, v9  }
0x2f9: {  	vm15 =	veq.s32 v63, v4;
	v5 =	vsel vm0, v7, v5  }
0x2fa: {  	v5 =	vsel vm15, v6, v5  }
0x2fb: {  	s3 =	sadd.s32 $0x2000, s3;
	[tilespmem:s8+$0x1F540] =	vst v5  }
0x2fc: {  	_ =	swait.ge [sflag:s30], $0x3000  }
0x2fd: {  	[sflag:s30] =	ssyncset.done $0x0  }
0x2fe: {  	[sflag:s30] =	ssyncadd.s32 $0xFFFFD000  }
0x2ff: {  	_ =	swait.ge [sflag:s31], $0x3000  }
0x300: {  	[sflag:s31] =	ssyncset.done $0x0  }
0x301: {  	s3 =	simm.s32 $0x0;
	s6 =	simm.s32 $0x0;
	[sflag:s31] =	ssyncadd.s32 $0xFFFFD000  }
.LBB2_32:
0x302: {  	s14 =	sshra.s32 s3, $0x2  }
0x303: {  	v5 =	vld [tilespmem:s14+$0xDF80]  }
0x304: {  	v26 =	vld [tilespmem:s14+$0x19F80]  }
0x305: {  	v27 =	vld [tilespmem:s14+$0xDF90]  }
0x306: {  	v29 =	vld [tilespmem:s14+$0x19F90]  }
0x307: {  	v31 =	vld [tilespmem:s14+$0xDFA0]  }
0x308: {  	v32 =	vld [tilespmem:s14+$0x19FA0]  }
0x309: {  	v33 =	vld [tilespmem:s14+$0xDFB0]  }
0x30a: {  	v34 =	vld [tilespmem:s14+$0x19FB0]  }
0x30b: {  	v7 =	vld [tilespmem:s14+$0xDFC0]  }
0x30c: {  	v8 =	vld [tilespmem:s14+$0x19FC0]  }
0x30d: {  	v9 =	vld [tilespmem:s14+$0xDFD0]  }
0x30e: {  	v11 =	vld [tilespmem:s14+$0x19FD0]  }
0x30f: {  	v10 =	vld [tilespmem:s14+$0xDFE0]  }
0x310: {  	v12 =	vld [tilespmem:s14+$0x19FE0]  }
0x311: {  	v6 =	vld [tilespmem:s14+$0xDFF0]  }
0x312: {  	v14 =	vld [tilespmem:s14+$0xDF00]  }
0x313: {  	v16 =	vld [tilespmem:s14+$0x19F00]  }
0x314: {  	v13 =	vld [tilespmem:s14+$0xDF10]  }
0x315: {  	v15 =	vld [tilespmem:s14+$0x19F10]  }
0x316: {  	v17 =	vld [tilespmem:s14+$0xDF20]  }
0x317: {  	v18 =	vld [tilespmem:s14+$0x19F20]  }
0x318: {  	v19 =	vld [tilespmem:s14+$0xDF30]  }
0x319: {  	v20 =	vld [tilespmem:s14+$0x19F30]  }
0x31a: {  	v21 =	vld [tilespmem:s14+$0xDF40]  }
0x31b: {  	v22 =	vld [tilespmem:s14+$0x19F40]  }
0x31c: {  	v23 =	vld [tilespmem:s14+$0xDF50]  }
0x31d: {  	v24 =	vld [tilespmem:s14+$0x19F50]  }
0x31e: {  	v25 =	vld [tilespmem:s14+$0xDF60]  }
0x31f: {  	s8 =	sshll.u32 s6, $0x4;
	v28 =	vld [tilespmem:s14+$0x19F60];
	v26 =	vmul.f32 v26, v5;
	v27 =	vmul.f32 v29, v27  }
0x320: {  	s4 =	simm.s32 $0x2;
	s0 =	smov.u32 s3;
	s12 =	simm.s32 $0x0;
	v30 =	vld [tilespmem:s14+$0xDF70];
	v5 =	vimm.f32 $0.0e+00;
	v29 =	vmul.f32 v32, v31;
	v31 =	vmul.f32 v34, v33  }
.LBB2_33:
0x321: {  	p0 =	slt.u32 s4, $0xE;
	v32 =	vld [tilespmem:s14+$0x19F70];
	v7 =	vmul.f32 v8, v7;
	v8 =	vmul.f32 v11, v9;
	s0 =	sadd.s32 $0x400, s0  }
0x322: {  	v9 =	vmul.f32 v16, v14;
	v10 =	vmul.f32 v12, v10;
	v11 =	vld [tilespmem:s14+$0x19FF0];
	s14 =	sshra.s32 s0, $0x2  }
0x323: {  	v12 =	vmul.f32 v15, v13;
	v13 =	vmul.f32 v18, v17;
	v33 =	vld [tilespmem:s14+$0xDF80]  }
0x324: {  	v14 =	vmul.f32 v20, v19;
	v15 =	vmul.f32 v22, v21;
	v34 =	vld [tilespmem:s14+$0x19F80]  }
0x325: {  	v16 =	vmul.f32 v24, v23;
	v17 =	vmul.f32 v28, v25;
	v35 =	vld [tilespmem:s14+$0xDF90]  }
0x326: {  	v19 =	vadd.f32 v27, v26;
	v20 =	vadd.f32 v31, v29;
	v36 =	vld [tilespmem:s14+$0x19F90];
	v18 =	vmul.f32 v32, v30  }
0x327: {  	v9 =	vadd.f32 v12, v9;
	v12 =	vadd.f32 v14, v13;
	v29 =	vld [tilespmem:s14+$0xDFA0];
	v6 =	vmul.f32 v11, v6  }
0x328: {  	v11 =	vadd.f32 v16, v15;
	v31 =	vld [tilespmem:s14+$0x19FA0];
	v13 =	vadd.f32 v18, v17  }
0x329: {  	v8 =	vadd.f32 v8, v7;
	v32 =	vld [tilespmem:s14+$0xDFB0];
	v6 =	vadd.f32 v6, v10  }
0x32a: {  	v9 =	vadd.f32 v12, v9;
	v37 =	vld [tilespmem:s14+$0x19FB0];
	v10 =	vadd.f32 v13, v11  }
0x32b: {  	v11 =	vadd.f32 v20, v19;
	v7 =	vld [tilespmem:s14+$0xDFC0];
	v6 =	vadd.f32 v6, v8  }
0x32c: {  	v8 =	vld [tilespmem:s14+$0x19FC0];
	v13 =	vadd.f32 v10, v9  }
0x32d: {  	v9 =	vld [tilespmem:s14+$0xDFD0];
	v14 =	vadd.f32 v6, v11  }
0x32e: {  	v11 =	vld [tilespmem:s14+$0x19FD0];
	v6 =	vperm.xlane v13, v0  }
0x32f: {  	v10 =	vld [tilespmem:s14+$0xDFE0];
	v15 =	vperm.xlane v14, v0  }
0x330: {  	v12 =	vld [tilespmem:s14+$0x19FE0];
	v17 =	vadd.f32 v13, v6  }
0x331: {  	v6 =	vld [tilespmem:s14+$0xDFF0];
	v18 =	vadd.f32 v14, v15  }
0x332: {  	v14 =	vld [tilespmem:s14+$0xDF00];
	v15 =	vperm.xlane v17, v1  }
0x333: {  	v16 =	vld [tilespmem:s14+$0x19F00];
	v19 =	vperm.xlane v18, v1  }
0x334: {  	v13 =	vld [tilespmem:s14+$0xDF10];
	v20 =	vadd.f32 v17, v15  }
0x335: {  	v15 =	vld [tilespmem:s14+$0x19F10];
	v21 =	vadd.f32 v18, v19  }
0x336: {  	v17 =	vld [tilespmem:s14+$0xDF20];
	v22 =	vperm.xlane v20, v2  }
0x337: {  	v18 =	vld [tilespmem:s14+$0x19F20];
	v23 =	vperm.xlane v21, v2  }
0x338: {  	v19 =	vld [tilespmem:s14+$0xDF30];
	v24 =	vadd.f32 v20, v22  }
0x339: {  	v20 =	vld [tilespmem:s14+$0x19F30];
	v25 =	vadd.f32 v21, v23  }
0x33a: {  	v21 =	vld [tilespmem:s14+$0xDF40];
	v26 =	vperm.xlane v24, v3  }
0x33b: {  	v22 =	vld [tilespmem:s14+$0x19F40];
	v27 =	vperm.xlane v25, v3  }
.Ltmp15:
0x33c: {  	s5 =	sadd.s32 $0x1, s12;
	v28 =	vmov s12;
	s12 =	smov.u32 s4;
	v23 =	vld [tilespmem:s14+$0xDF50];
	v26 =	vadd.f32 v24, v26;
	(pc) =	sbr.rel @p0 .LBB2_33-.Ltmp15, $4  }
0x33d: {  	vm0 =	veq.s32 v28, v4;
	v24 =	vld [tilespmem:s14+$0x19F50];
	v30 =	vadd.f32 v25, v27;
	v27 =	vmov s5  }
0x33e: {  	v25 =	vld [tilespmem:s14+$0xDF60];
	v5 =	vsel vm0, v26, v5;
	vm0 =	veq.s32 v27, v4  }
0x33f: {  	v26 =	vmul.f32 v34, v33;
	v27 =	vmul.f32 v36, v35;
	v28 =	vld [tilespmem:s14+$0x19F60];
	v5 =	vsel vm0, v30, v5  }
0x340: {  	s4 =	sadd.s32 $0x2, s4;
	v29 =	vmul.f32 v31, v29;
	v31 =	vmul.f32 v37, v32;
	v30 =	vld [tilespmem:s14+$0xDF70]  }
0x341: {  	v32 =	vld [tilespmem:s14+$0x19F70];
	v7 =	vmul.f32 v8, v7  }
0x342: {  	v43 =	vmul.f32 v11, v9;
	v44 =	vmul.f32 v16, v14;
	v45 =	vld [tilespmem:s14+$0x19FF0]  }
0x343: {  	v10 =	vmul.f32 v12, v10;
	v46 =	vmul.f32 v15, v13  }
0x344: {  	v47 =	vmul.f32 v18, v17;
	v48 =	vmul.f32 v20, v19  }
0x345: {  	v49 =	vmul.f32 v22, v21;
	v53 =	vadd.f32 v27, v26;
	v50 =	vmul.f32 v24, v23  }
0x346: {  	v54 =	vadd.f32 v31, v29;
	v51 =	vmul.f32 v28, v25;
	v52 =	vmul.f32 v32, v30  }
0x347: {  	v9 =	vadd.f32 v46, v44;
	v55 =	vadd.f32 v48, v47;
	v6 =	vmul.f32 v45, v6  }
0x348: {  	v56 =	vadd.f32 v50, v49;
	v57 =	vadd.f32 v52, v51  }
0x349: {  	v7 =	vadd.f32 v43, v7;
	v6 =	vadd.f32 v6, v10  }
0x34a: {  	v58 =	vadd.f32 v55, v9;
	v59 =	vadd.f32 v57, v56  }
0x34b: {  	v60 =	vadd.f32 v54, v53;
	v6 =	vadd.f32 v6, v7  }
0x34c: {  	v7 =	vadd.f32 v59, v58  }
0x34d: {  	v6 =	vadd.f32 v6, v60  }
0x34e: {  	v8 =	vperm.xlane v7, v0  }
0x34f: {  	v61 =	vperm.xlane v6, v0  }
0x350: {  	v7 =	vadd.f32 v7, v8  }
0x351: {  	v6 =	vadd.f32 v6, v61  }
0x352: {  	v8 =	vperm.xlane v7, v1  }
0x353: {  	v9 =	vperm.xlane v6, v1  }
0x354: {  	v7 =	vadd.f32 v7, v8  }
0x355: {  	v6 =	vadd.f32 v6, v9  }
0x356: {  	v8 =	vperm.xlane v7, v2  }
0x357: {  	v9 =	vperm.xlane v6, v2  }
0x358: {  	v7 =	vadd.f32 v7, v8  }
0x359: {  	v6 =	vadd.f32 v6, v9  }
0x35a: {  	s6 =	sadd.s32 $0x1, s6;
	v8 =	vperm.xlane v7, v3  }
0x35b: {  	p0 =	sne.s32 s6, $0x6;
	v9 =	vperm.xlane v6, v3  }
.Ltmp16:
0x35c: {  	v62 =	vmov s12;
	s0 =	sadd.s32 $0x1, s12;
	v7 =	vadd.f32 v7, v8;
	(pc) =	sbr.rel @p0 .LBB2_32-.Ltmp16, $4  }
0x35d: {  	vm0 =	veq.s32 v62, v4;
	v63 =	vmov s0;
	v6 =	vadd.f32 v6, v9  }
0x35e: {  	vm15 =	veq.s32 v63, v4;
	v5 =	vsel vm0, v7, v5  }
0x35f: {  	v5 =	vsel vm15, v6, v5  }
0x360: {  	s3 =	sadd.s32 $0x2000, s3;
	[tilespmem:s8+$0x1F5A0] =	vst v5  }
0x361: {  	_ =	swait.ge [sflag:s21], $0x800  }
0x362: {  	[sflag:s21] =	ssyncset.done $0x0  }
0x363: {  	[sflag:s21] =	ssyncadd.s32 $0xFFFFF800  }
0x364: {  	_ =	swait.ge [sflag:s22], $0x800  }
0x365: {  	[sflag:s22] =	ssyncset.done $0x0  }
0x366: {  	s5 =	simm.s32 $0x4F80;
	[sflag:s22] =	ssyncadd.s32 $0xFFFFF800  }
0x367: {  	s6 =	simm.s32 $0x10F80;
	v5 =	vld [tilespmem:s5+$0x0]  }
0x368: {  	v21 =	vld [tilespmem:s6+$0x0]  }
0x369: {  	v23 =	vld [tilespmem:s5+$0x10]  }
0x36a: {  	v25 =	vld [tilespmem:s6+$0x10]  }
0x36b: {  	v27 =	vld [tilespmem:s5+$0x20]  }
0x36c: {  	v29 =	vld [tilespmem:s6+$0x20]  }
0x36d: {  	v30 =	vld [tilespmem:s5+$0x30]  }
0x36e: {  	v31 =	vld [tilespmem:s6+$0x30]  }
0x36f: {  	v32 =	vld [tilespmem:s5+$0x40]  }
0x370: {  	v33 =	vld [tilespmem:s6+$0x40]  }
0x371: {  	v34 =	vld [tilespmem:s5+$0x50]  }
0x372: {  	v35 =	vld [tilespmem:s6+$0x50]  }
0x373: {  	v7 =	vld [tilespmem:s5+$0x60]  }
0x374: {  	v8 =	vld [tilespmem:s6+$0x60]  }
0x375: {  	v6 =	vld [tilespmem:s5+$0x70]  }
0x376: {  	v10 =	vld [tilespmem:s5+$0xFFFFFF80]  }
0x377: {  	v12 =	vld [tilespmem:s6+$0xFFFFFF80]  }
0x378: {  	v9 =	vld [tilespmem:s5+$0xFFFFFF90]  }
0x379: {  	v11 =	vld [tilespmem:s6+$0xFFFFFF90]  }
0x37a: {  	v13 =	vld [tilespmem:s5+$0xFFFFFFA0]  }
0x37b: {  	v15 =	vld [tilespmem:s6+$0xFFFFFFA0]  }
0x37c: {  	v14 =	vld [tilespmem:s5+$0xFFFFFFB0]  }
0x37d: {  	v16 =	vld [tilespmem:s6+$0xFFFFFFB0]  }
0x37e: {  	v17 =	vld [tilespmem:s5+$0xFFFFFFC0]  }
0x37f: {  	v18 =	vld [tilespmem:s6+$0xFFFFFFC0]  }
0x380: {  	v19 =	vld [tilespmem:s5+$0xFFFFFFD0]  }
0x381: {  	v20 =	vld [tilespmem:s6+$0xFFFFFFD0]  }
0x382: {  	v22 =	vld [tilespmem:s5+$0xFFFFFFE0]  }
0x383: {  	v26 =	vld [tilespmem:s6+$0xFFFFFFE0];
	v24 =	vmul.f32 v21, v5;
	v25 =	vmul.f32 v25, v23  }
0x384: {  	v28 =	vld [tilespmem:s5+$0xFFFFFFF0];
	v27 =	vmul.f32 v29, v27;
	v29 =	vmul.f32 v31, v30  }
0x385: {  	s3 =	simm.s32 $0x0;
	s0 =	simm.s32 $0x2;
	v5 =	vimm.f32 $0.0e+00;
	v30 =	vld [tilespmem:s6+$0xFFFFFFF0];
	v21 =	vmul.f32 v33, v32;
	v23 =	vmul.f32 v35, v34  }
.LBB2_36:
0x386: {  	p0 =	slt.u32 s0, $0xE;
	v10 =	vmul.f32 v12, v10;
	v7 =	vmul.f32 v8, v7;
	v8 =	vld [tilespmem:s6+$0x70];
	s5 =	sadd.s32 $0x100, s5  }
0x387: {  	v9 =	vmul.f32 v11, v9;
	v11 =	vmul.f32 v15, v13;
	s6 =	sadd.s32 $0x100, s6;
	v31 =	vld [tilespmem:s5+$0x0]  }
0x388: {  	v12 =	vmul.f32 v16, v14;
	v13 =	vmul.f32 v18, v17;
	v32 =	vld [tilespmem:s6+$0x0]  }
0x389: {  	v14 =	vmul.f32 v20, v19;
	v15 =	vmul.f32 v26, v22;
	v33 =	vld [tilespmem:s5+$0x10]  }
0x38a: {  	v17 =	vadd.f32 v25, v24;
	v18 =	vadd.f32 v29, v27;
	v34 =	vld [tilespmem:s6+$0x10];
	v16 =	vmul.f32 v30, v28  }
0x38b: {  	v9 =	vadd.f32 v9, v10;
	v10 =	vadd.f32 v12, v11;
	v27 =	vld [tilespmem:s5+$0x20];
	v6 =	vmul.f32 v8, v6  }
0x38c: {  	v8 =	vadd.f32 v14, v13;
	v29 =	vld [tilespmem:s6+$0x20];
	v11 =	vadd.f32 v16, v15  }
0x38d: {  	v12 =	vadd.f32 v23, v21;
	v30 =	vld [tilespmem:s5+$0x30];
	v6 =	vadd.f32 v6, v7  }
0x38e: {  	v7 =	vadd.f32 v10, v9;
	v21 =	vld [tilespmem:s6+$0x30];
	v8 =	vadd.f32 v11, v8  }
0x38f: {  	v9 =	vadd.f32 v18, v17;
	v23 =	vld [tilespmem:s5+$0x40];
	v6 =	vadd.f32 v6, v12  }
0x390: {  	v35 =	vld [tilespmem:s6+$0x40];
	v10 =	vadd.f32 v8, v7  }
0x391: {  	v36 =	vld [tilespmem:s5+$0x50];
	v9 =	vadd.f32 v6, v9  }
0x392: {  	v37 =	vld [tilespmem:s6+$0x50];
	v6 =	vperm.xlane v10, v0  }
0x393: {  	v7 =	vld [tilespmem:s5+$0x60];
	v11 =	vperm.xlane v9, v0  }
0x394: {  	v8 =	vld [tilespmem:s6+$0x60];
	v13 =	vadd.f32 v10, v6  }
0x395: {  	v6 =	vld [tilespmem:s5+$0x70];
	v14 =	vadd.f32 v9, v11  }
0x396: {  	v10 =	vld [tilespmem:s5+$0xFFFFFF80];
	v11 =	vperm.xlane v13, v1  }
0x397: {  	v12 =	vld [tilespmem:s6+$0xFFFFFF80];
	v15 =	vperm.xlane v14, v1  }
0x398: {  	v9 =	vld [tilespmem:s5+$0xFFFFFF90];
	v16 =	vadd.f32 v13, v11  }
0x399: {  	v11 =	vld [tilespmem:s6+$0xFFFFFF90];
	v17 =	vadd.f32 v14, v15  }
0x39a: {  	v13 =	vld [tilespmem:s5+$0xFFFFFFA0];
	v18 =	vperm.xlane v16, v2  }
0x39b: {  	v15 =	vld [tilespmem:s6+$0xFFFFFFA0];
	v19 =	vperm.xlane v17, v2  }
0x39c: {  	v14 =	vld [tilespmem:s5+$0xFFFFFFB0];
	v20 =	vadd.f32 v16, v18  }
0x39d: {  	v16 =	vld [tilespmem:s6+$0xFFFFFFB0];
	v22 =	vadd.f32 v17, v19  }
0x39e: {  	v17 =	vld [tilespmem:s5+$0xFFFFFFC0];
	v24 =	vperm.xlane v20, v3  }
0x39f: {  	v18 =	vld [tilespmem:s6+$0xFFFFFFC0];
	v25 =	vperm.xlane v22, v3  }
0x3a0: {  	s4 =	sadd.s32 $0x1, s3;
	v26 =	vmov s3;
	s3 =	smov.u32 s0;
	v19 =	vld [tilespmem:s5+$0xFFFFFFD0];
	v24 =	vadd.f32 v20, v24  }
.Ltmp17:
0x3a1: {  	vm0 =	veq.s32 v26, v4;
	v20 =	vld [tilespmem:s6+$0xFFFFFFD0];
	v28 =	vadd.f32 v22, v25;
	v25 =	vmov s4;
	(pc) =	sbr.rel @p0 .LBB2_36-.Ltmp17, $4  }
0x3a2: {  	v22 =	vld [tilespmem:s5+$0xFFFFFFE0];
	v5 =	vsel vm0, v24, v5;
	vm0 =	veq.s32 v25, v4  }
0x3a3: {  	v24 =	vmul.f32 v32, v31;
	v25 =	vmul.f32 v34, v33;
	v26 =	vld [tilespmem:s6+$0xFFFFFFE0];
	v5 =	vsel vm0, v28, v5  }
0x3a4: {  	v27 =	vmul.f32 v29, v27;
	v29 =	vmul.f32 v21, v30;
	v28 =	vld [tilespmem:s5+$0xFFFFFFF0]  }
0x3a5: {  	s0 =	sadd.s32 $0x2, s0;
	v21 =	vmul.f32 v35, v23;
	v23 =	vmul.f32 v37, v36;
	v30 =	vld [tilespmem:s6+$0xFFFFFFF0]  }
0x3a6: {  	v10 =	vmul.f32 v12, v10;
	v48 =	vld [tilespmem:s6+$0x70]  }
0x3a7: {  	v7 =	vmul.f32 v8, v7;
	v9 =	vmul.f32 v11, v9  }
0x3a8: {  	v49 =	vmul.f32 v15, v13;
	v50 =	vmul.f32 v16, v14  }
0x3a9: {  	v51 =	vmul.f32 v18, v17;
	v52 =	vmul.f32 v20, v19;
	v55 =	vadd.f32 v25, v24  }
0x3aa: {  	v56 =	vadd.f32 v29, v27;
	v53 =	vmul.f32 v26, v22;
	v54 =	vmul.f32 v30, v28  }
0x3ab: {  	v9 =	vadd.f32 v9, v10;
	v57 =	vadd.f32 v50, v49;
	v6 =	vmul.f32 v48, v6  }
0x3ac: {  	v58 =	vadd.f32 v52, v51;
	v59 =	vadd.f32 v54, v53  }
0x3ad: {  	v60 =	vadd.f32 v23, v21;
	v6 =	vadd.f32 v6, v7  }
0x3ae: {  	v7 =	vadd.f32 v57, v9;
	v8 =	vadd.f32 v59, v58  }
0x3af: {  	v61 =	vadd.f32 v56, v55;
	v6 =	vadd.f32 v6, v60  }
0x3b0: {  	v7 =	vadd.f32 v8, v7  }
0x3b1: {  	v6 =	vadd.f32 v6, v61  }
0x3b2: {  	v8 =	vperm.xlane v7, v0  }
0x3b3: {  	v9 =	vperm.xlane v6, v0  }
0x3b4: {  	v7 =	vadd.f32 v7, v8  }
0x3b5: {  	v6 =	vadd.f32 v6, v9  }
0x3b6: {  	v8 =	vperm.xlane v7, v1  }
0x3b7: {  	v9 =	vperm.xlane v6, v1  }
0x3b8: {  	v7 =	vadd.f32 v7, v8  }
0x3b9: {  	v6 =	vadd.f32 v6, v9  }
0x3ba: {  	v8 =	vperm.xlane v7, v2  }
0x3bb: {  	v9 =	vperm.xlane v6, v2  }
0x3bc: {  	v7 =	vadd.f32 v7, v8  }
0x3bd: {  	v6 =	vadd.f32 v6, v9  }
0x3be: {  	v8 =	vperm.xlane v7, v3  }
0x3bf: {  	v9 =	vperm.xlane v6, v3  }
0x3c0: {  	v62 =	vmov s3;
	s0 =	sadd.s32 $0x1, s3;
	v7 =	vadd.f32 v7, v8  }
0x3c1: {  	vm0 =	veq.s32 v62, v4;
	v63 =	vmov s0;
	v6 =	vadd.f32 v6, v9  }
0x3c2: {  	vm15 =	veq.s32 v63, v4;
	v5 =	vsel vm0, v7, v5  }
0x3c3: {  	s6 =	simm.s32 $0x0;
	v5 =	vsel vm15, v6, v5  }
0x3c4: {  	s14 =	rddreg [dreg:$0x7];
	s15 =	simm.s32 $0x1CF00;
	s7 =	simm.s32 $0x9;
	[tilespmem:$0x1F600] =	vst v5  }
0x3c5: {  	[hbm4b:s14+s6] =	stream.linear.scatter [tilespmem:s15], [sflag:$0x9], $0x2710, $0x38;
	[tilespmem:$0x1F680] =	vst v63  }
0x3c6: {  	_ =	swait.ge [sflag:s7], $0x2710  }
0x3c7: {  	s17 =	rddreg [dreg:$0x9]  }
0x3c8: {  	s19 =	rddreg [dreg:$0x8];
	s3 =	sadd.s32 $0x1, s17  }
0x3c9: {  	p0 =	sne.s32 s3, s19  }
.Ltmp18:
0x3ca: {  	_ = 	snop;
	(pc) =	sbr.rel @p0 .LBB2_1-.Ltmp18, $3  }
0x3cb: {  	_ =	sdelay $0x1  }
0x3cc: {  	[sflag:s7] =	ssyncset.done $0x0  }
0x3cd: {  	[sflag:s7] =	ssyncadd.s32 $0xFFFFD8F0  }
0x3ce: {  	_ =	sfence.sel $0x180000  }
0x3cf: {  	[bflag:$0x0] =	sbarrier.arrive $0xFFFF  }
0x3d0: {  	_ =	strace $0x90000047  }
0x3d1: {  	s0 =	stileid.u32;
	[bflag:$0x2] =	sbarrier.arrive $0xFFFF  }
0x3d2: {  	p0 =	sne.s32 s0, $0x0;
	s0 =	rddreg [dreg:$0x4]  }
0x3d3: {  	s0 =	sadd.s32 @!p0 $0x100000, s0  }
0x3d4: {  	[sflag:s0] =	ssyncadd.tile.s32 @!p0 $0x1;
	_ =	shalt  }
.Lfunc_end2:
_tile_overlayer_lowered:
.L_overlay_start_2:
0x3d5: {  	(tag) =	ssettag $0x2  }
0x3d6: {  	s0 =	rddreg [dreg:$0x0];
	s2 =	stileid.u32  }
0x3d7: {  	s1 =	rddreg [dreg:$0x1];
	p0 =	sne.s32 s2, $0x0  }
0x3d8: {  	s3 =	rddreg [dreg:$0x2];
	[bflag:$0x3] =	sbarrier.arrive $0xFFFF;
	s2 =	simm.s32 @!p0 $0x1C09  }
0x3d9: {  	[timem:s3], [sflag:s2] =	dma.local @!p0 [hbm:s0], s1  }
0x3da: {  	s0 =	simm.s32 @!p0 $0x9  }
0x3db: {  	_ =	swait.ge @!p0 [sflag:s0], s1  }
0x3dc: {  	s1 =	ssub.s32 @!p0 $0x0, s1;
	[sflag:s0] =	ssyncset.done @!p0 $0x0  }
0x3dd: {  	[sflag:s0] =	ssyncadd.s32 @!p0 s1  }
0x3de: {  	[bflag:$0x3] =	sbarrier.arrive $0xFFFF  }
0x3df: {  	_ =	shalt  }

</sc_bundles>
